<compile_context>
chip_gen: v7x
topology: tpu7x:2x2x1
jax: 0.10.2.dev20260603
libtpu: 0.0.44.dev20260713+nightly
codegen_flags: <defaults>
</compile_context>

<pallas_src>
import functools

import jax
import jax.numpy as jnp
from jax import lax
from jax.experimental import pallas as pl
from jax.experimental.pallas import tpu as pltpu
from jax.experimental.pallas import tpu_sc as plsc

N_REGIONS = 100000
N_EMB = 16
N_INTER = 16
N_CELLS = 256
N_REG_B = 4096

NC = 2
NS = 16
NW = NC * NS
BPW = N_REG_B // NW

@functools.cache
def _make_sc_gather():
  mesh = plsc.VectorSubcoreMesh(core_axis_name="c", subcore_axis_name="s")

  @functools.partial(
    pl.kernel,
    mesh=mesh,
    out_type=(
        jax.ShapeDtypeStruct((N_REG_B, N_EMB * N_INTER), jnp.float32),
        jax.ShapeDtypeStruct((N_REG_B, N_INTER), jnp.float32),
        jax.ShapeDtypeStruct((N_REG_B, N_INTER), jnp.float32),
        jax.ShapeDtypeStruct((N_REG_B, 16), jnp.float32),
    ),
    scratch_types=(
        pltpu.VMEM((BPW,), jnp.int32),
        pltpu.VMEM((BPW,), jnp.int32),
        pltpu.VMEM((BPW, N_EMB * N_INTER), jnp.float32),
        pltpu.VMEM((BPW, N_INTER), jnp.float32),
        pltpu.VMEM((BPW, N_INTER), jnp.float32),
        pltpu.VMEM((BPW, 16), jnp.float32),
        pltpu.SemaphoreType.DMA,
    ),
    compiler_params=pltpu.CompilerParams(use_tc_tiling_on_sc=False),
  )
  def _sc_gather(w1_hbm, b1_hbm, w2_hbm, b2_hbm, ix_hbm,
                 w1o, b1o, w2o, b2o,
                 idx_v, idxhi_v, w1v, b1v, w2v, b2v, sem):
    wid = lax.axis_index("s") * NC + lax.axis_index("c")
    base = wid * BPW
    pltpu.sync_copy(ix_hbm.at[pl.ds(base, BPW)], idx_v)

    for j in range(BPW // 16):
        v = idx_v[pl.ds(j * 16, 16)]
        idxhi_v[pl.ds(j * 16, 16)] = lax.shift_right_logical(v, 4)

    pltpu.async_copy(w1_hbm.at[idx_v], w1v, sem).wait()
    pltpu.async_copy(b1_hbm.at[idx_v], b1v, sem).wait()
    pltpu.async_copy(w2_hbm.at[idx_v], w2v, sem).wait()
    pltpu.async_copy(b2_hbm.at[idxhi_v], b2v, sem).wait()

    pltpu.sync_copy(w1v, w1o.at[pl.ds(base, BPW)])
    pltpu.sync_copy(b1v, b1o.at[pl.ds(base, BPW)])
    pltpu.sync_copy(w2v, w2o.at[pl.ds(base, BPW)])
    pltpu.sync_copy(b2v, b2o.at[pl.ds(base, BPW)])

  return _sc_gather



B_R = 512
C_CH = 32


def _tc_body(xt_ref, w1_ref, b1_ref, w2_ref, b2t_ref, lo_ref, out_ref):
    lo = lo_ref[0:1, :]
    b2row = jnp.zeros((1, B_R), jnp.float32)
    for l in range(16):
        b2row = b2row + jnp.where(lo == l, b2t_ref[l:l + 1, :], 0.0)

    def chunk(i, carry):
        a0 = pl.multiple_of(i * C_CH, C_CH)
        acc = jnp.broadcast_to(b2row, (C_CH, B_R))
        for d in range(N_INTER):
            hd = jnp.broadcast_to(b1_ref[d:d + 1, :], (C_CH, B_R))
            for c in range(N_EMB):
                hd = hd + xt_ref[c, pl.ds(a0, C_CH), :] * w1_ref[16 * c + d:16 * c + d + 1, :]
            hs = 0.5 * jnp.tanh(0.5 * hd) + 0.5
            acc = acc + hs * w2_ref[d:d + 1, :]
        out_ref[pl.ds(a0, C_CH), :] = acc
        return carry

    lax.fori_loop(0, N_CELLS // C_CH, chunk, 0)


def _tc_compute(xt, w1cd, b1t, w2t, b2t, lorow):
    nb = N_REG_B // B_R
    return pl.pallas_call(
        _tc_body,
        grid=(nb,),
        in_specs=[
            pl.BlockSpec((N_EMB, N_CELLS, B_R), lambda i: (0, 0, i)),
            pl.BlockSpec((N_EMB * N_INTER, B_R), lambda i: (0, i)),
            pl.BlockSpec((N_INTER, B_R), lambda i: (0, i)),
            pl.BlockSpec((N_INTER, B_R), lambda i: (0, i)),
            pl.BlockSpec((16, B_R), lambda i: (0, i)),
            pl.BlockSpec((1, B_R), lambda i: (0, i)),
        ],
        out_specs=pl.BlockSpec((N_CELLS, B_R), lambda i: (0, i)),
        out_shape=jax.ShapeDtypeStruct((N_CELLS, N_REG_B), jnp.float32),
    )(xt, w1cd, b1t, w2t, b2t, lorow)


def kernel(cell_region_embedding, region_ix, W1, b1, W2, b2):
    ix = region_ix.astype(jnp.int32)
    w1r = W1.reshape(N_REGIONS, N_EMB * N_INTER)
    w2r = W2.reshape(N_REGIONS, N_INTER)

    b2r = b2.reshape(N_REGIONS // 16, 16)
    w1g, b1g, w2g, b2g = _make_sc_gather()(w1r, b1, w2r, b2r, ix)

    xt = jnp.transpose(cell_region_embedding, (2, 0, 1))
    w1cd = jnp.transpose(w1g.reshape(N_REG_B, N_EMB, N_INTER), (1, 2, 0))
    w1cd = w1cd.reshape(N_EMB * N_INTER, N_REG_B)
    b1t = b1g.T
    w2t = w2g.T
    b2t = b2g.T
    lorow = (ix & 15).reshape(1, N_REG_B)

    return _tc_compute(xt, w1cd, b1t, w2t, b2t, lorow)

# --- scband reference (transcript-rebuilt; emitter-appended) ---
"""Pipeline reference for scband-embedding-to-expression-45157286150935 (READ-ONLY COPY).

The authoritative reference and input builder live on the scoring server;
editing this copy changes nothing except your own understanding.
"""

import jax, jax.numpy as jnp
import numpy as np

N_REGIONS = 100000
N_EMB = 16
N_INTER = 16
N_CELLS = 256
N_REG_B = 4096


def setup_inputs(seed: int = 0) -> dict:
    key = jax.random.key(seed)
    k1, k2, k3, k4, k5, k6 = jax.random.split(key, 6)
    x = jax.random.normal(k1, (N_CELLS, N_REG_B, N_EMB), dtype=jnp.float32)
    region_ix = jax.random.randint(k2, (N_REG_B,), 0, N_REGIONS, dtype=jnp.int64 if jax.config.jax_enable_x64 else jnp.int32)
    # Learned per-region parameter tables (EmbeddingTensor weights).
    # Original code zero-inits; we use small random values so fwd/bwd are nontrivial.
    W1 = jax.random.normal(k3, (N_REGIONS, N_EMB, N_INTER), dtype=jnp.float32) * 0.05
    b1 = jax.random.normal(k4, (N_REGIONS, N_INTER), dtype=jnp.float32) * 0.05
    W2 = jax.random.normal(k5, (N_REGIONS, N_INTER, 1), dtype=jnp.float32) * 0.05
    b2 = jax.random.normal(k6, (N_REGIONS, 1), dtype=jnp.float32) * 0.05
    return {"cell_region_embedding": x, "region_ix": region_ix, "W1": W1, "b1": b1, "W2": W2, "b2": b2}


def reference(cell_region_embedding, region_ix, W1, b1, W2, b2):
    # LinearEmbedded 1: gather per-region weight/bias, batched matmul over regions
    w1 = jnp.take(W1, region_ix, axis=0)          # [b, c, d]
    bb1 = jnp.take(b1, region_ix, axis=0)         # [b, d]
    h = jnp.einsum('abc,bcd->abd', cell_region_embedding, w1) + bb1[None, :, :]
    h = jax.nn.sigmoid(h)
    # LinearEmbedded 2
    w2 = jnp.take(W2, region_ix, axis=0)          # [b, d, 1]
    bb2 = jnp.take(b2, region_ix, axis=0)         # [b, 1]
    out = jnp.einsum('abc,bcd->abd', h, w2) + bb2[None, :, :]
    return out[..., 0]                            # squeeze(-1) -> [n_cells, n_regions_b]

if __name__ == "__main__":
    import jax
    _d = setup_inputs()
    print(jax.jit(kernel)(*tuple(_d.values())))

</pallas_src>

<mosaic_0001>
#map = affine_map<(d0, d1) -> (0, 0)>
#map1 = affine_map<(d0, d1) -> (0)>
module attributes {stable_mosaic.version = 14 : i64} {
  func.func @_sc_gather(%arg0: i32, %arg1: i32, %arg2: memref<100000x256xf32, #tpu.memory_space<hbm>>, %arg3: memref<100000x16xf32, #tpu.memory_space<hbm>>, %arg4: memref<100000x16xf32, #tpu.memory_space<hbm>>, %arg5: memref<6250x16xf32, #tpu.memory_space<hbm>>, %arg6: memref<4096xi32, #tpu.memory_space<hbm>>, %arg7: memref<4096x256xf32, #tpu.memory_space<hbm>>, %arg8: memref<4096x16xf32, #tpu.memory_space<hbm>>, %arg9: memref<4096x16xf32, #tpu.memory_space<hbm>>, %arg10: memref<4096x16xf32, #tpu.memory_space<hbm>>, %arg11: memref<128xi32, #tpu.memory_space<vmem>>, %arg12: memref<128xi32, #tpu.memory_space<vmem>>, %arg13: memref<128x256xf32, #tpu.memory_space<vmem>>, %arg14: memref<128x16xf32, #tpu.memory_space<vmem>>, %arg15: memref<128x16xf32, #tpu.memory_space<vmem>>, %arg16: memref<128x16xf32, #tpu.memory_space<vmem>>, %arg17: memref<!tpu.dma_semaphore, #tpu.memory_space<semaphore_mem>>) attributes {dimension_semantics = [#tpu.dimension_semantics<core_parallel>, #tpu.dimension_semantics<subcore_parallel>], iteration_bounds = array<i64: 2, 16>, scalar_prefetch = 0 : i64, scratch_operands = 7 : i64, tpu.core_type = #tpu.core_type<sc_vector_subcore>, window_params = [{transform_indices = #map}, {transform_indices = #map}, {transform_indices = #map}, {transform_indices = #map}, {transform_indices = #map1}, {transform_indices = #map}, {transform_indices = #map}, {transform_indices = #map}, {transform_indices = #map}]} {
    %mul3A = arith.constant 2 : i32
    %mul3A_0 = arith.muli %arg1, %mul3A : i32
    %add3A = arith.addi %mul3A_0, %arg0 : i32
    %mul3A_1 = arith.constant 128 : i32
    %mul3A_2 = arith.muli %add3A, %mul3A_1 : i32
    "tpu.region"() ({
      %run_scoped3A = tpu.sem_alloc : memref<!tpu.dma_semaphore, #tpu.memory_space<semaphore_mem>>
      %dma_start3A_102 = tpu.memref_slice %arg6[%mul3A_2] : memref<4096xi32, #tpu.memory_space<hbm>> -> memref<128xi32, #tpu.memory_space<hbm>>
      %dma_start3A_103 = tpu.memref_slice %arg6[%mul3A_2] : memref<4096xi32, #tpu.memory_space<hbm>> -> memref<128xi32, #tpu.memory_space<hbm>>
      tpu.enqueue_dma source(%dma_start3A_103 : memref<128xi32, #tpu.memory_space<hbm>>) target(%arg11 : memref<128xi32, #tpu.memory_space<vmem>>) target_semaphore(%run_scoped3A : memref<!tpu.dma_semaphore, #tpu.memory_space<semaphore_mem>>)
      %dma_wait3A_104 = tpu.memref_slice %arg6[%mul3A_2] : memref<4096xi32, #tpu.memory_space<hbm>> -> memref<128xi32, #tpu.memory_space<hbm>>
      %dma_wait3A_105 = tpu.memref_slice %arg6[%mul3A_2] : memref<4096xi32, #tpu.memory_space<hbm>> -> memref<128xi32, #tpu.memory_space<hbm>>
      tpu.wait_dma2 semaphore(%run_scoped3A : memref<!tpu.dma_semaphore, #tpu.memory_space<semaphore_mem>>) src(%dma_wait3A_105 : memref<128xi32, #tpu.memory_space<hbm>>) dst(%arg11 : memref<128xi32, #tpu.memory_space<vmem>>)
      tpu.yield
    }) : () -> ()
    %get3A = arith.constant 0 : index
    %get3A_3 = tpu.vector_load %arg11[%get3A] {strides = array<i32>} : memref<128xi32, #tpu.memory_space<vmem>>, vector<16xi32>,
    %get3A_4 = vector.shape_cast %get3A_3 : vector<16xi32> to vector<16xi32>
    %shift_right_logical3A = arith.constant 4 : i32
    %shift_right_logical3A_5 = vector.broadcast %shift_right_logical3A : i32 to vector<16xi32>
    %shift_right_logical3A_6 = arith.shrui %get3A_4, %shift_right_logical3A_5 : vector<16xi32>
    %swap3A = arith.constant 0 : index
    %swap3A_7 = tpu.vector_load %arg12[%swap3A] {strides = array<i32>} : memref<128xi32, #tpu.memory_space<vmem>>, vector<16xi32>,
    %swap3A_8 = vector.shape_cast %swap3A_7 : vector<16xi32> to vector<16xi32>
    %swap3A_9 = vector.shape_cast %shift_right_logical3A_6 : vector<16xi32> to vector<16xi32>
    tpu.vector_store %arg12[%swap3A], %swap3A_9 {strides = array<i32>} : memref<128xi32, #tpu.memory_space<vmem>>, vector<16xi32>,
    %get3A_10 = arith.constant 16 : index
    %get3A_11 = tpu.vector_load %arg11[%get3A_10] {strides = array<i32>} : memref<128xi32, #tpu.memory_space<vmem>>, vector<16xi32>,
    %get3A_12 = vector.shape_cast %get3A_11 : vector<16xi32> to vector<16xi32>
    %shift_right_logical3A_13 = arith.constant 4 : i32
    %shift_right_logical3A_14 = vector.broadcast %shift_right_logical3A_13 : i32 to vector<16xi32>
    %shift_right_logical3A_15 = arith.shrui %get3A_12, %shift_right_logical3A_14 : vector<16xi32>
    %swap3A_16 = arith.constant 16 : index
    %swap3A_17 = tpu.vector_load %arg12[%swap3A_16] {strides = array<i32>} : memref<128xi32, #tpu.memory_space<vmem>>, vector<16xi32>,
    %swap3A_18 = vector.shape_cast %swap3A_17 : vector<16xi32> to vector<16xi32>
    %swap3A_19 = vector.shape_cast %shift_right_logical3A_15 : vector<16xi32> to vector<16xi32>
    tpu.vector_store %arg12[%swap3A_16], %swap3A_19 {strides = array<i32>} : memref<128xi32, #tpu.memory_space<vmem>>, vector<16xi32>,
    %get3A_20 = arith.constant 32 : index
    %get3A_21 = tpu.vector_load %arg11[%get3A_20] {strides = array<i32>} : memref<128xi32, #tpu.memory_space<vmem>>, vector<16xi32>,
    %get3A_22 = vector.shape_cast %get3A_21 : vector<16xi32> to vector<16xi32>
    %shift_right_logical3A_23 = arith.constant 4 : i32
    %shift_right_logical3A_24 = vector.broadcast %shift_right_logical3A_23 : i32 to vector<16xi32>
    %shift_right_logical3A_25 = arith.shrui %get3A_22, %shift_right_logical3A_24 : vector<16xi32>
    %swap3A_26 = arith.constant 32 : index
    %swap3A_27 = tpu.vector_load %arg12[%swap3A_26] {strides = array<i32>} : memref<128xi32, #tpu.memory_space<vmem>>, vector<16xi32>,
    %swap3A_28 = vector.shape_cast %swap3A_27 : vector<16xi32> to vector<16xi32>
    %swap3A_29 = vector.shape_cast %shift_right_logical3A_25 : vector<16xi32> to vector<16xi32>
    tpu.vector_store %arg12[%swap3A_26], %swap3A_29 {strides = array<i32>} : memref<128xi32, #tpu.memory_space<vmem>>, vector<16xi32>,
    %get3A_30 = arith.constant 48 : index
    %get3A_31 = tpu.vector_load %arg11[%get3A_30] {strides = array<i32>} : memref<128xi32, #tpu.memory_space<vmem>>, vector<16xi32>,
    %get3A_32 = vector.shape_cast %get3A_31 : vector<16xi32> to vector<16xi32>
    %shift_right_logical3A_33 = arith.constant 4 : i32
    %shift_right_logical3A_34 = vector.broadcast %shift_right_logical3A_33 : i32 to vector<16xi32>
    %shift_right_logical3A_35 = arith.shrui %get3A_32, %shift_right_logical3A_34 : vector<16xi32>
    %swap3A_36 = arith.constant 48 : index
    %swap3A_37 = tpu.vector_load %arg12[%swap3A_36] {strides = array<i32>} : memref<128xi32, #tpu.memory_space<vmem>>, vector<16xi32>,
    %swap3A_38 = vector.shape_cast %swap3A_37 : vector<16xi32> to vector<16xi32>
    %swap3A_39 = vector.shape_cast %shift_right_logical3A_35 : vector<16xi32> to vector<16xi32>
    tpu.vector_store %arg12[%swap3A_36], %swap3A_39 {strides = array<i32>} : memref<128xi32, #tpu.memory_space<vmem>>, vector<16xi32>,
    %get3A_40 = arith.constant 64 : index
    %get3A_41 = tpu.vector_load %arg11[%get3A_40] {strides = array<i32>} : memref<128xi32, #tpu.memory_space<vmem>>, vector<16xi32>,
    %get3A_42 = vector.shape_cast %get3A_41 : vector<16xi32> to vector<16xi32>
    %shift_right_logical3A_43 = arith.constant 4 : i32
    %shift_right_logical3A_44 = vector.broadcast %shift_right_logical3A_43 : i32 to vector<16xi32>
    %shift_right_logical3A_45 = arith.shrui %get3A_42, %shift_right_logical3A_44 : vector<16xi32>
    %swap3A_46 = arith.constant 64 : index
    %swap3A_47 = tpu.vector_load %arg12[%swap3A_46] {strides = array<i32>} : memref<128xi32, #tpu.memory_space<vmem>>, vector<16xi32>,
    %swap3A_48 = vector.shape_cast %swap3A_47 : vector<16xi32> to vector<16xi32>
    %swap3A_49 = vector.shape_cast %shift_right_logical3A_45 : vector<16xi32> to vector<16xi32>
    tpu.vector_store %arg12[%swap3A_46], %swap3A_49 {strides = array<i32>} : memref<128xi32, #tpu.memory_space<vmem>>, vector<16xi32>,
    %get3A_50 = arith.constant 80 : index
    %get3A_51 = tpu.vector_load %arg11[%get3A_50] {strides = array<i32>} : memref<128xi32, #tpu.memory_space<vmem>>, vector<16xi32>,
    %get3A_52 = vector.shape_cast %get3A_51 : vector<16xi32> to vector<16xi32>
    %shift_right_logical3A_53 = arith.constant 4 : i32
    %shift_right_logical3A_54 = vector.broadcast %shift_right_logical3A_53 : i32 to vector<16xi32>
    %shift_right_logical3A_55 = arith.shrui %get3A_52, %shift_right_logical3A_54 : vector<16xi32>
    %swap3A_56 = arith.constant 80 : index
    %swap3A_57 = tpu.vector_load %arg12[%swap3A_56] {strides = array<i32>} : memref<128xi32, #tpu.memory_space<vmem>>, vector<16xi32>,
    %swap3A_58 = vector.shape_cast %swap3A_57 : vector<16xi32> to vector<16xi32>
    %swap3A_59 = vector.shape_cast %shift_right_logical3A_55 : vector<16xi32> to vector<16xi32>
    tpu.vector_store %arg12[%swap3A_56], %swap3A_59 {strides = array<i32>} : memref<128xi32, #tpu.memory_space<vmem>>, vector<16xi32>,
    %get3A_60 = arith.constant 96 : index
    %get3A_61 = tpu.vector_load %arg11[%get3A_60] {strides = array<i32>} : memref<128xi32, #tpu.memory_space<vmem>>, vector<16xi32>,
    %get3A_62 = vector.shape_cast %get3A_61 : vector<16xi32> to vector<16xi32>
    %shift_right_logical3A_63 = arith.constant 4 : i32
    %shift_right_logical3A_64 = vector.broadcast %shift_right_logical3A_63 : i32 to vector<16xi32>
    %shift_right_logical3A_65 = arith.shrui %get3A_62, %shift_right_logical3A_64 : vector<16xi32>
    %swap3A_66 = arith.constant 96 : index
    %swap3A_67 = tpu.vector_load %arg12[%swap3A_66] {strides = array<i32>} : memref<128xi32, #tpu.memory_space<vmem>>, vector<16xi32>,
    %swap3A_68 = vector.shape_cast %swap3A_67 : vector<16xi32> to vector<16xi32>
    %swap3A_69 = vector.shape_cast %shift_right_logical3A_65 : vector<16xi32> to vector<16xi32>
    tpu.vector_store %arg12[%swap3A_66], %swap3A_69 {strides = array<i32>} : memref<128xi32, #tpu.memory_space<vmem>>, vector<16xi32>,
    %get3A_70 = arith.constant 112 : index
    %get3A_71 = tpu.vector_load %arg11[%get3A_70] {strides = array<i32>} : memref<128xi32, #tpu.memory_space<vmem>>, vector<16xi32>,
    %get3A_72 = vector.shape_cast %get3A_71 : vector<16xi32> to vector<16xi32>
    %shift_right_logical3A_73 = arith.constant 4 : i32
    %shift_right_logical3A_74 = vector.broadcast %shift_right_logical3A_73 : i32 to vector<16xi32>
    %shift_right_logical3A_75 = arith.shrui %get3A_72, %shift_right_logical3A_74 : vector<16xi32>
    %swap3A_76 = arith.constant 112 : index
    %swap3A_77 = tpu.vector_load %arg12[%swap3A_76] {strides = array<i32>} : memref<128xi32, #tpu.memory_space<vmem>>, vector<16xi32>,
    %swap3A_78 = vector.shape_cast %swap3A_77 : vector<16xi32> to vector<16xi32>
    %swap3A_79 = vector.shape_cast %shift_right_logical3A_75 : vector<16xi32> to vector<16xi32>
    tpu.vector_store %arg12[%swap3A_76], %swap3A_79 {strides = array<i32>} : memref<128xi32, #tpu.memory_space<vmem>>, vector<16xi32>,
    %dma_start3A = arith.constant 0 : i32
    %dma_start3A_80 = arith.constant 0 : i32
    %dma_start3A_81 = tpu.memref_slice %arg2[%dma_start3A, %dma_start3A_80] : memref<100000x256xf32, #tpu.memory_space<hbm>> -> memref<100000x256xf32, #tpu.memory_space<hbm>>
    tpu.enqueue_indirect_dma source(%dma_start3A_81 : memref<100000x256xf32, #tpu.memory_space<hbm>>) target(%arg13 : memref<128x256xf32, #tpu.memory_space<vmem>>) offsets(%arg11 : memref<128xi32, #tpu.memory_space<vmem>>) semaphore(%arg17 : memref<!tpu.dma_semaphore, #tpu.memory_space<semaphore_mem>>)
    %dma_wait3A = arith.constant 0 : i32
    %dma_wait3A_82 = arith.constant 0 : i32
    %dma_wait3A_83 = tpu.memref_slice %arg2[%dma_wait3A, %dma_wait3A_82] : memref<100000x256xf32, #tpu.memory_space<hbm>> -> memref<100000x256xf32, #tpu.memory_space<hbm>>
    tpu.wait_indirect_dma semaphore(%arg17 : memref<!tpu.dma_semaphore, #tpu.memory_space<semaphore_mem>>) src(%dma_wait3A_83 : memref<100000x256xf32, #tpu.memory_space<hbm>>) dst(%arg13 : memref<128x256xf32, #tpu.memory_space<vmem>>)
    %dma_start3A_84 = arith.constant 0 : i32
    %dma_start3A_85 = arith.constant 0 : i32
    %dma_start3A_86 = tpu.memref_slice %arg3[%dma_start3A_84, %dma_start3A_85] : memref<100000x16xf32, #tpu.memory_space<hbm>> -> memref<100000x16xf32, #tpu.memory_space<hbm>>
    tpu.enqueue_indirect_dma source(%dma_start3A_86 : memref<100000x16xf32, #tpu.memory_space<hbm>>) target(%arg14 : memref<128x16xf32, #tpu.memory_space<vmem>>) offsets(%arg11 : memref<128xi32, #tpu.memory_space<vmem>>) semaphore(%arg17 : memref<!tpu.dma_semaphore, #tpu.memory_space<semaphore_mem>>)
    %dma_wait3A_87 = arith.constant 0 : i32
    %dma_wait3A_88 = arith.constant 0 : i32
    %dma_wait3A_89 = tpu.memref_slice %arg3[%dma_wait3A_87, %dma_wait3A_88] : memref<100000x16xf32, #tpu.memory_space<hbm>> -> memref<100000x16xf32, #tpu.memory_space<hbm>>
    tpu.wait_indirect_dma semaphore(%arg17 : memref<!tpu.dma_semaphore, #tpu.memory_space<semaphore_mem>>) src(%dma_wait3A_89 : memref<100000x16xf32, #tpu.memory_space<hbm>>) dst(%arg14 : memref<128x16xf32, #tpu.memory_space<vmem>>)
    %dma_start3A_90 = arith.constant 0 : i32
    %dma_start3A_91 = arith.constant 0 : i32
    %dma_start3A_92 = tpu.memref_slice %arg4[%dma_start3A_90, %dma_start3A_91] : memref<100000x16xf32, #tpu.memory_space<hbm>> -> memref<100000x16xf32, #tpu.memory_space<hbm>>
    tpu.enqueue_indirect_dma source(%dma_start3A_92 : memref<100000x16xf32, #tpu.memory_space<hbm>>) target(%arg15 : memref<128x16xf32, #tpu.memory_space<vmem>>) offsets(%arg11 : memref<128xi32, #tpu.memory_space<vmem>>) semaphore(%arg17 : memref<!tpu.dma_semaphore, #tpu.memory_space<semaphore_mem>>)
    %dma_wait3A_93 = arith.constant 0 : i32
    %dma_wait3A_94 = arith.constant 0 : i32
    %dma_wait3A_95 = tpu.memref_slice %arg4[%dma_wait3A_93, %dma_wait3A_94] : memref<100000x16xf32, #tpu.memory_space<hbm>> -> memref<100000x16xf32, #tpu.memory_space<hbm>>
    tpu.wait_indirect_dma semaphore(%arg17 : memref<!tpu.dma_semaphore, #tpu.memory_space<semaphore_mem>>) src(%dma_wait3A_95 : memref<100000x16xf32, #tpu.memory_space<hbm>>) dst(%arg15 : memref<128x16xf32, #tpu.memory_space<vmem>>)
    %dma_start3A_96 = arith.constant 0 : i32
    %dma_start3A_97 = arith.constant 0 : i32
    %dma_start3A_98 = tpu.memref_slice %arg5[%dma_start3A_96, %dma_start3A_97] : memref<6250x16xf32, #tpu.memory_space<hbm>> -> memref<6250x16xf32, #tpu.memory_space<hbm>>
    tpu.enqueue_indirect_dma source(%dma_start3A_98 : memref<6250x16xf32, #tpu.memory_space<hbm>>) target(%arg16 : memref<128x16xf32, #tpu.memory_space<vmem>>) offsets(%arg12 : memref<128xi32, #tpu.memory_space<vmem>>) semaphore(%arg17 : memref<!tpu.dma_semaphore, #tpu.memory_space<semaphore_mem>>)
    %dma_wait3A_99 = arith.constant 0 : i32
    %dma_wait3A_100 = arith.constant 0 : i32
    %dma_wait3A_101 = tpu.memref_slice %arg5[%dma_wait3A_99, %dma_wait3A_100] : memref<6250x16xf32, #tpu.memory_space<hbm>> -> memref<6250x16xf32, #tpu.memory_space<hbm>>
    tpu.wait_indirect_dma semaphore(%arg17 : memref<!tpu.dma_semaphore, #tpu.memory_space<semaphore_mem>>) src(%dma_wait3A_101 : memref<6250x16xf32, #tpu.memory_space<hbm>>) dst(%arg16 : memref<128x16xf32, #tpu.memory_space<vmem>>)
    "tpu.region"() ({
      %run_scoped3A = tpu.sem_alloc : memref<!tpu.dma_semaphore, #tpu.memory_space<semaphore_mem>>
      %dma_start3A_102 = arith.constant 0 : i32
      %dma_start3A_103 = tpu.memref_slice %arg7[%mul3A_2, %dma_start3A_102] : memref<4096x256xf32, #tpu.memory_space<hbm>> -> memref<128x256xf32, #tpu.memory_space<hbm>>
      %dma_start3A_104 = arith.constant 0 : i32
      %dma_start3A_105 = tpu.memref_slice %arg7[%mul3A_2, %dma_start3A_104] : memref<4096x256xf32, #tpu.memory_space<hbm>> -> memref<128x256xf32, #tpu.memory_space<hbm>>
      tpu.enqueue_dma source(%arg13 : memref<128x256xf32, #tpu.memory_space<vmem>>) target(%dma_start3A_105 : memref<128x256xf32, #tpu.memory_space<hbm>>) target_semaphore(%run_scoped3A : memref<!tpu.dma_semaphore, #tpu.memory_space<semaphore_mem>>)
      %dma_wait3A_106 = arith.constant 0 : i32
      %dma_wait3A_107 = tpu.memref_slice %arg7[%mul3A_2, %dma_wait3A_106] : memref<4096x256xf32, #tpu.memory_space<hbm>> -> memref<128x256xf32, #tpu.memory_space<hbm>>
      %dma_wait3A_108 = arith.constant 0 : i32
      %dma_wait3A_109 = tpu.memref_slice %arg7[%mul3A_2, %dma_wait3A_108] : memref<4096x256xf32, #tpu.memory_space<hbm>> -> memref<128x256xf32, #tpu.memory_space<hbm>>
      tpu.wait_dma2 semaphore(%run_scoped3A : memref<!tpu.dma_semaphore, #tpu.memory_space<semaphore_mem>>) src(%arg13 : memref<128x256xf32, #tpu.memory_space<vmem>>) dst(%dma_wait3A_109 : memref<128x256xf32, #tpu.memory_space<hbm>>)
      tpu.yield
    }) : () -> ()
    "tpu.region"() ({
      %run_scoped3A = tpu.sem_alloc : memref<!tpu.dma_semaphore, #tpu.memory_space<semaphore_mem>>
      %dma_start3A_102 = arith.constant 0 : i32
      %dma_start3A_103 = tpu.memref_slice %arg8[%mul3A_2, %dma_start3A_102] : memref<4096x16xf32, #tpu.memory_space<hbm>> -> memref<128x16xf32, #tpu.memory_space<hbm>>
      %dma_start3A_104 = arith.constant 0 : i32
      %dma_start3A_105 = tpu.memref_slice %arg8[%mul3A_2, %dma_start3A_104] : memref<4096x16xf32, #tpu.memory_space<hbm>> -> memref<128x16xf32, #tpu.memory_space<hbm>>
      tpu.enqueue_dma source(%arg14 : memref<128x16xf32, #tpu.memory_space<vmem>>) target(%dma_start3A_105 : memref<128x16xf32, #tpu.memory_space<hbm>>) target_semaphore(%run_scoped3A : memref<!tpu.dma_semaphore, #tpu.memory_space<semaphore_mem>>)
      %dma_wait3A_106 = arith.constant 0 : i32
      %dma_wait3A_107 = tpu.memref_slice %arg8[%mul3A_2, %dma_wait3A_106] : memref<4096x16xf32, #tpu.memory_space<hbm>> -> memref<128x16xf32, #tpu.memory_space<hbm>>
      %dma_wait3A_108 = arith.constant 0 : i32
      %dma_wait3A_109 = tpu.memref_slice %arg8[%mul3A_2, %dma_wait3A_108] : memref<4096x16xf32, #tpu.memory_space<hbm>> -> memref<128x16xf32, #tpu.memory_space<hbm>>
      tpu.wait_dma2 semaphore(%run_scoped3A : memref<!tpu.dma_semaphore, #tpu.memory_space<semaphore_mem>>) src(%arg14 : memref<128x16xf32, #tpu.memory_space<vmem>>) dst(%dma_wait3A_109 : memref<128x16xf32, #tpu.memory_space<hbm>>)
      tpu.yield
    }) : () -> ()
    "tpu.region"() ({
      %run_scoped3A = tpu.sem_alloc : memref<!tpu.dma_semaphore, #tpu.memory_space<semaphore_mem>>
      %dma_start3A_102 = arith.constant 0 : i32
      %dma_start3A_103 = tpu.memref_slice %arg9[%mul3A_2, %dma_start3A_102] : memref<4096x16xf32, #tpu.memory_space<hbm>> -> memref<128x16xf32, #tpu.memory_space<hbm>>
      %dma_start3A_104 = arith.constant 0 : i32
      %dma_start3A_105 = tpu.memref_slice %arg9[%mul3A_2, %dma_start3A_104] : memref<4096x16xf32, #tpu.memory_space<hbm>> -> memref<128x16xf32, #tpu.memory_space<hbm>>
      tpu.enqueue_dma source(%arg15 : memref<128x16xf32, #tpu.memory_space<vmem>>) target(%dma_start3A_105 : memref<128x16xf32, #tpu.memory_space<hbm>>) target_semaphore(%run_scoped3A : memref<!tpu.dma_semaphore, #tpu.memory_space<semaphore_mem>>)
      %dma_wait3A_106 = arith.constant 0 : i32
      %dma_wait3A_107 = tpu.memref_slice %arg9[%mul3A_2, %dma_wait3A_106] : memref<4096x16xf32, #tpu.memory_space<hbm>> -> memref<128x16xf32, #tpu.memory_space<hbm>>
      %dma_wait3A_108 = arith.constant 0 : i32
      %dma_wait3A_109 = tpu.memref_slice %arg9[%mul3A_2, %dma_wait3A_108] : memref<4096x16xf32, #tpu.memory_space<hbm>> -> memref<128x16xf32, #tpu.memory_space<hbm>>
      tpu.wait_dma2 semaphore(%run_scoped3A : memref<!tpu.dma_semaphore, #tpu.memory_space<semaphore_mem>>) src(%arg15 : memref<128x16xf32, #tpu.memory_space<vmem>>) dst(%dma_wait3A_109 : memref<128x16xf32, #tpu.memory_space<hbm>>)
      tpu.yield
    }) : () -> ()
    "tpu.region"() ({
      %run_scoped3A = tpu.sem_alloc : memref<!tpu.dma_semaphore, #tpu.memory_space<semaphore_mem>>
      %dma_start3A_102 = arith.constant 0 : i32
      %dma_start3A_103 = tpu.memref_slice %arg10[%mul3A_2, %dma_start3A_102] : memref<4096x16xf32, #tpu.memory_space<hbm>> -> memref<128x16xf32, #tpu.memory_space<hbm>>
      %dma_start3A_104 = arith.constant 0 : i32
      %dma_start3A_105 = tpu.memref_slice %arg10[%mul3A_2, %dma_start3A_104] : memref<4096x16xf32, #tpu.memory_space<hbm>> -> memref<128x16xf32, #tpu.memory_space<hbm>>
      tpu.enqueue_dma source(%arg16 : memref<128x16xf32, #tpu.memory_space<vmem>>) target(%dma_start3A_105 : memref<128x16xf32, #tpu.memory_space<hbm>>) target_semaphore(%run_scoped3A : memref<!tpu.dma_semaphore, #tpu.memory_space<semaphore_mem>>)
      %dma_wait3A_106 = arith.constant 0 : i32
      %dma_wait3A_107 = tpu.memref_slice %arg10[%mul3A_2, %dma_wait3A_106] : memref<4096x16xf32, #tpu.memory_space<hbm>> -> memref<128x16xf32, #tpu.memory_space<hbm>>
      %dma_wait3A_108 = arith.constant 0 : i32
      %dma_wait3A_109 = tpu.memref_slice %arg10[%mul3A_2, %dma_wait3A_108] : memref<4096x16xf32, #tpu.memory_space<hbm>> -> memref<128x16xf32, #tpu.memory_space<hbm>>
      tpu.wait_dma2 semaphore(%run_scoped3A : memref<!tpu.dma_semaphore, #tpu.memory_space<semaphore_mem>>) src(%arg16 : memref<128x16xf32, #tpu.memory_space<vmem>>) dst(%dma_wait3A_109 : memref<128x16xf32, #tpu.memory_space<hbm>>)
      tpu.yield
    }) : () -> ()
    return
  }
}

module attributes {stable_mosaic.version = 14 : i64} {
  func.func @_tc_body(%arg0: i32, %arg1: memref<16x256x512xf32, #tpu.memory_space<vmem>>, %arg2: memref<256x512xf32, #tpu.memory_space<vmem>>, %arg3: memref<16x512xf32, #tpu.memory_space<vmem>>, %arg4: memref<16x512xf32, #tpu.memory_space<vmem>>, %arg5: memref<16x512xf32, #tpu.memory_space<vmem>>, %arg6: memref<1x512xi32, #tpu.memory_space<vmem>>, %arg7: memref<256x512xf32, #tpu.memory_space<vmem>>) attributes {dimension_semantics = [#tpu.dimension_semantics<arbitrary>], iteration_bounds = array<i64: 8>, scalar_prefetch = 0 : i64, scratch_operands = 0 : i64, tpu.core_type = #tpu.core_type<tc>, window_params = [{transform_indices = @transform_0, window_bounds = array<i64: 16, 256, 512>}, {transform_indices = @transform_1, window_bounds = array<i64: 256, 512>}, {transform_indices = @transform_2, window_bounds = array<i64: 16, 512>}, {transform_indices = @transform_3, window_bounds = array<i64: 16, 512>}, {transform_indices = @transform_4, window_bounds = array<i64: 16, 512>}, {transform_indices = @transform_5, window_bounds = array<i64: 1, 512>}, {transform_indices = @transform_6, window_bounds = array<i64: 256, 512>}]} {
    %get3A = arith.constant 0 : index
    %get3A_0 = arith.constant 0 : index
    %get3A_1 = vector.load %arg6[%get3A, %get3A_0] : memref<1x512xi32, #tpu.memory_space<vmem>>, vector<1x512xi32>
    %broadcast_in_dim3A = arith.constant 0.000000e+00 : f32
    %broadcast_in_dim3A_2 = vector.broadcast %broadcast_in_dim3A : f32 to vector<1x512xf32>
    %eq3A = arith.constant 0 : i32
    %eq3A_3 = vector.broadcast %eq3A : i32 to vector<1x512xi32>
    %eq3A_4 = arith.cmpi eq, %get3A_1, %eq3A_3 : vector<1x512xi32>
    %get3A_5 = arith.constant 0 : index
    %get3A_6 = arith.constant 0 : index
    %get3A_7 = vector.load %arg5[%get3A_5, %get3A_6] : memref<16x512xf32, #tpu.memory_space<vmem>>, vector<1x512xf32>
    %jit3A = arith.constant 0.000000e+00 : f32
    %broadcast_in_dim3A_8 = vector.broadcast %jit3A : f32 to vector<1x512xf32>
    %select_n3A = arith.select %eq3A_4, %get3A_7, %broadcast_in_dim3A_8 : vector<1x512xi1>, vector<1x512xf32>
    %add3A = arith.addf %broadcast_in_dim3A_2, %select_n3A : vector<1x512xf32>
    %eq3A_9 = arith.constant 1 : i32
    %eq3A_10 = vector.broadcast %eq3A_9 : i32 to vector<1x512xi32>
    %eq3A_11 = arith.cmpi eq, %get3A_1, %eq3A_10 : vector<1x512xi32>
    %get3A_12 = arith.constant 1 : index
    %get3A_13 = arith.constant 0 : index
    %get3A_14 = vector.load %arg5[%get3A_12, %get3A_13] : memref<16x512xf32, #tpu.memory_space<vmem>>, vector<1x512xf32>
    %jit3A_15 = arith.constant 0.000000e+00 : f32
    %broadcast_in_dim3A_16 = vector.broadcast %jit3A_15 : f32 to vector<1x512xf32>
    %select_n3A_17 = arith.select %eq3A_11, %get3A_14, %broadcast_in_dim3A_16 : vector<1x512xi1>, vector<1x512xf32>
    %add3A_18 = arith.addf %add3A, %select_n3A_17 : vector<1x512xf32>
    %eq3A_19 = arith.constant 2 : i32
    %eq3A_20 = vector.broadcast %eq3A_19 : i32 to vector<1x512xi32>
    %eq3A_21 = arith.cmpi eq, %get3A_1, %eq3A_20 : vector<1x512xi32>
    %get3A_22 = arith.constant 2 : index
    %get3A_23 = arith.constant 0 : index
    %get3A_24 = vector.load %arg5[%get3A_22, %get3A_23] : memref<16x512xf32, #tpu.memory_space<vmem>>, vector<1x512xf32>
    %jit3A_25 = arith.constant 0.000000e+00 : f32
    %broadcast_in_dim3A_26 = vector.broadcast %jit3A_25 : f32 to vector<1x512xf32>
    %select_n3A_27 = arith.select %eq3A_21, %get3A_24, %broadcast_in_dim3A_26 : vector<1x512xi1>, vector<1x512xf32>
    %add3A_28 = arith.addf %add3A_18, %select_n3A_27 : vector<1x512xf32>
    %eq3A_29 = arith.constant 3 : i32
    %eq3A_30 = vector.broadcast %eq3A_29 : i32 to vector<1x512xi32>
    %eq3A_31 = arith.cmpi eq, %get3A_1, %eq3A_30 : vector<1x512xi32>
    %get3A_32 = arith.constant 3 : index
    %get3A_33 = arith.constant 0 : index
    %get3A_34 = vector.load %arg5[%get3A_32, %get3A_33] : memref<16x512xf32, #tpu.memory_space<vmem>>, vector<1x512xf32>
    %jit3A_35 = arith.constant 0.000000e+00 : f32
    %broadcast_in_dim3A_36 = vector.broadcast %jit3A_35 : f32 to vector<1x512xf32>
    %select_n3A_37 = arith.select %eq3A_31, %get3A_34, %broadcast_in_dim3A_36 : vector<1x512xi1>, vector<1x512xf32>
    %add3A_38 = arith.addf %add3A_28, %select_n3A_37 : vector<1x512xf32>
    %eq3A_39 = arith.constant 4 : i32
    %eq3A_40 = vector.broadcast %eq3A_39 : i32 to vector<1x512xi32>
    %eq3A_41 = arith.cmpi eq, %get3A_1, %eq3A_40 : vector<1x512xi32>
    %get3A_42 = arith.constant 4 : index
    %get3A_43 = arith.constant 0 : index
    %get3A_44 = vector.load %arg5[%get3A_42, %get3A_43] : memref<16x512xf32, #tpu.memory_space<vmem>>, vector<1x512xf32>
    %jit3A_45 = arith.constant 0.000000e+00 : f32
    %broadcast_in_dim3A_46 = vector.broadcast %jit3A_45 : f32 to vector<1x512xf32>
    %select_n3A_47 = arith.select %eq3A_41, %get3A_44, %broadcast_in_dim3A_46 : vector<1x512xi1>, vector<1x512xf32>
    %add3A_48 = arith.addf %add3A_38, %select_n3A_47 : vector<1x512xf32>
    %eq3A_49 = arith.constant 5 : i32
    %eq3A_50 = vector.broadcast %eq3A_49 : i32 to vector<1x512xi32>
    %eq3A_51 = arith.cmpi eq, %get3A_1, %eq3A_50 : vector<1x512xi32>
    %get3A_52 = arith.constant 5 : index
    %get3A_53 = arith.constant 0 : index
    %get3A_54 = vector.load %arg5[%get3A_52, %get3A_53] : memref<16x512xf32, #tpu.memory_space<vmem>>, vector<1x512xf32>
    %jit3A_55 = arith.constant 0.000000e+00 : f32
    %broadcast_in_dim3A_56 = vector.broadcast %jit3A_55 : f32 to vector<1x512xf32>
    %select_n3A_57 = arith.select %eq3A_51, %get3A_54, %broadcast_in_dim3A_56 : vector<1x512xi1>, vector<1x512xf32>
    %add3A_58 = arith.addf %add3A_48, %select_n3A_57 : vector<1x512xf32>
    %eq3A_59 = arith.constant 6 : i32
    %eq3A_60 = vector.broadcast %eq3A_59 : i32 to vector<1x512xi32>
    %eq3A_61 = arith.cmpi eq, %get3A_1, %eq3A_60 : vector<1x512xi32>
    %get3A_62 = arith.constant 6 : index
    %get3A_63 = arith.constant 0 : index
    %get3A_64 = vector.load %arg5[%get3A_62, %get3A_63] : memref<16x512xf32, #tpu.memory_space<vmem>>, vector<1x512xf32>
    %jit3A_65 = arith.constant 0.000000e+00 : f32
    %broadcast_in_dim3A_66 = vector.broadcast %jit3A_65 : f32 to vector<1x512xf32>
    %select_n3A_67 = arith.select %eq3A_61, %get3A_64, %broadcast_in_dim3A_66 : vector<1x512xi1>, vector<1x512xf32>
    %add3A_68 = arith.addf %add3A_58, %select_n3A_67 : vector<1x512xf32>
    %eq3A_69 = arith.constant 7 : i32
    %eq3A_70 = vector.broadcast %eq3A_69 : i32 to vector<1x512xi32>
    %eq3A_71 = arith.cmpi eq, %get3A_1, %eq3A_70 : vector<1x512xi32>
    %get3A_72 = arith.constant 7 : index
    %get3A_73 = arith.constant 0 : index
    %get3A_74 = vector.load %arg5[%get3A_72, %get3A_73] : memref<16x512xf32, #tpu.memory_space<vmem>>, vector<1x512xf32>
    %jit3A_75 = arith.constant 0.000000e+00 : f32
    %broadcast_in_dim3A_76 = vector.broadcast %jit3A_75 : f32 to vector<1x512xf32>
    %select_n3A_77 = arith.select %eq3A_71, %get3A_74, %broadcast_in_dim3A_76 : vector<1x512xi1>, vector<1x512xf32>
    %add3A_78 = arith.addf %add3A_68, %select_n3A_77 : vector<1x512xf32>
    %eq3A_79 = arith.constant 8 : i32
    %eq3A_80 = vector.broadcast %eq3A_79 : i32 to vector<1x512xi32>
    %eq3A_81 = arith.cmpi eq, %get3A_1, %eq3A_80 : vector<1x512xi32>
    %get3A_82 = arith.constant 8 : index
    %get3A_83 = arith.constant 0 : index
    %get3A_84 = vector.load %arg5[%get3A_82, %get3A_83] : memref<16x512xf32, #tpu.memory_space<vmem>>, vector<1x512xf32>
    %jit3A_85 = arith.constant 0.000000e+00 : f32
    %broadcast_in_dim3A_86 = vector.broadcast %jit3A_85 : f32 to vector<1x512xf32>
    %select_n3A_87 = arith.select %eq3A_81, %get3A_84, %broadcast_in_dim3A_86 : vector<1x512xi1>, vector<1x512xf32>
    %add3A_88 = arith.addf %add3A_78, %select_n3A_87 : vector<1x512xf32>
    %eq3A_89 = arith.constant 9 : i32
    %eq3A_90 = vector.broadcast %eq3A_89 : i32 to vector<1x512xi32>
    %eq3A_91 = arith.cmpi eq, %get3A_1, %eq3A_90 : vector<1x512xi32>
    %get3A_92 = arith.constant 9 : index
    %get3A_93 = arith.constant 0 : index
    %get3A_94 = vector.load %arg5[%get3A_92, %get3A_93] : memref<16x512xf32, #tpu.memory_space<vmem>>, vector<1x512xf32>
    %jit3A_95 = arith.constant 0.000000e+00 : f32
    %broadcast_in_dim3A_96 = vector.broadcast %jit3A_95 : f32 to vector<1x512xf32>
    %select_n3A_97 = arith.select %eq3A_91, %get3A_94, %broadcast_in_dim3A_96 : vector<1x512xi1>, vector<1x512xf32>
    %add3A_98 = arith.addf %add3A_88, %select_n3A_97 : vector<1x512xf32>
    %eq3A_99 = arith.constant 10 : i32
    %eq3A_100 = vector.broadcast %eq3A_99 : i32 to vector<1x512xi32>
    %eq3A_101 = arith.cmpi eq, %get3A_1, %eq3A_100 : vector<1x512xi32>
    %get3A_102 = arith.constant 10 : index
    %get3A_103 = arith.constant 0 : index
    %get3A_104 = vector.load %arg5[%get3A_102, %get3A_103] : memref<16x512xf32, #tpu.memory_space<vmem>>, vector<1x512xf32>
    %jit3A_105 = arith.constant 0.000000e+00 : f32
    %broadcast_in_dim3A_106 = vector.broadcast %jit3A_105 : f32 to vector<1x512xf32>
    %select_n3A_107 = arith.select %eq3A_101, %get3A_104, %broadcast_in_dim3A_106 : vector<1x512xi1>, vector<1x512xf32>
    %add3A_108 = arith.addf %add3A_98, %select_n3A_107 : vector<1x512xf32>
    %eq3A_109 = arith.constant 11 : i32
    %eq3A_110 = vector.broadcast %eq3A_109 : i32 to vector<1x512xi32>
    %eq3A_111 = arith.cmpi eq, %get3A_1, %eq3A_110 : vector<1x512xi32>
    %get3A_112 = arith.constant 11 : index
    %get3A_113 = arith.constant 0 : index
    %get3A_114 = vector.load %arg5[%get3A_112, %get3A_113] : memref<16x512xf32, #tpu.memory_space<vmem>>, vector<1x512xf32>
    %jit3A_115 = arith.constant 0.000000e+00 : f32
    %broadcast_in_dim3A_116 = vector.broadcast %jit3A_115 : f32 to vector<1x512xf32>
    %select_n3A_117 = arith.select %eq3A_111, %get3A_114, %broadcast_in_dim3A_116 : vector<1x512xi1>, vector<1x512xf32>
    %add3A_118 = arith.addf %add3A_108, %select_n3A_117 : vector<1x512xf32>
    %eq3A_119 = arith.constant 12 : i32
    %eq3A_120 = vector.broadcast %eq3A_119 : i32 to vector<1x512xi32>
    %eq3A_121 = arith.cmpi eq, %get3A_1, %eq3A_120 : vector<1x512xi32>
    %get3A_122 = arith.constant 12 : index
    %get3A_123 = arith.constant 0 : index
    %get3A_124 = vector.load %arg5[%get3A_122, %get3A_123] : memref<16x512xf32, #tpu.memory_space<vmem>>, vector<1x512xf32>
    %jit3A_125 = arith.constant 0.000000e+00 : f32
    %broadcast_in_dim3A_126 = vector.broadcast %jit3A_125 : f32 to vector<1x512xf32>
    %select_n3A_127 = arith.select %eq3A_121, %get3A_124, %broadcast_in_dim3A_126 : vector<1x512xi1>, vector<1x512xf32>
    %add3A_128 = arith.addf %add3A_118, %select_n3A_127 : vector<1x512xf32>
    %eq3A_129 = arith.constant 13 : i32
    %eq3A_130 = vector.broadcast %eq3A_129 : i32 to vector<1x512xi32>
    %eq3A_131 = arith.cmpi eq, %get3A_1, %eq3A_130 : vector<1x512xi32>
    %get3A_132 = arith.constant 13 : index
    %get3A_133 = arith.constant 0 : index
    %get3A_134 = vector.load %arg5[%get3A_132, %get3A_133] : memref<16x512xf32, #tpu.memory_space<vmem>>, vector<1x512xf32>
    %jit3A_135 = arith.constant 0.000000e+00 : f32
    %broadcast_in_dim3A_136 = vector.broadcast %jit3A_135 : f32 to vector<1x512xf32>
    %select_n3A_137 = arith.select %eq3A_131, %get3A_134, %broadcast_in_dim3A_136 : vector<1x512xi1>, vector<1x512xf32>
    %add3A_138 = arith.addf %add3A_128, %select_n3A_137 : vector<1x512xf32>
    %eq3A_139 = arith.constant 14 : i32
    %eq3A_140 = vector.broadcast %eq3A_139 : i32 to vector<1x512xi32>
    %eq3A_141 = arith.cmpi eq, %get3A_1, %eq3A_140 : vector<1x512xi32>
    %get3A_142 = arith.constant 14 : index
    %get3A_143 = arith.constant 0 : index
    %get3A_144 = vector.load %arg5[%get3A_142, %get3A_143] : memref<16x512xf32, #tpu.memory_space<vmem>>, vector<1x512xf32>
    %jit3A_145 = arith.constant 0.000000e+00 : f32
    %broadcast_in_dim3A_146 = vector.broadcast %jit3A_145 : f32 to vector<1x512xf32>
    %select_n3A_147 = arith.select %eq3A_141, %get3A_144, %broadcast_in_dim3A_146 : vector<1x512xi1>, vector<1x512xf32>
    %add3A_148 = arith.addf %add3A_138, %select_n3A_147 : vector<1x512xf32>
    %eq3A_149 = arith.constant 15 : i32
    %eq3A_150 = vector.broadcast %eq3A_149 : i32 to vector<1x512xi32>
    %eq3A_151 = arith.cmpi eq, %get3A_1, %eq3A_150 : vector<1x512xi32>
    %get3A_152 = arith.constant 15 : index
    %get3A_153 = arith.constant 0 : index
    %get3A_154 = vector.load %arg5[%get3A_152, %get3A_153] : memref<16x512xf32, #tpu.memory_space<vmem>>, vector<1x512xf32>
    %jit3A_155 = arith.constant 0.000000e+00 : f32
    %broadcast_in_dim3A_156 = vector.broadcast %jit3A_155 : f32 to vector<1x512xf32>
    %select_n3A_157 = arith.select %eq3A_151, %get3A_154, %broadcast_in_dim3A_156 : vector<1x512xi1>, vector<1x512xf32>
    %add3A_158 = arith.addf %add3A_148, %select_n3A_157 : vector<1x512xf32>
    %scan3A = arith.constant 0 : i32
    %scan3A_159 = arith.constant 8 : i32
    %scan3A_160 = arith.addi %scan3A, %scan3A_159 : i32
    %scan3A_161 = arith.constant 1 : i32
    scf.for %scan3A_163 = %scan3A to %scan3A_160 step %scan3A_161  : i32 {
      %mul3A = arith.constant 32 : i32
      %mul3A_164 = arith.muli %scan3A_163, %mul3A : i32
      %multiple_of3A = tpu.assume_multiple %mul3A_164, 32 : i32
      %broadcast_in_dim3A_165 = vector.shape_cast %add3A_158 : vector<1x512xf32> to vector<1x512xf32>
      %broadcast_in_dim3A_166 = vector.broadcast %broadcast_in_dim3A_165 : vector<1x512xf32> to vector<32x512xf32>
      %get3A_167 = arith.constant 0 : index
      %get3A_168 = arith.constant 0 : index
      %get3A_169 = vector.load %arg3[%get3A_167, %get3A_168] : memref<16x512xf32, #tpu.memory_space<vmem>>, vector<1x512xf32>
      %broadcast_in_dim3A_170 = vector.shape_cast %get3A_169 : vector<1x512xf32> to vector<1x512xf32>
      %broadcast_in_dim3A_171 = vector.broadcast %broadcast_in_dim3A_170 : vector<1x512xf32> to vector<32x512xf32>
      %get3A_172 = arith.constant 0 : index
      %get3A_173 = arith.index_cast %multiple_of3A : i32 to index
      %get3A_174 = arith.constant 0 : index
      %get3A_175 = vector.load %arg1[%get3A_172, %get3A_173, %get3A_174] : memref<16x256x512xf32, #tpu.memory_space<vmem>>, vector<1x32x512xf32>
      %get3A_176 = vector.shape_cast %get3A_175 : vector<1x32x512xf32> to vector<32x512xf32>
      %get3A_177 = arith.constant 0 : index
      %get3A_178 = arith.constant 0 : index
      %get3A_179 = vector.load %arg2[%get3A_177, %get3A_178] : memref<256x512xf32, #tpu.memory_space<vmem>>, vector<1x512xf32>
      %mul3A_180 = vector.broadcast %get3A_179 : vector<1x512xf32> to vector<32x512xf32>
      %mul3A_181 = arith.mulf %get3A_176, %mul3A_180 : vector<32x512xf32>
      %add3A_182 = arith.addf %broadcast_in_dim3A_171, %mul3A_181 : vector<32x512xf32>
      %get3A_183 = arith.constant 1 : index
      %get3A_184 = arith.index_cast %multiple_of3A : i32 to index
      %get3A_185 = arith.constant 0 : index
      %get3A_186 = vector.load %arg1[%get3A_183, %get3A_184, %get3A_185] : memref<16x256x512xf32, #tpu.memory_space<vmem>>, vector<1x32x512xf32>
      %get3A_187 = vector.shape_cast %get3A_186 : vector<1x32x512xf32> to vector<32x512xf32>
      %get3A_188 = arith.constant 16 : index
      %get3A_189 = arith.constant 0 : index
      %get3A_190 = vector.load %arg2[%get3A_188, %get3A_189] : memref<256x512xf32, #tpu.memory_space<vmem>>, vector<1x512xf32>
      %mul3A_191 = vector.broadcast %get3A_190 : vector<1x512xf32> to vector<32x512xf32>
      %mul3A_192 = arith.mulf %get3A_187, %mul3A_191 : vector<32x512xf32>
      %add3A_193 = arith.addf %add3A_182, %mul3A_192 : vector<32x512xf32>
      %get3A_194 = arith.constant 2 : index
      %get3A_195 = arith.index_cast %multiple_of3A : i32 to index
      %get3A_196 = arith.constant 0 : index
      %get3A_197 = vector.load %arg1[%get3A_194, %get3A_195, %get3A_196] : memref<16x256x512xf32, #tpu.memory_space<vmem>>, vector<1x32x512xf32>
      %get3A_198 = vector.shape_cast %get3A_197 : vector<1x32x512xf32> to vector<32x512xf32>
      %get3A_199 = arith.constant 32 : index
      %get3A_200 = arith.constant 0 : index
      %get3A_201 = vector.load %arg2[%get3A_199, %get3A_200] : memref<256x512xf32, #tpu.memory_space<vmem>>, vector<1x512xf32>
      %mul3A_202 = vector.broadcast %get3A_201 : vector<1x512xf32> to vector<32x512xf32>
      %mul3A_203 = arith.mulf %get3A_198, %mul3A_202 : vector<32x512xf32>
      %add3A_204 = arith.addf %add3A_193, %mul3A_203 : vector<32x512xf32>
      %get3A_205 = arith.constant 3 : index
      %get3A_206 = arith.index_cast %multiple_of3A : i32 to index
      %get3A_207 = arith.constant 0 : index
      %get3A_208 = vector.load %arg1[%get3A_205, %get3A_206, %get3A_207] : memref<16x256x512xf32, #tpu.memory_space<vmem>>, vector<1x32x512xf32>
      %get3A_209 = vector.shape_cast %get3A_208 : vector<1x32x512xf32> to vector<32x512xf32>
      %get3A_210 = arith.constant 48 : index
      %get3A_211 = arith.constant 0 : index
      %get3A_212 = vector.load %arg2[%get3A_210, %get3A_211] : memref<256x512xf32, #tpu.memory_space<vmem>>, vector<1x512xf32>
      %mul3A_213 = vector.broadcast %get3A_212 : vector<1x512xf32> to vector<32x512xf32>
      %mul3A_214 = arith.mulf %get3A_209, %mul3A_213 : vector<32x512xf32>
      %add3A_215 = arith.addf %add3A_204, %mul3A_214 : vector<32x512xf32>
      %get3A_216 = arith.constant 4 : index
      %get3A_217 = arith.index_cast %multiple_of3A : i32 to index
      %get3A_218 = arith.constant 0 : index
      %get3A_219 = vector.load %arg1[%get3A_216, %get3A_217, %get3A_218] : memref<16x256x512xf32, #tpu.memory_space<vmem>>, vector<1x32x512xf32>
      %get3A_220 = vector.shape_cast %get3A_219 : vector<1x32x512xf32> to vector<32x512xf32>
      %get3A_221 = arith.constant 64 : index
      %get3A_222 = arith.constant 0 : index
      %get3A_223 = vector.load %arg2[%get3A_221, %get3A_222] : memref<256x512xf32, #tpu.memory_space<vmem>>, vector<1x512xf32>
      %mul3A_224 = vector.broadcast %get3A_223 : vector<1x512xf32> to vector<32x512xf32>
      %mul3A_225 = arith.mulf %get3A_220, %mul3A_224 : vector<32x512xf32>
      %add3A_226 = arith.addf %add3A_215, %mul3A_225 : vector<32x512xf32>
      %get3A_227 = arith.constant 5 : index
      %get3A_228 = arith.index_cast %multiple_of3A : i32 to index
      %get3A_229 = arith.constant 0 : index
      %get3A_230 = vector.load %arg1[%get3A_227, %get3A_228, %get3A_229] : memref<16x256x512xf32, #tpu.memory_space<vmem>>, vector<1x32x512xf32>
      %get3A_231 = vector.shape_cast %get3A_230 : vector<1x32x512xf32> to vector<32x512xf32>
      %get3A_232 = arith.constant 80 : index
      %get3A_233 = arith.constant 0 : index
      %get3A_234 = vector.load %arg2[%get3A_232, %get3A_233] : memref<256x512xf32, #tpu.memory_space<vmem>>, vector<1x512xf32>
      %mul3A_235 = vector.broadcast %get3A_234 : vector<1x512xf32> to vector<32x512xf32>
      %mul3A_236 = arith.mulf %get3A_231, %mul3A_235 : vector<32x512xf32>
      %add3A_237 = arith.addf %add3A_226, %mul3A_236 : vector<32x512xf32>
      %get3A_238 = arith.constant 6 : index
      %get3A_239 = arith.index_cast %multiple_of3A : i32 to index
      %get3A_240 = arith.constant 0 : index
      %get3A_241 = vector.load %arg1[%get3A_238, %get3A_239, %get3A_240] : memref<16x256x512xf32, #tpu.memory_space<vmem>>, vector<1x32x512xf32>
      %get3A_242 = vector.shape_cast %get3A_241 : vector<1x32x512xf32> to vector<32x512xf32>
      %get3A_243 = arith.constant 96 : index
      %get3A_244 = arith.constant 0 : index
      %get3A_245 = vector.load %arg2[%get3A_243, %get3A_244] : memref<256x512xf32, #tpu.memory_space<vmem>>, vector<1x512xf32>
      %mul3A_246 = vector.broadcast %get3A_245 : vector<1x512xf32> to vector<32x512xf32>
      %mul3A_247 = arith.mulf %get3A_242, %mul3A_246 : vector<32x512xf32>
      %add3A_248 = arith.addf %add3A_237, %mul3A_247 : vector<32x512xf32>
      %get3A_249 = arith.constant 7 : index
      %get3A_250 = arith.index_cast %multiple_of3A : i32 to index
      %get3A_251 = arith.constant 0 : index
      %get3A_252 = vector.load %arg1[%get3A_249, %get3A_250, %get3A_251] : memref<16x256x512xf32, #tpu.memory_space<vmem>>, vector<1x32x512xf32>
      %get3A_253 = vector.shape_cast %get3A_252 : vector<1x32x512xf32> to vector<32x512xf32>
      %get3A_254 = arith.constant 112 : index
      %get3A_255 = arith.constant 0 : index
      %get3A_256 = vector.load %arg2[%get3A_254, %get3A_255] : memref<256x512xf32, #tpu.memory_space<vmem>>, vector<1x512xf32>
      %mul3A_257 = vector.broadcast %get3A_256 : vector<1x512xf32> to vector<32x512xf32>
      %mul3A_258 = arith.mulf %get3A_253, %mul3A_257 : vector<32x512xf32>
      %add3A_259 = arith.addf %add3A_248, %mul3A_258 : vector<32x512xf32>
      %get3A_260 = arith.constant 8 : index
      %get3A_261 = arith.index_cast %multiple_of3A : i32 to index
      %get3A_262 = arith.constant 0 : index
      %get3A_263 = vector.load %arg1[%get3A_260, %get3A_261, %get3A_262] : memref<16x256x512xf32, #tpu.memory_space<vmem>>, vector<1x32x512xf32>
      %get3A_264 = vector.shape_cast %get3A_263 : vector<1x32x512xf32> to vector<32x512xf32>
      %get3A_265 = arith.constant 128 : index
      %get3A_266 = arith.constant 0 : index
      %get3A_267 = vector.load %arg2[%get3A_265, %get3A_266] : memref<256x512xf32, #tpu.memory_space<vmem>>, vector<1x512xf32>
      %mul3A_268 = vector.broadcast %get3A_267 : vector<1x512xf32> to vector<32x512xf32>
      %mul3A_269 = arith.mulf %get3A_264, %mul3A_268 : vector<32x512xf32>
      %add3A_270 = arith.addf %add3A_259, %mul3A_269 : vector<32x512xf32>
      %get3A_271 = arith.constant 9 : index
      %get3A_272 = arith.index_cast %multiple_of3A : i32 to index
      %get3A_273 = arith.constant 0 : index
      %get3A_274 = vector.load %arg1[%get3A_271, %get3A_272, %get3A_273] : memref<16x256x512xf32, #tpu.memory_space<vmem>>, vector<1x32x512xf32>
      %get3A_275 = vector.shape_cast %get3A_274 : vector<1x32x512xf32> to vector<32x512xf32>
      %get3A_276 = arith.constant 144 : index
      %get3A_277 = arith.constant 0 : index
      %get3A_278 = vector.load %arg2[%get3A_276, %get3A_277] : memref<256x512xf32, #tpu.memory_space<vmem>>, vector<1x512xf32>
      %mul3A_279 = vector.broadcast %get3A_278 : vector<1x512xf32> to vector<32x512xf32>
      %mul3A_280 = arith.mulf %get3A_275, %mul3A_279 : vector<32x512xf32>
      %add3A_281 = arith.addf %add3A_270, %mul3A_280 : vector<32x512xf32>
      %get3A_282 = arith.constant 10 : index
      %get3A_283 = arith.index_cast %multiple_of3A : i32 to index
      %get3A_284 = arith.constant 0 : index
      %get3A_285 = vector.load %arg1[%get3A_282, %get3A_283, %get3A_284] : memref<16x256x512xf32, #tpu.memory_space<vmem>>, vector<1x32x512xf32>
      %get3A_286 = vector.shape_cast %get3A_285 : vector<1x32x512xf32> to vector<32x512xf32>
      %get3A_287 = arith.constant 160 : index
      %get3A_288 = arith.constant 0 : index
      %get3A_289 = vector.load %arg2[%get3A_287, %get3A_288] : memref<256x512xf32, #tpu.memory_space<vmem>>, vector<1x512xf32>
      %mul3A_290 = vector.broadcast %get3A_289 : vector<1x512xf32> to vector<32x512xf32>
      %mul3A_291 = arith.mulf %get3A_286, %mul3A_290 : vector<32x512xf32>
      %add3A_292 = arith.addf %add3A_281, %mul3A_291 : vector<32x512xf32>
      %get3A_293 = arith.constant 11 : index
      %get3A_294 = arith.index_cast %multiple_of3A : i32 to index
      %get3A_295 = arith.constant 0 : index
      %get3A_296 = vector.load %arg1[%get3A_293, %get3A_294, %get3A_295] : memref<16x256x512xf32, #tpu.memory_space<vmem>>, vector<1x32x512xf32>
      %get3A_297 = vector.shape_cast %get3A_296 : vector<1x32x512xf32> to vector<32x512xf32>
      %get3A_298 = arith.constant 176 : index
      %get3A_299 = arith.constant 0 : index
      %get3A_300 = vector.load %arg2[%get3A_298, %get3A_299] : memref<256x512xf32, #tpu.memory_space<vmem>>, vector<1x512xf32>
      %mul3A_301 = vector.broadcast %get3A_300 : vector<1x512xf32> to vector<32x512xf32>
      %mul3A_302 = arith.mulf %get3A_297, %mul3A_301 : vector<32x512xf32>
      %add3A_303 = arith.addf %add3A_292, %mul3A_302 : vector<32x512xf32>
      %get3A_304 = arith.constant 12 : index
      %get3A_305 = arith.index_cast %multiple_of3A : i32 to index
      %get3A_306 = arith.constant 0 : index
      %get3A_307 = vector.load %arg1[%get3A_304, %get3A_305, %get3A_306] : memref<16x256x512xf32, #tpu.memory_space<vmem>>, vector<1x32x512xf32>
      %get3A_308 = vector.shape_cast %get3A_307 : vector<1x32x512xf32> to vector<32x512xf32>
      %get3A_309 = arith.constant 192 : index
      %get3A_310 = arith.constant 0 : index
      %get3A_311 = vector.load %arg2[%get3A_309, %get3A_310] : memref<256x512xf32, #tpu.memory_space<vmem>>, vector<1x512xf32>
      %mul3A_312 = vector.broadcast %get3A_311 : vector<1x512xf32> to vector<32x512xf32>
      %mul3A_313 = arith.mulf %get3A_308, %mul3A_312 : vector<32x512xf32>
      %add3A_314 = arith.addf %add3A_303, %mul3A_313 : vector<32x512xf32>
      %get3A_315 = arith.constant 13 : index
      %get3A_316 = arith.index_cast %multiple_of3A : i32 to index
      %get3A_317 = arith.constant 0 : index
      %get3A_318 = vector.load %arg1[%get3A_315, %get3A_316, %get3A_317] : memref<16x256x512xf32, #tpu.memory_space<vmem>>, vector<1x32x512xf32>
      %get3A_319 = vector.shape_cast %get3A_318 : vector<1x32x512xf32> to vector<32x512xf32>
      %get3A_320 = arith.constant 208 : index
      %get3A_321 = arith.constant 0 : index
      %get3A_322 = vector.load %arg2[%get3A_320, %get3A_321] : memref<256x512xf32, #tpu.memory_space<vmem>>, vector<1x512xf32>
      %mul3A_323 = vector.broadcast %get3A_322 : vector<1x512xf32> to vector<32x512xf32>
      %mul3A_324 = arith.mulf %get3A_319, %mul3A_323 : vector<32x512xf32>
      %add3A_325 = arith.addf %add3A_314, %mul3A_324 : vector<32x512xf32>
      %get3A_326 = arith.constant 14 : index
      %get3A_327 = arith.index_cast %multiple_of3A : i32 to index
      %get3A_328 = arith.constant 0 : index
      %get3A_329 = vector.load %arg1[%get3A_326, %get3A_327, %get3A_328] : memref<16x256x512xf32, #tpu.memory_space<vmem>>, vector<1x32x512xf32>
      %get3A_330 = vector.shape_cast %get3A_329 : vector<1x32x512xf32> to vector<32x512xf32>
      %get3A_331 = arith.constant 224 : index
      %get3A_332 = arith.constant 0 : index
      %get3A_333 = vector.load %arg2[%get3A_331, %get3A_332] : memref<256x512xf32, #tpu.memory_space<vmem>>, vector<1x512xf32>
      %mul3A_334 = vector.broadcast %get3A_333 : vector<1x512xf32> to vector<32x512xf32>
      %mul3A_335 = arith.mulf %get3A_330, %mul3A_334 : vector<32x512xf32>
      %add3A_336 = arith.addf %add3A_325, %mul3A_335 : vector<32x512xf32>
      %get3A_337 = arith.constant 15 : index
      %get3A_338 = arith.index_cast %multiple_of3A : i32 to index
      %get3A_339 = arith.constant 0 : index
      %get3A_340 = vector.load %arg1[%get3A_337, %get3A_338, %get3A_339] : memref<16x256x512xf32, #tpu.memory_space<vmem>>, vector<1x32x512xf32>
      %get3A_341 = vector.shape_cast %get3A_340 : vector<1x32x512xf32> to vector<32x512xf32>
      %get3A_342 = arith.constant 240 : index
      %get3A_343 = arith.constant 0 : index
      %get3A_344 = vector.load %arg2[%get3A_342, %get3A_343] : memref<256x512xf32, #tpu.memory_space<vmem>>, vector<1x512xf32>
      %mul3A_345 = vector.broadcast %get3A_344 : vector<1x512xf32> to vector<32x512xf32>
      %mul3A_346 = arith.mulf %get3A_341, %mul3A_345 : vector<32x512xf32>
      %add3A_347 = arith.addf %add3A_336, %mul3A_346 : vector<32x512xf32>
      %mul3A_348 = arith.constant 5.000000e-01 : f32
      %mul3A_349 = vector.broadcast %mul3A_348 : f32 to vector<32x512xf32>
      %mul3A_350 = arith.mulf %mul3A_349, %add3A_347 : vector<32x512xf32>
      %tanh3A = math.tanh %mul3A_350 : vector<32x512xf32>
      %mul3A_351 = arith.constant 5.000000e-01 : f32
      %mul3A_352 = vector.broadcast %mul3A_351 : f32 to vector<32x512xf32>
      %mul3A_353 = arith.mulf %mul3A_352, %tanh3A : vector<32x512xf32>
      %add3A_354 = arith.constant 5.000000e-01 : f32
      %add3A_355 = vector.broadcast %add3A_354 : f32 to vector<32x512xf32>
      %add3A_356 = arith.addf %mul3A_353, %add3A_355 : vector<32x512xf32>
      %get3A_357 = arith.constant 0 : index
      %get3A_358 = arith.constant 0 : index
      %get3A_359 = vector.load %arg4[%get3A_357, %get3A_358] : memref<16x512xf32, #tpu.memory_space<vmem>>, vector<1x512xf32>
      %mul3A_360 = vector.broadcast %get3A_359 : vector<1x512xf32> to vector<32x512xf32>
      %mul3A_361 = arith.mulf %add3A_356, %mul3A_360 : vector<32x512xf32>
      %add3A_362 = arith.addf %broadcast_in_dim3A_166, %mul3A_361 : vector<32x512xf32>
      %get3A_363 = arith.constant 1 : index
      %get3A_364 = arith.constant 0 : index
      %get3A_365 = vector.load %arg3[%get3A_363, %get3A_364] : memref<16x512xf32, #tpu.memory_space<vmem>>, vector<1x512xf32>
      %broadcast_in_dim3A_366 = vector.shape_cast %get3A_365 : vector<1x512xf32> to vector<1x512xf32>
      %broadcast_in_dim3A_367 = vector.broadcast %broadcast_in_dim3A_366 : vector<1x512xf32> to vector<32x512xf32>
      %get3A_368 = arith.constant 0 : index
      %get3A_369 = arith.index_cast %multiple_of3A : i32 to index
      %get3A_370 = arith.constant 0 : index
      %get3A_371 = vector.load %arg1[%get3A_368, %get3A_369, %get3A_370] : memref<16x256x512xf32, #tpu.memory_space<vmem>>, vector<1x32x512xf32>
      %get3A_372 = vector.shape_cast %get3A_371 : vector<1x32x512xf32> to vector<32x512xf32>
      %get3A_373 = arith.constant 1 : index
      %get3A_374 = arith.constant 0 : index
      %get3A_375 = vector.load %arg2[%get3A_373, %get3A_374] : memref<256x512xf32, #tpu.memory_space<vmem>>, vector<1x512xf32>
      %mul3A_376 = vector.broadcast %get3A_375 : vector<1x512xf32> to vector<32x512xf32>
      %mul3A_377 = arith.mulf %get3A_372, %mul3A_376 : vector<32x512xf32>
      %add3A_378 = arith.addf %broadcast_in_dim3A_367, %mul3A_377 : vector<32x512xf32>
      %get3A_379 = arith.constant 1 : index
      %get3A_380 = arith.index_cast %multiple_of3A : i32 to index
      %get3A_381 = arith.constant 0 : index
      %get3A_382 = vector.load %arg1[%get3A_379, %get3A_380, %get3A_381] : memref<16x256x512xf32, #tpu.memory_space<vmem>>, vector<1x32x512xf32>
      %get3A_383 = vector.shape_cast %get3A_382 : vector<1x32x512xf32> to vector<32x512xf32>
      %get3A_384 = arith.constant 17 : index
      %get3A_385 = arith.constant 0 : index
      %get3A_386 = vector.load %arg2[%get3A_384, %get3A_385] : memref<256x512xf32, #tpu.memory_space<vmem>>, vector<1x512xf32>
      %mul3A_387 = vector.broadcast %get3A_386 : vector<1x512xf32> to vector<32x512xf32>
      %mul3A_388 = arith.mulf %get3A_383, %mul3A_387 : vector<32x512xf32>
      %add3A_389 = arith.addf %add3A_378, %mul3A_388 : vector<32x512xf32>
      %get3A_390 = arith.constant 2 : index
      %get3A_391 = arith.index_cast %multiple_of3A : i32 to index
      %get3A_392 = arith.constant 0 : index
      %get3A_393 = vector.load %arg1[%get3A_390, %get3A_391, %get3A_392] : memref<16x256x512xf32, #tpu.memory_space<vmem>>, vector<1x32x512xf32>
      %get3A_394 = vector.shape_cast %get3A_393 : vector<1x32x512xf32> to vector<32x512xf32>
      %get3A_395 = arith.constant 33 : index
      %get3A_396 = arith.constant 0 : index
      %get3A_397 = vector.load %arg2[%get3A_395, %get3A_396] : memref<256x512xf32, #tpu.memory_space<vmem>>, vector<1x512xf32>
      %mul3A_398 = vector.broadcast %get3A_397 : vector<1x512xf32> to vector<32x512xf32>
      %mul3A_399 = arith.mulf %get3A_394, %mul3A_398 : vector<32x512xf32>
      %add3A_400 = arith.addf %add3A_389, %mul3A_399 : vector<32x512xf32>
      %get3A_401 = arith.constant 3 : index
      %get3A_402 = arith.index_cast %multiple_of3A : i32 to index
      %get3A_403 = arith.constant 0 : index
      %get3A_404 = vector.load %arg1[%get3A_401, %get3A_402, %get3A_403] : memref<16x256x512xf32, #tpu.memory_space<vmem>>, vector<1x32x512xf32>
      %get3A_405 = vector.shape_cast %get3A_404 : vector<1x32x512xf32> to vector<32x512xf32>
      %get3A_406 = arith.constant 49 : index
      %get3A_407 = arith.constant 0 : index
      %get3A_408 = vector.load %arg2[%get3A_406, %get3A_407] : memref<256x512xf32, #tpu.memory_space<vmem>>, vector<1x512xf32>
      %mul3A_409 = vector.broadcast %get3A_408 : vector<1x512xf32> to vector<32x512xf32>
      %mul3A_410 = arith.mulf %get3A_405, %mul3A_409 : vector<32x512xf32>
      %add3A_411 = arith.addf %add3A_400, %mul3A_410 : vector<32x512xf32>
      %get3A_412 = arith.constant 4 : index
      %get3A_413 = arith.index_cast %multiple_of3A : i32 to index
      %get3A_414 = arith.constant 0 : index
      %get3A_415 = vector.load %arg1[%get3A_412, %get3A_413, %get3A_414] : memref<16x256x512xf32, #tpu.memory_space<vmem>>, vector<1x32x512xf32>
      %get3A_416 = vector.shape_cast %get3A_415 : vector<1x32x512xf32> to vector<32x512xf32>
      %get3A_417 = arith.constant 65 : index
      %get3A_418 = arith.constant 0 : index
      %get3A_419 = vector.load %arg2[%get3A_417, %get3A_418] : memref<256x512xf32, #tpu.memory_space<vmem>>, vector<1x512xf32>
      %mul3A_420 = vector.broadcast %get3A_419 : vector<1x512xf32> to vector<32x512xf32>
      %mul3A_421 = arith.mulf %get3A_416, %mul3A_420 : vector<32x512xf32>
      %add3A_422 = arith.addf %add3A_411, %mul3A_421 : vector<32x512xf32>
      %get3A_423 = arith.constant 5 : index
      %get3A_424 = arith.index_cast %multiple_of3A : i32 to index
      %get3A_425 = arith.constant 0 : index
      %get3A_426 = vector.load %arg1[%get3A_423, %get3A_424, %get3A_425] : memref<16x256x512xf32, #tpu.memory_space<vmem>>, vector<1x32x512xf32>
      %get3A_427 = vector.shape_cast %get3A_426 : vector<1x32x512xf32> to vector<32x512xf32>
      %get3A_428 = arith.constant 81 : index
      %get3A_429 = arith.constant 0 : index
      %get3A_430 = vector.load %arg2[%get3A_428, %get3A_429] : memref<256x512xf32, #tpu.memory_space<vmem>>, vector<1x512xf32>
      %mul3A_431 = vector.broadcast %get3A_430 : vector<1x512xf32> to vector<32x512xf32>
      %mul3A_432 = arith.mulf %get3A_427, %mul3A_431 : vector<32x512xf32>
      %add3A_433 = arith.addf %add3A_422, %mul3A_432 : vector<32x512xf32>
      %get3A_434 = arith.constant 6 : index
      %get3A_435 = arith.index_cast %multiple_of3A : i32 to index
      %get3A_436 = arith.constant 0 : index
      %get3A_437 = vector.load %arg1[%get3A_434, %get3A_435, %get3A_436] : memref<16x256x512xf32, #tpu.memory_space<vmem>>, vector<1x32x512xf32>
      %get3A_438 = vector.shape_cast %get3A_437 : vector<1x32x512xf32> to vector<32x512xf32>
      %get3A_439 = arith.constant 97 : index
      %get3A_440 = arith.constant 0 : index
      %get3A_441 = vector.load %arg2[%get3A_439, %get3A_440] : memref<256x512xf32, #tpu.memory_space<vmem>>, vector<1x512xf32>
      %mul3A_442 = vector.broadcast %get3A_441 : vector<1x512xf32> to vector<32x512xf32>
      %mul3A_443 = arith.mulf %get3A_438, %mul3A_442 : vector<32x512xf32>
      %add3A_444 = arith.addf %add3A_433, %mul3A_443 : vector<32x512xf32>
      %get3A_445 = arith.constant 7 : index
      %get3A_446 = arith.index_cast %multiple_of3A : i32 to index
      %get3A_447 = arith.constant 0 : index
      %get3A_448 = vector.load %arg1[%get3A_445, %get3A_446, %get3A_447] : memref<16x256x512xf32, #tpu.memory_space<vmem>>, vector<1x32x512xf32>
      %get3A_449 = vector.shape_cast %get3A_448 : vector<1x32x512xf32> to vector<32x512xf32>
      %get3A_450 = arith.constant 113 : index
      %get3A_451 = arith.constant 0 : index
      %get3A_452 = vector.load %arg2[%get3A_450, %get3A_451] : memref<256x512xf32, #tpu.memory_space<vmem>>, vector<1x512xf32>
      %mul3A_453 = vector.broadcast %get3A_452 : vector<1x512xf32> to vector<32x512xf32>
      %mul3A_454 = arith.mulf %get3A_449, %mul3A_453 : vector<32x512xf32>
      %add3A_455 = arith.addf %add3A_444, %mul3A_454 : vector<32x512xf32>
      %get3A_456 = arith.constant 8 : index
      %get3A_457 = arith.index_cast %multiple_of3A : i32 to index
      %get3A_458 = arith.constant 0 : index
      %get3A_459 = vector.load %arg1[%get3A_456, %get3A_457, %get3A_458] : memref<16x256x512xf32, #tpu.memory_space<vmem>>, vector<1x32x512xf32>
      %get3A_460 = vector.shape_cast %get3A_459 : vector<1x32x512xf32> to vector<32x512xf32>
      %get3A_461 = arith.constant 129 : index
      %get3A_462 = arith.constant 0 : index
      %get3A_463 = vector.load %arg2[%get3A_461, %get3A_462] : memref<256x512xf32, #tpu.memory_space<vmem>>, vector<1x512xf32>
      %mul3A_464 = vector.broadcast %get3A_463 : vector<1x512xf32> to vector<32x512xf32>
      %mul3A_465 = arith.mulf %get3A_460, %mul3A_464 : vector<32x512xf32>
      %add3A_466 = arith.addf %add3A_455, %mul3A_465 : vector<32x512xf32>
      %get3A_467 = arith.constant 9 : index
      %get3A_468 = arith.index_cast %multiple_of3A : i32 to index
      %get3A_469 = arith.constant 0 : index
      %get3A_470 = vector.load %arg1[%get3A_467, %get3A_468, %get3A_469] : memref<16x256x512xf32, #tpu.memory_space<vmem>>, vector<1x32x512xf32>
      %get3A_471 = vector.shape_cast %get3A_470 : vector<1x32x512xf32> to vector<32x512xf32>
      %get3A_472 = arith.constant 145 : index
      %get3A_473 = arith.constant 0 : index
      %get3A_474 = vector.load %arg2[%get3A_472, %get3A_473] : memref<256x512xf32, #tpu.memory_space<vmem>>, vector<1x512xf32>
      %mul3A_475 = vector.broadcast %get3A_474 : vector<1x512xf32> to vector<32x512xf32>
      %mul3A_476 = arith.mulf %get3A_471, %mul3A_475 : vector<32x512xf32>
      %add3A_477 = arith.addf %add3A_466, %mul3A_476 : vector<32x512xf32>
      %get3A_478 = arith.constant 10 : index
      %get3A_479 = arith.index_cast %multiple_of3A : i32 to index
      %get3A_480 = arith.constant 0 : index
      %get3A_481 = vector.load %arg1[%get3A_478, %get3A_479, %get3A_480] : memref<16x256x512xf32, #tpu.memory_space<vmem>>, vector<1x32x512xf32>
      %get3A_482 = vector.shape_cast %get3A_481 : vector<1x32x512xf32> to vector<32x512xf32>
      %get3A_483 = arith.constant 161 : index
      %get3A_484 = arith.constant 0 : index
      %get3A_485 = vector.load %arg2[%get3A_483, %get3A_484] : memref<256x512xf32, #tpu.memory_space<vmem>>, vector<1x512xf32>
      %mul3A_486 = vector.broadcast %get3A_485 : vector<1x512xf32> to vector<32x512xf32>
      %mul3A_487 = arith.mulf %get3A_482, %mul3A_486 : vector<32x512xf32>
      %add3A_488 = arith.addf %add3A_477, %mul3A_487 : vector<32x512xf32>
      %get3A_489 = arith.constant 11 : index
      %get3A_490 = arith.index_cast %multiple_of3A : i32 to index
      %get3A_491 = arith.constant 0 : index
      %get3A_492 = vector.load %arg1[%get3A_489, %get3A_490, %get3A_491] : memref<16x256x512xf32, #tpu.memory_space<vmem>>, vector<1x32x512xf32>
      %get3A_493 = vector.shape_cast %get3A_492 : vector<1x32x512xf32> to vector<32x512xf32>
      %get3A_494 = arith.constant 177 : index
      %get3A_495 = arith.constant 0 : index
      %get3A_496 = vector.load %arg2[%get3A_494, %get3A_495] : memref<256x512xf32, #tpu.memory_space<vmem>>, vector<1x512xf32>
      %mul3A_497 = vector.broadcast %get3A_496 : vector<1x512xf32> to vector<32x512xf32>
      %mul3A_498 = arith.mulf %get3A_493, %mul3A_497 : vector<32x512xf32>
      %add3A_499 = arith.addf %add3A_488, %mul3A_498 : vector<32x512xf32>
      %get3A_500 = arith.constant 12 : index
      %get3A_501 = arith.index_cast %multiple_of3A : i32 to index
      %get3A_502 = arith.constant 0 : index
      %get3A_503 = vector.load %arg1[%get3A_500, %get3A_501, %get3A_502] : memref<16x256x512xf32, #tpu.memory_space<vmem>>, vector<1x32x512xf32>
      %get3A_504 = vector.shape_cast %get3A_503 : vector<1x32x512xf32> to vector<32x512xf32>
      %get3A_505 = arith.constant 193 : index
      %get3A_506 = arith.constant 0 : index
      %get3A_507 = vector.load %arg2[%get3A_505, %get3A_506] : memref<256x512xf32, #tpu.memory_space<vmem>>, vector<1x512xf32>
      %mul3A_508 = vector.broadcast %get3A_507 : vector<1x512xf32> to vector<32x512xf32>
      %mul3A_509 = arith.mulf %get3A_504, %mul3A_508 : vector<32x512xf32>
      %add3A_510 = arith.addf %add3A_499, %mul3A_509 : vector<32x512xf32>
      %get3A_511 = arith.constant 13 : index
      %get3A_512 = arith.index_cast %multiple_of3A : i32 to index
      %get3A_513 = arith.constant 0 : index
      %get3A_514 = vector.load %arg1[%get3A_511, %get3A_512, %get3A_513] : memref<16x256x512xf32, #tpu.memory_space<vmem>>, vector<1x32x512xf32>
      %get3A_515 = vector.shape_cast %get3A_514 : vector<1x32x512xf32> to vector<32x512xf32>
      %get3A_516 = arith.constant 209 : index
      %get3A_517 = arith.constant 0 : index
      %get3A_518 = vector.load %arg2[%get3A_516, %get3A_517] : memref<256x512xf32, #tpu.memory_space<vmem>>, vector<1x512xf32>
      %mul3A_519 = vector.broadcast %get3A_518 : vector<1x512xf32> to vector<32x512xf32>
      %mul3A_520 = arith.mulf %get3A_515, %mul3A_519 : vector<32x512xf32>
      %add3A_521 = arith.addf %add3A_510, %mul3A_520 : vector<32x512xf32>
      %get3A_522 = arith.constant 14 : index
      %get3A_523 = arith.index_cast %multiple_of3A : i32 to index
      %get3A_524 = arith.constant 0 : index
      %get3A_525 = vector.load %arg1[%get3A_522, %get3A_523, %get3A_524] : memref<16x256x512xf32, #tpu.memory_space<vmem>>, vector<1x32x512xf32>
      %get3A_526 = vector.shape_cast %get3A_525 : vector<1x32x512xf32> to vector<32x512xf32>
      %get3A_527 = arith.constant 225 : index
      %get3A_528 = arith.constant 0 : index
      %get3A_529 = vector.load %arg2[%get3A_527, %get3A_528] : memref<256x512xf32, #tpu.memory_space<vmem>>, vector<1x512xf32>
      %mul3A_530 = vector.broadcast %get3A_529 : vector<1x512xf32> to vector<32x512xf32>
      %mul3A_531 = arith.mulf %get3A_526, %mul3A_530 : vector<32x512xf32>
      %add3A_532 = arith.addf %add3A_521, %mul3A_531 : vector<32x512xf32>
      %get3A_533 = arith.constant 15 : index
      %get3A_534 = arith.index_cast %multiple_of3A : i32 to index
      %get3A_535 = arith.constant 0 : index
      %get3A_536 = vector.load %arg1[%get3A_533, %get3A_534, %get3A_535] : memref<16x256x512xf32, #tpu.memory_space<vmem>>, vector<1x32x512xf32>
      %get3A_537 = vector.shape_cast %get3A_536 : vector<1x32x512xf32> to vector<32x512xf32>
      %get3A_538 = arith.constant 241 : index
      %get3A_539 = arith.constant 0 : index
      %get3A_540 = vector.load %arg2[%get3A_538, %get3A_539] : memref<256x512xf32, #tpu.memory_space<vmem>>, vector<1x512xf32>
      %mul3A_541 = vector.broadcast %get3A_540 : vector<1x512xf32> to vector<32x512xf32>
      %mul3A_542 = arith.mulf %get3A_537, %mul3A_541 : vector<32x512xf32>
      %add3A_543 = arith.addf %add3A_532, %mul3A_542 : vector<32x512xf32>
      %mul3A_544 = arith.constant 5.000000e-01 : f32
      %mul3A_545 = vector.broadcast %mul3A_544 : f32 to vector<32x512xf32>
      %mul3A_546 = arith.mulf %mul3A_545, %add3A_543 : vector<32x512xf32>
      %tanh3A_547 = math.tanh %mul3A_546 : vector<32x512xf32>
      %mul3A_548 = arith.constant 5.000000e-01 : f32
      %mul3A_549 = vector.broadcast %mul3A_548 : f32 to vector<32x512xf32>
      %mul3A_550 = arith.mulf %mul3A_549, %tanh3A_547 : vector<32x512xf32>
      %add3A_551 = arith.constant 5.000000e-01 : f32
      %add3A_552 = vector.broadcast %add3A_551 : f32 to vector<32x512xf32>
      %add3A_553 = arith.addf %mul3A_550, %add3A_552 : vector<32x512xf32>
      %get3A_554 = arith.constant 1 : index
      %get3A_555 = arith.constant 0 : index
      %get3A_556 = vector.load %arg4[%get3A_554, %get3A_555] : memref<16x512xf32, #tpu.memory_space<vmem>>, vector<1x512xf32>
      %mul3A_557 = vector.broadcast %get3A_556 : vector<1x512xf32> to vector<32x512xf32>
      %mul3A_558 = arith.mulf %add3A_553, %mul3A_557 : vector<32x512xf32>
      %add3A_559 = arith.addf %add3A_362, %mul3A_558 : vector<32x512xf32>
      %get3A_560 = arith.constant 2 : index
      %get3A_561 = arith.constant 0 : index
      %get3A_562 = vector.load %arg3[%get3A_560, %get3A_561] : memref<16x512xf32, #tpu.memory_space<vmem>>, vector<1x512xf32>
      %broadcast_in_dim3A_563 = vector.shape_cast %get3A_562 : vector<1x512xf32> to vector<1x512xf32>
      %broadcast_in_dim3A_564 = vector.broadcast %broadcast_in_dim3A_563 : vector<1x512xf32> to vector<32x512xf32>
      %get3A_565 = arith.constant 0 : index
      %get3A_566 = arith.index_cast %multiple_of3A : i32 to index
      %get3A_567 = arith.constant 0 : index
      %get3A_568 = vector.load %arg1[%get3A_565, %get3A_566, %get3A_567] : memref<16x256x512xf32, #tpu.memory_space<vmem>>, vector<1x32x512xf32>
      %get3A_569 = vector.shape_cast %get3A_568 : vector<1x32x512xf32> to vector<32x512xf32>
      %get3A_570 = arith.constant 2 : index
      %get3A_571 = arith.constant 0 : index
      %get3A_572 = vector.load %arg2[%get3A_570, %get3A_571] : memref<256x512xf32, #tpu.memory_space<vmem>>, vector<1x512xf32>
      %mul3A_573 = vector.broadcast %get3A_572 : vector<1x512xf32> to vector<32x512xf32>
      %mul3A_574 = arith.mulf %get3A_569, %mul3A_573 : vector<32x512xf32>
      %add3A_575 = arith.addf %broadcast_in_dim3A_564, %mul3A_574 : vector<32x512xf32>
      %get3A_576 = arith.constant 1 : index
      %get3A_577 = arith.index_cast %multiple_of3A : i32 to index
      %get3A_578 = arith.constant 0 : index
      %get3A_579 = vector.load %arg1[%get3A_576, %get3A_577, %get3A_578] : memref<16x256x512xf32, #tpu.memory_space<vmem>>, vector<1x32x512xf32>
      %get3A_580 = vector.shape_cast %get3A_579 : vector<1x32x512xf32> to vector<32x512xf32>
      %get3A_581 = arith.constant 18 : index
      %get3A_582 = arith.constant 0 : index
      %get3A_583 = vector.load %arg2[%get3A_581, %get3A_582] : memref<256x512xf32, #tpu.memory_space<vmem>>, vector<1x512xf32>
      %mul3A_584 = vector.broadcast %get3A_583 : vector<1x512xf32> to vector<32x512xf32>
      %mul3A_585 = arith.mulf %get3A_580, %mul3A_584 : vector<32x512xf32>
      %add3A_586 = arith.addf %add3A_575, %mul3A_585 : vector<32x512xf32>
      %get3A_587 = arith.constant 2 : index
      %get3A_588 = arith.index_cast %multiple_of3A : i32 to index
      %get3A_589 = arith.constant 0 : index
      %get3A_590 = vector.load %arg1[%get3A_587, %get3A_588, %get3A_589] : memref<16x256x512xf32, #tpu.memory_space<vmem>>, vector<1x32x512xf32>
      %get3A_591 = vector.shape_cast %get3A_590 : vector<1x32x512xf32> to vector<32x512xf32>
      %get3A_592 = arith.constant 34 : index
      %get3A_593 = arith.constant 0 : index
      %get3A_594 = vector.load %arg2[%get3A_592, %get3A_593] : memref<256x512xf32, #tpu.memory_space<vmem>>, vector<1x512xf32>
      %mul3A_595 = vector.broadcast %get3A_594 : vector<1x512xf32> to vector<32x512xf32>
      %mul3A_596 = arith.mulf %get3A_591, %mul3A_595 : vector<32x512xf32>
      %add3A_597 = arith.addf %add3A_586, %mul3A_596 : vector<32x512xf32>
      %get3A_598 = arith.constant 3 : index
      %get3A_599 = arith.index_cast %multiple_of3A : i32 to index
      %get3A_600 = arith.constant 0 : index
      %get3A_601 = vector.load %arg1[%get3A_598, %get3A_599, %get3A_600] : memref<16x256x512xf32, #tpu.memory_space<vmem>>, vector<1x32x512xf32>
      %get3A_602 = vector.shape_cast %get3A_601 : vector<1x32x512xf32> to vector<32x512xf32>
      %get3A_603 = arith.constant 50 : index
      %get3A_604 = arith.constant 0 : index
      %get3A_605 = vector.load %arg2[%get3A_603, %get3A_604] : memref<256x512xf32, #tpu.memory_space<vmem>>, vector<1x512xf32>
      %mul3A_606 = vector.broadcast %get3A_605 : vector<1x512xf32> to vector<32x512xf32>
      %mul3A_607 = arith.mulf %get3A_602, %mul3A_606 : vector<32x512xf32>
      %add3A_608 = arith.addf %add3A_597, %mul3A_607 : vector<32x512xf32>
      %get3A_609 = arith.constant 4 : index
      %get3A_610 = arith.index_cast %multiple_of3A : i32 to index
      %get3A_611 = arith.constant 0 : index
      %get3A_612 = vector.load %arg1[%get3A_609, %get3A_610, %get3A_611] : memref<16x256x512xf32, #tpu.memory_space<vmem>>, vector<1x32x512xf32>
      %get3A_613 = vector.shape_cast %get3A_612 : vector<1x32x512xf32> to vector<32x512xf32>
      %get3A_614 = arith.constant 66 : index
      %get3A_615 = arith.constant 0 : index
      %get3A_616 = vector.load %arg2[%get3A_614, %get3A_615] : memref<256x512xf32, #tpu.memory_space<vmem>>, vector<1x512xf32>
      %mul3A_617 = vector.broadcast %get3A_616 : vector<1x512xf32> to vector<32x512xf32>
      %mul3A_618 = arith.mulf %get3A_613, %mul3A_617 : vector<32x512xf32>
      %add3A_619 = arith.addf %add3A_608, %mul3A_618 : vector<32x512xf32>
      %get3A_620 = arith.constant 5 : index
      %get3A_621 = arith.index_cast %multiple_of3A : i32 to index
      %get3A_622 = arith.constant 0 : index
      %get3A_623 = vector.load %arg1[%get3A_620, %get3A_621, %get3A_622] : memref<16x256x512xf32, #tpu.memory_space<vmem>>, vector<1x32x512xf32>
      %get3A_624 = vector.shape_cast %get3A_623 : vector<1x32x512xf32> to vector<32x512xf32>
      %get3A_625 = arith.constant 82 : index
      %get3A_626 = arith.constant 0 : index
      %get3A_627 = vector.load %arg2[%get3A_625, %get3A_626] : memref<256x512xf32, #tpu.memory_space<vmem>>, vector<1x512xf32>
      %mul3A_628 = vector.broadcast %get3A_627 : vector<1x512xf32> to vector<32x512xf32>
      %mul3A_629 = arith.mulf %get3A_624, %mul3A_628 : vector<32x512xf32>
      %add3A_630 = arith.addf %add3A_619, %mul3A_629 : vector<32x512xf32>
      %get3A_631 = arith.constant 6 : index
      %get3A_632 = arith.index_cast %multiple_of3A : i32 to index
      %get3A_633 = arith.constant 0 : index
      %get3A_634 = vector.load %arg1[%get3A_631, %get3A_632, %get3A_633] : memref<16x256x512xf32, #tpu.memory_space<vmem>>, vector<1x32x512xf32>
      %get3A_635 = vector.shape_cast %get3A_634 : vector<1x32x512xf32> to vector<32x512xf32>
      %get3A_636 = arith.constant 98 : index
      %get3A_637 = arith.constant 0 : index
      %get3A_638 = vector.load %arg2[%get3A_636, %get3A_637] : memref<256x512xf32, #tpu.memory_space<vmem>>, vector<1x512xf32>
      %mul3A_639 = vector.broadcast %get3A_638 : vector<1x512xf32> to vector<32x512xf32>
      %mul3A_640 = arith.mulf %get3A_635, %mul3A_639 : vector<32x512xf32>
      %add3A_641 = arith.addf %add3A_630, %mul3A_640 : vector<32x512xf32>
      %get3A_642 = arith.constant 7 : index
      %get3A_643 = arith.index_cast %multiple_of3A : i32 to index
      %get3A_644 = arith.constant 0 : index
      %get3A_645 = vector.load %arg1[%get3A_642, %get3A_643, %get3A_644] : memref<16x256x512xf32, #tpu.memory_space<vmem>>, vector<1x32x512xf32>
      %get3A_646 = vector.shape_cast %get3A_645 : vector<1x32x512xf32> to vector<32x512xf32>
      %get3A_647 = arith.constant 114 : index
      %get3A_648 = arith.constant 0 : index
      %get3A_649 = vector.load %arg2[%get3A_647, %get3A_648] : memref<256x512xf32, #tpu.memory_space<vmem>>, vector<1x512xf32>
      %mul3A_650 = vector.broadcast %get3A_649 : vector<1x512xf32> to vector<32x512xf32>
      %mul3A_651 = arith.mulf %get3A_646, %mul3A_650 : vector<32x512xf32>
      %add3A_652 = arith.addf %add3A_641, %mul3A_651 : vector<32x512xf32>
      %get3A_653 = arith.constant 8 : index
      %get3A_654 = arith.index_cast %multiple_of3A : i32 to index
      %get3A_655 = arith.constant 0 : index
      %get3A_656 = vector.load %arg1[%get3A_653, %get3A_654, %get3A_655] : memref<16x256x512xf32, #tpu.memory_space<vmem>>, vector<1x32x512xf32>
      %get3A_657 = vector.shape_cast %get3A_656 : vector<1x32x512xf32> to vector<32x512xf32>
      %get3A_658 = arith.constant 130 : index
      %get3A_659 = arith.constant 0 : index
      %get3A_660 = vector.load %arg2[%get3A_658, %get3A_659] : memref<256x512xf32, #tpu.memory_space<vmem>>, vector<1x512xf32>
      %mul3A_661 = vector.broadcast %get3A_660 : vector<1x512xf32> to vector<32x512xf32>
      %mul3A_662 = arith.mulf %get3A_657, %mul3A_661 : vector<32x512xf32>
      %add3A_663 = arith.addf %add3A_652, %mul3A_662 : vector<32x512xf32>
      %get3A_664 = arith.constant 9 : index
      %get3A_665 = arith.index_cast %multiple_of3A : i32 to index
      %get3A_666 = arith.constant 0 : index
      %get3A_667 = vector.load %arg1[%get3A_664, %get3A_665, %get3A_666] : memref<16x256x512xf32, #tpu.memory_space<vmem>>, vector<1x32x512xf32>
      %get3A_668 = vector.shape_cast %get3A_667 : vector<1x32x512xf32> to vector<32x512xf32>
      %get3A_669 = arith.constant 146 : index
      %get3A_670 = arith.constant 0 : index
      %get3A_671 = vector.load %arg2[%get3A_669, %get3A_670] : memref<256x512xf32, #tpu.memory_space<vmem>>, vector<1x512xf32>
      %mul3A_672 = vector.broadcast %get3A_671 : vector<1x512xf32> to vector<32x512xf32>
      %mul3A_673 = arith.mulf %get3A_668, %mul3A_672 : vector<32x512xf32>
      %add3A_674 = arith.addf %add3A_663, %mul3A_673 : vector<32x512xf32>
      %get3A_675 = arith.constant 10 : index
      %get3A_676 = arith.index_cast %multiple_of3A : i32 to index
      %get3A_677 = arith.constant 0 : index
      %get3A_678 = vector.load %arg1[%get3A_675, %get3A_676, %get3A_677] : memref<16x256x512xf32, #tpu.memory_space<vmem>>, vector<1x32x512xf32>
      %get3A_679 = vector.shape_cast %get3A_678 : vector<1x32x512xf32> to vector<32x512xf32>
      %get3A_680 = arith.constant 162 : index
      %get3A_681 = arith.constant 0 : index
      %get3A_682 = vector.load %arg2[%get3A_680, %get3A_681] : memref<256x512xf32, #tpu.memory_space<vmem>>, vector<1x512xf32>
      %mul3A_683 = vector.broadcast %get3A_682 : vector<1x512xf32> to vector<32x512xf32>
      %mul3A_684 = arith.mulf %get3A_679, %mul3A_683 : vector<32x512xf32>
      %add3A_685 = arith.addf %add3A_674, %mul3A_684 : vector<32x512xf32>
      %get3A_686 = arith.constant 11 : index
      %get3A_687 = arith.index_cast %multiple_of3A : i32 to index
      %get3A_688 = arith.constant 0 : index
      %get3A_689 = vector.load %arg1[%get3A_686, %get3A_687, %get3A_688] : memref<16x256x512xf32, #tpu.memory_space<vmem>>, vector<1x32x512xf32>
      %get3A_690 = vector.shape_cast %get3A_689 : vector<1x32x512xf32> to vector<32x512xf32>
      %get3A_691 = arith.constant 178 : index
      %get3A_692 = arith.constant 0 : index
      %get3A_693 = vector.load %arg2[%get3A_691, %get3A_692] : memref<256x512xf32, #tpu.memory_space<vmem>>, vector<1x512xf32>
      %mul3A_694 = vector.broadcast %get3A_693 : vector<1x512xf32> to vector<32x512xf32>
      %mul3A_695 = arith.mulf %get3A_690, %mul3A_694 : vector<32x512xf32>
      %add3A_696 = arith.addf %add3A_685, %mul3A_695 : vector<32x512xf32>
      %get3A_697 = arith.constant 12 : index
      %get3A_698 = arith.index_cast %multiple_of3A : i32 to index
      %get3A_699 = arith.constant 0 : index
      %get3A_700 = vector.load %arg1[%get3A_697, %get3A_698, %get3A_699] : memref<16x256x512xf32, #tpu.memory_space<vmem>>, vector<1x32x512xf32>
      %get3A_701 = vector.shape_cast %get3A_700 : vector<1x32x512xf32> to vector<32x512xf32>
      %get3A_702 = arith.constant 194 : index
      %get3A_703 = arith.constant 0 : index
      %get3A_704 = vector.load %arg2[%get3A_702, %get3A_703] : memref<256x512xf32, #tpu.memory_space<vmem>>, vector<1x512xf32>
      %mul3A_705 = vector.broadcast %get3A_704 : vector<1x512xf32> to vector<32x512xf32>
      %mul3A_706 = arith.mulf %get3A_701, %mul3A_705 : vector<32x512xf32>
      %add3A_707 = arith.addf %add3A_696, %mul3A_706 : vector<32x512xf32>
      %get3A_708 = arith.constant 13 : index
      %get3A_709 = arith.index_cast %multiple_of3A : i32 to index
      %get3A_710 = arith.constant 0 : index
      %get3A_711 = vector.load %arg1[%get3A_708, %get3A_709, %get3A_710] : memref<16x256x512xf32, #tpu.memory_space<vmem>>, vector<1x32x512xf32>
      %get3A_712 = vector.shape_cast %get3A_711 : vector<1x32x512xf32> to vector<32x512xf32>
      %get3A_713 = arith.constant 210 : index
      %get3A_714 = arith.constant 0 : index
      %get3A_715 = vector.load %arg2[%get3A_713, %get3A_714] : memref<256x512xf32, #tpu.memory_space<vmem>>, vector<1x512xf32>
      %mul3A_716 = vector.broadcast %get3A_715 : vector<1x512xf32> to vector<32x512xf32>
      %mul3A_717 = arith.mulf %get3A_712, %mul3A_716 : vector<32x512xf32>
      %add3A_718 = arith.addf %add3A_707, %mul3A_717 : vector<32x512xf32>
      %get3A_719 = arith.constant 14 : index
      %get3A_720 = arith.index_cast %multiple_of3A : i32 to index
      %get3A_721 = arith.constant 0 : index
      %get3A_722 = vector.load %arg1[%get3A_719, %get3A_720, %get3A_721] : memref<16x256x512xf32, #tpu.memory_space<vmem>>, vector<1x32x512xf32>
      %get3A_723 = vector.shape_cast %get3A_722 : vector<1x32x512xf32> to vector<32x512xf32>
      %get3A_724 = arith.constant 226 : index
      %get3A_725 = arith.constant 0 : index
      %get3A_726 = vector.load %arg2[%get3A_724, %get3A_725] : memref<256x512xf32, #tpu.memory_space<vmem>>, vector<1x512xf32>
      %mul3A_727 = vector.broadcast %get3A_726 : vector<1x512xf32> to vector<32x512xf32>
      %mul3A_728 = arith.mulf %get3A_723, %mul3A_727 : vector<32x512xf32>
      %add3A_729 = arith.addf %add3A_718, %mul3A_728 : vector<32x512xf32>
      %get3A_730 = arith.constant 15 : index
      %get3A_731 = arith.index_cast %multiple_of3A : i32 to index
      %get3A_732 = arith.constant 0 : index
      %get3A_733 = vector.load %arg1[%get3A_730, %get3A_731, %get3A_732] : memref<16x256x512xf32, #tpu.memory_space<vmem>>, vector<1x32x512xf32>
      %get3A_734 = vector.shape_cast %get3A_733 : vector<1x32x512xf32> to vector<32x512xf32>
      %get3A_735 = arith.constant 242 : index
      %get3A_736 = arith.constant 0 : index
      %get3A_737 = vector.load %arg2[%get3A_735, %get3A_736] : memref<256x512xf32, #tpu.memory_space<vmem>>, vector<1x512xf32>
      %mul3A_738 = vector.broadcast %get3A_737 : vector<1x512xf32> to vector<32x512xf32>
      %mul3A_739 = arith.mulf %get3A_734, %mul3A_738 : vector<32x512xf32>
      %add3A_740 = arith.addf %add3A_729, %mul3A_739 : vector<32x512xf32>
      %mul3A_741 = arith.constant 5.000000e-01 : f32
      %mul3A_742 = vector.broadcast %mul3A_741 : f32 to vector<32x512xf32>
      %mul3A_743 = arith.mulf %mul3A_742, %add3A_740 : vector<32x512xf32>
      %tanh3A_744 = math.tanh %mul3A_743 : vector<32x512xf32>
      %mul3A_745 = arith.constant 5.000000e-01 : f32
      %mul3A_746 = vector.broadcast %mul3A_745 : f32 to vector<32x512xf32>
      %mul3A_747 = arith.mulf %mul3A_746, %tanh3A_744 : vector<32x512xf32>
      %add3A_748 = arith.constant 5.000000e-01 : f32
      %add3A_749 = vector.broadcast %add3A_748 : f32 to vector<32x512xf32>
      %add3A_750 = arith.addf %mul3A_747, %add3A_749 : vector<32x512xf32>
      %get3A_751 = arith.constant 2 : index
      %get3A_752 = arith.constant 0 : index
      %get3A_753 = vector.load %arg4[%get3A_751, %get3A_752] : memref<16x512xf32, #tpu.memory_space<vmem>>, vector<1x512xf32>
      %mul3A_754 = vector.broadcast %get3A_753 : vector<1x512xf32> to vector<32x512xf32>
      %mul3A_755 = arith.mulf %add3A_750, %mul3A_754 : vector<32x512xf32>
      %add3A_756 = arith.addf %add3A_559, %mul3A_755 : vector<32x512xf32>
      %get3A_757 = arith.constant 3 : index
      %get3A_758 = arith.constant 0 : index
      %get3A_759 = vector.load %arg3[%get3A_757, %get3A_758] : memref<16x512xf32, #tpu.memory_space<vmem>>, vector<1x512xf32>
      %broadcast_in_dim3A_760 = vector.shape_cast %get3A_759 : vector<1x512xf32> to vector<1x512xf32>
      %broadcast_in_dim3A_761 = vector.broadcast %broadcast_in_dim3A_760 : vector<1x512xf32> to vector<32x512xf32>
      %get3A_762 = arith.constant 0 : index
      %get3A_763 = arith.index_cast %multiple_of3A : i32 to index
      %get3A_764 = arith.constant 0 : index
      %get3A_765 = vector.load %arg1[%get3A_762, %get3A_763, %get3A_764] : memref<16x256x512xf32, #tpu.memory_space<vmem>>, vector<1x32x512xf32>
      %get3A_766 = vector.shape_cast %get3A_765 : vector<1x32x512xf32> to vector<32x512xf32>
      %get3A_767 = arith.constant 3 : index
      %get3A_768 = arith.constant 0 : index
      %get3A_769 = vector.load %arg2[%get3A_767, %get3A_768] : memref<256x512xf32, #tpu.memory_space<vmem>>, vector<1x512xf32>
      %mul3A_770 = vector.broadcast %get3A_769 : vector<1x512xf32> to vector<32x512xf32>
      %mul3A_771 = arith.mulf %get3A_766, %mul3A_770 : vector<32x512xf32>
      %add3A_772 = arith.addf %broadcast_in_dim3A_761, %mul3A_771 : vector<32x512xf32>
      %get3A_773 = arith.constant 1 : index
      %get3A_774 = arith.index_cast %multiple_of3A : i32 to index
      %get3A_775 = arith.constant 0 : index
      %get3A_776 = vector.load %arg1[%get3A_773, %get3A_774, %get3A_775] : memref<16x256x512xf32, #tpu.memory_space<vmem>>, vector<1x32x512xf32>
      %get3A_777 = vector.shape_cast %get3A_776 : vector<1x32x512xf32> to vector<32x512xf32>
      %get3A_778 = arith.constant 19 : index
      %get3A_779 = arith.constant 0 : index
      %get3A_780 = vector.load %arg2[%get3A_778, %get3A_779] : memref<256x512xf32, #tpu.memory_space<vmem>>, vector<1x512xf32>
      %mul3A_781 = vector.broadcast %get3A_780 : vector<1x512xf32> to vector<32x512xf32>
      %mul3A_782 = arith.mulf %get3A_777, %mul3A_781 : vector<32x512xf32>
      %add3A_783 = arith.addf %add3A_772, %mul3A_782 : vector<32x512xf32>
      %get3A_784 = arith.constant 2 : index
      %get3A_785 = arith.index_cast %multiple_of3A : i32 to index
      %get3A_786 = arith.constant 0 : index
      %get3A_787 = vector.load %arg1[%get3A_784, %get3A_785, %get3A_786] : memref<16x256x512xf32, #tpu.memory_space<vmem>>, vector<1x32x512xf32>
      %get3A_788 = vector.shape_cast %get3A_787 : vector<1x32x512xf32> to vector<32x512xf32>
      %get3A_789 = arith.constant 35 : index
      %get3A_790 = arith.constant 0 : index
      %get3A_791 = vector.load %arg2[%get3A_789, %get3A_790] : memref<256x512xf32, #tpu.memory_space<vmem>>, vector<1x512xf32>
      %mul3A_792 = vector.broadcast %get3A_791 : vector<1x512xf32> to vector<32x512xf32>
      %mul3A_793 = arith.mulf %get3A_788, %mul3A_792 : vector<32x512xf32>
      %add3A_794 = arith.addf %add3A_783, %mul3A_793 : vector<32x512xf32>
      %get3A_795 = arith.constant 3 : index
      %get3A_796 = arith.index_cast %multiple_of3A : i32 to index
      %get3A_797 = arith.constant 0 : index
      %get3A_798 = vector.load %arg1[%get3A_795, %get3A_796, %get3A_797] : memref<16x256x512xf32, #tpu.memory_space<vmem>>, vector<1x32x512xf32>
      %get3A_799 = vector.shape_cast %get3A_798 : vector<1x32x512xf32> to vector<32x512xf32>
      %get3A_800 = arith.constant 51 : index
      %get3A_801 = arith.constant 0 : index
      %get3A_802 = vector.load %arg2[%get3A_800, %get3A_801] : memref<256x512xf32, #tpu.memory_space<vmem>>, vector<1x512xf32>
      %mul3A_803 = vector.broadcast %get3A_802 : vector<1x512xf32> to vector<32x512xf32>
      %mul3A_804 = arith.mulf %get3A_799, %mul3A_803 : vector<32x512xf32>
      %add3A_805 = arith.addf %add3A_794, %mul3A_804 : vector<32x512xf32>
      %get3A_806 = arith.constant 4 : index
      %get3A_807 = arith.index_cast %multiple_of3A : i32 to index
      %get3A_808 = arith.constant 0 : index
      %get3A_809 = vector.load %arg1[%get3A_806, %get3A_807, %get3A_808] : memref<16x256x512xf32, #tpu.memory_space<vmem>>, vector<1x32x512xf32>
      %get3A_810 = vector.shape_cast %get3A_809 : vector<1x32x512xf32> to vector<32x512xf32>
      %get3A_811 = arith.constant 67 : index
      %get3A_812 = arith.constant 0 : index
      %get3A_813 = vector.load %arg2[%get3A_811, %get3A_812] : memref<256x512xf32, #tpu.memory_space<vmem>>, vector<1x512xf32>
      %mul3A_814 = vector.broadcast %get3A_813 : vector<1x512xf32> to vector<32x512xf32>
      %mul3A_815 = arith.mulf %get3A_810, %mul3A_814 : vector<32x512xf32>
      %add3A_816 = arith.addf %add3A_805, %mul3A_815 : vector<32x512xf32>
      %get3A_817 = arith.constant 5 : index
      %get3A_818 = arith.index_cast %multiple_of3A : i32 to index
      %get3A_819 = arith.constant 0 : index
      %get3A_820 = vector.load %arg1[%get3A_817, %get3A_818, %get3A_819] : memref<16x256x512xf32, #tpu.memory_space<vmem>>, vector<1x32x512xf32>
      %get3A_821 = vector.shape_cast %get3A_820 : vector<1x32x512xf32> to vector<32x512xf32>
      %get3A_822 = arith.constant 83 : index
      %get3A_823 = arith.constant 0 : index
      %get3A_824 = vector.load %arg2[%get3A_822, %get3A_823] : memref<256x512xf32, #tpu.memory_space<vmem>>, vector<1x512xf32>
      %mul3A_825 = vector.broadcast %get3A_824 : vector<1x512xf32> to vector<32x512xf32>
      %mul3A_826 = arith.mulf %get3A_821, %mul3A_825 : vector<32x512xf32>
      %add3A_827 = arith.addf %add3A_816, %mul3A_826 : vector<32x512xf32>
      %get3A_828 = arith.constant 6 : index
      %get3A_829 = arith.index_cast %multiple_of3A : i32 to index
      %get3A_830 = arith.constant 0 : index
      %get3A_831 = vector.load %arg1[%get3A_828, %get3A_829, %get3A_830] : memref<16x256x512xf32, #tpu.memory_space<vmem>>, vector<1x32x512xf32>
      %get3A_832 = vector.shape_cast %get3A_831 : vector<1x32x512xf32> to vector<32x512xf32>
      %get3A_833 = arith.constant 99 : index
      %get3A_834 = arith.constant 0 : index
      %get3A_835 = vector.load %arg2[%get3A_833, %get3A_834] : memref<256x512xf32, #tpu.memory_space<vmem>>, vector<1x512xf32>
      %mul3A_836 = vector.broadcast %get3A_835 : vector<1x512xf32> to vector<32x512xf32>
      %mul3A_837 = arith.mulf %get3A_832, %mul3A_836 : vector<32x512xf32>
      %add3A_838 = arith.addf %add3A_827, %mul3A_837 : vector<32x512xf32>
      %get3A_839 = arith.constant 7 : index
      %get3A_840 = arith.index_cast %multiple_of3A : i32 to index
      %get3A_841 = arith.constant 0 : index
      %get3A_842 = vector.load %arg1[%get3A_839, %get3A_840, %get3A_841] : memref<16x256x512xf32, #tpu.memory_space<vmem>>, vector<1x32x512xf32>
      %get3A_843 = vector.shape_cast %get3A_842 : vector<1x32x512xf32> to vector<32x512xf32>
      %get3A_844 = arith.constant 115 : index
      %get3A_845 = arith.constant 0 : index
      %get3A_846 = vector.load %arg2[%get3A_844, %get3A_845] : memref<256x512xf32, #tpu.memory_space<vmem>>, vector<1x512xf32>
      %mul3A_847 = vector.broadcast %get3A_846 : vector<1x512xf32> to vector<32x512xf32>
      %mul3A_848 = arith.mulf %get3A_843, %mul3A_847 : vector<32x512xf32>
      %add3A_849 = arith.addf %add3A_838, %mul3A_848 : vector<32x512xf32>
      %get3A_850 = arith.constant 8 : index
      %get3A_851 = arith.index_cast %multiple_of3A : i32 to index
      %get3A_852 = arith.constant 0 : index
      %get3A_853 = vector.load %arg1[%get3A_850, %get3A_851, %get3A_852] : memref<16x256x512xf32, #tpu.memory_space<vmem>>, vector<1x32x512xf32>
      %get3A_854 = vector.shape_cast %get3A_853 : vector<1x32x512xf32> to vector<32x512xf32>
      %get3A_855 = arith.constant 131 : index
      %get3A_856 = arith.constant 0 : index
      %get3A_857 = vector.load %arg2[%get3A_855, %get3A_856] : memref<256x512xf32, #tpu.memory_space<vmem>>, vector<1x512xf32>
      %mul3A_858 = vector.broadcast %get3A_857 : vector<1x512xf32> to vector<32x512xf32>
      %mul3A_859 = arith.mulf %get3A_854, %mul3A_858 : vector<32x512xf32>
      %add3A_860 = arith.addf %add3A_849, %mul3A_859 : vector<32x512xf32>
      %get3A_861 = arith.constant 9 : index
      %get3A_862 = arith.index_cast %multiple_of3A : i32 to index
      %get3A_863 = arith.constant 0 : index
      %get3A_864 = vector.load %arg1[%get3A_861, %get3A_862, %get3A_863] : memref<16x256x512xf32, #tpu.memory_space<vmem>>, vector<1x32x512xf32>
      %get3A_865 = vector.shape_cast %get3A_864 : vector<1x32x512xf32> to vector<32x512xf32>
      %get3A_866 = arith.constant 147 : index
      %get3A_867 = arith.constant 0 : index
      %get3A_868 = vector.load %arg2[%get3A_866, %get3A_867] : memref<256x512xf32, #tpu.memory_space<vmem>>, vector<1x512xf32>
      %mul3A_869 = vector.broadcast %get3A_868 : vector<1x512xf32> to vector<32x512xf32>
      %mul3A_870 = arith.mulf %get3A_865, %mul3A_869 : vector<32x512xf32>
      %add3A_871 = arith.addf %add3A_860, %mul3A_870 : vector<32x512xf32>
      %get3A_872 = arith.constant 10 : index
      %get3A_873 = arith.index_cast %multiple_of3A : i32 to index
      %get3A_874 = arith.constant 0 : index
      %get3A_875 = vector.load %arg1[%get3A_872, %get3A_873, %get3A_874] : memref<16x256x512xf32, #tpu.memory_space<vmem>>, vector<1x32x512xf32>
      %get3A_876 = vector.shape_cast %get3A_875 : vector<1x32x512xf32> to vector<32x512xf32>
      %get3A_877 = arith.constant 163 : index
      %get3A_878 = arith.constant 0 : index
      %get3A_879 = vector.load %arg2[%get3A_877, %get3A_878] : memref<256x512xf32, #tpu.memory_space<vmem>>, vector<1x512xf32>
      %mul3A_880 = vector.broadcast %get3A_879 : vector<1x512xf32> to vector<32x512xf32>
      %mul3A_881 = arith.mulf %get3A_876, %mul3A_880 : vector<32x512xf32>
      %add3A_882 = arith.addf %add3A_871, %mul3A_881 : vector<32x512xf32>
      %get3A_883 = arith.constant 11 : index
      %get3A_884 = arith.index_cast %multiple_of3A : i32 to index
      %get3A_885 = arith.constant 0 : index
      %get3A_886 = vector.load %arg1[%get3A_883, %get3A_884, %get3A_885] : memref<16x256x512xf32, #tpu.memory_space<vmem>>, vector<1x32x512xf32>
      %get3A_887 = vector.shape_cast %get3A_886 : vector<1x32x512xf32> to vector<32x512xf32>
      %get3A_888 = arith.constant 179 : index
      %get3A_889 = arith.constant 0 : index
      %get3A_890 = vector.load %arg2[%get3A_888, %get3A_889] : memref<256x512xf32, #tpu.memory_space<vmem>>, vector<1x512xf32>
      %mul3A_891 = vector.broadcast %get3A_890 : vector<1x512xf32> to vector<32x512xf32>
      %mul3A_892 = arith.mulf %get3A_887, %mul3A_891 : vector<32x512xf32>
      %add3A_893 = arith.addf %add3A_882, %mul3A_892 : vector<32x512xf32>
      %get3A_894 = arith.constant 12 : index
      %get3A_895 = arith.index_cast %multiple_of3A : i32 to index
      %get3A_896 = arith.constant 0 : index
      %get3A_897 = vector.load %arg1[%get3A_894, %get3A_895, %get3A_896] : memref<16x256x512xf32, #tpu.memory_space<vmem>>, vector<1x32x512xf32>
      %get3A_898 = vector.shape_cast %get3A_897 : vector<1x32x512xf32> to vector<32x512xf32>
      %get3A_899 = arith.constant 195 : index
      %get3A_900 = arith.constant 0 : index
      %get3A_901 = vector.load %arg2[%get3A_899, %get3A_900] : memref<256x512xf32, #tpu.memory_space<vmem>>, vector<1x512xf32>
      %mul3A_902 = vector.broadcast %get3A_901 : vector<1x512xf32> to vector<32x512xf32>
      %mul3A_903 = arith.mulf %get3A_898, %mul3A_902 : vector<32x512xf32>
      %add3A_904 = arith.addf %add3A_893, %mul3A_903 : vector<32x512xf32>
      %get3A_905 = arith.constant 13 : index
      %get3A_906 = arith.index_cast %multiple_of3A : i32 to index
      %get3A_907 = arith.constant 0 : index
      %get3A_908 = vector.load %arg1[%get3A_905, %get3A_906, %get3A_907] : memref<16x256x512xf32, #tpu.memory_space<vmem>>, vector<1x32x512xf32>
      %get3A_909 = vector.shape_cast %get3A_908 : vector<1x32x512xf32> to vector<32x512xf32>
      %get3A_910 = arith.constant 211 : index
      %get3A_911 = arith.constant 0 : index
      %get3A_912 = vector.load %arg2[%get3A_910, %get3A_911] : memref<256x512xf32, #tpu.memory_space<vmem>>, vector<1x512xf32>
      %mul3A_913 = vector.broadcast %get3A_912 : vector<1x512xf32> to vector<32x512xf32>
      %mul3A_914 = arith.mulf %get3A_909, %mul3A_913 : vector<32x512xf32>
      %add3A_915 = arith.addf %add3A_904, %mul3A_914 : vector<32x512xf32>
      %get3A_916 = arith.constant 14 : index
      %get3A_917 = arith.index_cast %multiple_of3A : i32 to index
      %get3A_918 = arith.constant 0 : index
      %get3A_919 = vector.load %arg1[%get3A_916, %get3A_917, %get3A_918] : memref<16x256x512xf32, #tpu.memory_space<vmem>>, vector<1x32x512xf32>
      %get3A_920 = vector.shape_cast %get3A_919 : vector<1x32x512xf32> to vector<32x512xf32>
      %get3A_921 = arith.constant 227 : index
      %get3A_922 = arith.constant 0 : index
      %get3A_923 = vector.load %arg2[%get3A_921, %get3A_922] : memref<256x512xf32, #tpu.memory_space<vmem>>, vector<1x512xf32>
      %mul3A_924 = vector.broadcast %get3A_923 : vector<1x512xf32> to vector<32x512xf32>
      %mul3A_925 = arith.mulf %get3A_920, %mul3A_924 : vector<32x512xf32>
      %add3A_926 = arith.addf %add3A_915, %mul3A_925 : vector<32x512xf32>
      %get3A_927 = arith.constant 15 : index
      %get3A_928 = arith.index_cast %multiple_of3A : i32 to index
      %get3A_929 = arith.constant 0 : index
      %get3A_930 = vector.load %arg1[%get3A_927, %get3A_928, %get3A_929] : memref<16x256x512xf32, #tpu.memory_space<vmem>>, vector<1x32x512xf32>
      %get3A_931 = vector.shape_cast %get3A_930 : vector<1x32x512xf32> to vector<32x512xf32>
      %get3A_932 = arith.constant 243 : index
      %get3A_933 = arith.constant 0 : index
      %get3A_934 = vector.load %arg2[%get3A_932, %get3A_933] : memref<256x512xf32, #tpu.memory_space<vmem>>, vector<1x512xf32>
      %mul3A_935 = vector.broadcast %get3A_934 : vector<1x512xf32> to vector<32x512xf32>
      %mul3A_936 = arith.mulf %get3A_931, %mul3A_935 : vector<32x512xf32>
      %add3A_937 = arith.addf %add3A_926, %mul3A_936 : vector<32x512xf32>
      %mul3A_938 = arith.constant 5.000000e-01 : f32
      %mul3A_939 = vector.broadcast %mul3A_938 : f32 to vector<32x512xf32>
      %mul3A_940 = arith.mulf %mul3A_939, %add3A_937 : vector<32x512xf32>
      %tanh3A_941 = math.tanh %mul3A_940 : vector<32x512xf32>
      %mul3A_942 = arith.constant 5.000000e-01 : f32
      %mul3A_943 = vector.broadcast %mul3A_942 : f32 to vector<32x512xf32>
      %mul3A_944 = arith.mulf %mul3A_943, %tanh3A_941 : vector<32x512xf32>
      %add3A_945 = arith.constant 5.000000e-01 : f32
      %add3A_946 = vector.broadcast %add3A_945 : f32 to vector<32x512xf32>
      %add3A_947 = arith.addf %mul3A_944, %add3A_946 : vector<32x512xf32>
      %get3A_948 = arith.constant 3 : index
      %get3A_949 = arith.constant 0 : index
      %get3A_950 = vector.load %arg4[%get3A_948, %get3A_949] : memref<16x512xf32, #tpu.memory_space<vmem>>, vector<1x512xf32>
      %mul3A_951 = vector.broadcast %get3A_950 : vector<1x512xf32> to vector<32x512xf32>
      %mul3A_952 = arith.mulf %add3A_947, %mul3A_951 : vector<32x512xf32>
      %add3A_953 = arith.addf %add3A_756, %mul3A_952 : vector<32x512xf32>
      %get3A_954 = arith.constant 4 : index
      %get3A_955 = arith.constant 0 : index
      %get3A_956 = vector.load %arg3[%get3A_954, %get3A_955] : memref<16x512xf32, #tpu.memory_space<vmem>>, vector<1x512xf32>
      %broadcast_in_dim3A_957 = vector.shape_cast %get3A_956 : vector<1x512xf32> to vector<1x512xf32>
      %broadcast_in_dim3A_958 = vector.broadcast %broadcast_in_dim3A_957 : vector<1x512xf32> to vector<32x512xf32>
      %get3A_959 = arith.constant 0 : index
      %get3A_960 = arith.index_cast %multiple_of3A : i32 to index
      %get3A_961 = arith.constant 0 : index
      %get3A_962 = vector.load %arg1[%get3A_959, %get3A_960, %get3A_961] : memref<16x256x512xf32, #tpu.memory_space<vmem>>, vector<1x32x512xf32>
      %get3A_963 = vector.shape_cast %get3A_962 : vector<1x32x512xf32> to vector<32x512xf32>
      %get3A_964 = arith.constant 4 : index
      %get3A_965 = arith.constant 0 : index
      %get3A_966 = vector.load %arg2[%get3A_964, %get3A_965] : memref<256x512xf32, #tpu.memory_space<vmem>>, vector<1x512xf32>
      %mul3A_967 = vector.broadcast %get3A_966 : vector<1x512xf32> to vector<32x512xf32>
      %mul3A_968 = arith.mulf %get3A_963, %mul3A_967 : vector<32x512xf32>
      %add3A_969 = arith.addf %broadcast_in_dim3A_958, %mul3A_968 : vector<32x512xf32>
      %get3A_970 = arith.constant 1 : index
      %get3A_971 = arith.index_cast %multiple_of3A : i32 to index
      %get3A_972 = arith.constant 0 : index
      %get3A_973 = vector.load %arg1[%get3A_970, %get3A_971, %get3A_972] : memref<16x256x512xf32, #tpu.memory_space<vmem>>, vector<1x32x512xf32>
      %get3A_974 = vector.shape_cast %get3A_973 : vector<1x32x512xf32> to vector<32x512xf32>
      %get3A_975 = arith.constant 20 : index
      %get3A_976 = arith.constant 0 : index
      %get3A_977 = vector.load %arg2[%get3A_975, %get3A_976] : memref<256x512xf32, #tpu.memory_space<vmem>>, vector<1x512xf32>
      %mul3A_978 = vector.broadcast %get3A_977 : vector<1x512xf32> to vector<32x512xf32>
      %mul3A_979 = arith.mulf %get3A_974, %mul3A_978 : vector<32x512xf32>
      %add3A_980 = arith.addf %add3A_969, %mul3A_979 : vector<32x512xf32>
      %get3A_981 = arith.constant 2 : index
      %get3A_982 = arith.index_cast %multiple_of3A : i32 to index
      %get3A_983 = arith.constant 0 : index
      %get3A_984 = vector.load %arg1[%get3A_981, %get3A_982, %get3A_983] : memref<16x256x512xf32, #tpu.memory_space<vmem>>, vector<1x32x512xf32>
      %get3A_985 = vector.shape_cast %get3A_984 : vector<1x32x512xf32> to vector<32x512xf32>
      %get3A_986 = arith.constant 36 : index
      %get3A_987 = arith.constant 0 : index
      %get3A_988 = vector.load %arg2[%get3A_986, %get3A_987] : memref<256x512xf32, #tpu.memory_space<vmem>>, vector<1x512xf32>
      %mul3A_989 = vector.broadcast %get3A_988 : vector<1x512xf32> to vector<32x512xf32>
      %mul3A_990 = arith.mulf %get3A_985, %mul3A_989 : vector<32x512xf32>
      %add3A_991 = arith.addf %add3A_980, %mul3A_990 : vector<32x512xf32>
      %get3A_992 = arith.constant 3 : index
      %get3A_993 = arith.index_cast %multiple_of3A : i32 to index
      %get3A_994 = arith.constant 0 : index
      %get3A_995 = vector.load %arg1[%get3A_992, %get3A_993, %get3A_994] : memref<16x256x512xf32, #tpu.memory_space<vmem>>, vector<1x32x512xf32>
      %get3A_996 = vector.shape_cast %get3A_995 : vector<1x32x512xf32> to vector<32x512xf32>
      %get3A_997 = arith.constant 52 : index
      %get3A_998 = arith.constant 0 : index
      %get3A_999 = vector.load %arg2[%get3A_997, %get3A_998] : memref<256x512xf32, #tpu.memory_space<vmem>>, vector<1x512xf32>
      %mul3A_1000 = vector.broadcast %get3A_999 : vector<1x512xf32> to vector<32x512xf32>
      %mul3A_1001 = arith.mulf %get3A_996, %mul3A_1000 : vector<32x512xf32>
      %add3A_1002 = arith.addf %add3A_991, %mul3A_1001 : vector<32x512xf32>
      %get3A_1003 = arith.constant 4 : index
      %get3A_1004 = arith.index_cast %multiple_of3A : i32 to index
      %get3A_1005 = arith.constant 0 : index
      %get3A_1006 = vector.load %arg1[%get3A_1003, %get3A_1004, %get3A_1005] : memref<16x256x512xf32, #tpu.memory_space<vmem>>, vector<1x32x512xf32>
      %get3A_1007 = vector.shape_cast %get3A_1006 : vector<1x32x512xf32> to vector<32x512xf32>
      %get3A_1008 = arith.constant 68 : index
      %get3A_1009 = arith.constant 0 : index
      %get3A_1010 = vector.load %arg2[%get3A_1008, %get3A_1009] : memref<256x512xf32, #tpu.memory_space<vmem>>, vector<1x512xf32>
      %mul3A_1011 = vector.broadcast %get3A_1010 : vector<1x512xf32> to vector<32x512xf32>
      %mul3A_1012 = arith.mulf %get3A_1007, %mul3A_1011 : vector<32x512xf32>
      %add3A_1013 = arith.addf %add3A_1002, %mul3A_1012 : vector<32x512xf32>
      %get3A_1014 = arith.constant 5 : index
      %get3A_1015 = arith.index_cast %multiple_of3A : i32 to index
      %get3A_1016 = arith.constant 0 : index
      %get3A_1017 = vector.load %arg1[%get3A_1014, %get3A_1015, %get3A_1016] : memref<16x256x512xf32, #tpu.memory_space<vmem>>, vector<1x32x512xf32>
      %get3A_1018 = vector.shape_cast %get3A_1017 : vector<1x32x512xf32> to vector<32x512xf32>
      %get3A_1019 = arith.constant 84 : index
      %get3A_1020 = arith.constant 0 : index
      %get3A_1021 = vector.load %arg2[%get3A_1019, %get3A_1020] : memref<256x512xf32, #tpu.memory_space<vmem>>, vector<1x512xf32>
      %mul3A_1022 = vector.broadcast %get3A_1021 : vector<1x512xf32> to vector<32x512xf32>
      %mul3A_1023 = arith.mulf %get3A_1018, %mul3A_1022 : vector<32x512xf32>
      %add3A_1024 = arith.addf %add3A_1013, %mul3A_1023 : vector<32x512xf32>
      %get3A_1025 = arith.constant 6 : index
      %get3A_1026 = arith.index_cast %multiple_of3A : i32 to index
      %get3A_1027 = arith.constant 0 : index
      %get3A_1028 = vector.load %arg1[%get3A_1025, %get3A_1026, %get3A_1027] : memref<16x256x512xf32, #tpu.memory_space<vmem>>, vector<1x32x512xf32>
      %get3A_1029 = vector.shape_cast %get3A_1028 : vector<1x32x512xf32> to vector<32x512xf32>
      %get3A_1030 = arith.constant 100 : index
      %get3A_1031 = arith.constant 0 : index
      %get3A_1032 = vector.load %arg2[%get3A_1030, %get3A_1031] : memref<256x512xf32, #tpu.memory_space<vmem>>, vector<1x512xf32>
      %mul3A_1033 = vector.broadcast %get3A_1032 : vector<1x512xf32> to vector<32x512xf32>
      %mul3A_1034 = arith.mulf %get3A_1029, %mul3A_1033 : vector<32x512xf32>
      %add3A_1035 = arith.addf %add3A_1024, %mul3A_1034 : vector<32x512xf32>
      %get3A_1036 = arith.constant 7 : index
      %get3A_1037 = arith.index_cast %multiple_of3A : i32 to index
      %get3A_1038 = arith.constant 0 : index
      %get3A_1039 = vector.load %arg1[%get3A_1036, %get3A_1037, %get3A_1038] : memref<16x256x512xf32, #tpu.memory_space<vmem>>, vector<1x32x512xf32>
      %get3A_1040 = vector.shape_cast %get3A_1039 : vector<1x32x512xf32> to vector<32x512xf32>
      %get3A_1041 = arith.constant 116 : index
      %get3A_1042 = arith.constant 0 : index
      %get3A_1043 = vector.load %arg2[%get3A_1041, %get3A_1042] : memref<256x512xf32, #tpu.memory_space<vmem>>, vector<1x512xf32>
      %mul3A_1044 = vector.broadcast %get3A_1043 : vector<1x512xf32> to vector<32x512xf32>
      %mul3A_1045 = arith.mulf %get3A_1040, %mul3A_1044 : vector<32x512xf32>
      %add3A_1046 = arith.addf %add3A_1035, %mul3A_1045 : vector<32x512xf32>
      %get3A_1047 = arith.constant 8 : index
      %get3A_1048 = arith.index_cast %multiple_of3A : i32 to index
      %get3A_1049 = arith.constant 0 : index
      %get3A_1050 = vector.load %arg1[%get3A_1047, %get3A_1048, %get3A_1049] : memref<16x256x512xf32, #tpu.memory_space<vmem>>, vector<1x32x512xf32>
      %get3A_1051 = vector.shape_cast %get3A_1050 : vector<1x32x512xf32> to vector<32x512xf32>
      %get3A_1052 = arith.constant 132 : index
      %get3A_1053 = arith.constant 0 : index
      %get3A_1054 = vector.load %arg2[%get3A_1052, %get3A_1053] : memref<256x512xf32, #tpu.memory_space<vmem>>, vector<1x512xf32>
      %mul3A_1055 = vector.broadcast %get3A_1054 : vector<1x512xf32> to vector<32x512xf32>
      %mul3A_1056 = arith.mulf %get3A_1051, %mul3A_1055 : vector<32x512xf32>
      %add3A_1057 = arith.addf %add3A_1046, %mul3A_1056 : vector<32x512xf32>
      %get3A_1058 = arith.constant 9 : index
      %get3A_1059 = arith.index_cast %multiple_of3A : i32 to index
      %get3A_1060 = arith.constant 0 : index
      %get3A_1061 = vector.load %arg1[%get3A_1058, %get3A_1059, %get3A_1060] : memref<16x256x512xf32, #tpu.memory_space<vmem>>, vector<1x32x512xf32>
      %get3A_1062 = vector.shape_cast %get3A_1061 : vector<1x32x512xf32> to vector<32x512xf32>
      %get3A_1063 = arith.constant 148 : index
      %get3A_1064 = arith.constant 0 : index
      %get3A_1065 = vector.load %arg2[%get3A_1063, %get3A_1064] : memref<256x512xf32, #tpu.memory_space<vmem>>, vector<1x512xf32>
      %mul3A_1066 = vector.broadcast %get3A_1065 : vector<1x512xf32> to vector<32x512xf32>
      %mul3A_1067 = arith.mulf %get3A_1062, %mul3A_1066 : vector<32x512xf32>
      %add3A_1068 = arith.addf %add3A_1057, %mul3A_1067 : vector<32x512xf32>
      %get3A_1069 = arith.constant 10 : index
      %get3A_1070 = arith.index_cast %multiple_of3A : i32 to index
      %get3A_1071 = arith.constant 0 : index
      %get3A_1072 = vector.load %arg1[%get3A_1069, %get3A_1070, %get3A_1071] : memref<16x256x512xf32, #tpu.memory_space<vmem>>, vector<1x32x512xf32>
      %get3A_1073 = vector.shape_cast %get3A_1072 : vector<1x32x512xf32> to vector<32x512xf32>
      %get3A_1074 = arith.constant 164 : index
      %get3A_1075 = arith.constant 0 : index
      %get3A_1076 = vector.load %arg2[%get3A_1074, %get3A_1075] : memref<256x512xf32, #tpu.memory_space<vmem>>, vector<1x512xf32>
      %mul3A_1077 = vector.broadcast %get3A_1076 : vector<1x512xf32> to vector<32x512xf32>
      %mul3A_1078 = arith.mulf %get3A_1073, %mul3A_1077 : vector<32x512xf32>
      %add3A_1079 = arith.addf %add3A_1068, %mul3A_1078 : vector<32x512xf32>
      %get3A_1080 = arith.constant 11 : index
      %get3A_1081 = arith.index_cast %multiple_of3A : i32 to index
      %get3A_1082 = arith.constant 0 : index
      %get3A_1083 = vector.load %arg1[%get3A_1080, %get3A_1081, %get3A_1082] : memref<16x256x512xf32, #tpu.memory_space<vmem>>, vector<1x32x512xf32>
      %get3A_1084 = vector.shape_cast %get3A_1083 : vector<1x32x512xf32> to vector<32x512xf32>
      %get3A_1085 = arith.constant 180 : index
      %get3A_1086 = arith.constant 0 : index
      %get3A_1087 = vector.load %arg2[%get3A_1085, %get3A_1086] : memref<256x512xf32, #tpu.memory_space<vmem>>, vector<1x512xf32>
      %mul3A_1088 = vector.broadcast %get3A_1087 : vector<1x512xf32> to vector<32x512xf32>
      %mul3A_1089 = arith.mulf %get3A_1084, %mul3A_1088 : vector<32x512xf32>
      %add3A_1090 = arith.addf %add3A_1079, %mul3A_1089 : vector<32x512xf32>
      %get3A_1091 = arith.constant 12 : index
      %get3A_1092 = arith.index_cast %multiple_of3A : i32 to index
      %get3A_1093 = arith.constant 0 : index
      %get3A_1094 = vector.load %arg1[%get3A_1091, %get3A_1092, %get3A_1093] : memref<16x256x512xf32, #tpu.memory_space<vmem>>, vector<1x32x512xf32>
      %get3A_1095 = vector.shape_cast %get3A_1094 : vector<1x32x512xf32> to vector<32x512xf32>
      %get3A_1096 = arith.constant 196 : index
      %get3A_1097 = arith.constant 0 : index
      %get3A_1098 = vector.load %arg2[%get3A_1096, %get3A_1097] : memref<256x512xf32, #tpu.memory_space<vmem>>, vector<1x512xf32>
      %mul3A_1099 = vector.broadcast %get3A_1098 : vector<1x512xf32> to vector<32x512xf32>
      %mul3A_1100 = arith.mulf %get3A_1095, %mul3A_1099 : vector<32x512xf32>
      %add3A_1101 = arith.addf %add3A_1090, %mul3A_1100 : vector<32x512xf32>
      %get3A_1102 = arith.constant 13 : index
      %get3A_1103 = arith.index_cast %multiple_of3A : i32 to index
      %get3A_1104 = arith.constant 0 : index
      %get3A_1105 = vector.load %arg1[%get3A_1102, %get3A_1103, %get3A_1104] : memref<16x256x512xf32, #tpu.memory_space<vmem>>, vector<1x32x512xf32>
      %get3A_1106 = vector.shape_cast %get3A_1105 : vector<1x32x512xf32> to vector<32x512xf32>
      %get3A_1107 = arith.constant 212 : index
      %get3A_1108 = arith.constant 0 : index
      %get3A_1109 = vector.load %arg2[%get3A_1107, %get3A_1108] : memref<256x512xf32, #tpu.memory_space<vmem>>, vector<1x512xf32>
      %mul3A_1110 = vector.broadcast %get3A_1109 : vector<1x512xf32> to vector<32x512xf32>
      %mul3A_1111 = arith.mulf %get3A_1106, %mul3A_1110 : vector<32x512xf32>
      %add3A_1112 = arith.addf %add3A_1101, %mul3A_1111 : vector<32x512xf32>
      %get3A_1113 = arith.constant 14 : index
      %get3A_1114 = arith.index_cast %multiple_of3A : i32 to index
      %get3A_1115 = arith.constant 0 : index
      %get3A_1116 = vector.load %arg1[%get3A_1113, %get3A_1114, %get3A_1115] : memref<16x256x512xf32, #tpu.memory_space<vmem>>, vector<1x32x512xf32>
      %get3A_1117 = vector.shape_cast %get3A_1116 : vector<1x32x512xf32> to vector<32x512xf32>
      %get3A_1118 = arith.constant 228 : index
      %get3A_1119 = arith.constant 0 : index
      %get3A_1120 = vector.load %arg2[%get3A_1118, %get3A_1119] : memref<256x512xf32, #tpu.memory_space<vmem>>, vector<1x512xf32>
      %mul3A_1121 = vector.broadcast %get3A_1120 : vector<1x512xf32> to vector<32x512xf32>
      %mul3A_1122 = arith.mulf %get3A_1117, %mul3A_1121 : vector<32x512xf32>
      %add3A_1123 = arith.addf %add3A_1112, %mul3A_1122 : vector<32x512xf32>
      %get3A_1124 = arith.constant 15 : index
      %get3A_1125 = arith.index_cast %multiple_of3A : i32 to index
      %get3A_1126 = arith.constant 0 : index
      %get3A_1127 = vector.load %arg1[%get3A_1124, %get3A_1125, %get3A_1126] : memref<16x256x512xf32, #tpu.memory_space<vmem>>, vector<1x32x512xf32>
      %get3A_1128 = vector.shape_cast %get3A_1127 : vector<1x32x512xf32> to vector<32x512xf32>
      %get3A_1129 = arith.constant 244 : index
      %get3A_1130 = arith.constant 0 : index
      %get3A_1131 = vector.load %arg2[%get3A_1129, %get3A_1130] : memref<256x512xf32, #tpu.memory_space<vmem>>, vector<1x512xf32>
      %mul3A_1132 = vector.broadcast %get3A_1131 : vector<1x512xf32> to vector<32x512xf32>
      %mul3A_1133 = arith.mulf %get3A_1128, %mul3A_1132 : vector<32x512xf32>
      %add3A_1134 = arith.addf %add3A_1123, %mul3A_1133 : vector<32x512xf32>
      %mul3A_1135 = arith.constant 5.000000e-01 : f32
      %mul3A_1136 = vector.broadcast %mul3A_1135 : f32 to vector<32x512xf32>
      %mul3A_1137 = arith.mulf %mul3A_1136, %add3A_1134 : vector<32x512xf32>
      %tanh3A_1138 = math.tanh %mul3A_1137 : vector<32x512xf32>
      %mul3A_1139 = arith.constant 5.000000e-01 : f32
      %mul3A_1140 = vector.broadcast %mul3A_1139 : f32 to vector<32x512xf32>
      %mul3A_1141 = arith.mulf %mul3A_1140, %tanh3A_1138 : vector<32x512xf32>
      %add3A_1142 = arith.constant 5.000000e-01 : f32
      %add3A_1143 = vector.broadcast %add3A_1142 : f32 to vector<32x512xf32>
      %add3A_1144 = arith.addf %mul3A_1141, %add3A_1143 : vector<32x512xf32>
      %get3A_1145 = arith.constant 4 : index
      %get3A_1146 = arith.constant 0 : index
      %get3A_1147 = vector.load %arg4[%get3A_1145, %get3A_1146] : memref<16x512xf32, #tpu.memory_space<vmem>>, vector<1x512xf32>
      %mul3A_1148 = vector.broadcast %get3A_1147 : vector<1x512xf32> to vector<32x512xf32>
      %mul3A_1149 = arith.mulf %add3A_1144, %mul3A_1148 : vector<32x512xf32>
      %add3A_1150 = arith.addf %add3A_953, %mul3A_1149 : vector<32x512xf32>
      %get3A_1151 = arith.constant 5 : index
      %get3A_1152 = arith.constant 0 : index
      %get3A_1153 = vector.load %arg3[%get3A_1151, %get3A_1152] : memref<16x512xf32, #tpu.memory_space<vmem>>, vector<1x512xf32>
      %broadcast_in_dim3A_1154 = vector.shape_cast %get3A_1153 : vector<1x512xf32> to vector<1x512xf32>
      %broadcast_in_dim3A_1155 = vector.broadcast %broadcast_in_dim3A_1154 : vector<1x512xf32> to vector<32x512xf32>
      %get3A_1156 = arith.constant 0 : index
      %get3A_1157 = arith.index_cast %multiple_of3A : i32 to index
      %get3A_1158 = arith.constant 0 : index
      %get3A_1159 = vector.load %arg1[%get3A_1156, %get3A_1157, %get3A_1158] : memref<16x256x512xf32, #tpu.memory_space<vmem>>, vector<1x32x512xf32>
      %get3A_1160 = vector.shape_cast %get3A_1159 : vector<1x32x512xf32> to vector<32x512xf32>
      %get3A_1161 = arith.constant 5 : index
      %get3A_1162 = arith.constant 0 : index
      %get3A_1163 = vector.load %arg2[%get3A_1161, %get3A_1162] : memref<256x512xf32, #tpu.memory_space<vmem>>, vector<1x512xf32>
      %mul3A_1164 = vector.broadcast %get3A_1163 : vector<1x512xf32> to vector<32x512xf32>
      %mul3A_1165 = arith.mulf %get3A_1160, %mul3A_1164 : vector<32x512xf32>
      %add3A_1166 = arith.addf %broadcast_in_dim3A_1155, %mul3A_1165 : vector<32x512xf32>
      %get3A_1167 = arith.constant 1 : index
      %get3A_1168 = arith.index_cast %multiple_of3A : i32 to index
      %get3A_1169 = arith.constant 0 : index
      %get3A_1170 = vector.load %arg1[%get3A_1167, %get3A_1168, %get3A_1169] : memref<16x256x512xf32, #tpu.memory_space<vmem>>, vector<1x32x512xf32>
      %get3A_1171 = vector.shape_cast %get3A_1170 : vector<1x32x512xf32> to vector<32x512xf32>
      %get3A_1172 = arith.constant 21 : index
      %get3A_1173 = arith.constant 0 : index
      %get3A_1174 = vector.load %arg2[%get3A_1172, %get3A_1173] : memref<256x512xf32, #tpu.memory_space<vmem>>, vector<1x512xf32>
      %mul3A_1175 = vector.broadcast %get3A_1174 : vector<1x512xf32> to vector<32x512xf32>
      %mul3A_1176 = arith.mulf %get3A_1171, %mul3A_1175 : vector<32x512xf32>
      %add3A_1177 = arith.addf %add3A_1166, %mul3A_1176 : vector<32x512xf32>
      %get3A_1178 = arith.constant 2 : index
      %get3A_1179 = arith.index_cast %multiple_of3A : i32 to index
      %get3A_1180 = arith.constant 0 : index
      %get3A_1181 = vector.load %arg1[%get3A_1178, %get3A_1179, %get3A_1180] : memref<16x256x512xf32, #tpu.memory_space<vmem>>, vector<1x32x512xf32>
      %get3A_1182 = vector.shape_cast %get3A_1181 : vector<1x32x512xf32> to vector<32x512xf32>
      %get3A_1183 = arith.constant 37 : index
      %get3A_1184 = arith.constant 0 : index
      %get3A_1185 = vector.load %arg2[%get3A_1183, %get3A_1184] : memref<256x512xf32, #tpu.memory_space<vmem>>, vector<1x512xf32>
      %mul3A_1186 = vector.broadcast %get3A_1185 : vector<1x512xf32> to vector<32x512xf32>
      %mul3A_1187 = arith.mulf %get3A_1182, %mul3A_1186 : vector<32x512xf32>
      %add3A_1188 = arith.addf %add3A_1177, %mul3A_1187 : vector<32x512xf32>
      %get3A_1189 = arith.constant 3 : index
      %get3A_1190 = arith.index_cast %multiple_of3A : i32 to index
      %get3A_1191 = arith.constant 0 : index
      %get3A_1192 = vector.load %arg1[%get3A_1189, %get3A_1190, %get3A_1191] : memref<16x256x512xf32, #tpu.memory_space<vmem>>, vector<1x32x512xf32>
      %get3A_1193 = vector.shape_cast %get3A_1192 : vector<1x32x512xf32> to vector<32x512xf32>
      %get3A_1194 = arith.constant 53 : index
      %get3A_1195 = arith.constant 0 : index
      %get3A_1196 = vector.load %arg2[%get3A_1194, %get3A_1195] : memref<256x512xf32, #tpu.memory_space<vmem>>, vector<1x512xf32>
      %mul3A_1197 = vector.broadcast %get3A_1196 : vector<1x512xf32> to vector<32x512xf32>
      %mul3A_1198 = arith.mulf %get3A_1193, %mul3A_1197 : vector<32x512xf32>
      %add3A_1199 = arith.addf %add3A_1188, %mul3A_1198 : vector<32x512xf32>
      %get3A_1200 = arith.constant 4 : index
      %get3A_1201 = arith.index_cast %multiple_of3A : i32 to index
      %get3A_1202 = arith.constant 0 : index
      %get3A_1203 = vector.load %arg1[%get3A_1200, %get3A_1201, %get3A_1202] : memref<16x256x512xf32, #tpu.memory_space<vmem>>, vector<1x32x512xf32>
      %get3A_1204 = vector.shape_cast %get3A_1203 : vector<1x32x512xf32> to vector<32x512xf32>
      %get3A_1205 = arith.constant 69 : index
      %get3A_1206 = arith.constant 0 : index
      %get3A_1207 = vector.load %arg2[%get3A_1205, %get3A_1206] : memref<256x512xf32, #tpu.memory_space<vmem>>, vector<1x512xf32>
      %mul3A_1208 = vector.broadcast %get3A_1207 : vector<1x512xf32> to vector<32x512xf32>
      %mul3A_1209 = arith.mulf %get3A_1204, %mul3A_1208 : vector<32x512xf32>
      %add3A_1210 = arith.addf %add3A_1199, %mul3A_1209 : vector<32x512xf32>
      %get3A_1211 = arith.constant 5 : index
      %get3A_1212 = arith.index_cast %multiple_of3A : i32 to index
      %get3A_1213 = arith.constant 0 : index
      %get3A_1214 = vector.load %arg1[%get3A_1211, %get3A_1212, %get3A_1213] : memref<16x256x512xf32, #tpu.memory_space<vmem>>, vector<1x32x512xf32>
      %get3A_1215 = vector.shape_cast %get3A_1214 : vector<1x32x512xf32> to vector<32x512xf32>
      %get3A_1216 = arith.constant 85 : index
      %get3A_1217 = arith.constant 0 : index
      %get3A_1218 = vector.load %arg2[%get3A_1216, %get3A_1217] : memref<256x512xf32, #tpu.memory_space<vmem>>, vector<1x512xf32>
      %mul3A_1219 = vector.broadcast %get3A_1218 : vector<1x512xf32> to vector<32x512xf32>
      %mul3A_1220 = arith.mulf %get3A_1215, %mul3A_1219 : vector<32x512xf32>
      %add3A_1221 = arith.addf %add3A_1210, %mul3A_1220 : vector<32x512xf32>
      %get3A_1222 = arith.constant 6 : index
      %get3A_1223 = arith.index_cast %multiple_of3A : i32 to index
      %get3A_1224 = arith.constant 0 : index
      %get3A_1225 = vector.load %arg1[%get3A_1222, %get3A_1223, %get3A_1224] : memref<16x256x512xf32, #tpu.memory_space<vmem>>, vector<1x32x512xf32>
      %get3A_1226 = vector.shape_cast %get3A_1225 : vector<1x32x512xf32> to vector<32x512xf32>
      %get3A_1227 = arith.constant 101 : index
      %get3A_1228 = arith.constant 0 : index
      %get3A_1229 = vector.load %arg2[%get3A_1227, %get3A_1228] : memref<256x512xf32, #tpu.memory_space<vmem>>, vector<1x512xf32>
      %mul3A_1230 = vector.broadcast %get3A_1229 : vector<1x512xf32> to vector<32x512xf32>
      %mul3A_1231 = arith.mulf %get3A_1226, %mul3A_1230 : vector<32x512xf32>
      %add3A_1232 = arith.addf %add3A_1221, %mul3A_1231 : vector<32x512xf32>
      %get3A_1233 = arith.constant 7 : index
      %get3A_1234 = arith.index_cast %multiple_of3A : i32 to index
      %get3A_1235 = arith.constant 0 : index
      %get3A_1236 = vector.load %arg1[%get3A_1233, %get3A_1234, %get3A_1235] : memref<16x256x512xf32, #tpu.memory_space<vmem>>, vector<1x32x512xf32>
      %get3A_1237 = vector.shape_cast %get3A_1236 : vector<1x32x512xf32> to vector<32x512xf32>
      %get3A_1238 = arith.constant 117 : index
      %get3A_1239 = arith.constant 0 : index
      %get3A_1240 = vector.load %arg2[%get3A_1238, %get3A_1239] : memref<256x512xf32, #tpu.memory_space<vmem>>, vector<1x512xf32>
      %mul3A_1241 = vector.broadcast %get3A_1240 : vector<1x512xf32> to vector<32x512xf32>
      %mul3A_1242 = arith.mulf %get3A_1237, %mul3A_1241 : vector<32x512xf32>
      %add3A_1243 = arith.addf %add3A_1232, %mul3A_1242 : vector<32x512xf32>
      %get3A_1244 = arith.constant 8 : index
      %get3A_1245 = arith.index_cast %multiple_of3A : i32 to index
      %get3A_1246 = arith.constant 0 : index
      %get3A_1247 = vector.load %arg1[%get3A_1244, %get3A_1245, %get3A_1246] : memref<16x256x512xf32, #tpu.memory_space<vmem>>, vector<1x32x512xf32>
      %get3A_1248 = vector.shape_cast %get3A_1247 : vector<1x32x512xf32> to vector<32x512xf32>
      %get3A_1249 = arith.constant 133 : index
      %get3A_1250 = arith.constant 0 : index
      %get3A_1251 = vector.load %arg2[%get3A_1249, %get3A_1250] : memref<256x512xf32, #tpu.memory_space<vmem>>, vector<1x512xf32>
      %mul3A_1252 = vector.broadcast %get3A_1251 : vector<1x512xf32> to vector<32x512xf32>
      %mul3A_1253 = arith.mulf %get3A_1248, %mul3A_1252 : vector<32x512xf32>
      %add3A_1254 = arith.addf %add3A_1243, %mul3A_1253 : vector<32x512xf32>
      %get3A_1255 = arith.constant 9 : index
      %get3A_1256 = arith.index_cast %multiple_of3A : i32 to index
      %get3A_1257 = arith.constant 0 : index
      %get3A_1258 = vector.load %arg1[%get3A_1255, %get3A_1256, %get3A_1257] : memref<16x256x512xf32, #tpu.memory_space<vmem>>, vector<1x32x512xf32>
      %get3A_1259 = vector.shape_cast %get3A_1258 : vector<1x32x512xf32> to vector<32x512xf32>
      %get3A_1260 = arith.constant 149 : index
      %get3A_1261 = arith.constant 0 : index
      %get3A_1262 = vector.load %arg2[%get3A_1260, %get3A_1261] : memref<256x512xf32, #tpu.memory_space<vmem>>, vector<1x512xf32>
      %mul3A_1263 = vector.broadcast %get3A_1262 : vector<1x512xf32> to vector<32x512xf32>
      %mul3A_1264 = arith.mulf %get3A_1259, %mul3A_1263 : vector<32x512xf32>
      %add3A_1265 = arith.addf %add3A_1254, %mul3A_1264 : vector<32x512xf32>
      %get3A_1266 = arith.constant 10 : index
      %get3A_1267 = arith.index_cast %multiple_of3A : i32 to index
      %get3A_1268 = arith.constant 0 : index
      %get3A_1269 = vector.load %arg1[%get3A_1266, %get3A_1267, %get3A_1268] : memref<16x256x512xf32, #tpu.memory_space<vmem>>, vector<1x32x512xf32>
      %get3A_1270 = vector.shape_cast %get3A_1269 : vector<1x32x512xf32> to vector<32x512xf32>
      %get3A_1271 = arith.constant 165 : index
      %get3A_1272 = arith.constant 0 : index
      %get3A_1273 = vector.load %arg2[%get3A_1271, %get3A_1272] : memref<256x512xf32, #tpu.memory_space<vmem>>, vector<1x512xf32>
      %mul3A_1274 = vector.broadcast %get3A_1273 : vector<1x512xf32> to vector<32x512xf32>
      %mul3A_1275 = arith.mulf %get3A_1270, %mul3A_1274 : vector<32x512xf32>
      %add3A_1276 = arith.addf %add3A_1265, %mul3A_1275 : vector<32x512xf32>
      %get3A_1277 = arith.constant 11 : index
      %get3A_1278 = arith.index_cast %multiple_of3A : i32 to index
      %get3A_1279 = arith.constant 0 : index
      %get3A_1280 = vector.load %arg1[%get3A_1277, %get3A_1278, %get3A_1279] : memref<16x256x512xf32, #tpu.memory_space<vmem>>, vector<1x32x512xf32>
      %get3A_1281 = vector.shape_cast %get3A_1280 : vector<1x32x512xf32> to vector<32x512xf32>
      %get3A_1282 = arith.constant 181 : index
      %get3A_1283 = arith.constant 0 : index
      %get3A_1284 = vector.load %arg2[%get3A_1282, %get3A_1283] : memref<256x512xf32, #tpu.memory_space<vmem>>, vector<1x512xf32>
      %mul3A_1285 = vector.broadcast %get3A_1284 : vector<1x512xf32> to vector<32x512xf32>
      %mul3A_1286 = arith.mulf %get3A_1281, %mul3A_1285 : vector<32x512xf32>
      %add3A_1287 = arith.addf %add3A_1276, %mul3A_1286 : vector<32x512xf32>
      %get3A_1288 = arith.constant 12 : index
      %get3A_1289 = arith.index_cast %multiple_of3A : i32 to index
      %get3A_1290 = arith.constant 0 : index
      %get3A_1291 = vector.load %arg1[%get3A_1288, %get3A_1289, %get3A_1290] : memref<16x256x512xf32, #tpu.memory_space<vmem>>, vector<1x32x512xf32>
      %get3A_1292 = vector.shape_cast %get3A_1291 : vector<1x32x512xf32> to vector<32x512xf32>
      %get3A_1293 = arith.constant 197 : index
      %get3A_1294 = arith.constant 0 : index
      %get3A_1295 = vector.load %arg2[%get3A_1293, %get3A_1294] : memref<256x512xf32, #tpu.memory_space<vmem>>, vector<1x512xf32>
      %mul3A_1296 = vector.broadcast %get3A_1295 : vector<1x512xf32> to vector<32x512xf32>
      %mul3A_1297 = arith.mulf %get3A_1292, %mul3A_1296 : vector<32x512xf32>
      %add3A_1298 = arith.addf %add3A_1287, %mul3A_1297 : vector<32x512xf32>
      %get3A_1299 = arith.constant 13 : index
      %get3A_1300 = arith.index_cast %multiple_of3A : i32 to index
      %get3A_1301 = arith.constant 0 : index
      %get3A_1302 = vector.load %arg1[%get3A_1299, %get3A_1300, %get3A_1301] : memref<16x256x512xf32, #tpu.memory_space<vmem>>, vector<1x32x512xf32>
      %get3A_1303 = vector.shape_cast %get3A_1302 : vector<1x32x512xf32> to vector<32x512xf32>
      %get3A_1304 = arith.constant 213 : index
      %get3A_1305 = arith.constant 0 : index
      %get3A_1306 = vector.load %arg2[%get3A_1304, %get3A_1305] : memref<256x512xf32, #tpu.memory_space<vmem>>, vector<1x512xf32>
      %mul3A_1307 = vector.broadcast %get3A_1306 : vector<1x512xf32> to vector<32x512xf32>
      %mul3A_1308 = arith.mulf %get3A_1303, %mul3A_1307 : vector<32x512xf32>
      %add3A_1309 = arith.addf %add3A_1298, %mul3A_1308 : vector<32x512xf32>
      %get3A_1310 = arith.constant 14 : index
      %get3A_1311 = arith.index_cast %multiple_of3A : i32 to index
      %get3A_1312 = arith.constant 0 : index
      %get3A_1313 = vector.load %arg1[%get3A_1310, %get3A_1311, %get3A_1312] : memref<16x256x512xf32, #tpu.memory_space<vmem>>, vector<1x32x512xf32>
      %get3A_1314 = vector.shape_cast %get3A_1313 : vector<1x32x512xf32> to vector<32x512xf32>
      %get3A_1315 = arith.constant 229 : index
      %get3A_1316 = arith.constant 0 : index
      %get3A_1317 = vector.load %arg2[%get3A_1315, %get3A_1316] : memref<256x512xf32, #tpu.memory_space<vmem>>, vector<1x512xf32>
      %mul3A_1318 = vector.broadcast %get3A_1317 : vector<1x512xf32> to vector<32x512xf32>
      %mul3A_1319 = arith.mulf %get3A_1314, %mul3A_1318 : vector<32x512xf32>
      %add3A_1320 = arith.addf %add3A_1309, %mul3A_1319 : vector<32x512xf32>
      %get3A_1321 = arith.constant 15 : index
      %get3A_1322 = arith.index_cast %multiple_of3A : i32 to index
      %get3A_1323 = arith.constant 0 : index
      %get3A_1324 = vector.load %arg1[%get3A_1321, %get3A_1322, %get3A_1323] : memref<16x256x512xf32, #tpu.memory_space<vmem>>, vector<1x32x512xf32>
      %get3A_1325 = vector.shape_cast %get3A_1324 : vector<1x32x512xf32> to vector<32x512xf32>
      %get3A_1326 = arith.constant 245 : index
      %get3A_1327 = arith.constant 0 : index
      %get3A_1328 = vector.load %arg2[%get3A_1326, %get3A_1327] : memref<256x512xf32, #tpu.memory_space<vmem>>, vector<1x512xf32>
      %mul3A_1329 = vector.broadcast %get3A_1328 : vector<1x512xf32> to vector<32x512xf32>
      %mul3A_1330 = arith.mulf %get3A_1325, %mul3A_1329 : vector<32x512xf32>
      %add3A_1331 = arith.addf %add3A_1320, %mul3A_1330 : vector<32x512xf32>
      %mul3A_1332 = arith.constant 5.000000e-01 : f32
      %mul3A_1333 = vector.broadcast %mul3A_1332 : f32 to vector<32x512xf32>
      %mul3A_1334 = arith.mulf %mul3A_1333, %add3A_1331 : vector<32x512xf32>
      %tanh3A_1335 = math.tanh %mul3A_1334 : vector<32x512xf32>
      %mul3A_1336 = arith.constant 5.000000e-01 : f32
      %mul3A_1337 = vector.broadcast %mul3A_1336 : f32 to vector<32x512xf32>
      %mul3A_1338 = arith.mulf %mul3A_1337, %tanh3A_1335 : vector<32x512xf32>
      %add3A_1339 = arith.constant 5.000000e-01 : f32
      %add3A_1340 = vector.broadcast %add3A_1339 : f32 to vector<32x512xf32>
      %add3A_1341 = arith.addf %mul3A_1338, %add3A_1340 : vector<32x512xf32>
      %get3A_1342 = arith.constant 5 : index
      %get3A_1343 = arith.constant 0 : index
      %get3A_1344 = vector.load %arg4[%get3A_1342, %get3A_1343] : memref<16x512xf32, #tpu.memory_space<vmem>>, vector<1x512xf32>
      %mul3A_1345 = vector.broadcast %get3A_1344 : vector<1x512xf32> to vector<32x512xf32>
      %mul3A_1346 = arith.mulf %add3A_1341, %mul3A_1345 : vector<32x512xf32>
      %add3A_1347 = arith.addf %add3A_1150, %mul3A_1346 : vector<32x512xf32>
      %get3A_1348 = arith.constant 6 : index
      %get3A_1349 = arith.constant 0 : index
      %get3A_1350 = vector.load %arg3[%get3A_1348, %get3A_1349] : memref<16x512xf32, #tpu.memory_space<vmem>>, vector<1x512xf32>
      %broadcast_in_dim3A_1351 = vector.shape_cast %get3A_1350 : vector<1x512xf32> to vector<1x512xf32>
      %broadcast_in_dim3A_1352 = vector.broadcast %broadcast_in_dim3A_1351 : vector<1x512xf32> to vector<32x512xf32>
      %get3A_1353 = arith.constant 0 : index
      %get3A_1354 = arith.index_cast %multiple_of3A : i32 to index
      %get3A_1355 = arith.constant 0 : index
      %get3A_1356 = vector.load %arg1[%get3A_1353, %get3A_1354, %get3A_1355] : memref<16x256x512xf32, #tpu.memory_space<vmem>>, vector<1x32x512xf32>
      %get3A_1357 = vector.shape_cast %get3A_1356 : vector<1x32x512xf32> to vector<32x512xf32>
      %get3A_1358 = arith.constant 6 : index
      %get3A_1359 = arith.constant 0 : index
      %get3A_1360 = vector.load %arg2[%get3A_1358, %get3A_1359] : memref<256x512xf32, #tpu.memory_space<vmem>>, vector<1x512xf32>
      %mul3A_1361 = vector.broadcast %get3A_1360 : vector<1x512xf32> to vector<32x512xf32>
      %mul3A_1362 = arith.mulf %get3A_1357, %mul3A_1361 : vector<32x512xf32>
      %add3A_1363 = arith.addf %broadcast_in_dim3A_1352, %mul3A_1362 : vector<32x512xf32>
      %get3A_1364 = arith.constant 1 : index
      %get3A_1365 = arith.index_cast %multiple_of3A : i32 to index
      %get3A_1366 = arith.constant 0 : index
      %get3A_1367 = vector.load %arg1[%get3A_1364, %get3A_1365, %get3A_1366] : memref<16x256x512xf32, #tpu.memory_space<vmem>>, vector<1x32x512xf32>
      %get3A_1368 = vector.shape_cast %get3A_1367 : vector<1x32x512xf32> to vector<32x512xf32>
      %get3A_1369 = arith.constant 22 : index
      %get3A_1370 = arith.constant 0 : index
      %get3A_1371 = vector.load %arg2[%get3A_1369, %get3A_1370] : memref<256x512xf32, #tpu.memory_space<vmem>>, vector<1x512xf32>
      %mul3A_1372 = vector.broadcast %get3A_1371 : vector<1x512xf32> to vector<32x512xf32>
      %mul3A_1373 = arith.mulf %get3A_1368, %mul3A_1372 : vector<32x512xf32>
      %add3A_1374 = arith.addf %add3A_1363, %mul3A_1373 : vector<32x512xf32>
      %get3A_1375 = arith.constant 2 : index
      %get3A_1376 = arith.index_cast %multiple_of3A : i32 to index
      %get3A_1377 = arith.constant 0 : index
      %get3A_1378 = vector.load %arg1[%get3A_1375, %get3A_1376, %get3A_1377] : memref<16x256x512xf32, #tpu.memory_space<vmem>>, vector<1x32x512xf32>
      %get3A_1379 = vector.shape_cast %get3A_1378 : vector<1x32x512xf32> to vector<32x512xf32>
      %get3A_1380 = arith.constant 38 : index
      %get3A_1381 = arith.constant 0 : index
      %get3A_1382 = vector.load %arg2[%get3A_1380, %get3A_1381] : memref<256x512xf32, #tpu.memory_space<vmem>>, vector<1x512xf32>
      %mul3A_1383 = vector.broadcast %get3A_1382 : vector<1x512xf32> to vector<32x512xf32>
      %mul3A_1384 = arith.mulf %get3A_1379, %mul3A_1383 : vector<32x512xf32>
      %add3A_1385 = arith.addf %add3A_1374, %mul3A_1384 : vector<32x512xf32>
      %get3A_1386 = arith.constant 3 : index
      %get3A_1387 = arith.index_cast %multiple_of3A : i32 to index
      %get3A_1388 = arith.constant 0 : index
      %get3A_1389 = vector.load %arg1[%get3A_1386, %get3A_1387, %get3A_1388] : memref<16x256x512xf32, #tpu.memory_space<vmem>>, vector<1x32x512xf32>
      %get3A_1390 = vector.shape_cast %get3A_1389 : vector<1x32x512xf32> to vector<32x512xf32>
      %get3A_1391 = arith.constant 54 : index
      %get3A_1392 = arith.constant 0 : index
      %get3A_1393 = vector.load %arg2[%get3A_1391, %get3A_1392] : memref<256x512xf32, #tpu.memory_space<vmem>>, vector<1x512xf32>
      %mul3A_1394 = vector.broadcast %get3A_1393 : vector<1x512xf32> to vector<32x512xf32>
      %mul3A_1395 = arith.mulf %get3A_1390, %mul3A_1394 : vector<32x512xf32>
      %add3A_1396 = arith.addf %add3A_1385, %mul3A_1395 : vector<32x512xf32>
      %get3A_1397 = arith.constant 4 : index
      %get3A_1398 = arith.index_cast %multiple_of3A : i32 to index
      %get3A_1399 = arith.constant 0 : index
      %get3A_1400 = vector.load %arg1[%get3A_1397, %get3A_1398, %get3A_1399] : memref<16x256x512xf32, #tpu.memory_space<vmem>>, vector<1x32x512xf32>
      %get3A_1401 = vector.shape_cast %get3A_1400 : vector<1x32x512xf32> to vector<32x512xf32>
      %get3A_1402 = arith.constant 70 : index
      %get3A_1403 = arith.constant 0 : index
      %get3A_1404 = vector.load %arg2[%get3A_1402, %get3A_1403] : memref<256x512xf32, #tpu.memory_space<vmem>>, vector<1x512xf32>
      %mul3A_1405 = vector.broadcast %get3A_1404 : vector<1x512xf32> to vector<32x512xf32>
      %mul3A_1406 = arith.mulf %get3A_1401, %mul3A_1405 : vector<32x512xf32>
      %add3A_1407 = arith.addf %add3A_1396, %mul3A_1406 : vector<32x512xf32>
      %get3A_1408 = arith.constant 5 : index
      %get3A_1409 = arith.index_cast %multiple_of3A : i32 to index
      %get3A_1410 = arith.constant 0 : index
      %get3A_1411 = vector.load %arg1[%get3A_1408, %get3A_1409, %get3A_1410] : memref<16x256x512xf32, #tpu.memory_space<vmem>>, vector<1x32x512xf32>
      %get3A_1412 = vector.shape_cast %get3A_1411 : vector<1x32x512xf32> to vector<32x512xf32>
      %get3A_1413 = arith.constant 86 : index
      %get3A_1414 = arith.constant 0 : index
      %get3A_1415 = vector.load %arg2[%get3A_1413, %get3A_1414] : memref<256x512xf32, #tpu.memory_space<vmem>>, vector<1x512xf32>
      %mul3A_1416 = vector.broadcast %get3A_1415 : vector<1x512xf32> to vector<32x512xf32>
      %mul3A_1417 = arith.mulf %get3A_1412, %mul3A_1416 : vector<32x512xf32>
      %add3A_1418 = arith.addf %add3A_1407, %mul3A_1417 : vector<32x512xf32>
      %get3A_1419 = arith.constant 6 : index
      %get3A_1420 = arith.index_cast %multiple_of3A : i32 to index
      %get3A_1421 = arith.constant 0 : index
      %get3A_1422 = vector.load %arg1[%get3A_1419, %get3A_1420, %get3A_1421] : memref<16x256x512xf32, #tpu.memory_space<vmem>>, vector<1x32x512xf32>
      %get3A_1423 = vector.shape_cast %get3A_1422 : vector<1x32x512xf32> to vector<32x512xf32>
      %get3A_1424 = arith.constant 102 : index
      %get3A_1425 = arith.constant 0 : index
      %get3A_1426 = vector.load %arg2[%get3A_1424, %get3A_1425] : memref<256x512xf32, #tpu.memory_space<vmem>>, vector<1x512xf32>
      %mul3A_1427 = vector.broadcast %get3A_1426 : vector<1x512xf32> to vector<32x512xf32>
      %mul3A_1428 = arith.mulf %get3A_1423, %mul3A_1427 : vector<32x512xf32>
      %add3A_1429 = arith.addf %add3A_1418, %mul3A_1428 : vector<32x512xf32>
      %get3A_1430 = arith.constant 7 : index
      %get3A_1431 = arith.index_cast %multiple_of3A : i32 to index
      %get3A_1432 = arith.constant 0 : index
      %get3A_1433 = vector.load %arg1[%get3A_1430, %get3A_1431, %get3A_1432] : memref<16x256x512xf32, #tpu.memory_space<vmem>>, vector<1x32x512xf32>
      %get3A_1434 = vector.shape_cast %get3A_1433 : vector<1x32x512xf32> to vector<32x512xf32>
      %get3A_1435 = arith.constant 118 : index
      %get3A_1436 = arith.constant 0 : index
      %get3A_1437 = vector.load %arg2[%get3A_1435, %get3A_1436] : memref<256x512xf32, #tpu.memory_space<vmem>>, vector<1x512xf32>
      %mul3A_1438 = vector.broadcast %get3A_1437 : vector<1x512xf32> to vector<32x512xf32>
      %mul3A_1439 = arith.mulf %get3A_1434, %mul3A_1438 : vector<32x512xf32>
      %add3A_1440 = arith.addf %add3A_1429, %mul3A_1439 : vector<32x512xf32>
      %get3A_1441 = arith.constant 8 : index
      %get3A_1442 = arith.index_cast %multiple_of3A : i32 to index
      %get3A_1443 = arith.constant 0 : index
      %get3A_1444 = vector.load %arg1[%get3A_1441, %get3A_1442, %get3A_1443] : memref<16x256x512xf32, #tpu.memory_space<vmem>>, vector<1x32x512xf32>
      %get3A_1445 = vector.shape_cast %get3A_1444 : vector<1x32x512xf32> to vector<32x512xf32>
      %get3A_1446 = arith.constant 134 : index
      %get3A_1447 = arith.constant 0 : index
      %get3A_1448 = vector.load %arg2[%get3A_1446, %get3A_1447] : memref<256x512xf32, #tpu.memory_space<vmem>>, vector<1x512xf32>
      %mul3A_1449 = vector.broadcast %get3A_1448 : vector<1x512xf32> to vector<32x512xf32>
      %mul3A_1450 = arith.mulf %get3A_1445, %mul3A_1449 : vector<32x512xf32>
      %add3A_1451 = arith.addf %add3A_1440, %mul3A_1450 : vector<32x512xf32>
      %get3A_1452 = arith.constant 9 : index
      %get3A_1453 = arith.index_cast %multiple_of3A : i32 to index
      %get3A_1454 = arith.constant 0 : index
      %get3A_1455 = vector.load %arg1[%get3A_1452, %get3A_1453, %get3A_1454] : memref<16x256x512xf32, #tpu.memory_space<vmem>>, vector<1x32x512xf32>
      %get3A_1456 = vector.shape_cast %get3A_1455 : vector<1x32x512xf32> to vector<32x512xf32>
      %get3A_1457 = arith.constant 150 : index
      %get3A_1458 = arith.constant 0 : index
      %get3A_1459 = vector.load %arg2[%get3A_1457, %get3A_1458] : memref<256x512xf32, #tpu.memory_space<vmem>>, vector<1x512xf32>
      %mul3A_1460 = vector.broadcast %get3A_1459 : vector<1x512xf32> to vector<32x512xf32>
      %mul3A_1461 = arith.mulf %get3A_1456, %mul3A_1460 : vector<32x512xf32>
      %add3A_1462 = arith.addf %add3A_1451, %mul3A_1461 : vector<32x512xf32>
      %get3A_1463 = arith.constant 10 : index
      %get3A_1464 = arith.index_cast %multiple_of3A : i32 to index
      %get3A_1465 = arith.constant 0 : index
      %get3A_1466 = vector.load %arg1[%get3A_1463, %get3A_1464, %get3A_1465] : memref<16x256x512xf32, #tpu.memory_space<vmem>>, vector<1x32x512xf32>
      %get3A_1467 = vector.shape_cast %get3A_1466 : vector<1x32x512xf32> to vector<32x512xf32>
      %get3A_1468 = arith.constant 166 : index
      %get3A_1469 = arith.constant 0 : index
      %get3A_1470 = vector.load %arg2[%get3A_1468, %get3A_1469] : memref<256x512xf32, #tpu.memory_space<vmem>>, vector<1x512xf32>
      %mul3A_1471 = vector.broadcast %get3A_1470 : vector<1x512xf32> to vector<32x512xf32>
      %mul3A_1472 = arith.mulf %get3A_1467, %mul3A_1471 : vector<32x512xf32>
      %add3A_1473 = arith.addf %add3A_1462, %mul3A_1472 : vector<32x512xf32>
      %get3A_1474 = arith.constant 11 : index
      %get3A_1475 = arith.index_cast %multiple_of3A : i32 to index
      %get3A_1476 = arith.constant 0 : index
      %get3A_1477 = vector.load %arg1[%get3A_1474, %get3A_1475, %get3A_1476] : memref<16x256x512xf32, #tpu.memory_space<vmem>>, vector<1x32x512xf32>
      %get3A_1478 = vector.shape_cast %get3A_1477 : vector<1x32x512xf32> to vector<32x512xf32>
      %get3A_1479 = arith.constant 182 : index
      %get3A_1480 = arith.constant 0 : index
      %get3A_1481 = vector.load %arg2[%get3A_1479, %get3A_1480] : memref<256x512xf32, #tpu.memory_space<vmem>>, vector<1x512xf32>
      %mul3A_1482 = vector.broadcast %get3A_1481 : vector<1x512xf32> to vector<32x512xf32>
      %mul3A_1483 = arith.mulf %get3A_1478, %mul3A_1482 : vector<32x512xf32>
      %add3A_1484 = arith.addf %add3A_1473, %mul3A_1483 : vector<32x512xf32>
      %get3A_1485 = arith.constant 12 : index
      %get3A_1486 = arith.index_cast %multiple_of3A : i32 to index
      %get3A_1487 = arith.constant 0 : index
      %get3A_1488 = vector.load %arg1[%get3A_1485, %get3A_1486, %get3A_1487] : memref<16x256x512xf32, #tpu.memory_space<vmem>>, vector<1x32x512xf32>
      %get3A_1489 = vector.shape_cast %get3A_1488 : vector<1x32x512xf32> to vector<32x512xf32>
      %get3A_1490 = arith.constant 198 : index
      %get3A_1491 = arith.constant 0 : index
      %get3A_1492 = vector.load %arg2[%get3A_1490, %get3A_1491] : memref<256x512xf32, #tpu.memory_space<vmem>>, vector<1x512xf32>
      %mul3A_1493 = vector.broadcast %get3A_1492 : vector<1x512xf32> to vector<32x512xf32>
      %mul3A_1494 = arith.mulf %get3A_1489, %mul3A_1493 : vector<32x512xf32>
      %add3A_1495 = arith.addf %add3A_1484, %mul3A_1494 : vector<32x512xf32>
      %get3A_1496 = arith.constant 13 : index
      %get3A_1497 = arith.index_cast %multiple_of3A : i32 to index
      %get3A_1498 = arith.constant 0 : index
      %get3A_1499 = vector.load %arg1[%get3A_1496, %get3A_1497, %get3A_1498] : memref<16x256x512xf32, #tpu.memory_space<vmem>>, vector<1x32x512xf32>
      %get3A_1500 = vector.shape_cast %get3A_1499 : vector<1x32x512xf32> to vector<32x512xf32>
      %get3A_1501 = arith.constant 214 : index
      %get3A_1502 = arith.constant 0 : index
      %get3A_1503 = vector.load %arg2[%get3A_1501, %get3A_1502] : memref<256x512xf32, #tpu.memory_space<vmem>>, vector<1x512xf32>
      %mul3A_1504 = vector.broadcast %get3A_1503 : vector<1x512xf32> to vector<32x512xf32>
      %mul3A_1505 = arith.mulf %get3A_1500, %mul3A_1504 : vector<32x512xf32>
      %add3A_1506 = arith.addf %add3A_1495, %mul3A_1505 : vector<32x512xf32>
      %get3A_1507 = arith.constant 14 : index
      %get3A_1508 = arith.index_cast %multiple_of3A : i32 to index
      %get3A_1509 = arith.constant 0 : index
      %get3A_1510 = vector.load %arg1[%get3A_1507, %get3A_1508, %get3A_1509] : memref<16x256x512xf32, #tpu.memory_space<vmem>>, vector<1x32x512xf32>
      %get3A_1511 = vector.shape_cast %get3A_1510 : vector<1x32x512xf32> to vector<32x512xf32>
      %get3A_1512 = arith.constant 230 : index
      %get3A_1513 = arith.constant 0 : index
      %get3A_1514 = vector.load %arg2[%get3A_1512, %get3A_1513] : memref<256x512xf32, #tpu.memory_space<vmem>>, vector<1x512xf32>
      %mul3A_1515 = vector.broadcast %get3A_1514 : vector<1x512xf32> to vector<32x512xf32>
      %mul3A_1516 = arith.mulf %get3A_1511, %mul3A_1515 : vector<32x512xf32>
      %add3A_1517 = arith.addf %add3A_1506, %mul3A_1516 : vector<32x512xf32>
      %get3A_1518 = arith.constant 15 : index
      %get3A_1519 = arith.index_cast %multiple_of3A : i32 to index
      %get3A_1520 = arith.constant 0 : index
      %get3A_1521 = vector.load %arg1[%get3A_1518, %get3A_1519, %get3A_1520] : memref<16x256x512xf32, #tpu.memory_space<vmem>>, vector<1x32x512xf32>
      %get3A_1522 = vector.shape_cast %get3A_1521 : vector<1x32x512xf32> to vector<32x512xf32>
      %get3A_1523 = arith.constant 246 : index
      %get3A_1524 = arith.constant 0 : index
      %get3A_1525 = vector.load %arg2[%get3A_1523, %get3A_1524] : memref<256x512xf32, #tpu.memory_space<vmem>>, vector<1x512xf32>
      %mul3A_1526 = vector.broadcast %get3A_1525 : vector<1x512xf32> to vector<32x512xf32>
      %mul3A_1527 = arith.mulf %get3A_1522, %mul3A_1526 : vector<32x512xf32>
      %add3A_1528 = arith.addf %add3A_1517, %mul3A_1527 : vector<32x512xf32>
      %mul3A_1529 = arith.constant 5.000000e-01 : f32
      %mul3A_1530 = vector.broadcast %mul3A_1529 : f32 to vector<32x512xf32>
      %mul3A_1531 = arith.mulf %mul3A_1530, %add3A_1528 : vector<32x512xf32>
      %tanh3A_1532 = math.tanh %mul3A_1531 : vector<32x512xf32>
      %mul3A_1533 = arith.constant 5.000000e-01 : f32
      %mul3A_1534 = vector.broadcast %mul3A_1533 : f32 to vector<32x512xf32>
      %mul3A_1535 = arith.mulf %mul3A_1534, %tanh3A_1532 : vector<32x512xf32>
      %add3A_1536 = arith.constant 5.000000e-01 : f32
      %add3A_1537 = vector.broadcast %add3A_1536 : f32 to vector<32x512xf32>
      %add3A_1538 = arith.addf %mul3A_1535, %add3A_1537 : vector<32x512xf32>
      %get3A_1539 = arith.constant 6 : index
      %get3A_1540 = arith.constant 0 : index
      %get3A_1541 = vector.load %arg4[%get3A_1539, %get3A_1540] : memref<16x512xf32, #tpu.memory_space<vmem>>, vector<1x512xf32>
      %mul3A_1542 = vector.broadcast %get3A_1541 : vector<1x512xf32> to vector<32x512xf32>
      %mul3A_1543 = arith.mulf %add3A_1538, %mul3A_1542 : vector<32x512xf32>
      %add3A_1544 = arith.addf %add3A_1347, %mul3A_1543 : vector<32x512xf32>
      %get3A_1545 = arith.constant 7 : index
      %get3A_1546 = arith.constant 0 : index
      %get3A_1547 = vector.load %arg3[%get3A_1545, %get3A_1546] : memref<16x512xf32, #tpu.memory_space<vmem>>, vector<1x512xf32>
      %broadcast_in_dim3A_1548 = vector.shape_cast %get3A_1547 : vector<1x512xf32> to vector<1x512xf32>
      %broadcast_in_dim3A_1549 = vector.broadcast %broadcast_in_dim3A_1548 : vector<1x512xf32> to vector<32x512xf32>
      %get3A_1550 = arith.constant 0 : index
      %get3A_1551 = arith.index_cast %multiple_of3A : i32 to index
      %get3A_1552 = arith.constant 0 : index
      %get3A_1553 = vector.load %arg1[%get3A_1550, %get3A_1551, %get3A_1552] : memref<16x256x512xf32, #tpu.memory_space<vmem>>, vector<1x32x512xf32>
      %get3A_1554 = vector.shape_cast %get3A_1553 : vector<1x32x512xf32> to vector<32x512xf32>
      %get3A_1555 = arith.constant 7 : index
      %get3A_1556 = arith.constant 0 : index
      %get3A_1557 = vector.load %arg2[%get3A_1555, %get3A_1556] : memref<256x512xf32, #tpu.memory_space<vmem>>, vector<1x512xf32>
      %mul3A_1558 = vector.broadcast %get3A_1557 : vector<1x512xf32> to vector<32x512xf32>
      %mul3A_1559 = arith.mulf %get3A_1554, %mul3A_1558 : vector<32x512xf32>
      %add3A_1560 = arith.addf %broadcast_in_dim3A_1549, %mul3A_1559 : vector<32x512xf32>
      %get3A_1561 = arith.constant 1 : index
      %get3A_1562 = arith.index_cast %multiple_of3A : i32 to index
      %get3A_1563 = arith.constant 0 : index
      %get3A_1564 = vector.load %arg1[%get3A_1561, %get3A_1562, %get3A_1563] : memref<16x256x512xf32, #tpu.memory_space<vmem>>, vector<1x32x512xf32>
      %get3A_1565 = vector.shape_cast %get3A_1564 : vector<1x32x512xf32> to vector<32x512xf32>
      %get3A_1566 = arith.constant 23 : index
      %get3A_1567 = arith.constant 0 : index
      %get3A_1568 = vector.load %arg2[%get3A_1566, %get3A_1567] : memref<256x512xf32, #tpu.memory_space<vmem>>, vector<1x512xf32>
      %mul3A_1569 = vector.broadcast %get3A_1568 : vector<1x512xf32> to vector<32x512xf32>
      %mul3A_1570 = arith.mulf %get3A_1565, %mul3A_1569 : vector<32x512xf32>
      %add3A_1571 = arith.addf %add3A_1560, %mul3A_1570 : vector<32x512xf32>
      %get3A_1572 = arith.constant 2 : index
      %get3A_1573 = arith.index_cast %multiple_of3A : i32 to index
      %get3A_1574 = arith.constant 0 : index
      %get3A_1575 = vector.load %arg1[%get3A_1572, %get3A_1573, %get3A_1574] : memref<16x256x512xf32, #tpu.memory_space<vmem>>, vector<1x32x512xf32>
      %get3A_1576 = vector.shape_cast %get3A_1575 : vector<1x32x512xf32> to vector<32x512xf32>
      %get3A_1577 = arith.constant 39 : index
      %get3A_1578 = arith.constant 0 : index
      %get3A_1579 = vector.load %arg2[%get3A_1577, %get3A_1578] : memref<256x512xf32, #tpu.memory_space<vmem>>, vector<1x512xf32>
      %mul3A_1580 = vector.broadcast %get3A_1579 : vector<1x512xf32> to vector<32x512xf32>
      %mul3A_1581 = arith.mulf %get3A_1576, %mul3A_1580 : vector<32x512xf32>
      %add3A_1582 = arith.addf %add3A_1571, %mul3A_1581 : vector<32x512xf32>
      %get3A_1583 = arith.constant 3 : index
      %get3A_1584 = arith.index_cast %multiple_of3A : i32 to index
      %get3A_1585 = arith.constant 0 : index
      %get3A_1586 = vector.load %arg1[%get3A_1583, %get3A_1584, %get3A_1585] : memref<16x256x512xf32, #tpu.memory_space<vmem>>, vector<1x32x512xf32>
      %get3A_1587 = vector.shape_cast %get3A_1586 : vector<1x32x512xf32> to vector<32x512xf32>
      %get3A_1588 = arith.constant 55 : index
      %get3A_1589 = arith.constant 0 : index
      %get3A_1590 = vector.load %arg2[%get3A_1588, %get3A_1589] : memref<256x512xf32, #tpu.memory_space<vmem>>, vector<1x512xf32>
      %mul3A_1591 = vector.broadcast %get3A_1590 : vector<1x512xf32> to vector<32x512xf32>
      %mul3A_1592 = arith.mulf %get3A_1587, %mul3A_1591 : vector<32x512xf32>
      %add3A_1593 = arith.addf %add3A_1582, %mul3A_1592 : vector<32x512xf32>
      %get3A_1594 = arith.constant 4 : index
      %get3A_1595 = arith.index_cast %multiple_of3A : i32 to index
      %get3A_1596 = arith.constant 0 : index
      %get3A_1597 = vector.load %arg1[%get3A_1594, %get3A_1595, %get3A_1596] : memref<16x256x512xf32, #tpu.memory_space<vmem>>, vector<1x32x512xf32>
      %get3A_1598 = vector.shape_cast %get3A_1597 : vector<1x32x512xf32> to vector<32x512xf32>
      %get3A_1599 = arith.constant 71 : index
      %get3A_1600 = arith.constant 0 : index
      %get3A_1601 = vector.load %arg2[%get3A_1599, %get3A_1600] : memref<256x512xf32, #tpu.memory_space<vmem>>, vector<1x512xf32>
      %mul3A_1602 = vector.broadcast %get3A_1601 : vector<1x512xf32> to vector<32x512xf32>
      %mul3A_1603 = arith.mulf %get3A_1598, %mul3A_1602 : vector<32x512xf32>
      %add3A_1604 = arith.addf %add3A_1593, %mul3A_1603 : vector<32x512xf32>
      %get3A_1605 = arith.constant 5 : index
      %get3A_1606 = arith.index_cast %multiple_of3A : i32 to index
      %get3A_1607 = arith.constant 0 : index
      %get3A_1608 = vector.load %arg1[%get3A_1605, %get3A_1606, %get3A_1607] : memref<16x256x512xf32, #tpu.memory_space<vmem>>, vector<1x32x512xf32>
      %get3A_1609 = vector.shape_cast %get3A_1608 : vector<1x32x512xf32> to vector<32x512xf32>
      %get3A_1610 = arith.constant 87 : index
      %get3A_1611 = arith.constant 0 : index
      %get3A_1612 = vector.load %arg2[%get3A_1610, %get3A_1611] : memref<256x512xf32, #tpu.memory_space<vmem>>, vector<1x512xf32>
      %mul3A_1613 = vector.broadcast %get3A_1612 : vector<1x512xf32> to vector<32x512xf32>
      %mul3A_1614 = arith.mulf %get3A_1609, %mul3A_1613 : vector<32x512xf32>
      %add3A_1615 = arith.addf %add3A_1604, %mul3A_1614 : vector<32x512xf32>
      %get3A_1616 = arith.constant 6 : index
      %get3A_1617 = arith.index_cast %multiple_of3A : i32 to index
      %get3A_1618 = arith.constant 0 : index
      %get3A_1619 = vector.load %arg1[%get3A_1616, %get3A_1617, %get3A_1618] : memref<16x256x512xf32, #tpu.memory_space<vmem>>, vector<1x32x512xf32>
      %get3A_1620 = vector.shape_cast %get3A_1619 : vector<1x32x512xf32> to vector<32x512xf32>
      %get3A_1621 = arith.constant 103 : index
      %get3A_1622 = arith.constant 0 : index
      %get3A_1623 = vector.load %arg2[%get3A_1621, %get3A_1622] : memref<256x512xf32, #tpu.memory_space<vmem>>, vector<1x512xf32>
      %mul3A_1624 = vector.broadcast %get3A_1623 : vector<1x512xf32> to vector<32x512xf32>
      %mul3A_1625 = arith.mulf %get3A_1620, %mul3A_1624 : vector<32x512xf32>
      %add3A_1626 = arith.addf %add3A_1615, %mul3A_1625 : vector<32x512xf32>
      %get3A_1627 = arith.constant 7 : index
      %get3A_1628 = arith.index_cast %multiple_of3A : i32 to index
      %get3A_1629 = arith.constant 0 : index
      %get3A_1630 = vector.load %arg1[%get3A_1627, %get3A_1628, %get3A_1629] : memref<16x256x512xf32, #tpu.memory_space<vmem>>, vector<1x32x512xf32>
      %get3A_1631 = vector.shape_cast %get3A_1630 : vector<1x32x512xf32> to vector<32x512xf32>
      %get3A_1632 = arith.constant 119 : index
      %get3A_1633 = arith.constant 0 : index
      %get3A_1634 = vector.load %arg2[%get3A_1632, %get3A_1633] : memref<256x512xf32, #tpu.memory_space<vmem>>, vector<1x512xf32>
      %mul3A_1635 = vector.broadcast %get3A_1634 : vector<1x512xf32> to vector<32x512xf32>
      %mul3A_1636 = arith.mulf %get3A_1631, %mul3A_1635 : vector<32x512xf32>
      %add3A_1637 = arith.addf %add3A_1626, %mul3A_1636 : vector<32x512xf32>
      %get3A_1638 = arith.constant 8 : index
      %get3A_1639 = arith.index_cast %multiple_of3A : i32 to index
      %get3A_1640 = arith.constant 0 : index
      %get3A_1641 = vector.load %arg1[%get3A_1638, %get3A_1639, %get3A_1640] : memref<16x256x512xf32, #tpu.memory_space<vmem>>, vector<1x32x512xf32>
      %get3A_1642 = vector.shape_cast %get3A_1641 : vector<1x32x512xf32> to vector<32x512xf32>
      %get3A_1643 = arith.constant 135 : index
      %get3A_1644 = arith.constant 0 : index
      %get3A_1645 = vector.load %arg2[%get3A_1643, %get3A_1644] : memref<256x512xf32, #tpu.memory_space<vmem>>, vector<1x512xf32>
      %mul3A_1646 = vector.broadcast %get3A_1645 : vector<1x512xf32> to vector<32x512xf32>
      %mul3A_1647 = arith.mulf %get3A_1642, %mul3A_1646 : vector<32x512xf32>
      %add3A_1648 = arith.addf %add3A_1637, %mul3A_1647 : vector<32x512xf32>
      %get3A_1649 = arith.constant 9 : index
      %get3A_1650 = arith.index_cast %multiple_of3A : i32 to index
      %get3A_1651 = arith.constant 0 : index
      %get3A_1652 = vector.load %arg1[%get3A_1649, %get3A_1650, %get3A_1651] : memref<16x256x512xf32, #tpu.memory_space<vmem>>, vector<1x32x512xf32>
      %get3A_1653 = vector.shape_cast %get3A_1652 : vector<1x32x512xf32> to vector<32x512xf32>
      %get3A_1654 = arith.constant 151 : index
      %get3A_1655 = arith.constant 0 : index
      %get3A_1656 = vector.load %arg2[%get3A_1654, %get3A_1655] : memref<256x512xf32, #tpu.memory_space<vmem>>, vector<1x512xf32>
      %mul3A_1657 = vector.broadcast %get3A_1656 : vector<1x512xf32> to vector<32x512xf32>
      %mul3A_1658 = arith.mulf %get3A_1653, %mul3A_1657 : vector<32x512xf32>
      %add3A_1659 = arith.addf %add3A_1648, %mul3A_1658 : vector<32x512xf32>
      %get3A_1660 = arith.constant 10 : index
      %get3A_1661 = arith.index_cast %multiple_of3A : i32 to index
      %get3A_1662 = arith.constant 0 : index
      %get3A_1663 = vector.load %arg1[%get3A_1660, %get3A_1661, %get3A_1662] : memref<16x256x512xf32, #tpu.memory_space<vmem>>, vector<1x32x512xf32>
      %get3A_1664 = vector.shape_cast %get3A_1663 : vector<1x32x512xf32> to vector<32x512xf32>
      %get3A_1665 = arith.constant 167 : index
      %get3A_1666 = arith.constant 0 : index
      %get3A_1667 = vector.load %arg2[%get3A_1665, %get3A_1666] : memref<256x512xf32, #tpu.memory_space<vmem>>, vector<1x512xf32>
      %mul3A_1668 = vector.broadcast %get3A_1667 : vector<1x512xf32> to vector<32x512xf32>
      %mul3A_1669 = arith.mulf %get3A_1664, %mul3A_1668 : vector<32x512xf32>
      %add3A_1670 = arith.addf %add3A_1659, %mul3A_1669 : vector<32x512xf32>
      %get3A_1671 = arith.constant 11 : index
      %get3A_1672 = arith.index_cast %multiple_of3A : i32 to index
      %get3A_1673 = arith.constant 0 : index
      %get3A_1674 = vector.load %arg1[%get3A_1671, %get3A_1672, %get3A_1673] : memref<16x256x512xf32, #tpu.memory_space<vmem>>, vector<1x32x512xf32>
      %get3A_1675 = vector.shape_cast %get3A_1674 : vector<1x32x512xf32> to vector<32x512xf32>
      %get3A_1676 = arith.constant 183 : index
      %get3A_1677 = arith.constant 0 : index
      %get3A_1678 = vector.load %arg2[%get3A_1676, %get3A_1677] : memref<256x512xf32, #tpu.memory_space<vmem>>, vector<1x512xf32>
      %mul3A_1679 = vector.broadcast %get3A_1678 : vector<1x512xf32> to vector<32x512xf32>
      %mul3A_1680 = arith.mulf %get3A_1675, %mul3A_1679 : vector<32x512xf32>
      %add3A_1681 = arith.addf %add3A_1670, %mul3A_1680 : vector<32x512xf32>
      %get3A_1682 = arith.constant 12 : index
      %get3A_1683 = arith.index_cast %multiple_of3A : i32 to index
      %get3A_1684 = arith.constant 0 : index
      %get3A_1685 = vector.load %arg1[%get3A_1682, %get3A_1683, %get3A_1684] : memref<16x256x512xf32, #tpu.memory_space<vmem>>, vector<1x32x512xf32>
      %get3A_1686 = vector.shape_cast %get3A_1685 : vector<1x32x512xf32> to vector<32x512xf32>
      %get3A_1687 = arith.constant 199 : index
      %get3A_1688 = arith.constant 0 : index
      %get3A_1689 = vector.load %arg2[%get3A_1687, %get3A_1688] : memref<256x512xf32, #tpu.memory_space<vmem>>, vector<1x512xf32>
      %mul3A_1690 = vector.broadcast %get3A_1689 : vector<1x512xf32> to vector<32x512xf32>
      %mul3A_1691 = arith.mulf %get3A_1686, %mul3A_1690 : vector<32x512xf32>
      %add3A_1692 = arith.addf %add3A_1681, %mul3A_1691 : vector<32x512xf32>
      %get3A_1693 = arith.constant 13 : index
      %get3A_1694 = arith.index_cast %multiple_of3A : i32 to index
      %get3A_1695 = arith.constant 0 : index
      %get3A_1696 = vector.load %arg1[%get3A_1693, %get3A_1694, %get3A_1695] : memref<16x256x512xf32, #tpu.memory_space<vmem>>, vector<1x32x512xf32>
      %get3A_1697 = vector.shape_cast %get3A_1696 : vector<1x32x512xf32> to vector<32x512xf32>
      %get3A_1698 = arith.constant 215 : index
      %get3A_1699 = arith.constant 0 : index
      %get3A_1700 = vector.load %arg2[%get3A_1698, %get3A_1699] : memref<256x512xf32, #tpu.memory_space<vmem>>, vector<1x512xf32>
      %mul3A_1701 = vector.broadcast %get3A_1700 : vector<1x512xf32> to vector<32x512xf32>
      %mul3A_1702 = arith.mulf %get3A_1697, %mul3A_1701 : vector<32x512xf32>
      %add3A_1703 = arith.addf %add3A_1692, %mul3A_1702 : vector<32x512xf32>
      %get3A_1704 = arith.constant 14 : index
      %get3A_1705 = arith.index_cast %multiple_of3A : i32 to index
      %get3A_1706 = arith.constant 0 : index
      %get3A_1707 = vector.load %arg1[%get3A_1704, %get3A_1705, %get3A_1706] : memref<16x256x512xf32, #tpu.memory_space<vmem>>, vector<1x32x512xf32>
      %get3A_1708 = vector.shape_cast %get3A_1707 : vector<1x32x512xf32> to vector<32x512xf32>
      %get3A_1709 = arith.constant 231 : index
      %get3A_1710 = arith.constant 0 : index
      %get3A_1711 = vector.load %arg2[%get3A_1709, %get3A_1710] : memref<256x512xf32, #tpu.memory_space<vmem>>, vector<1x512xf32>
      %mul3A_1712 = vector.broadcast %get3A_1711 : vector<1x512xf32> to vector<32x512xf32>
      %mul3A_1713 = arith.mulf %get3A_1708, %mul3A_1712 : vector<32x512xf32>
      %add3A_1714 = arith.addf %add3A_1703, %mul3A_1713 : vector<32x512xf32>
      %get3A_1715 = arith.constant 15 : index
      %get3A_1716 = arith.index_cast %multiple_of3A : i32 to index
      %get3A_1717 = arith.constant 0 : index
      %get3A_1718 = vector.load %arg1[%get3A_1715, %get3A_1716, %get3A_1717] : memref<16x256x512xf32, #tpu.memory_space<vmem>>, vector<1x32x512xf32>
      %get3A_1719 = vector.shape_cast %get3A_1718 : vector<1x32x512xf32> to vector<32x512xf32>
      %get3A_1720 = arith.constant 247 : index
      %get3A_1721 = arith.constant 0 : index
      %get3A_1722 = vector.load %arg2[%get3A_1720, %get3A_1721] : memref<256x512xf32, #tpu.memory_space<vmem>>, vector<1x512xf32>
      %mul3A_1723 = vector.broadcast %get3A_1722 : vector<1x512xf32> to vector<32x512xf32>
      %mul3A_1724 = arith.mulf %get3A_1719, %mul3A_1723 : vector<32x512xf32>
      %add3A_1725 = arith.addf %add3A_1714, %mul3A_1724 : vector<32x512xf32>
      %mul3A_1726 = arith.constant 5.000000e-01 : f32
      %mul3A_1727 = vector.broadcast %mul3A_1726 : f32 to vector<32x512xf32>
      %mul3A_1728 = arith.mulf %mul3A_1727, %add3A_1725 : vector<32x512xf32>
      %tanh3A_1729 = math.tanh %mul3A_1728 : vector<32x512xf32>
      %mul3A_1730 = arith.constant 5.000000e-01 : f32
      %mul3A_1731 = vector.broadcast %mul3A_1730 : f32 to vector<32x512xf32>
      %mul3A_1732 = arith.mulf %mul3A_1731, %tanh3A_1729 : vector<32x512xf32>
      %add3A_1733 = arith.constant 5.000000e-01 : f32
      %add3A_1734 = vector.broadcast %add3A_1733 : f32 to vector<32x512xf32>
      %add3A_1735 = arith.addf %mul3A_1732, %add3A_1734 : vector<32x512xf32>
      %get3A_1736 = arith.constant 7 : index
      %get3A_1737 = arith.constant 0 : index
      %get3A_1738 = vector.load %arg4[%get3A_1736, %get3A_1737] : memref<16x512xf32, #tpu.memory_space<vmem>>, vector<1x512xf32>
      %mul3A_1739 = vector.broadcast %get3A_1738 : vector<1x512xf32> to vector<32x512xf32>
      %mul3A_1740 = arith.mulf %add3A_1735, %mul3A_1739 : vector<32x512xf32>
      %add3A_1741 = arith.addf %add3A_1544, %mul3A_1740 : vector<32x512xf32>
      %get3A_1742 = arith.constant 8 : index
      %get3A_1743 = arith.constant 0 : index
      %get3A_1744 = vector.load %arg3[%get3A_1742, %get3A_1743] : memref<16x512xf32, #tpu.memory_space<vmem>>, vector<1x512xf32>
      %broadcast_in_dim3A_1745 = vector.shape_cast %get3A_1744 : vector<1x512xf32> to vector<1x512xf32>
      %broadcast_in_dim3A_1746 = vector.broadcast %broadcast_in_dim3A_1745 : vector<1x512xf32> to vector<32x512xf32>
      %get3A_1747 = arith.constant 0 : index
      %get3A_1748 = arith.index_cast %multiple_of3A : i32 to index
      %get3A_1749 = arith.constant 0 : index
      %get3A_1750 = vector.load %arg1[%get3A_1747, %get3A_1748, %get3A_1749] : memref<16x256x512xf32, #tpu.memory_space<vmem>>, vector<1x32x512xf32>
      %get3A_1751 = vector.shape_cast %get3A_1750 : vector<1x32x512xf32> to vector<32x512xf32>
      %get3A_1752 = arith.constant 8 : index
      %get3A_1753 = arith.constant 0 : index
      %get3A_1754 = vector.load %arg2[%get3A_1752, %get3A_1753] : memref<256x512xf32, #tpu.memory_space<vmem>>, vector<1x512xf32>
      %mul3A_1755 = vector.broadcast %get3A_1754 : vector<1x512xf32> to vector<32x512xf32>
      %mul3A_1756 = arith.mulf %get3A_1751, %mul3A_1755 : vector<32x512xf32>
      %add3A_1757 = arith.addf %broadcast_in_dim3A_1746, %mul3A_1756 : vector<32x512xf32>
      %get3A_1758 = arith.constant 1 : index
      %get3A_1759 = arith.index_cast %multiple_of3A : i32 to index
      %get3A_1760 = arith.constant 0 : index
      %get3A_1761 = vector.load %arg1[%get3A_1758, %get3A_1759, %get3A_1760] : memref<16x256x512xf32, #tpu.memory_space<vmem>>, vector<1x32x512xf32>
      %get3A_1762 = vector.shape_cast %get3A_1761 : vector<1x32x512xf32> to vector<32x512xf32>
      %get3A_1763 = arith.constant 24 : index
      %get3A_1764 = arith.constant 0 : index
      %get3A_1765 = vector.load %arg2[%get3A_1763, %get3A_1764] : memref<256x512xf32, #tpu.memory_space<vmem>>, vector<1x512xf32>
      %mul3A_1766 = vector.broadcast %get3A_1765 : vector<1x512xf32> to vector<32x512xf32>
      %mul3A_1767 = arith.mulf %get3A_1762, %mul3A_1766 : vector<32x512xf32>
      %add3A_1768 = arith.addf %add3A_1757, %mul3A_1767 : vector<32x512xf32>
      %get3A_1769 = arith.constant 2 : index
      %get3A_1770 = arith.index_cast %multiple_of3A : i32 to index
      %get3A_1771 = arith.constant 0 : index
      %get3A_1772 = vector.load %arg1[%get3A_1769, %get3A_1770, %get3A_1771] : memref<16x256x512xf32, #tpu.memory_space<vmem>>, vector<1x32x512xf32>
      %get3A_1773 = vector.shape_cast %get3A_1772 : vector<1x32x512xf32> to vector<32x512xf32>
      %get3A_1774 = arith.constant 40 : index
      %get3A_1775 = arith.constant 0 : index
      %get3A_1776 = vector.load %arg2[%get3A_1774, %get3A_1775] : memref<256x512xf32, #tpu.memory_space<vmem>>, vector<1x512xf32>
      %mul3A_1777 = vector.broadcast %get3A_1776 : vector<1x512xf32> to vector<32x512xf32>
      %mul3A_1778 = arith.mulf %get3A_1773, %mul3A_1777 : vector<32x512xf32>
      %add3A_1779 = arith.addf %add3A_1768, %mul3A_1778 : vector<32x512xf32>
      %get3A_1780 = arith.constant 3 : index
      %get3A_1781 = arith.index_cast %multiple_of3A : i32 to index
      %get3A_1782 = arith.constant 0 : index
      %get3A_1783 = vector.load %arg1[%get3A_1780, %get3A_1781, %get3A_1782] : memref<16x256x512xf32, #tpu.memory_space<vmem>>, vector<1x32x512xf32>
      %get3A_1784 = vector.shape_cast %get3A_1783 : vector<1x32x512xf32> to vector<32x512xf32>
      %get3A_1785 = arith.constant 56 : index
      %get3A_1786 = arith.constant 0 : index
      %get3A_1787 = vector.load %arg2[%get3A_1785, %get3A_1786] : memref<256x512xf32, #tpu.memory_space<vmem>>, vector<1x512xf32>
      %mul3A_1788 = vector.broadcast %get3A_1787 : vector<1x512xf32> to vector<32x512xf32>
      %mul3A_1789 = arith.mulf %get3A_1784, %mul3A_1788 : vector<32x512xf32>
      %add3A_1790 = arith.addf %add3A_1779, %mul3A_1789 : vector<32x512xf32>
      %get3A_1791 = arith.constant 4 : index
      %get3A_1792 = arith.index_cast %multiple_of3A : i32 to index
      %get3A_1793 = arith.constant 0 : index
      %get3A_1794 = vector.load %arg1[%get3A_1791, %get3A_1792, %get3A_1793] : memref<16x256x512xf32, #tpu.memory_space<vmem>>, vector<1x32x512xf32>
      %get3A_1795 = vector.shape_cast %get3A_1794 : vector<1x32x512xf32> to vector<32x512xf32>
      %get3A_1796 = arith.constant 72 : index
      %get3A_1797 = arith.constant 0 : index
      %get3A_1798 = vector.load %arg2[%get3A_1796, %get3A_1797] : memref<256x512xf32, #tpu.memory_space<vmem>>, vector<1x512xf32>
      %mul3A_1799 = vector.broadcast %get3A_1798 : vector<1x512xf32> to vector<32x512xf32>
      %mul3A_1800 = arith.mulf %get3A_1795, %mul3A_1799 : vector<32x512xf32>
      %add3A_1801 = arith.addf %add3A_1790, %mul3A_1800 : vector<32x512xf32>
      %get3A_1802 = arith.constant 5 : index
      %get3A_1803 = arith.index_cast %multiple_of3A : i32 to index
      %get3A_1804 = arith.constant 0 : index
      %get3A_1805 = vector.load %arg1[%get3A_1802, %get3A_1803, %get3A_1804] : memref<16x256x512xf32, #tpu.memory_space<vmem>>, vector<1x32x512xf32>
      %get3A_1806 = vector.shape_cast %get3A_1805 : vector<1x32x512xf32> to vector<32x512xf32>
      %get3A_1807 = arith.constant 88 : index
      %get3A_1808 = arith.constant 0 : index
      %get3A_1809 = vector.load %arg2[%get3A_1807, %get3A_1808] : memref<256x512xf32, #tpu.memory_space<vmem>>, vector<1x512xf32>
      %mul3A_1810 = vector.broadcast %get3A_1809 : vector<1x512xf32> to vector<32x512xf32>
      %mul3A_1811 = arith.mulf %get3A_1806, %mul3A_1810 : vector<32x512xf32>
      %add3A_1812 = arith.addf %add3A_1801, %mul3A_1811 : vector<32x512xf32>
      %get3A_1813 = arith.constant 6 : index
      %get3A_1814 = arith.index_cast %multiple_of3A : i32 to index
      %get3A_1815 = arith.constant 0 : index
      %get3A_1816 = vector.load %arg1[%get3A_1813, %get3A_1814, %get3A_1815] : memref<16x256x512xf32, #tpu.memory_space<vmem>>, vector<1x32x512xf32>
      %get3A_1817 = vector.shape_cast %get3A_1816 : vector<1x32x512xf32> to vector<32x512xf32>
      %get3A_1818 = arith.constant 104 : index
      %get3A_1819 = arith.constant 0 : index
      %get3A_1820 = vector.load %arg2[%get3A_1818, %get3A_1819] : memref<256x512xf32, #tpu.memory_space<vmem>>, vector<1x512xf32>
      %mul3A_1821 = vector.broadcast %get3A_1820 : vector<1x512xf32> to vector<32x512xf32>
      %mul3A_1822 = arith.mulf %get3A_1817, %mul3A_1821 : vector<32x512xf32>
      %add3A_1823 = arith.addf %add3A_1812, %mul3A_1822 : vector<32x512xf32>
      %get3A_1824 = arith.constant 7 : index
      %get3A_1825 = arith.index_cast %multiple_of3A : i32 to index
      %get3A_1826 = arith.constant 0 : index
      %get3A_1827 = vector.load %arg1[%get3A_1824, %get3A_1825, %get3A_1826] : memref<16x256x512xf32, #tpu.memory_space<vmem>>, vector<1x32x512xf32>
      %get3A_1828 = vector.shape_cast %get3A_1827 : vector<1x32x512xf32> to vector<32x512xf32>
      %get3A_1829 = arith.constant 120 : index
      %get3A_1830 = arith.constant 0 : index
      %get3A_1831 = vector.load %arg2[%get3A_1829, %get3A_1830] : memref<256x512xf32, #tpu.memory_space<vmem>>, vector<1x512xf32>
      %mul3A_1832 = vector.broadcast %get3A_1831 : vector<1x512xf32> to vector<32x512xf32>
      %mul3A_1833 = arith.mulf %get3A_1828, %mul3A_1832 : vector<32x512xf32>
      %add3A_1834 = arith.addf %add3A_1823, %mul3A_1833 : vector<32x512xf32>
      %get3A_1835 = arith.constant 8 : index
      %get3A_1836 = arith.index_cast %multiple_of3A : i32 to index
      %get3A_1837 = arith.constant 0 : index
      %get3A_1838 = vector.load %arg1[%get3A_1835, %get3A_1836, %get3A_1837] : memref<16x256x512xf32, #tpu.memory_space<vmem>>, vector<1x32x512xf32>
      %get3A_1839 = vector.shape_cast %get3A_1838 : vector<1x32x512xf32> to vector<32x512xf32>
      %get3A_1840 = arith.constant 136 : index
      %get3A_1841 = arith.constant 0 : index
      %get3A_1842 = vector.load %arg2[%get3A_1840, %get3A_1841] : memref<256x512xf32, #tpu.memory_space<vmem>>, vector<1x512xf32>
      %mul3A_1843 = vector.broadcast %get3A_1842 : vector<1x512xf32> to vector<32x512xf32>
      %mul3A_1844 = arith.mulf %get3A_1839, %mul3A_1843 : vector<32x512xf32>
      %add3A_1845 = arith.addf %add3A_1834, %mul3A_1844 : vector<32x512xf32>
      %get3A_1846 = arith.constant 9 : index
      %get3A_1847 = arith.index_cast %multiple_of3A : i32 to index
      %get3A_1848 = arith.constant 0 : index
      %get3A_1849 = vector.load %arg1[%get3A_1846, %get3A_1847, %get3A_1848] : memref<16x256x512xf32, #tpu.memory_space<vmem>>, vector<1x32x512xf32>
      %get3A_1850 = vector.shape_cast %get3A_1849 : vector<1x32x512xf32> to vector<32x512xf32>
      %get3A_1851 = arith.constant 152 : index
      %get3A_1852 = arith.constant 0 : index
      %get3A_1853 = vector.load %arg2[%get3A_1851, %get3A_1852] : memref<256x512xf32, #tpu.memory_space<vmem>>, vector<1x512xf32>
      %mul3A_1854 = vector.broadcast %get3A_1853 : vector<1x512xf32> to vector<32x512xf32>
      %mul3A_1855 = arith.mulf %get3A_1850, %mul3A_1854 : vector<32x512xf32>
      %add3A_1856 = arith.addf %add3A_1845, %mul3A_1855 : vector<32x512xf32>
      %get3A_1857 = arith.constant 10 : index
      %get3A_1858 = arith.index_cast %multiple_of3A : i32 to index
      %get3A_1859 = arith.constant 0 : index
      %get3A_1860 = vector.load %arg1[%get3A_1857, %get3A_1858, %get3A_1859] : memref<16x256x512xf32, #tpu.memory_space<vmem>>, vector<1x32x512xf32>
      %get3A_1861 = vector.shape_cast %get3A_1860 : vector<1x32x512xf32> to vector<32x512xf32>
      %get3A_1862 = arith.constant 168 : index
      %get3A_1863 = arith.constant 0 : index
      %get3A_1864 = vector.load %arg2[%get3A_1862, %get3A_1863] : memref<256x512xf32, #tpu.memory_space<vmem>>, vector<1x512xf32>
      %mul3A_1865 = vector.broadcast %get3A_1864 : vector<1x512xf32> to vector<32x512xf32>
      %mul3A_1866 = arith.mulf %get3A_1861, %mul3A_1865 : vector<32x512xf32>
      %add3A_1867 = arith.addf %add3A_1856, %mul3A_1866 : vector<32x512xf32>
      %get3A_1868 = arith.constant 11 : index
      %get3A_1869 = arith.index_cast %multiple_of3A : i32 to index
      %get3A_1870 = arith.constant 0 : index
      %get3A_1871 = vector.load %arg1[%get3A_1868, %get3A_1869, %get3A_1870] : memref<16x256x512xf32, #tpu.memory_space<vmem>>, vector<1x32x512xf32>
      %get3A_1872 = vector.shape_cast %get3A_1871 : vector<1x32x512xf32> to vector<32x512xf32>
      %get3A_1873 = arith.constant 184 : index
      %get3A_1874 = arith.constant 0 : index
      %get3A_1875 = vector.load %arg2[%get3A_1873, %get3A_1874] : memref<256x512xf32, #tpu.memory_space<vmem>>, vector<1x512xf32>
      %mul3A_1876 = vector.broadcast %get3A_1875 : vector<1x512xf32> to vector<32x512xf32>
      %mul3A_1877 = arith.mulf %get3A_1872, %mul3A_1876 : vector<32x512xf32>
      %add3A_1878 = arith.addf %add3A_1867, %mul3A_1877 : vector<32x512xf32>
      %get3A_1879 = arith.constant 12 : index
      %get3A_1880 = arith.index_cast %multiple_of3A : i32 to index
      %get3A_1881 = arith.constant 0 : index
      %get3A_1882 = vector.load %arg1[%get3A_1879, %get3A_1880, %get3A_1881] : memref<16x256x512xf32, #tpu.memory_space<vmem>>, vector<1x32x512xf32>
      %get3A_1883 = vector.shape_cast %get3A_1882 : vector<1x32x512xf32> to vector<32x512xf32>
      %get3A_1884 = arith.constant 200 : index
      %get3A_1885 = arith.constant 0 : index
      %get3A_1886 = vector.load %arg2[%get3A_1884, %get3A_1885] : memref<256x512xf32, #tpu.memory_space<vmem>>, vector<1x512xf32>
      %mul3A_1887 = vector.broadcast %get3A_1886 : vector<1x512xf32> to vector<32x512xf32>
      %mul3A_1888 = arith.mulf %get3A_1883, %mul3A_1887 : vector<32x512xf32>
      %add3A_1889 = arith.addf %add3A_1878, %mul3A_1888 : vector<32x512xf32>
      %get3A_1890 = arith.constant 13 : index
      %get3A_1891 = arith.index_cast %multiple_of3A : i32 to index
      %get3A_1892 = arith.constant 0 : index
      %get3A_1893 = vector.load %arg1[%get3A_1890, %get3A_1891, %get3A_1892] : memref<16x256x512xf32, #tpu.memory_space<vmem>>, vector<1x32x512xf32>
      %get3A_1894 = vector.shape_cast %get3A_1893 : vector<1x32x512xf32> to vector<32x512xf32>
      %get3A_1895 = arith.constant 216 : index
      %get3A_1896 = arith.constant 0 : index
      %get3A_1897 = vector.load %arg2[%get3A_1895, %get3A_1896] : memref<256x512xf32, #tpu.memory_space<vmem>>, vector<1x512xf32>
      %mul3A_1898 = vector.broadcast %get3A_1897 : vector<1x512xf32> to vector<32x512xf32>
      %mul3A_1899 = arith.mulf %get3A_1894, %mul3A_1898 : vector<32x512xf32>
      %add3A_1900 = arith.addf %add3A_1889, %mul3A_1899 : vector<32x512xf32>
      %get3A_1901 = arith.constant 14 : index
      %get3A_1902 = arith.index_cast %multiple_of3A : i32 to index
      %get3A_1903 = arith.constant 0 : index
      %get3A_1904 = vector.load %arg1[%get3A_1901, %get3A_1902, %get3A_1903] : memref<16x256x512xf32, #tpu.memory_space<vmem>>, vector<1x32x512xf32>
      %get3A_1905 = vector.shape_cast %get3A_1904 : vector<1x32x512xf32> to vector<32x512xf32>
      %get3A_1906 = arith.constant 232 : index
      %get3A_1907 = arith.constant 0 : index
      %get3A_1908 = vector.load %arg2[%get3A_1906, %get3A_1907] : memref<256x512xf32, #tpu.memory_space<vmem>>, vector<1x512xf32>
      %mul3A_1909 = vector.broadcast %get3A_1908 : vector<1x512xf32> to vector<32x512xf32>
      %mul3A_1910 = arith.mulf %get3A_1905, %mul3A_1909 : vector<32x512xf32>
      %add3A_1911 = arith.addf %add3A_1900, %mul3A_1910 : vector<32x512xf32>
      %get3A_1912 = arith.constant 15 : index
      %get3A_1913 = arith.index_cast %multiple_of3A : i32 to index
      %get3A_1914 = arith.constant 0 : index
      %get3A_1915 = vector.load %arg1[%get3A_1912, %get3A_1913, %get3A_1914] : memref<16x256x512xf32, #tpu.memory_space<vmem>>, vector<1x32x512xf32>
      %get3A_1916 = vector.shape_cast %get3A_1915 : vector<1x32x512xf32> to vector<32x512xf32>
      %get3A_1917 = arith.constant 248 : index
      %get3A_1918 = arith.constant 0 : index
      %get3A_1919 = vector.load %arg2[%get3A_1917, %get3A_1918] : memref<256x512xf32, #tpu.memory_space<vmem>>, vector<1x512xf32>
      %mul3A_1920 = vector.broadcast %get3A_1919 : vector<1x512xf32> to vector<32x512xf32>
      %mul3A_1921 = arith.mulf %get3A_1916, %mul3A_1920 : vector<32x512xf32>
      %add3A_1922 = arith.addf %add3A_1911, %mul3A_1921 : vector<32x512xf32>
      %mul3A_1923 = arith.constant 5.000000e-01 : f32
      %mul3A_1924 = vector.broadcast %mul3A_1923 : f32 to vector<32x512xf32>
      %mul3A_1925 = arith.mulf %mul3A_1924, %add3A_1922 : vector<32x512xf32>
      %tanh3A_1926 = math.tanh %mul3A_1925 : vector<32x512xf32>
      %mul3A_1927 = arith.constant 5.000000e-01 : f32
      %mul3A_1928 = vector.broadcast %mul3A_1927 : f32 to vector<32x512xf32>
      %mul3A_1929 = arith.mulf %mul3A_1928, %tanh3A_1926 : vector<32x512xf32>
      %add3A_1930 = arith.constant 5.000000e-01 : f32
      %add3A_1931 = vector.broadcast %add3A_1930 : f32 to vector<32x512xf32>
      %add3A_1932 = arith.addf %mul3A_1929, %add3A_1931 : vector<32x512xf32>
      %get3A_1933 = arith.constant 8 : index
      %get3A_1934 = arith.constant 0 : index
      %get3A_1935 = vector.load %arg4[%get3A_1933, %get3A_1934] : memref<16x512xf32, #tpu.memory_space<vmem>>, vector<1x512xf32>
      %mul3A_1936 = vector.broadcast %get3A_1935 : vector<1x512xf32> to vector<32x512xf32>
      %mul3A_1937 = arith.mulf %add3A_1932, %mul3A_1936 : vector<32x512xf32>
      %add3A_1938 = arith.addf %add3A_1741, %mul3A_1937 : vector<32x512xf32>
      %get3A_1939 = arith.constant 9 : index
      %get3A_1940 = arith.constant 0 : index
      %get3A_1941 = vector.load %arg3[%get3A_1939, %get3A_1940] : memref<16x512xf32, #tpu.memory_space<vmem>>, vector<1x512xf32>
      %broadcast_in_dim3A_1942 = vector.shape_cast %get3A_1941 : vector<1x512xf32> to vector<1x512xf32>
      %broadcast_in_dim3A_1943 = vector.broadcast %broadcast_in_dim3A_1942 : vector<1x512xf32> to vector<32x512xf32>
      %get3A_1944 = arith.constant 0 : index
      %get3A_1945 = arith.index_cast %multiple_of3A : i32 to index
      %get3A_1946 = arith.constant 0 : index
      %get3A_1947 = vector.load %arg1[%get3A_1944, %get3A_1945, %get3A_1946] : memref<16x256x512xf32, #tpu.memory_space<vmem>>, vector<1x32x512xf32>
      %get3A_1948 = vector.shape_cast %get3A_1947 : vector<1x32x512xf32> to vector<32x512xf32>
      %get3A_1949 = arith.constant 9 : index
      %get3A_1950 = arith.constant 0 : index
      %get3A_1951 = vector.load %arg2[%get3A_1949, %get3A_1950] : memref<256x512xf32, #tpu.memory_space<vmem>>, vector<1x512xf32>
      %mul3A_1952 = vector.broadcast %get3A_1951 : vector<1x512xf32> to vector<32x512xf32>
      %mul3A_1953 = arith.mulf %get3A_1948, %mul3A_1952 : vector<32x512xf32>
      %add3A_1954 = arith.addf %broadcast_in_dim3A_1943, %mul3A_1953 : vector<32x512xf32>
      %get3A_1955 = arith.constant 1 : index
      %get3A_1956 = arith.index_cast %multiple_of3A : i32 to index
      %get3A_1957 = arith.constant 0 : index
      %get3A_1958 = vector.load %arg1[%get3A_1955, %get3A_1956, %get3A_1957] : memref<16x256x512xf32, #tpu.memory_space<vmem>>, vector<1x32x512xf32>
      %get3A_1959 = vector.shape_cast %get3A_1958 : vector<1x32x512xf32> to vector<32x512xf32>
      %get3A_1960 = arith.constant 25 : index
      %get3A_1961 = arith.constant 0 : index
      %get3A_1962 = vector.load %arg2[%get3A_1960, %get3A_1961] : memref<256x512xf32, #tpu.memory_space<vmem>>, vector<1x512xf32>
      %mul3A_1963 = vector.broadcast %get3A_1962 : vector<1x512xf32> to vector<32x512xf32>
      %mul3A_1964 = arith.mulf %get3A_1959, %mul3A_1963 : vector<32x512xf32>
      %add3A_1965 = arith.addf %add3A_1954, %mul3A_1964 : vector<32x512xf32>
      %get3A_1966 = arith.constant 2 : index
      %get3A_1967 = arith.index_cast %multiple_of3A : i32 to index
      %get3A_1968 = arith.constant 0 : index
      %get3A_1969 = vector.load %arg1[%get3A_1966, %get3A_1967, %get3A_1968] : memref<16x256x512xf32, #tpu.memory_space<vmem>>, vector<1x32x512xf32>
      %get3A_1970 = vector.shape_cast %get3A_1969 : vector<1x32x512xf32> to vector<32x512xf32>
      %get3A_1971 = arith.constant 41 : index
      %get3A_1972 = arith.constant 0 : index
      %get3A_1973 = vector.load %arg2[%get3A_1971, %get3A_1972] : memref<256x512xf32, #tpu.memory_space<vmem>>, vector<1x512xf32>
      %mul3A_1974 = vector.broadcast %get3A_1973 : vector<1x512xf32> to vector<32x512xf32>
      %mul3A_1975 = arith.mulf %get3A_1970, %mul3A_1974 : vector<32x512xf32>
      %add3A_1976 = arith.addf %add3A_1965, %mul3A_1975 : vector<32x512xf32>
      %get3A_1977 = arith.constant 3 : index
      %get3A_1978 = arith.index_cast %multiple_of3A : i32 to index
      %get3A_1979 = arith.constant 0 : index
      %get3A_1980 = vector.load %arg1[%get3A_1977, %get3A_1978, %get3A_1979] : memref<16x256x512xf32, #tpu.memory_space<vmem>>, vector<1x32x512xf32>
      %get3A_1981 = vector.shape_cast %get3A_1980 : vector<1x32x512xf32> to vector<32x512xf32>
      %get3A_1982 = arith.constant 57 : index
      %get3A_1983 = arith.constant 0 : index
      %get3A_1984 = vector.load %arg2[%get3A_1982, %get3A_1983] : memref<256x512xf32, #tpu.memory_space<vmem>>, vector<1x512xf32>
      %mul3A_1985 = vector.broadcast %get3A_1984 : vector<1x512xf32> to vector<32x512xf32>
      %mul3A_1986 = arith.mulf %get3A_1981, %mul3A_1985 : vector<32x512xf32>
      %add3A_1987 = arith.addf %add3A_1976, %mul3A_1986 : vector<32x512xf32>
      %get3A_1988 = arith.constant 4 : index
      %get3A_1989 = arith.index_cast %multiple_of3A : i32 to index
      %get3A_1990 = arith.constant 0 : index
      %get3A_1991 = vector.load %arg1[%get3A_1988, %get3A_1989, %get3A_1990] : memref<16x256x512xf32, #tpu.memory_space<vmem>>, vector<1x32x512xf32>
      %get3A_1992 = vector.shape_cast %get3A_1991 : vector<1x32x512xf32> to vector<32x512xf32>
      %get3A_1993 = arith.constant 73 : index
      %get3A_1994 = arith.constant 0 : index
      %get3A_1995 = vector.load %arg2[%get3A_1993, %get3A_1994] : memref<256x512xf32, #tpu.memory_space<vmem>>, vector<1x512xf32>
      %mul3A_1996 = vector.broadcast %get3A_1995 : vector<1x512xf32> to vector<32x512xf32>
      %mul3A_1997 = arith.mulf %get3A_1992, %mul3A_1996 : vector<32x512xf32>
      %add3A_1998 = arith.addf %add3A_1987, %mul3A_1997 : vector<32x512xf32>
      %get3A_1999 = arith.constant 5 : index
      %get3A_2000 = arith.index_cast %multiple_of3A : i32 to index
      %get3A_2001 = arith.constant 0 : index
      %get3A_2002 = vector.load %arg1[%get3A_1999, %get3A_2000, %get3A_2001] : memref<16x256x512xf32, #tpu.memory_space<vmem>>, vector<1x32x512xf32>
      %get3A_2003 = vector.shape_cast %get3A_2002 : vector<1x32x512xf32> to vector<32x512xf32>
      %get3A_2004 = arith.constant 89 : index
      %get3A_2005 = arith.constant 0 : index
      %get3A_2006 = vector.load %arg2[%get3A_2004, %get3A_2005] : memref<256x512xf32, #tpu.memory_space<vmem>>, vector<1x512xf32>
      %mul3A_2007 = vector.broadcast %get3A_2006 : vector<1x512xf32> to vector<32x512xf32>
      %mul3A_2008 = arith.mulf %get3A_2003, %mul3A_2007 : vector<32x512xf32>
      %add3A_2009 = arith.addf %add3A_1998, %mul3A_2008 : vector<32x512xf32>
      %get3A_2010 = arith.constant 6 : index
      %get3A_2011 = arith.index_cast %multiple_of3A : i32 to index
      %get3A_2012 = arith.constant 0 : index
      %get3A_2013 = vector.load %arg1[%get3A_2010, %get3A_2011, %get3A_2012] : memref<16x256x512xf32, #tpu.memory_space<vmem>>, vector<1x32x512xf32>
      %get3A_2014 = vector.shape_cast %get3A_2013 : vector<1x32x512xf32> to vector<32x512xf32>
      %get3A_2015 = arith.constant 105 : index
      %get3A_2016 = arith.constant 0 : index
      %get3A_2017 = vector.load %arg2[%get3A_2015, %get3A_2016] : memref<256x512xf32, #tpu.memory_space<vmem>>, vector<1x512xf32>
      %mul3A_2018 = vector.broadcast %get3A_2017 : vector<1x512xf32> to vector<32x512xf32>
      %mul3A_2019 = arith.mulf %get3A_2014, %mul3A_2018 : vector<32x512xf32>
      %add3A_2020 = arith.addf %add3A_2009, %mul3A_2019 : vector<32x512xf32>
      %get3A_2021 = arith.constant 7 : index
      %get3A_2022 = arith.index_cast %multiple_of3A : i32 to index
      %get3A_2023 = arith.constant 0 : index
      %get3A_2024 = vector.load %arg1[%get3A_2021, %get3A_2022, %get3A_2023] : memref<16x256x512xf32, #tpu.memory_space<vmem>>, vector<1x32x512xf32>
      %get3A_2025 = vector.shape_cast %get3A_2024 : vector<1x32x512xf32> to vector<32x512xf32>
      %get3A_2026 = arith.constant 121 : index
      %get3A_2027 = arith.constant 0 : index
      %get3A_2028 = vector.load %arg2[%get3A_2026, %get3A_2027] : memref<256x512xf32, #tpu.memory_space<vmem>>, vector<1x512xf32>
      %mul3A_2029 = vector.broadcast %get3A_2028 : vector<1x512xf32> to vector<32x512xf32>
      %mul3A_2030 = arith.mulf %get3A_2025, %mul3A_2029 : vector<32x512xf32>
      %add3A_2031 = arith.addf %add3A_2020, %mul3A_2030 : vector<32x512xf32>
      %get3A_2032 = arith.constant 8 : index
      %get3A_2033 = arith.index_cast %multiple_of3A : i32 to index
      %get3A_2034 = arith.constant 0 : index
      %get3A_2035 = vector.load %arg1[%get3A_2032, %get3A_2033, %get3A_2034] : memref<16x256x512xf32, #tpu.memory_space<vmem>>, vector<1x32x512xf32>
      %get3A_2036 = vector.shape_cast %get3A_2035 : vector<1x32x512xf32> to vector<32x512xf32>
      %get3A_2037 = arith.constant 137 : index
      %get3A_2038 = arith.constant 0 : index
      %get3A_2039 = vector.load %arg2[%get3A_2037, %get3A_2038] : memref<256x512xf32, #tpu.memory_space<vmem>>, vector<1x512xf32>
      %mul3A_2040 = vector.broadcast %get3A_2039 : vector<1x512xf32> to vector<32x512xf32>
      %mul3A_2041 = arith.mulf %get3A_2036, %mul3A_2040 : vector<32x512xf32>
      %add3A_2042 = arith.addf %add3A_2031, %mul3A_2041 : vector<32x512xf32>
      %get3A_2043 = arith.constant 9 : index
      %get3A_2044 = arith.index_cast %multiple_of3A : i32 to index
      %get3A_2045 = arith.constant 0 : index
      %get3A_2046 = vector.load %arg1[%get3A_2043, %get3A_2044, %get3A_2045] : memref<16x256x512xf32, #tpu.memory_space<vmem>>, vector<1x32x512xf32>
      %get3A_2047 = vector.shape_cast %get3A_2046 : vector<1x32x512xf32> to vector<32x512xf32>
      %get3A_2048 = arith.constant 153 : index
      %get3A_2049 = arith.constant 0 : index
      %get3A_2050 = vector.load %arg2[%get3A_2048, %get3A_2049] : memref<256x512xf32, #tpu.memory_space<vmem>>, vector<1x512xf32>
      %mul3A_2051 = vector.broadcast %get3A_2050 : vector<1x512xf32> to vector<32x512xf32>
      %mul3A_2052 = arith.mulf %get3A_2047, %mul3A_2051 : vector<32x512xf32>
      %add3A_2053 = arith.addf %add3A_2042, %mul3A_2052 : vector<32x512xf32>
      %get3A_2054 = arith.constant 10 : index
      %get3A_2055 = arith.index_cast %multiple_of3A : i32 to index
      %get3A_2056 = arith.constant 0 : index
      %get3A_2057 = vector.load %arg1[%get3A_2054, %get3A_2055, %get3A_2056] : memref<16x256x512xf32, #tpu.memory_space<vmem>>, vector<1x32x512xf32>
      %get3A_2058 = vector.shape_cast %get3A_2057 : vector<1x32x512xf32> to vector<32x512xf32>
      %get3A_2059 = arith.constant 169 : index
      %get3A_2060 = arith.constant 0 : index
      %get3A_2061 = vector.load %arg2[%get3A_2059, %get3A_2060] : memref<256x512xf32, #tpu.memory_space<vmem>>, vector<1x512xf32>
      %mul3A_2062 = vector.broadcast %get3A_2061 : vector<1x512xf32> to vector<32x512xf32>
      %mul3A_2063 = arith.mulf %get3A_2058, %mul3A_2062 : vector<32x512xf32>
      %add3A_2064 = arith.addf %add3A_2053, %mul3A_2063 : vector<32x512xf32>
      %get3A_2065 = arith.constant 11 : index
      %get3A_2066 = arith.index_cast %multiple_of3A : i32 to index
      %get3A_2067 = arith.constant 0 : index
      %get3A_2068 = vector.load %arg1[%get3A_2065, %get3A_2066, %get3A_2067] : memref<16x256x512xf32, #tpu.memory_space<vmem>>, vector<1x32x512xf32>
      %get3A_2069 = vector.shape_cast %get3A_2068 : vector<1x32x512xf32> to vector<32x512xf32>
      %get3A_2070 = arith.constant 185 : index
      %get3A_2071 = arith.constant 0 : index
      %get3A_2072 = vector.load %arg2[%get3A_2070, %get3A_2071] : memref<256x512xf32, #tpu.memory_space<vmem>>, vector<1x512xf32>
      %mul3A_2073 = vector.broadcast %get3A_2072 : vector<1x512xf32> to vector<32x512xf32>
      %mul3A_2074 = arith.mulf %get3A_2069, %mul3A_2073 : vector<32x512xf32>
      %add3A_2075 = arith.addf %add3A_2064, %mul3A_2074 : vector<32x512xf32>
      %get3A_2076 = arith.constant 12 : index
      %get3A_2077 = arith.index_cast %multiple_of3A : i32 to index
      %get3A_2078 = arith.constant 0 : index
      %get3A_2079 = vector.load %arg1[%get3A_2076, %get3A_2077, %get3A_2078] : memref<16x256x512xf32, #tpu.memory_space<vmem>>, vector<1x32x512xf32>
      %get3A_2080 = vector.shape_cast %get3A_2079 : vector<1x32x512xf32> to vector<32x512xf32>
      %get3A_2081 = arith.constant 201 : index
      %get3A_2082 = arith.constant 0 : index
      %get3A_2083 = vector.load %arg2[%get3A_2081, %get3A_2082] : memref<256x512xf32, #tpu.memory_space<vmem>>, vector<1x512xf32>
      %mul3A_2084 = vector.broadcast %get3A_2083 : vector<1x512xf32> to vector<32x512xf32>
      %mul3A_2085 = arith.mulf %get3A_2080, %mul3A_2084 : vector<32x512xf32>
      %add3A_2086 = arith.addf %add3A_2075, %mul3A_2085 : vector<32x512xf32>
      %get3A_2087 = arith.constant 13 : index
      %get3A_2088 = arith.index_cast %multiple_of3A : i32 to index
      %get3A_2089 = arith.constant 0 : index
      %get3A_2090 = vector.load %arg1[%get3A_2087, %get3A_2088, %get3A_2089] : memref<16x256x512xf32, #tpu.memory_space<vmem>>, vector<1x32x512xf32>
      %get3A_2091 = vector.shape_cast %get3A_2090 : vector<1x32x512xf32> to vector<32x512xf32>
      %get3A_2092 = arith.constant 217 : index
      %get3A_2093 = arith.constant 0 : index
      %get3A_2094 = vector.load %arg2[%get3A_2092, %get3A_2093] : memref<256x512xf32, #tpu.memory_space<vmem>>, vector<1x512xf32>
      %mul3A_2095 = vector.broadcast %get3A_2094 : vector<1x512xf32> to vector<32x512xf32>
      %mul3A_2096 = arith.mulf %get3A_2091, %mul3A_2095 : vector<32x512xf32>
      %add3A_2097 = arith.addf %add3A_2086, %mul3A_2096 : vector<32x512xf32>
      %get3A_2098 = arith.constant 14 : index
      %get3A_2099 = arith.index_cast %multiple_of3A : i32 to index
      %get3A_2100 = arith.constant 0 : index
      %get3A_2101 = vector.load %arg1[%get3A_2098, %get3A_2099, %get3A_2100] : memref<16x256x512xf32, #tpu.memory_space<vmem>>, vector<1x32x512xf32>
      %get3A_2102 = vector.shape_cast %get3A_2101 : vector<1x32x512xf32> to vector<32x512xf32>
      %get3A_2103 = arith.constant 233 : index
      %get3A_2104 = arith.constant 0 : index
      %get3A_2105 = vector.load %arg2[%get3A_2103, %get3A_2104] : memref<256x512xf32, #tpu.memory_space<vmem>>, vector<1x512xf32>
      %mul3A_2106 = vector.broadcast %get3A_2105 : vector<1x512xf32> to vector<32x512xf32>
      %mul3A_2107 = arith.mulf %get3A_2102, %mul3A_2106 : vector<32x512xf32>
      %add3A_2108 = arith.addf %add3A_2097, %mul3A_2107 : vector<32x512xf32>
      %get3A_2109 = arith.constant 15 : index
      %get3A_2110 = arith.index_cast %multiple_of3A : i32 to index
      %get3A_2111 = arith.constant 0 : index
      %get3A_2112 = vector.load %arg1[%get3A_2109, %get3A_2110, %get3A_2111] : memref<16x256x512xf32, #tpu.memory_space<vmem>>, vector<1x32x512xf32>
      %get3A_2113 = vector.shape_cast %get3A_2112 : vector<1x32x512xf32> to vector<32x512xf32>
      %get3A_2114 = arith.constant 249 : index
      %get3A_2115 = arith.constant 0 : index
      %get3A_2116 = vector.load %arg2[%get3A_2114, %get3A_2115] : memref<256x512xf32, #tpu.memory_space<vmem>>, vector<1x512xf32>
      %mul3A_2117 = vector.broadcast %get3A_2116 : vector<1x512xf32> to vector<32x512xf32>
      %mul3A_2118 = arith.mulf %get3A_2113, %mul3A_2117 : vector<32x512xf32>
      %add3A_2119 = arith.addf %add3A_2108, %mul3A_2118 : vector<32x512xf32>
      %mul3A_2120 = arith.constant 5.000000e-01 : f32
      %mul3A_2121 = vector.broadcast %mul3A_2120 : f32 to vector<32x512xf32>
      %mul3A_2122 = arith.mulf %mul3A_2121, %add3A_2119 : vector<32x512xf32>
      %tanh3A_2123 = math.tanh %mul3A_2122 : vector<32x512xf32>
      %mul3A_2124 = arith.constant 5.000000e-01 : f32
      %mul3A_2125 = vector.broadcast %mul3A_2124 : f32 to vector<32x512xf32>
      %mul3A_2126 = arith.mulf %mul3A_2125, %tanh3A_2123 : vector<32x512xf32>
      %add3A_2127 = arith.constant 5.000000e-01 : f32
      %add3A_2128 = vector.broadcast %add3A_2127 : f32 to vector<32x512xf32>
      %add3A_2129 = arith.addf %mul3A_2126, %add3A_2128 : vector<32x512xf32>
      %get3A_2130 = arith.constant 9 : index
      %get3A_2131 = arith.constant 0 : index
      %get3A_2132 = vector.load %arg4[%get3A_2130, %get3A_2131] : memref<16x512xf32, #tpu.memory_space<vmem>>, vector<1x512xf32>
      %mul3A_2133 = vector.broadcast %get3A_2132 : vector<1x512xf32> to vector<32x512xf32>
      %mul3A_2134 = arith.mulf %add3A_2129, %mul3A_2133 : vector<32x512xf32>
      %add3A_2135 = arith.addf %add3A_1938, %mul3A_2134 : vector<32x512xf32>
      %get3A_2136 = arith.constant 10 : index
      %get3A_2137 = arith.constant 0 : index
      %get3A_2138 = vector.load %arg3[%get3A_2136, %get3A_2137] : memref<16x512xf32, #tpu.memory_space<vmem>>, vector<1x512xf32>
      %broadcast_in_dim3A_2139 = vector.shape_cast %get3A_2138 : vector<1x512xf32> to vector<1x512xf32>
      %broadcast_in_dim3A_2140 = vector.broadcast %broadcast_in_dim3A_2139 : vector<1x512xf32> to vector<32x512xf32>
      %get3A_2141 = arith.constant 0 : index
      %get3A_2142 = arith.index_cast %multiple_of3A : i32 to index
      %get3A_2143 = arith.constant 0 : index
      %get3A_2144 = vector.load %arg1[%get3A_2141, %get3A_2142, %get3A_2143] : memref<16x256x512xf32, #tpu.memory_space<vmem>>, vector<1x32x512xf32>
      %get3A_2145 = vector.shape_cast %get3A_2144 : vector<1x32x512xf32> to vector<32x512xf32>
      %get3A_2146 = arith.constant 10 : index
      %get3A_2147 = arith.constant 0 : index
      %get3A_2148 = vector.load %arg2[%get3A_2146, %get3A_2147] : memref<256x512xf32, #tpu.memory_space<vmem>>, vector<1x512xf32>
      %mul3A_2149 = vector.broadcast %get3A_2148 : vector<1x512xf32> to vector<32x512xf32>
      %mul3A_2150 = arith.mulf %get3A_2145, %mul3A_2149 : vector<32x512xf32>
      %add3A_2151 = arith.addf %broadcast_in_dim3A_2140, %mul3A_2150 : vector<32x512xf32>
      %get3A_2152 = arith.constant 1 : index
      %get3A_2153 = arith.index_cast %multiple_of3A : i32 to index
      %get3A_2154 = arith.constant 0 : index
      %get3A_2155 = vector.load %arg1[%get3A_2152, %get3A_2153, %get3A_2154] : memref<16x256x512xf32, #tpu.memory_space<vmem>>, vector<1x32x512xf32>
      %get3A_2156 = vector.shape_cast %get3A_2155 : vector<1x32x512xf32> to vector<32x512xf32>
      %get3A_2157 = arith.constant 26 : index
      %get3A_2158 = arith.constant 0 : index
      %get3A_2159 = vector.load %arg2[%get3A_2157, %get3A_2158] : memref<256x512xf32, #tpu.memory_space<vmem>>, vector<1x512xf32>
      %mul3A_2160 = vector.broadcast %get3A_2159 : vector<1x512xf32> to vector<32x512xf32>
      %mul3A_2161 = arith.mulf %get3A_2156, %mul3A_2160 : vector<32x512xf32>
      %add3A_2162 = arith.addf %add3A_2151, %mul3A_2161 : vector<32x512xf32>
      %get3A_2163 = arith.constant 2 : index
      %get3A_2164 = arith.index_cast %multiple_of3A : i32 to index
      %get3A_2165 = arith.constant 0 : index
      %get3A_2166 = vector.load %arg1[%get3A_2163, %get3A_2164, %get3A_2165] : memref<16x256x512xf32, #tpu.memory_space<vmem>>, vector<1x32x512xf32>
      %get3A_2167 = vector.shape_cast %get3A_2166 : vector<1x32x512xf32> to vector<32x512xf32>
      %get3A_2168 = arith.constant 42 : index
      %get3A_2169 = arith.constant 0 : index
      %get3A_2170 = vector.load %arg2[%get3A_2168, %get3A_2169] : memref<256x512xf32, #tpu.memory_space<vmem>>, vector<1x512xf32>
      %mul3A_2171 = vector.broadcast %get3A_2170 : vector<1x512xf32> to vector<32x512xf32>
      %mul3A_2172 = arith.mulf %get3A_2167, %mul3A_2171 : vector<32x512xf32>
      %add3A_2173 = arith.addf %add3A_2162, %mul3A_2172 : vector<32x512xf32>
      %get3A_2174 = arith.constant 3 : index
      %get3A_2175 = arith.index_cast %multiple_of3A : i32 to index
      %get3A_2176 = arith.constant 0 : index
      %get3A_2177 = vector.load %arg1[%get3A_2174, %get3A_2175, %get3A_2176] : memref<16x256x512xf32, #tpu.memory_space<vmem>>, vector<1x32x512xf32>
      %get3A_2178 = vector.shape_cast %get3A_2177 : vector<1x32x512xf32> to vector<32x512xf32>
      %get3A_2179 = arith.constant 58 : index
      %get3A_2180 = arith.constant 0 : index
      %get3A_2181 = vector.load %arg2[%get3A_2179, %get3A_2180] : memref<256x512xf32, #tpu.memory_space<vmem>>, vector<1x512xf32>
      %mul3A_2182 = vector.broadcast %get3A_2181 : vector<1x512xf32> to vector<32x512xf32>
      %mul3A_2183 = arith.mulf %get3A_2178, %mul3A_2182 : vector<32x512xf32>
      %add3A_2184 = arith.addf %add3A_2173, %mul3A_2183 : vector<32x512xf32>
      %get3A_2185 = arith.constant 4 : index
      %get3A_2186 = arith.index_cast %multiple_of3A : i32 to index
      %get3A_2187 = arith.constant 0 : index
      %get3A_2188 = vector.load %arg1[%get3A_2185, %get3A_2186, %get3A_2187] : memref<16x256x512xf32, #tpu.memory_space<vmem>>, vector<1x32x512xf32>
      %get3A_2189 = vector.shape_cast %get3A_2188 : vector<1x32x512xf32> to vector<32x512xf32>
      %get3A_2190 = arith.constant 74 : index
      %get3A_2191 = arith.constant 0 : index
      %get3A_2192 = vector.load %arg2[%get3A_2190, %get3A_2191] : memref<256x512xf32, #tpu.memory_space<vmem>>, vector<1x512xf32>
      %mul3A_2193 = vector.broadcast %get3A_2192 : vector<1x512xf32> to vector<32x512xf32>
      %mul3A_2194 = arith.mulf %get3A_2189, %mul3A_2193 : vector<32x512xf32>
      %add3A_2195 = arith.addf %add3A_2184, %mul3A_2194 : vector<32x512xf32>
      %get3A_2196 = arith.constant 5 : index
      %get3A_2197 = arith.index_cast %multiple_of3A : i32 to index
      %get3A_2198 = arith.constant 0 : index
      %get3A_2199 = vector.load %arg1[%get3A_2196, %get3A_2197, %get3A_2198] : memref<16x256x512xf32, #tpu.memory_space<vmem>>, vector<1x32x512xf32>
      %get3A_2200 = vector.shape_cast %get3A_2199 : vector<1x32x512xf32> to vector<32x512xf32>
      %get3A_2201 = arith.constant 90 : index
      %get3A_2202 = arith.constant 0 : index
      %get3A_2203 = vector.load %arg2[%get3A_2201, %get3A_2202] : memref<256x512xf32, #tpu.memory_space<vmem>>, vector<1x512xf32>
      %mul3A_2204 = vector.broadcast %get3A_2203 : vector<1x512xf32> to vector<32x512xf32>
      %mul3A_2205 = arith.mulf %get3A_2200, %mul3A_2204 : vector<32x512xf32>
      %add3A_2206 = arith.addf %add3A_2195, %mul3A_2205 : vector<32x512xf32>
      %get3A_2207 = arith.constant 6 : index
      %get3A_2208 = arith.index_cast %multiple_of3A : i32 to index
      %get3A_2209 = arith.constant 0 : index
      %get3A_2210 = vector.load %arg1[%get3A_2207, %get3A_2208, %get3A_2209] : memref<16x256x512xf32, #tpu.memory_space<vmem>>, vector<1x32x512xf32>
      %get3A_2211 = vector.shape_cast %get3A_2210 : vector<1x32x512xf32> to vector<32x512xf32>
      %get3A_2212 = arith.constant 106 : index
      %get3A_2213 = arith.constant 0 : index
      %get3A_2214 = vector.load %arg2[%get3A_2212, %get3A_2213] : memref<256x512xf32, #tpu.memory_space<vmem>>, vector<1x512xf32>
      %mul3A_2215 = vector.broadcast %get3A_2214 : vector<1x512xf32> to vector<32x512xf32>
      %mul3A_2216 = arith.mulf %get3A_2211, %mul3A_2215 : vector<32x512xf32>
      %add3A_2217 = arith.addf %add3A_2206, %mul3A_2216 : vector<32x512xf32>
      %get3A_2218 = arith.constant 7 : index
      %get3A_2219 = arith.index_cast %multiple_of3A : i32 to index
      %get3A_2220 = arith.constant 0 : index
      %get3A_2221 = vector.load %arg1[%get3A_2218, %get3A_2219, %get3A_2220] : memref<16x256x512xf32, #tpu.memory_space<vmem>>, vector<1x32x512xf32>
      %get3A_2222 = vector.shape_cast %get3A_2221 : vector<1x32x512xf32> to vector<32x512xf32>
      %get3A_2223 = arith.constant 122 : index
      %get3A_2224 = arith.constant 0 : index
      %get3A_2225 = vector.load %arg2[%get3A_2223, %get3A_2224] : memref<256x512xf32, #tpu.memory_space<vmem>>, vector<1x512xf32>
      %mul3A_2226 = vector.broadcast %get3A_2225 : vector<1x512xf32> to vector<32x512xf32>
      %mul3A_2227 = arith.mulf %get3A_2222, %mul3A_2226 : vector<32x512xf32>
      %add3A_2228 = arith.addf %add3A_2217, %mul3A_2227 : vector<32x512xf32>
      %get3A_2229 = arith.constant 8 : index
      %get3A_2230 = arith.index_cast %multiple_of3A : i32 to index
      %get3A_2231 = arith.constant 0 : index
      %get3A_2232 = vector.load %arg1[%get3A_2229, %get3A_2230, %get3A_2231] : memref<16x256x512xf32, #tpu.memory_space<vmem>>, vector<1x32x512xf32>
      %get3A_2233 = vector.shape_cast %get3A_2232 : vector<1x32x512xf32> to vector<32x512xf32>
      %get3A_2234 = arith.constant 138 : index
      %get3A_2235 = arith.constant 0 : index
      %get3A_2236 = vector.load %arg2[%get3A_2234, %get3A_2235] : memref<256x512xf32, #tpu.memory_space<vmem>>, vector<1x512xf32>
      %mul3A_2237 = vector.broadcast %get3A_2236 : vector<1x512xf32> to vector<32x512xf32>
      %mul3A_2238 = arith.mulf %get3A_2233, %mul3A_2237 : vector<32x512xf32>
      %add3A_2239 = arith.addf %add3A_2228, %mul3A_2238 : vector<32x512xf32>
      %get3A_2240 = arith.constant 9 : index
      %get3A_2241 = arith.index_cast %multiple_of3A : i32 to index
      %get3A_2242 = arith.constant 0 : index
      %get3A_2243 = vector.load %arg1[%get3A_2240, %get3A_2241, %get3A_2242] : memref<16x256x512xf32, #tpu.memory_space<vmem>>, vector<1x32x512xf32>
      %get3A_2244 = vector.shape_cast %get3A_2243 : vector<1x32x512xf32> to vector<32x512xf32>
      %get3A_2245 = arith.constant 154 : index
      %get3A_2246 = arith.constant 0 : index
      %get3A_2247 = vector.load %arg2[%get3A_2245, %get3A_2246] : memref<256x512xf32, #tpu.memory_space<vmem>>, vector<1x512xf32>
      %mul3A_2248 = vector.broadcast %get3A_2247 : vector<1x512xf32> to vector<32x512xf32>
      %mul3A_2249 = arith.mulf %get3A_2244, %mul3A_2248 : vector<32x512xf32>
      %add3A_2250 = arith.addf %add3A_2239, %mul3A_2249 : vector<32x512xf32>
      %get3A_2251 = arith.constant 10 : index
      %get3A_2252 = arith.index_cast %multiple_of3A : i32 to index
      %get3A_2253 = arith.constant 0 : index
      %get3A_2254 = vector.load %arg1[%get3A_2251, %get3A_2252, %get3A_2253] : memref<16x256x512xf32, #tpu.memory_space<vmem>>, vector<1x32x512xf32>
      %get3A_2255 = vector.shape_cast %get3A_2254 : vector<1x32x512xf32> to vector<32x512xf32>
      %get3A_2256 = arith.constant 170 : index
      %get3A_2257 = arith.constant 0 : index
      %get3A_2258 = vector.load %arg2[%get3A_2256, %get3A_2257] : memref<256x512xf32, #tpu.memory_space<vmem>>, vector<1x512xf32>
      %mul3A_2259 = vector.broadcast %get3A_2258 : vector<1x512xf32> to vector<32x512xf32>
      %mul3A_2260 = arith.mulf %get3A_2255, %mul3A_2259 : vector<32x512xf32>
      %add3A_2261 = arith.addf %add3A_2250, %mul3A_2260 : vector<32x512xf32>
      %get3A_2262 = arith.constant 11 : index
      %get3A_2263 = arith.index_cast %multiple_of3A : i32 to index
      %get3A_2264 = arith.constant 0 : index
      %get3A_2265 = vector.load %arg1[%get3A_2262, %get3A_2263, %get3A_2264] : memref<16x256x512xf32, #tpu.memory_space<vmem>>, vector<1x32x512xf32>
      %get3A_2266 = vector.shape_cast %get3A_2265 : vector<1x32x512xf32> to vector<32x512xf32>
      %get3A_2267 = arith.constant 186 : index
      %get3A_2268 = arith.constant 0 : index
      %get3A_2269 = vector.load %arg2[%get3A_2267, %get3A_2268] : memref<256x512xf32, #tpu.memory_space<vmem>>, vector<1x512xf32>
      %mul3A_2270 = vector.broadcast %get3A_2269 : vector<1x512xf32> to vector<32x512xf32>
      %mul3A_2271 = arith.mulf %get3A_2266, %mul3A_2270 : vector<32x512xf32>
      %add3A_2272 = arith.addf %add3A_2261, %mul3A_2271 : vector<32x512xf32>
      %get3A_2273 = arith.constant 12 : index
      %get3A_2274 = arith.index_cast %multiple_of3A : i32 to index
      %get3A_2275 = arith.constant 0 : index
      %get3A_2276 = vector.load %arg1[%get3A_2273, %get3A_2274, %get3A_2275] : memref<16x256x512xf32, #tpu.memory_space<vmem>>, vector<1x32x512xf32>
      %get3A_2277 = vector.shape_cast %get3A_2276 : vector<1x32x512xf32> to vector<32x512xf32>
      %get3A_2278 = arith.constant 202 : index
      %get3A_2279 = arith.constant 0 : index
      %get3A_2280 = vector.load %arg2[%get3A_2278, %get3A_2279] : memref<256x512xf32, #tpu.memory_space<vmem>>, vector<1x512xf32>
      %mul3A_2281 = vector.broadcast %get3A_2280 : vector<1x512xf32> to vector<32x512xf32>
      %mul3A_2282 = arith.mulf %get3A_2277, %mul3A_2281 : vector<32x512xf32>
      %add3A_2283 = arith.addf %add3A_2272, %mul3A_2282 : vector<32x512xf32>
      %get3A_2284 = arith.constant 13 : index
      %get3A_2285 = arith.index_cast %multiple_of3A : i32 to index
      %get3A_2286 = arith.constant 0 : index
      %get3A_2287 = vector.load %arg1[%get3A_2284, %get3A_2285, %get3A_2286] : memref<16x256x512xf32, #tpu.memory_space<vmem>>, vector<1x32x512xf32>
      %get3A_2288 = vector.shape_cast %get3A_2287 : vector<1x32x512xf32> to vector<32x512xf32>
      %get3A_2289 = arith.constant 218 : index
      %get3A_2290 = arith.constant 0 : index
      %get3A_2291 = vector.load %arg2[%get3A_2289, %get3A_2290] : memref<256x512xf32, #tpu.memory_space<vmem>>, vector<1x512xf32>
      %mul3A_2292 = vector.broadcast %get3A_2291 : vector<1x512xf32> to vector<32x512xf32>
      %mul3A_2293 = arith.mulf %get3A_2288, %mul3A_2292 : vector<32x512xf32>
      %add3A_2294 = arith.addf %add3A_2283, %mul3A_2293 : vector<32x512xf32>
      %get3A_2295 = arith.constant 14 : index
      %get3A_2296 = arith.index_cast %multiple_of3A : i32 to index
      %get3A_2297 = arith.constant 0 : index
      %get3A_2298 = vector.load %arg1[%get3A_2295, %get3A_2296, %get3A_2297] : memref<16x256x512xf32, #tpu.memory_space<vmem>>, vector<1x32x512xf32>
      %get3A_2299 = vector.shape_cast %get3A_2298 : vector<1x32x512xf32> to vector<32x512xf32>
      %get3A_2300 = arith.constant 234 : index
      %get3A_2301 = arith.constant 0 : index
      %get3A_2302 = vector.load %arg2[%get3A_2300, %get3A_2301] : memref<256x512xf32, #tpu.memory_space<vmem>>, vector<1x512xf32>
      %mul3A_2303 = vector.broadcast %get3A_2302 : vector<1x512xf32> to vector<32x512xf32>
      %mul3A_2304 = arith.mulf %get3A_2299, %mul3A_2303 : vector<32x512xf32>
      %add3A_2305 = arith.addf %add3A_2294, %mul3A_2304 : vector<32x512xf32>
      %get3A_2306 = arith.constant 15 : index
      %get3A_2307 = arith.index_cast %multiple_of3A : i32 to index
      %get3A_2308 = arith.constant 0 : index
      %get3A_2309 = vector.load %arg1[%get3A_2306, %get3A_2307, %get3A_2308] : memref<16x256x512xf32, #tpu.memory_space<vmem>>, vector<1x32x512xf32>
      %get3A_2310 = vector.shape_cast %get3A_2309 : vector<1x32x512xf32> to vector<32x512xf32>
      %get3A_2311 = arith.constant 250 : index
      %get3A_2312 = arith.constant 0 : index
      %get3A_2313 = vector.load %arg2[%get3A_2311, %get3A_2312] : memref<256x512xf32, #tpu.memory_space<vmem>>, vector<1x512xf32>
      %mul3A_2314 = vector.broadcast %get3A_2313 : vector<1x512xf32> to vector<32x512xf32>
      %mul3A_2315 = arith.mulf %get3A_2310, %mul3A_2314 : vector<32x512xf32>
      %add3A_2316 = arith.addf %add3A_2305, %mul3A_2315 : vector<32x512xf32>
      %mul3A_2317 = arith.constant 5.000000e-01 : f32
      %mul3A_2318 = vector.broadcast %mul3A_2317 : f32 to vector<32x512xf32>
      %mul3A_2319 = arith.mulf %mul3A_2318, %add3A_2316 : vector<32x512xf32>
      %tanh3A_2320 = math.tanh %mul3A_2319 : vector<32x512xf32>
      %mul3A_2321 = arith.constant 5.000000e-01 : f32
      %mul3A_2322 = vector.broadcast %mul3A_2321 : f32 to vector<32x512xf32>
      %mul3A_2323 = arith.mulf %mul3A_2322, %tanh3A_2320 : vector<32x512xf32>
      %add3A_2324 = arith.constant 5.000000e-01 : f32
      %add3A_2325 = vector.broadcast %add3A_2324 : f32 to vector<32x512xf32>
      %add3A_2326 = arith.addf %mul3A_2323, %add3A_2325 : vector<32x512xf32>
      %get3A_2327 = arith.constant 10 : index
      %get3A_2328 = arith.constant 0 : index
      %get3A_2329 = vector.load %arg4[%get3A_2327, %get3A_2328] : memref<16x512xf32, #tpu.memory_space<vmem>>, vector<1x512xf32>
      %mul3A_2330 = vector.broadcast %get3A_2329 : vector<1x512xf32> to vector<32x512xf32>
      %mul3A_2331 = arith.mulf %add3A_2326, %mul3A_2330 : vector<32x512xf32>
      %add3A_2332 = arith.addf %add3A_2135, %mul3A_2331 : vector<32x512xf32>
      %get3A_2333 = arith.constant 11 : index
      %get3A_2334 = arith.constant 0 : index
      %get3A_2335 = vector.load %arg3[%get3A_2333, %get3A_2334] : memref<16x512xf32, #tpu.memory_space<vmem>>, vector<1x512xf32>
      %broadcast_in_dim3A_2336 = vector.shape_cast %get3A_2335 : vector<1x512xf32> to vector<1x512xf32>
      %broadcast_in_dim3A_2337 = vector.broadcast %broadcast_in_dim3A_2336 : vector<1x512xf32> to vector<32x512xf32>
      %get3A_2338 = arith.constant 0 : index
      %get3A_2339 = arith.index_cast %multiple_of3A : i32 to index
      %get3A_2340 = arith.constant 0 : index
      %get3A_2341 = vector.load %arg1[%get3A_2338, %get3A_2339, %get3A_2340] : memref<16x256x512xf32, #tpu.memory_space<vmem>>, vector<1x32x512xf32>
      %get3A_2342 = vector.shape_cast %get3A_2341 : vector<1x32x512xf32> to vector<32x512xf32>
      %get3A_2343 = arith.constant 11 : index
      %get3A_2344 = arith.constant 0 : index
      %get3A_2345 = vector.load %arg2[%get3A_2343, %get3A_2344] : memref<256x512xf32, #tpu.memory_space<vmem>>, vector<1x512xf32>
      %mul3A_2346 = vector.broadcast %get3A_2345 : vector<1x512xf32> to vector<32x512xf32>
      %mul3A_2347 = arith.mulf %get3A_2342, %mul3A_2346 : vector<32x512xf32>
      %add3A_2348 = arith.addf %broadcast_in_dim3A_2337, %mul3A_2347 : vector<32x512xf32>
      %get3A_2349 = arith.constant 1 : index
      %get3A_2350 = arith.index_cast %multiple_of3A : i32 to index
      %get3A_2351 = arith.constant 0 : index
      %get3A_2352 = vector.load %arg1[%get3A_2349, %get3A_2350, %get3A_2351] : memref<16x256x512xf32, #tpu.memory_space<vmem>>, vector<1x32x512xf32>
      %get3A_2353 = vector.shape_cast %get3A_2352 : vector<1x32x512xf32> to vector<32x512xf32>
      %get3A_2354 = arith.constant 27 : index
      %get3A_2355 = arith.constant 0 : index
      %get3A_2356 = vector.load %arg2[%get3A_2354, %get3A_2355] : memref<256x512xf32, #tpu.memory_space<vmem>>, vector<1x512xf32>
      %mul3A_2357 = vector.broadcast %get3A_2356 : vector<1x512xf32> to vector<32x512xf32>
      %mul3A_2358 = arith.mulf %get3A_2353, %mul3A_2357 : vector<32x512xf32>
      %add3A_2359 = arith.addf %add3A_2348, %mul3A_2358 : vector<32x512xf32>
      %get3A_2360 = arith.constant 2 : index
      %get3A_2361 = arith.index_cast %multiple_of3A : i32 to index
      %get3A_2362 = arith.constant 0 : index
      %get3A_2363 = vector.load %arg1[%get3A_2360, %get3A_2361, %get3A_2362] : memref<16x256x512xf32, #tpu.memory_space<vmem>>, vector<1x32x512xf32>
      %get3A_2364 = vector.shape_cast %get3A_2363 : vector<1x32x512xf32> to vector<32x512xf32>
      %get3A_2365 = arith.constant 43 : index
      %get3A_2366 = arith.constant 0 : index
      %get3A_2367 = vector.load %arg2[%get3A_2365, %get3A_2366] : memref<256x512xf32, #tpu.memory_space<vmem>>, vector<1x512xf32>
      %mul3A_2368 = vector.broadcast %get3A_2367 : vector<1x512xf32> to vector<32x512xf32>
      %mul3A_2369 = arith.mulf %get3A_2364, %mul3A_2368 : vector<32x512xf32>
      %add3A_2370 = arith.addf %add3A_2359, %mul3A_2369 : vector<32x512xf32>
      %get3A_2371 = arith.constant 3 : index
      %get3A_2372 = arith.index_cast %multiple_of3A : i32 to index
      %get3A_2373 = arith.constant 0 : index
      %get3A_2374 = vector.load %arg1[%get3A_2371, %get3A_2372, %get3A_2373] : memref<16x256x512xf32, #tpu.memory_space<vmem>>, vector<1x32x512xf32>
      %get3A_2375 = vector.shape_cast %get3A_2374 : vector<1x32x512xf32> to vector<32x512xf32>
      %get3A_2376 = arith.constant 59 : index
      %get3A_2377 = arith.constant 0 : index
      %get3A_2378 = vector.load %arg2[%get3A_2376, %get3A_2377] : memref<256x512xf32, #tpu.memory_space<vmem>>, vector<1x512xf32>
      %mul3A_2379 = vector.broadcast %get3A_2378 : vector<1x512xf32> to vector<32x512xf32>
      %mul3A_2380 = arith.mulf %get3A_2375, %mul3A_2379 : vector<32x512xf32>
      %add3A_2381 = arith.addf %add3A_2370, %mul3A_2380 : vector<32x512xf32>
      %get3A_2382 = arith.constant 4 : index
      %get3A_2383 = arith.index_cast %multiple_of3A : i32 to index
      %get3A_2384 = arith.constant 0 : index
      %get3A_2385 = vector.load %arg1[%get3A_2382, %get3A_2383, %get3A_2384] : memref<16x256x512xf32, #tpu.memory_space<vmem>>, vector<1x32x512xf32>
      %get3A_2386 = vector.shape_cast %get3A_2385 : vector<1x32x512xf32> to vector<32x512xf32>
      %get3A_2387 = arith.constant 75 : index
      %get3A_2388 = arith.constant 0 : index
      %get3A_2389 = vector.load %arg2[%get3A_2387, %get3A_2388] : memref<256x512xf32, #tpu.memory_space<vmem>>, vector<1x512xf32>
      %mul3A_2390 = vector.broadcast %get3A_2389 : vector<1x512xf32> to vector<32x512xf32>
      %mul3A_2391 = arith.mulf %get3A_2386, %mul3A_2390 : vector<32x512xf32>
      %add3A_2392 = arith.addf %add3A_2381, %mul3A_2391 : vector<32x512xf32>
      %get3A_2393 = arith.constant 5 : index
      %get3A_2394 = arith.index_cast %multiple_of3A : i32 to index
      %get3A_2395 = arith.constant 0 : index
      %get3A_2396 = vector.load %arg1[%get3A_2393, %get3A_2394, %get3A_2395] : memref<16x256x512xf32, #tpu.memory_space<vmem>>, vector<1x32x512xf32>
      %get3A_2397 = vector.shape_cast %get3A_2396 : vector<1x32x512xf32> to vector<32x512xf32>
      %get3A_2398 = arith.constant 91 : index
      %get3A_2399 = arith.constant 0 : index
      %get3A_2400 = vector.load %arg2[%get3A_2398, %get3A_2399] : memref<256x512xf32, #tpu.memory_space<vmem>>, vector<1x512xf32>
      %mul3A_2401 = vector.broadcast %get3A_2400 : vector<1x512xf32> to vector<32x512xf32>
      %mul3A_2402 = arith.mulf %get3A_2397, %mul3A_2401 : vector<32x512xf32>
      %add3A_2403 = arith.addf %add3A_2392, %mul3A_2402 : vector<32x512xf32>
      %get3A_2404 = arith.constant 6 : index
      %get3A_2405 = arith.index_cast %multiple_of3A : i32 to index
      %get3A_2406 = arith.constant 0 : index
      %get3A_2407 = vector.load %arg1[%get3A_2404, %get3A_2405, %get3A_2406] : memref<16x256x512xf32, #tpu.memory_space<vmem>>, vector<1x32x512xf32>
      %get3A_2408 = vector.shape_cast %get3A_2407 : vector<1x32x512xf32> to vector<32x512xf32>
      %get3A_2409 = arith.constant 107 : index
      %get3A_2410 = arith.constant 0 : index
      %get3A_2411 = vector.load %arg2[%get3A_2409, %get3A_2410] : memref<256x512xf32, #tpu.memory_space<vmem>>, vector<1x512xf32>
      %mul3A_2412 = vector.broadcast %get3A_2411 : vector<1x512xf32> to vector<32x512xf32>
      %mul3A_2413 = arith.mulf %get3A_2408, %mul3A_2412 : vector<32x512xf32>
      %add3A_2414 = arith.addf %add3A_2403, %mul3A_2413 : vector<32x512xf32>
      %get3A_2415 = arith.constant 7 : index
      %get3A_2416 = arith.index_cast %multiple_of3A : i32 to index
      %get3A_2417 = arith.constant 0 : index
      %get3A_2418 = vector.load %arg1[%get3A_2415, %get3A_2416, %get3A_2417] : memref<16x256x512xf32, #tpu.memory_space<vmem>>, vector<1x32x512xf32>
      %get3A_2419 = vector.shape_cast %get3A_2418 : vector<1x32x512xf32> to vector<32x512xf32>
      %get3A_2420 = arith.constant 123 : index
      %get3A_2421 = arith.constant 0 : index
      %get3A_2422 = vector.load %arg2[%get3A_2420, %get3A_2421] : memref<256x512xf32, #tpu.memory_space<vmem>>, vector<1x512xf32>
      %mul3A_2423 = vector.broadcast %get3A_2422 : vector<1x512xf32> to vector<32x512xf32>
      %mul3A_2424 = arith.mulf %get3A_2419, %mul3A_2423 : vector<32x512xf32>
      %add3A_2425 = arith.addf %add3A_2414, %mul3A_2424 : vector<32x512xf32>
      %get3A_2426 = arith.constant 8 : index
      %get3A_2427 = arith.index_cast %multiple_of3A : i32 to index
      %get3A_2428 = arith.constant 0 : index
      %get3A_2429 = vector.load %arg1[%get3A_2426, %get3A_2427, %get3A_2428] : memref<16x256x512xf32, #tpu.memory_space<vmem>>, vector<1x32x512xf32>
      %get3A_2430 = vector.shape_cast %get3A_2429 : vector<1x32x512xf32> to vector<32x512xf32>
      %get3A_2431 = arith.constant 139 : index
      %get3A_2432 = arith.constant 0 : index
      %get3A_2433 = vector.load %arg2[%get3A_2431, %get3A_2432] : memref<256x512xf32, #tpu.memory_space<vmem>>, vector<1x512xf32>
      %mul3A_2434 = vector.broadcast %get3A_2433 : vector<1x512xf32> to vector<32x512xf32>
      %mul3A_2435 = arith.mulf %get3A_2430, %mul3A_2434 : vector<32x512xf32>
      %add3A_2436 = arith.addf %add3A_2425, %mul3A_2435 : vector<32x512xf32>
      %get3A_2437 = arith.constant 9 : index
      %get3A_2438 = arith.index_cast %multiple_of3A : i32 to index
      %get3A_2439 = arith.constant 0 : index
      %get3A_2440 = vector.load %arg1[%get3A_2437, %get3A_2438, %get3A_2439] : memref<16x256x512xf32, #tpu.memory_space<vmem>>, vector<1x32x512xf32>
      %get3A_2441 = vector.shape_cast %get3A_2440 : vector<1x32x512xf32> to vector<32x512xf32>
      %get3A_2442 = arith.constant 155 : index
      %get3A_2443 = arith.constant 0 : index
      %get3A_2444 = vector.load %arg2[%get3A_2442, %get3A_2443] : memref<256x512xf32, #tpu.memory_space<vmem>>, vector<1x512xf32>
      %mul3A_2445 = vector.broadcast %get3A_2444 : vector<1x512xf32> to vector<32x512xf32>
      %mul3A_2446 = arith.mulf %get3A_2441, %mul3A_2445 : vector<32x512xf32>
      %add3A_2447 = arith.addf %add3A_2436, %mul3A_2446 : vector<32x512xf32>
      %get3A_2448 = arith.constant 10 : index
      %get3A_2449 = arith.index_cast %multiple_of3A : i32 to index
      %get3A_2450 = arith.constant 0 : index
      %get3A_2451 = vector.load %arg1[%get3A_2448, %get3A_2449, %get3A_2450] : memref<16x256x512xf32, #tpu.memory_space<vmem>>, vector<1x32x512xf32>
      %get3A_2452 = vector.shape_cast %get3A_2451 : vector<1x32x512xf32> to vector<32x512xf32>
      %get3A_2453 = arith.constant 171 : index
      %get3A_2454 = arith.constant 0 : index
      %get3A_2455 = vector.load %arg2[%get3A_2453, %get3A_2454] : memref<256x512xf32, #tpu.memory_space<vmem>>, vector<1x512xf32>
      %mul3A_2456 = vector.broadcast %get3A_2455 : vector<1x512xf32> to vector<32x512xf32>
      %mul3A_2457 = arith.mulf %get3A_2452, %mul3A_2456 : vector<32x512xf32>
      %add3A_2458 = arith.addf %add3A_2447, %mul3A_2457 : vector<32x512xf32>
      %get3A_2459 = arith.constant 11 : index
      %get3A_2460 = arith.index_cast %multiple_of3A : i32 to index
      %get3A_2461 = arith.constant 0 : index
      %get3A_2462 = vector.load %arg1[%get3A_2459, %get3A_2460, %get3A_2461] : memref<16x256x512xf32, #tpu.memory_space<vmem>>, vector<1x32x512xf32>
      %get3A_2463 = vector.shape_cast %get3A_2462 : vector<1x32x512xf32> to vector<32x512xf32>
      %get3A_2464 = arith.constant 187 : index
      %get3A_2465 = arith.constant 0 : index
      %get3A_2466 = vector.load %arg2[%get3A_2464, %get3A_2465] : memref<256x512xf32, #tpu.memory_space<vmem>>, vector<1x512xf32>
      %mul3A_2467 = vector.broadcast %get3A_2466 : vector<1x512xf32> to vector<32x512xf32>
      %mul3A_2468 = arith.mulf %get3A_2463, %mul3A_2467 : vector<32x512xf32>
      %add3A_2469 = arith.addf %add3A_2458, %mul3A_2468 : vector<32x512xf32>
      %get3A_2470 = arith.constant 12 : index
      %get3A_2471 = arith.index_cast %multiple_of3A : i32 to index
      %get3A_2472 = arith.constant 0 : index
      %get3A_2473 = vector.load %arg1[%get3A_2470, %get3A_2471, %get3A_2472] : memref<16x256x512xf32, #tpu.memory_space<vmem>>, vector<1x32x512xf32>
      %get3A_2474 = vector.shape_cast %get3A_2473 : vector<1x32x512xf32> to vector<32x512xf32>
      %get3A_2475 = arith.constant 203 : index
      %get3A_2476 = arith.constant 0 : index
      %get3A_2477 = vector.load %arg2[%get3A_2475, %get3A_2476] : memref<256x512xf32, #tpu.memory_space<vmem>>, vector<1x512xf32>
      %mul3A_2478 = vector.broadcast %get3A_2477 : vector<1x512xf32> to vector<32x512xf32>
      %mul3A_2479 = arith.mulf %get3A_2474, %mul3A_2478 : vector<32x512xf32>
      %add3A_2480 = arith.addf %add3A_2469, %mul3A_2479 : vector<32x512xf32>
      %get3A_2481 = arith.constant 13 : index
      %get3A_2482 = arith.index_cast %multiple_of3A : i32 to index
      %get3A_2483 = arith.constant 0 : index
      %get3A_2484 = vector.load %arg1[%get3A_2481, %get3A_2482, %get3A_2483] : memref<16x256x512xf32, #tpu.memory_space<vmem>>, vector<1x32x512xf32>
      %get3A_2485 = vector.shape_cast %get3A_2484 : vector<1x32x512xf32> to vector<32x512xf32>
      %get3A_2486 = arith.constant 219 : index
      %get3A_2487 = arith.constant 0 : index
      %get3A_2488 = vector.load %arg2[%get3A_2486, %get3A_2487] : memref<256x512xf32, #tpu.memory_space<vmem>>, vector<1x512xf32>
      %mul3A_2489 = vector.broadcast %get3A_2488 : vector<1x512xf32> to vector<32x512xf32>
      %mul3A_2490 = arith.mulf %get3A_2485, %mul3A_2489 : vector<32x512xf32>
      %add3A_2491 = arith.addf %add3A_2480, %mul3A_2490 : vector<32x512xf32>
      %get3A_2492 = arith.constant 14 : index
      %get3A_2493 = arith.index_cast %multiple_of3A : i32 to index
      %get3A_2494 = arith.constant 0 : index
      %get3A_2495 = vector.load %arg1[%get3A_2492, %get3A_2493, %get3A_2494] : memref<16x256x512xf32, #tpu.memory_space<vmem>>, vector<1x32x512xf32>
      %get3A_2496 = vector.shape_cast %get3A_2495 : vector<1x32x512xf32> to vector<32x512xf32>
      %get3A_2497 = arith.constant 235 : index
      %get3A_2498 = arith.constant 0 : index
      %get3A_2499 = vector.load %arg2[%get3A_2497, %get3A_2498] : memref<256x512xf32, #tpu.memory_space<vmem>>, vector<1x512xf32>
      %mul3A_2500 = vector.broadcast %get3A_2499 : vector<1x512xf32> to vector<32x512xf32>
      %mul3A_2501 = arith.mulf %get3A_2496, %mul3A_2500 : vector<32x512xf32>
      %add3A_2502 = arith.addf %add3A_2491, %mul3A_2501 : vector<32x512xf32>
      %get3A_2503 = arith.constant 15 : index
      %get3A_2504 = arith.index_cast %multiple_of3A : i32 to index
      %get3A_2505 = arith.constant 0 : index
      %get3A_2506 = vector.load %arg1[%get3A_2503, %get3A_2504, %get3A_2505] : memref<16x256x512xf32, #tpu.memory_space<vmem>>, vector<1x32x512xf32>
      %get3A_2507 = vector.shape_cast %get3A_2506 : vector<1x32x512xf32> to vector<32x512xf32>
      %get3A_2508 = arith.constant 251 : index
      %get3A_2509 = arith.constant 0 : index
      %get3A_2510 = vector.load %arg2[%get3A_2508, %get3A_2509] : memref<256x512xf32, #tpu.memory_space<vmem>>, vector<1x512xf32>
      %mul3A_2511 = vector.broadcast %get3A_2510 : vector<1x512xf32> to vector<32x512xf32>
      %mul3A_2512 = arith.mulf %get3A_2507, %mul3A_2511 : vector<32x512xf32>
      %add3A_2513 = arith.addf %add3A_2502, %mul3A_2512 : vector<32x512xf32>
      %mul3A_2514 = arith.constant 5.000000e-01 : f32
      %mul3A_2515 = vector.broadcast %mul3A_2514 : f32 to vector<32x512xf32>
      %mul3A_2516 = arith.mulf %mul3A_2515, %add3A_2513 : vector<32x512xf32>
      %tanh3A_2517 = math.tanh %mul3A_2516 : vector<32x512xf32>
      %mul3A_2518 = arith.constant 5.000000e-01 : f32
      %mul3A_2519 = vector.broadcast %mul3A_2518 : f32 to vector<32x512xf32>
      %mul3A_2520 = arith.mulf %mul3A_2519, %tanh3A_2517 : vector<32x512xf32>
      %add3A_2521 = arith.constant 5.000000e-01 : f32
      %add3A_2522 = vector.broadcast %add3A_2521 : f32 to vector<32x512xf32>
      %add3A_2523 = arith.addf %mul3A_2520, %add3A_2522 : vector<32x512xf32>
      %get3A_2524 = arith.constant 11 : index
      %get3A_2525 = arith.constant 0 : index
      %get3A_2526 = vector.load %arg4[%get3A_2524, %get3A_2525] : memref<16x512xf32, #tpu.memory_space<vmem>>, vector<1x512xf32>
      %mul3A_2527 = vector.broadcast %get3A_2526 : vector<1x512xf32> to vector<32x512xf32>
      %mul3A_2528 = arith.mulf %add3A_2523, %mul3A_2527 : vector<32x512xf32>
      %add3A_2529 = arith.addf %add3A_2332, %mul3A_2528 : vector<32x512xf32>
      %get3A_2530 = arith.constant 12 : index
      %get3A_2531 = arith.constant 0 : index
      %get3A_2532 = vector.load %arg3[%get3A_2530, %get3A_2531] : memref<16x512xf32, #tpu.memory_space<vmem>>, vector<1x512xf32>
      %broadcast_in_dim3A_2533 = vector.shape_cast %get3A_2532 : vector<1x512xf32> to vector<1x512xf32>
      %broadcast_in_dim3A_2534 = vector.broadcast %broadcast_in_dim3A_2533 : vector<1x512xf32> to vector<32x512xf32>
      %get3A_2535 = arith.constant 0 : index
      %get3A_2536 = arith.index_cast %multiple_of3A : i32 to index
      %get3A_2537 = arith.constant 0 : index
      %get3A_2538 = vector.load %arg1[%get3A_2535, %get3A_2536, %get3A_2537] : memref<16x256x512xf32, #tpu.memory_space<vmem>>, vector<1x32x512xf32>
      %get3A_2539 = vector.shape_cast %get3A_2538 : vector<1x32x512xf32> to vector<32x512xf32>
      %get3A_2540 = arith.constant 12 : index
      %get3A_2541 = arith.constant 0 : index
      %get3A_2542 = vector.load %arg2[%get3A_2540, %get3A_2541] : memref<256x512xf32, #tpu.memory_space<vmem>>, vector<1x512xf32>
      %mul3A_2543 = vector.broadcast %get3A_2542 : vector<1x512xf32> to vector<32x512xf32>
      %mul3A_2544 = arith.mulf %get3A_2539, %mul3A_2543 : vector<32x512xf32>
      %add3A_2545 = arith.addf %broadcast_in_dim3A_2534, %mul3A_2544 : vector<32x512xf32>
      %get3A_2546 = arith.constant 1 : index
      %get3A_2547 = arith.index_cast %multiple_of3A : i32 to index
      %get3A_2548 = arith.constant 0 : index
      %get3A_2549 = vector.load %arg1[%get3A_2546, %get3A_2547, %get3A_2548] : memref<16x256x512xf32, #tpu.memory_space<vmem>>, vector<1x32x512xf32>
      %get3A_2550 = vector.shape_cast %get3A_2549 : vector<1x32x512xf32> to vector<32x512xf32>
      %get3A_2551 = arith.constant 28 : index
      %get3A_2552 = arith.constant 0 : index
      %get3A_2553 = vector.load %arg2[%get3A_2551, %get3A_2552] : memref<256x512xf32, #tpu.memory_space<vmem>>, vector<1x512xf32>
      %mul3A_2554 = vector.broadcast %get3A_2553 : vector<1x512xf32> to vector<32x512xf32>
      %mul3A_2555 = arith.mulf %get3A_2550, %mul3A_2554 : vector<32x512xf32>
      %add3A_2556 = arith.addf %add3A_2545, %mul3A_2555 : vector<32x512xf32>
      %get3A_2557 = arith.constant 2 : index
      %get3A_2558 = arith.index_cast %multiple_of3A : i32 to index
      %get3A_2559 = arith.constant 0 : index
      %get3A_2560 = vector.load %arg1[%get3A_2557, %get3A_2558, %get3A_2559] : memref<16x256x512xf32, #tpu.memory_space<vmem>>, vector<1x32x512xf32>
      %get3A_2561 = vector.shape_cast %get3A_2560 : vector<1x32x512xf32> to vector<32x512xf32>
      %get3A_2562 = arith.constant 44 : index
      %get3A_2563 = arith.constant 0 : index
      %get3A_2564 = vector.load %arg2[%get3A_2562, %get3A_2563] : memref<256x512xf32, #tpu.memory_space<vmem>>, vector<1x512xf32>
      %mul3A_2565 = vector.broadcast %get3A_2564 : vector<1x512xf32> to vector<32x512xf32>
      %mul3A_2566 = arith.mulf %get3A_2561, %mul3A_2565 : vector<32x512xf32>
      %add3A_2567 = arith.addf %add3A_2556, %mul3A_2566 : vector<32x512xf32>
      %get3A_2568 = arith.constant 3 : index
      %get3A_2569 = arith.index_cast %multiple_of3A : i32 to index
      %get3A_2570 = arith.constant 0 : index
      %get3A_2571 = vector.load %arg1[%get3A_2568, %get3A_2569, %get3A_2570] : memref<16x256x512xf32, #tpu.memory_space<vmem>>, vector<1x32x512xf32>
      %get3A_2572 = vector.shape_cast %get3A_2571 : vector<1x32x512xf32> to vector<32x512xf32>
      %get3A_2573 = arith.constant 60 : index
      %get3A_2574 = arith.constant 0 : index
      %get3A_2575 = vector.load %arg2[%get3A_2573, %get3A_2574] : memref<256x512xf32, #tpu.memory_space<vmem>>, vector<1x512xf32>
      %mul3A_2576 = vector.broadcast %get3A_2575 : vector<1x512xf32> to vector<32x512xf32>
      %mul3A_2577 = arith.mulf %get3A_2572, %mul3A_2576 : vector<32x512xf32>
      %add3A_2578 = arith.addf %add3A_2567, %mul3A_2577 : vector<32x512xf32>
      %get3A_2579 = arith.constant 4 : index
      %get3A_2580 = arith.index_cast %multiple_of3A : i32 to index
      %get3A_2581 = arith.constant 0 : index
      %get3A_2582 = vector.load %arg1[%get3A_2579, %get3A_2580, %get3A_2581] : memref<16x256x512xf32, #tpu.memory_space<vmem>>, vector<1x32x512xf32>
      %get3A_2583 = vector.shape_cast %get3A_2582 : vector<1x32x512xf32> to vector<32x512xf32>
      %get3A_2584 = arith.constant 76 : index
      %get3A_2585 = arith.constant 0 : index
      %get3A_2586 = vector.load %arg2[%get3A_2584, %get3A_2585] : memref<256x512xf32, #tpu.memory_space<vmem>>, vector<1x512xf32>
      %mul3A_2587 = vector.broadcast %get3A_2586 : vector<1x512xf32> to vector<32x512xf32>
      %mul3A_2588 = arith.mulf %get3A_2583, %mul3A_2587 : vector<32x512xf32>
      %add3A_2589 = arith.addf %add3A_2578, %mul3A_2588 : vector<32x512xf32>
      %get3A_2590 = arith.constant 5 : index
      %get3A_2591 = arith.index_cast %multiple_of3A : i32 to index
      %get3A_2592 = arith.constant 0 : index
      %get3A_2593 = vector.load %arg1[%get3A_2590, %get3A_2591, %get3A_2592] : memref<16x256x512xf32, #tpu.memory_space<vmem>>, vector<1x32x512xf32>
      %get3A_2594 = vector.shape_cast %get3A_2593 : vector<1x32x512xf32> to vector<32x512xf32>
      %get3A_2595 = arith.constant 92 : index
      %get3A_2596 = arith.constant 0 : index
      %get3A_2597 = vector.load %arg2[%get3A_2595, %get3A_2596] : memref<256x512xf32, #tpu.memory_space<vmem>>, vector<1x512xf32>
      %mul3A_2598 = vector.broadcast %get3A_2597 : vector<1x512xf32> to vector<32x512xf32>
      %mul3A_2599 = arith.mulf %get3A_2594, %mul3A_2598 : vector<32x512xf32>
      %add3A_2600 = arith.addf %add3A_2589, %mul3A_2599 : vector<32x512xf32>
      %get3A_2601 = arith.constant 6 : index
      %get3A_2602 = arith.index_cast %multiple_of3A : i32 to index
      %get3A_2603 = arith.constant 0 : index
      %get3A_2604 = vector.load %arg1[%get3A_2601, %get3A_2602, %get3A_2603] : memref<16x256x512xf32, #tpu.memory_space<vmem>>, vector<1x32x512xf32>
      %get3A_2605 = vector.shape_cast %get3A_2604 : vector<1x32x512xf32> to vector<32x512xf32>
      %get3A_2606 = arith.constant 108 : index
      %get3A_2607 = arith.constant 0 : index
      %get3A_2608 = vector.load %arg2[%get3A_2606, %get3A_2607] : memref<256x512xf32, #tpu.memory_space<vmem>>, vector<1x512xf32>
      %mul3A_2609 = vector.broadcast %get3A_2608 : vector<1x512xf32> to vector<32x512xf32>
      %mul3A_2610 = arith.mulf %get3A_2605, %mul3A_2609 : vector<32x512xf32>
      %add3A_2611 = arith.addf %add3A_2600, %mul3A_2610 : vector<32x512xf32>
      %get3A_2612 = arith.constant 7 : index
      %get3A_2613 = arith.index_cast %multiple_of3A : i32 to index
      %get3A_2614 = arith.constant 0 : index
      %get3A_2615 = vector.load %arg1[%get3A_2612, %get3A_2613, %get3A_2614] : memref<16x256x512xf32, #tpu.memory_space<vmem>>, vector<1x32x512xf32>
      %get3A_2616 = vector.shape_cast %get3A_2615 : vector<1x32x512xf32> to vector<32x512xf32>
      %get3A_2617 = arith.constant 124 : index
      %get3A_2618 = arith.constant 0 : index
      %get3A_2619 = vector.load %arg2[%get3A_2617, %get3A_2618] : memref<256x512xf32, #tpu.memory_space<vmem>>, vector<1x512xf32>
      %mul3A_2620 = vector.broadcast %get3A_2619 : vector<1x512xf32> to vector<32x512xf32>
      %mul3A_2621 = arith.mulf %get3A_2616, %mul3A_2620 : vector<32x512xf32>
      %add3A_2622 = arith.addf %add3A_2611, %mul3A_2621 : vector<32x512xf32>
      %get3A_2623 = arith.constant 8 : index
      %get3A_2624 = arith.index_cast %multiple_of3A : i32 to index
      %get3A_2625 = arith.constant 0 : index
      %get3A_2626 = vector.load %arg1[%get3A_2623, %get3A_2624, %get3A_2625] : memref<16x256x512xf32, #tpu.memory_space<vmem>>, vector<1x32x512xf32>
      %get3A_2627 = vector.shape_cast %get3A_2626 : vector<1x32x512xf32> to vector<32x512xf32>
      %get3A_2628 = arith.constant 140 : index
      %get3A_2629 = arith.constant 0 : index
      %get3A_2630 = vector.load %arg2[%get3A_2628, %get3A_2629] : memref<256x512xf32, #tpu.memory_space<vmem>>, vector<1x512xf32>
      %mul3A_2631 = vector.broadcast %get3A_2630 : vector<1x512xf32> to vector<32x512xf32>
      %mul3A_2632 = arith.mulf %get3A_2627, %mul3A_2631 : vector<32x512xf32>
      %add3A_2633 = arith.addf %add3A_2622, %mul3A_2632 : vector<32x512xf32>
      %get3A_2634 = arith.constant 9 : index
      %get3A_2635 = arith.index_cast %multiple_of3A : i32 to index
      %get3A_2636 = arith.constant 0 : index
      %get3A_2637 = vector.load %arg1[%get3A_2634, %get3A_2635, %get3A_2636] : memref<16x256x512xf32, #tpu.memory_space<vmem>>, vector<1x32x512xf32>
      %get3A_2638 = vector.shape_cast %get3A_2637 : vector<1x32x512xf32> to vector<32x512xf32>
      %get3A_2639 = arith.constant 156 : index
      %get3A_2640 = arith.constant 0 : index
      %get3A_2641 = vector.load %arg2[%get3A_2639, %get3A_2640] : memref<256x512xf32, #tpu.memory_space<vmem>>, vector<1x512xf32>
      %mul3A_2642 = vector.broadcast %get3A_2641 : vector<1x512xf32> to vector<32x512xf32>
      %mul3A_2643 = arith.mulf %get3A_2638, %mul3A_2642 : vector<32x512xf32>
      %add3A_2644 = arith.addf %add3A_2633, %mul3A_2643 : vector<32x512xf32>
      %get3A_2645 = arith.constant 10 : index
      %get3A_2646 = arith.index_cast %multiple_of3A : i32 to index
      %get3A_2647 = arith.constant 0 : index
      %get3A_2648 = vector.load %arg1[%get3A_2645, %get3A_2646, %get3A_2647] : memref<16x256x512xf32, #tpu.memory_space<vmem>>, vector<1x32x512xf32>
      %get3A_2649 = vector.shape_cast %get3A_2648 : vector<1x32x512xf32> to vector<32x512xf32>
      %get3A_2650 = arith.constant 172 : index
      %get3A_2651 = arith.constant 0 : index
      %get3A_2652 = vector.load %arg2[%get3A_2650, %get3A_2651] : memref<256x512xf32, #tpu.memory_space<vmem>>, vector<1x512xf32>
      %mul3A_2653 = vector.broadcast %get3A_2652 : vector<1x512xf32> to vector<32x512xf32>
      %mul3A_2654 = arith.mulf %get3A_2649, %mul3A_2653 : vector<32x512xf32>
      %add3A_2655 = arith.addf %add3A_2644, %mul3A_2654 : vector<32x512xf32>
      %get3A_2656 = arith.constant 11 : index
      %get3A_2657 = arith.index_cast %multiple_of3A : i32 to index
      %get3A_2658 = arith.constant 0 : index
      %get3A_2659 = vector.load %arg1[%get3A_2656, %get3A_2657, %get3A_2658] : memref<16x256x512xf32, #tpu.memory_space<vmem>>, vector<1x32x512xf32>
      %get3A_2660 = vector.shape_cast %get3A_2659 : vector<1x32x512xf32> to vector<32x512xf32>
      %get3A_2661 = arith.constant 188 : index
      %get3A_2662 = arith.constant 0 : index
      %get3A_2663 = vector.load %arg2[%get3A_2661, %get3A_2662] : memref<256x512xf32, #tpu.memory_space<vmem>>, vector<1x512xf32>
      %mul3A_2664 = vector.broadcast %get3A_2663 : vector<1x512xf32> to vector<32x512xf32>
      %mul3A_2665 = arith.mulf %get3A_2660, %mul3A_2664 : vector<32x512xf32>
      %add3A_2666 = arith.addf %add3A_2655, %mul3A_2665 : vector<32x512xf32>
      %get3A_2667 = arith.constant 12 : index
      %get3A_2668 = arith.index_cast %multiple_of3A : i32 to index
      %get3A_2669 = arith.constant 0 : index
      %get3A_2670 = vector.load %arg1[%get3A_2667, %get3A_2668, %get3A_2669] : memref<16x256x512xf32, #tpu.memory_space<vmem>>, vector<1x32x512xf32>
      %get3A_2671 = vector.shape_cast %get3A_2670 : vector<1x32x512xf32> to vector<32x512xf32>
      %get3A_2672 = arith.constant 204 : index
      %get3A_2673 = arith.constant 0 : index
      %get3A_2674 = vector.load %arg2[%get3A_2672, %get3A_2673] : memref<256x512xf32, #tpu.memory_space<vmem>>, vector<1x512xf32>
      %mul3A_2675 = vector.broadcast %get3A_2674 : vector<1x512xf32> to vector<32x512xf32>
      %mul3A_2676 = arith.mulf %get3A_2671, %mul3A_2675 : vector<32x512xf32>
      %add3A_2677 = arith.addf %add3A_2666, %mul3A_2676 : vector<32x512xf32>
      %get3A_2678 = arith.constant 13 : index
      %get3A_2679 = arith.index_cast %multiple_of3A : i32 to index
      %get3A_2680 = arith.constant 0 : index
      %get3A_2681 = vector.load %arg1[%get3A_2678, %get3A_2679, %get3A_2680] : memref<16x256x512xf32, #tpu.memory_space<vmem>>, vector<1x32x512xf32>
      %get3A_2682 = vector.shape_cast %get3A_2681 : vector<1x32x512xf32> to vector<32x512xf32>
      %get3A_2683 = arith.constant 220 : index
      %get3A_2684 = arith.constant 0 : index
      %get3A_2685 = vector.load %arg2[%get3A_2683, %get3A_2684] : memref<256x512xf32, #tpu.memory_space<vmem>>, vector<1x512xf32>
      %mul3A_2686 = vector.broadcast %get3A_2685 : vector<1x512xf32> to vector<32x512xf32>
      %mul3A_2687 = arith.mulf %get3A_2682, %mul3A_2686 : vector<32x512xf32>
      %add3A_2688 = arith.addf %add3A_2677, %mul3A_2687 : vector<32x512xf32>
      %get3A_2689 = arith.constant 14 : index
      %get3A_2690 = arith.index_cast %multiple_of3A : i32 to index
      %get3A_2691 = arith.constant 0 : index
      %get3A_2692 = vector.load %arg1[%get3A_2689, %get3A_2690, %get3A_2691] : memref<16x256x512xf32, #tpu.memory_space<vmem>>, vector<1x32x512xf32>
      %get3A_2693 = vector.shape_cast %get3A_2692 : vector<1x32x512xf32> to vector<32x512xf32>
      %get3A_2694 = arith.constant 236 : index
      %get3A_2695 = arith.constant 0 : index
      %get3A_2696 = vector.load %arg2[%get3A_2694, %get3A_2695] : memref<256x512xf32, #tpu.memory_space<vmem>>, vector<1x512xf32>
      %mul3A_2697 = vector.broadcast %get3A_2696 : vector<1x512xf32> to vector<32x512xf32>
      %mul3A_2698 = arith.mulf %get3A_2693, %mul3A_2697 : vector<32x512xf32>
      %add3A_2699 = arith.addf %add3A_2688, %mul3A_2698 : vector<32x512xf32>
      %get3A_2700 = arith.constant 15 : index
      %get3A_2701 = arith.index_cast %multiple_of3A : i32 to index
      %get3A_2702 = arith.constant 0 : index
      %get3A_2703 = vector.load %arg1[%get3A_2700, %get3A_2701, %get3A_2702] : memref<16x256x512xf32, #tpu.memory_space<vmem>>, vector<1x32x512xf32>
      %get3A_2704 = vector.shape_cast %get3A_2703 : vector<1x32x512xf32> to vector<32x512xf32>
      %get3A_2705 = arith.constant 252 : index
      %get3A_2706 = arith.constant 0 : index
      %get3A_2707 = vector.load %arg2[%get3A_2705, %get3A_2706] : memref<256x512xf32, #tpu.memory_space<vmem>>, vector<1x512xf32>
      %mul3A_2708 = vector.broadcast %get3A_2707 : vector<1x512xf32> to vector<32x512xf32>
      %mul3A_2709 = arith.mulf %get3A_2704, %mul3A_2708 : vector<32x512xf32>
      %add3A_2710 = arith.addf %add3A_2699, %mul3A_2709 : vector<32x512xf32>
      %mul3A_2711 = arith.constant 5.000000e-01 : f32
      %mul3A_2712 = vector.broadcast %mul3A_2711 : f32 to vector<32x512xf32>
      %mul3A_2713 = arith.mulf %mul3A_2712, %add3A_2710 : vector<32x512xf32>
      %tanh3A_2714 = math.tanh %mul3A_2713 : vector<32x512xf32>
      %mul3A_2715 = arith.constant 5.000000e-01 : f32
      %mul3A_2716 = vector.broadcast %mul3A_2715 : f32 to vector<32x512xf32>
      %mul3A_2717 = arith.mulf %mul3A_2716, %tanh3A_2714 : vector<32x512xf32>
      %add3A_2718 = arith.constant 5.000000e-01 : f32
      %add3A_2719 = vector.broadcast %add3A_2718 : f32 to vector<32x512xf32>
      %add3A_2720 = arith.addf %mul3A_2717, %add3A_2719 : vector<32x512xf32>
      %get3A_2721 = arith.constant 12 : index
      %get3A_2722 = arith.constant 0 : index
      %get3A_2723 = vector.load %arg4[%get3A_2721, %get3A_2722] : memref<16x512xf32, #tpu.memory_space<vmem>>, vector<1x512xf32>
      %mul3A_2724 = vector.broadcast %get3A_2723 : vector<1x512xf32> to vector<32x512xf32>
      %mul3A_2725 = arith.mulf %add3A_2720, %mul3A_2724 : vector<32x512xf32>
      %add3A_2726 = arith.addf %add3A_2529, %mul3A_2725 : vector<32x512xf32>
      %get3A_2727 = arith.constant 13 : index
      %get3A_2728 = arith.constant 0 : index
      %get3A_2729 = vector.load %arg3[%get3A_2727, %get3A_2728] : memref<16x512xf32, #tpu.memory_space<vmem>>, vector<1x512xf32>
      %broadcast_in_dim3A_2730 = vector.shape_cast %get3A_2729 : vector<1x512xf32> to vector<1x512xf32>
      %broadcast_in_dim3A_2731 = vector.broadcast %broadcast_in_dim3A_2730 : vector<1x512xf32> to vector<32x512xf32>
      %get3A_2732 = arith.constant 0 : index
      %get3A_2733 = arith.index_cast %multiple_of3A : i32 to index
      %get3A_2734 = arith.constant 0 : index
      %get3A_2735 = vector.load %arg1[%get3A_2732, %get3A_2733, %get3A_2734] : memref<16x256x512xf32, #tpu.memory_space<vmem>>, vector<1x32x512xf32>
      %get3A_2736 = vector.shape_cast %get3A_2735 : vector<1x32x512xf32> to vector<32x512xf32>
      %get3A_2737 = arith.constant 13 : index
      %get3A_2738 = arith.constant 0 : index
      %get3A_2739 = vector.load %arg2[%get3A_2737, %get3A_2738] : memref<256x512xf32, #tpu.memory_space<vmem>>, vector<1x512xf32>
      %mul3A_2740 = vector.broadcast %get3A_2739 : vector<1x512xf32> to vector<32x512xf32>
      %mul3A_2741 = arith.mulf %get3A_2736, %mul3A_2740 : vector<32x512xf32>
      %add3A_2742 = arith.addf %broadcast_in_dim3A_2731, %mul3A_2741 : vector<32x512xf32>
      %get3A_2743 = arith.constant 1 : index
      %get3A_2744 = arith.index_cast %multiple_of3A : i32 to index
      %get3A_2745 = arith.constant 0 : index
      %get3A_2746 = vector.load %arg1[%get3A_2743, %get3A_2744, %get3A_2745] : memref<16x256x512xf32, #tpu.memory_space<vmem>>, vector<1x32x512xf32>
      %get3A_2747 = vector.shape_cast %get3A_2746 : vector<1x32x512xf32> to vector<32x512xf32>
      %get3A_2748 = arith.constant 29 : index
      %get3A_2749 = arith.constant 0 : index
      %get3A_2750 = vector.load %arg2[%get3A_2748, %get3A_2749] : memref<256x512xf32, #tpu.memory_space<vmem>>, vector<1x512xf32>
      %mul3A_2751 = vector.broadcast %get3A_2750 : vector<1x512xf32> to vector<32x512xf32>
      %mul3A_2752 = arith.mulf %get3A_2747, %mul3A_2751 : vector<32x512xf32>
      %add3A_2753 = arith.addf %add3A_2742, %mul3A_2752 : vector<32x512xf32>
      %get3A_2754 = arith.constant 2 : index
      %get3A_2755 = arith.index_cast %multiple_of3A : i32 to index
      %get3A_2756 = arith.constant 0 : index
      %get3A_2757 = vector.load %arg1[%get3A_2754, %get3A_2755, %get3A_2756] : memref<16x256x512xf32, #tpu.memory_space<vmem>>, vector<1x32x512xf32>
      %get3A_2758 = vector.shape_cast %get3A_2757 : vector<1x32x512xf32> to vector<32x512xf32>
      %get3A_2759 = arith.constant 45 : index
      %get3A_2760 = arith.constant 0 : index
      %get3A_2761 = vector.load %arg2[%get3A_2759, %get3A_2760] : memref<256x512xf32, #tpu.memory_space<vmem>>, vector<1x512xf32>
      %mul3A_2762 = vector.broadcast %get3A_2761 : vector<1x512xf32> to vector<32x512xf32>
      %mul3A_2763 = arith.mulf %get3A_2758, %mul3A_2762 : vector<32x512xf32>
      %add3A_2764 = arith.addf %add3A_2753, %mul3A_2763 : vector<32x512xf32>
      %get3A_2765 = arith.constant 3 : index
      %get3A_2766 = arith.index_cast %multiple_of3A : i32 to index
      %get3A_2767 = arith.constant 0 : index
      %get3A_2768 = vector.load %arg1[%get3A_2765, %get3A_2766, %get3A_2767] : memref<16x256x512xf32, #tpu.memory_space<vmem>>, vector<1x32x512xf32>
      %get3A_2769 = vector.shape_cast %get3A_2768 : vector<1x32x512xf32> to vector<32x512xf32>
      %get3A_2770 = arith.constant 61 : index
      %get3A_2771 = arith.constant 0 : index
      %get3A_2772 = vector.load %arg2[%get3A_2770, %get3A_2771] : memref<256x512xf32, #tpu.memory_space<vmem>>, vector<1x512xf32>
      %mul3A_2773 = vector.broadcast %get3A_2772 : vector<1x512xf32> to vector<32x512xf32>
      %mul3A_2774 = arith.mulf %get3A_2769, %mul3A_2773 : vector<32x512xf32>
      %add3A_2775 = arith.addf %add3A_2764, %mul3A_2774 : vector<32x512xf32>
      %get3A_2776 = arith.constant 4 : index
      %get3A_2777 = arith.index_cast %multiple_of3A : i32 to index
      %get3A_2778 = arith.constant 0 : index
      %get3A_2779 = vector.load %arg1[%get3A_2776, %get3A_2777, %get3A_2778] : memref<16x256x512xf32, #tpu.memory_space<vmem>>, vector<1x32x512xf32>
      %get3A_2780 = vector.shape_cast %get3A_2779 : vector<1x32x512xf32> to vector<32x512xf32>
      %get3A_2781 = arith.constant 77 : index
      %get3A_2782 = arith.constant 0 : index
      %get3A_2783 = vector.load %arg2[%get3A_2781, %get3A_2782] : memref<256x512xf32, #tpu.memory_space<vmem>>, vector<1x512xf32>
      %mul3A_2784 = vector.broadcast %get3A_2783 : vector<1x512xf32> to vector<32x512xf32>
      %mul3A_2785 = arith.mulf %get3A_2780, %mul3A_2784 : vector<32x512xf32>
      %add3A_2786 = arith.addf %add3A_2775, %mul3A_2785 : vector<32x512xf32>
      %get3A_2787 = arith.constant 5 : index
      %get3A_2788 = arith.index_cast %multiple_of3A : i32 to index
      %get3A_2789 = arith.constant 0 : index
      %get3A_2790 = vector.load %arg1[%get3A_2787, %get3A_2788, %get3A_2789] : memref<16x256x512xf32, #tpu.memory_space<vmem>>, vector<1x32x512xf32>
      %get3A_2791 = vector.shape_cast %get3A_2790 : vector<1x32x512xf32> to vector<32x512xf32>
      %get3A_2792 = arith.constant 93 : index
      %get3A_2793 = arith.constant 0 : index
      %get3A_2794 = vector.load %arg2[%get3A_2792, %get3A_2793] : memref<256x512xf32, #tpu.memory_space<vmem>>, vector<1x512xf32>
      %mul3A_2795 = vector.broadcast %get3A_2794 : vector<1x512xf32> to vector<32x512xf32>
      %mul3A_2796 = arith.mulf %get3A_2791, %mul3A_2795 : vector<32x512xf32>
      %add3A_2797 = arith.addf %add3A_2786, %mul3A_2796 : vector<32x512xf32>
      %get3A_2798 = arith.constant 6 : index
      %get3A_2799 = arith.index_cast %multiple_of3A : i32 to index
      %get3A_2800 = arith.constant 0 : index
      %get3A_2801 = vector.load %arg1[%get3A_2798, %get3A_2799, %get3A_2800] : memref<16x256x512xf32, #tpu.memory_space<vmem>>, vector<1x32x512xf32>
      %get3A_2802 = vector.shape_cast %get3A_2801 : vector<1x32x512xf32> to vector<32x512xf32>
      %get3A_2803 = arith.constant 109 : index
      %get3A_2804 = arith.constant 0 : index
      %get3A_2805 = vector.load %arg2[%get3A_2803, %get3A_2804] : memref<256x512xf32, #tpu.memory_space<vmem>>, vector<1x512xf32>
      %mul3A_2806 = vector.broadcast %get3A_2805 : vector<1x512xf32> to vector<32x512xf32>
      %mul3A_2807 = arith.mulf %get3A_2802, %mul3A_2806 : vector<32x512xf32>
      %add3A_2808 = arith.addf %add3A_2797, %mul3A_2807 : vector<32x512xf32>
      %get3A_2809 = arith.constant 7 : index
      %get3A_2810 = arith.index_cast %multiple_of3A : i32 to index
      %get3A_2811 = arith.constant 0 : index
      %get3A_2812 = vector.load %arg1[%get3A_2809, %get3A_2810, %get3A_2811] : memref<16x256x512xf32, #tpu.memory_space<vmem>>, vector<1x32x512xf32>
      %get3A_2813 = vector.shape_cast %get3A_2812 : vector<1x32x512xf32> to vector<32x512xf32>
      %get3A_2814 = arith.constant 125 : index
      %get3A_2815 = arith.constant 0 : index
      %get3A_2816 = vector.load %arg2[%get3A_2814, %get3A_2815] : memref<256x512xf32, #tpu.memory_space<vmem>>, vector<1x512xf32>
      %mul3A_2817 = vector.broadcast %get3A_2816 : vector<1x512xf32> to vector<32x512xf32>
      %mul3A_2818 = arith.mulf %get3A_2813, %mul3A_2817 : vector<32x512xf32>
      %add3A_2819 = arith.addf %add3A_2808, %mul3A_2818 : vector<32x512xf32>
      %get3A_2820 = arith.constant 8 : index
      %get3A_2821 = arith.index_cast %multiple_of3A : i32 to index
      %get3A_2822 = arith.constant 0 : index
      %get3A_2823 = vector.load %arg1[%get3A_2820, %get3A_2821, %get3A_2822] : memref<16x256x512xf32, #tpu.memory_space<vmem>>, vector<1x32x512xf32>
      %get3A_2824 = vector.shape_cast %get3A_2823 : vector<1x32x512xf32> to vector<32x512xf32>
      %get3A_2825 = arith.constant 141 : index
      %get3A_2826 = arith.constant 0 : index
      %get3A_2827 = vector.load %arg2[%get3A_2825, %get3A_2826] : memref<256x512xf32, #tpu.memory_space<vmem>>, vector<1x512xf32>
      %mul3A_2828 = vector.broadcast %get3A_2827 : vector<1x512xf32> to vector<32x512xf32>
      %mul3A_2829 = arith.mulf %get3A_2824, %mul3A_2828 : vector<32x512xf32>
      %add3A_2830 = arith.addf %add3A_2819, %mul3A_2829 : vector<32x512xf32>
      %get3A_2831 = arith.constant 9 : index
      %get3A_2832 = arith.index_cast %multiple_of3A : i32 to index
      %get3A_2833 = arith.constant 0 : index
      %get3A_2834 = vector.load %arg1[%get3A_2831, %get3A_2832, %get3A_2833] : memref<16x256x512xf32, #tpu.memory_space<vmem>>, vector<1x32x512xf32>
      %get3A_2835 = vector.shape_cast %get3A_2834 : vector<1x32x512xf32> to vector<32x512xf32>
      %get3A_2836 = arith.constant 157 : index
      %get3A_2837 = arith.constant 0 : index
      %get3A_2838 = vector.load %arg2[%get3A_2836, %get3A_2837] : memref<256x512xf32, #tpu.memory_space<vmem>>, vector<1x512xf32>
      %mul3A_2839 = vector.broadcast %get3A_2838 : vector<1x512xf32> to vector<32x512xf32>
      %mul3A_2840 = arith.mulf %get3A_2835, %mul3A_2839 : vector<32x512xf32>
      %add3A_2841 = arith.addf %add3A_2830, %mul3A_2840 : vector<32x512xf32>
      %get3A_2842 = arith.constant 10 : index
      %get3A_2843 = arith.index_cast %multiple_of3A : i32 to index
      %get3A_2844 = arith.constant 0 : index
      %get3A_2845 = vector.load %arg1[%get3A_2842, %get3A_2843, %get3A_2844] : memref<16x256x512xf32, #tpu.memory_space<vmem>>, vector<1x32x512xf32>
      %get3A_2846 = vector.shape_cast %get3A_2845 : vector<1x32x512xf32> to vector<32x512xf32>
      %get3A_2847 = arith.constant 173 : index
      %get3A_2848 = arith.constant 0 : index
      %get3A_2849 = vector.load %arg2[%get3A_2847, %get3A_2848] : memref<256x512xf32, #tpu.memory_space<vmem>>, vector<1x512xf32>
      %mul3A_2850 = vector.broadcast %get3A_2849 : vector<1x512xf32> to vector<32x512xf32>
      %mul3A_2851 = arith.mulf %get3A_2846, %mul3A_2850 : vector<32x512xf32>
      %add3A_2852 = arith.addf %add3A_2841, %mul3A_2851 : vector<32x512xf32>
      %get3A_2853 = arith.constant 11 : index
      %get3A_2854 = arith.index_cast %multiple_of3A : i32 to index
      %get3A_2855 = arith.constant 0 : index
      %get3A_2856 = vector.load %arg1[%get3A_2853, %get3A_2854, %get3A_2855] : memref<16x256x512xf32, #tpu.memory_space<vmem>>, vector<1x32x512xf32>
      %get3A_2857 = vector.shape_cast %get3A_2856 : vector<1x32x512xf32> to vector<32x512xf32>
      %get3A_2858 = arith.constant 189 : index
      %get3A_2859 = arith.constant 0 : index
      %get3A_2860 = vector.load %arg2[%get3A_2858, %get3A_2859] : memref<256x512xf32, #tpu.memory_space<vmem>>, vector<1x512xf32>
      %mul3A_2861 = vector.broadcast %get3A_2860 : vector<1x512xf32> to vector<32x512xf32>
      %mul3A_2862 = arith.mulf %get3A_2857, %mul3A_2861 : vector<32x512xf32>
      %add3A_2863 = arith.addf %add3A_2852, %mul3A_2862 : vector<32x512xf32>
      %get3A_2864 = arith.constant 12 : index
      %get3A_2865 = arith.index_cast %multiple_of3A : i32 to index
      %get3A_2866 = arith.constant 0 : index
      %get3A_2867 = vector.load %arg1[%get3A_2864, %get3A_2865, %get3A_2866] : memref<16x256x512xf32, #tpu.memory_space<vmem>>, vector<1x32x512xf32>
      %get3A_2868 = vector.shape_cast %get3A_2867 : vector<1x32x512xf32> to vector<32x512xf32>
      %get3A_2869 = arith.constant 205 : index
      %get3A_2870 = arith.constant 0 : index
      %get3A_2871 = vector.load %arg2[%get3A_2869, %get3A_2870] : memref<256x512xf32, #tpu.memory_space<vmem>>, vector<1x512xf32>
      %mul3A_2872 = vector.broadcast %get3A_2871 : vector<1x512xf32> to vector<32x512xf32>
      %mul3A_2873 = arith.mulf %get3A_2868, %mul3A_2872 : vector<32x512xf32>
      %add3A_2874 = arith.addf %add3A_2863, %mul3A_2873 : vector<32x512xf32>
      %get3A_2875 = arith.constant 13 : index
      %get3A_2876 = arith.index_cast %multiple_of3A : i32 to index
      %get3A_2877 = arith.constant 0 : index
      %get3A_2878 = vector.load %arg1[%get3A_2875, %get3A_2876, %get3A_2877] : memref<16x256x512xf32, #tpu.memory_space<vmem>>, vector<1x32x512xf32>
      %get3A_2879 = vector.shape_cast %get3A_2878 : vector<1x32x512xf32> to vector<32x512xf32>
      %get3A_2880 = arith.constant 221 : index
      %get3A_2881 = arith.constant 0 : index
      %get3A_2882 = vector.load %arg2[%get3A_2880, %get3A_2881] : memref<256x512xf32, #tpu.memory_space<vmem>>, vector<1x512xf32>
      %mul3A_2883 = vector.broadcast %get3A_2882 : vector<1x512xf32> to vector<32x512xf32>
      %mul3A_2884 = arith.mulf %get3A_2879, %mul3A_2883 : vector<32x512xf32>
      %add3A_2885 = arith.addf %add3A_2874, %mul3A_2884 : vector<32x512xf32>
      %get3A_2886 = arith.constant 14 : index
      %get3A_2887 = arith.index_cast %multiple_of3A : i32 to index
      %get3A_2888 = arith.constant 0 : index
      %get3A_2889 = vector.load %arg1[%get3A_2886, %get3A_2887, %get3A_2888] : memref<16x256x512xf32, #tpu.memory_space<vmem>>, vector<1x32x512xf32>
      %get3A_2890 = vector.shape_cast %get3A_2889 : vector<1x32x512xf32> to vector<32x512xf32>
      %get3A_2891 = arith.constant 237 : index
      %get3A_2892 = arith.constant 0 : index
      %get3A_2893 = vector.load %arg2[%get3A_2891, %get3A_2892] : memref<256x512xf32, #tpu.memory_space<vmem>>, vector<1x512xf32>
      %mul3A_2894 = vector.broadcast %get3A_2893 : vector<1x512xf32> to vector<32x512xf32>
      %mul3A_2895 = arith.mulf %get3A_2890, %mul3A_2894 : vector<32x512xf32>
      %add3A_2896 = arith.addf %add3A_2885, %mul3A_2895 : vector<32x512xf32>
      %get3A_2897 = arith.constant 15 : index
      %get3A_2898 = arith.index_cast %multiple_of3A : i32 to index
      %get3A_2899 = arith.constant 0 : index
      %get3A_2900 = vector.load %arg1[%get3A_2897, %get3A_2898, %get3A_2899] : memref<16x256x512xf32, #tpu.memory_space<vmem>>, vector<1x32x512xf32>
      %get3A_2901 = vector.shape_cast %get3A_2900 : vector<1x32x512xf32> to vector<32x512xf32>
      %get3A_2902 = arith.constant 253 : index
      %get3A_2903 = arith.constant 0 : index
      %get3A_2904 = vector.load %arg2[%get3A_2902, %get3A_2903] : memref<256x512xf32, #tpu.memory_space<vmem>>, vector<1x512xf32>
      %mul3A_2905 = vector.broadcast %get3A_2904 : vector<1x512xf32> to vector<32x512xf32>
      %mul3A_2906 = arith.mulf %get3A_2901, %mul3A_2905 : vector<32x512xf32>
      %add3A_2907 = arith.addf %add3A_2896, %mul3A_2906 : vector<32x512xf32>
      %mul3A_2908 = arith.constant 5.000000e-01 : f32
      %mul3A_2909 = vector.broadcast %mul3A_2908 : f32 to vector<32x512xf32>
      %mul3A_2910 = arith.mulf %mul3A_2909, %add3A_2907 : vector<32x512xf32>
      %tanh3A_2911 = math.tanh %mul3A_2910 : vector<32x512xf32>
      %mul3A_2912 = arith.constant 5.000000e-01 : f32
      %mul3A_2913 = vector.broadcast %mul3A_2912 : f32 to vector<32x512xf32>
      %mul3A_2914 = arith.mulf %mul3A_2913, %tanh3A_2911 : vector<32x512xf32>
      %add3A_2915 = arith.constant 5.000000e-01 : f32
      %add3A_2916 = vector.broadcast %add3A_2915 : f32 to vector<32x512xf32>
      %add3A_2917 = arith.addf %mul3A_2914, %add3A_2916 : vector<32x512xf32>
      %get3A_2918 = arith.constant 13 : index
      %get3A_2919 = arith.constant 0 : index
      %get3A_2920 = vector.load %arg4[%get3A_2918, %get3A_2919] : memref<16x512xf32, #tpu.memory_space<vmem>>, vector<1x512xf32>
      %mul3A_2921 = vector.broadcast %get3A_2920 : vector<1x512xf32> to vector<32x512xf32>
      %mul3A_2922 = arith.mulf %add3A_2917, %mul3A_2921 : vector<32x512xf32>
      %add3A_2923 = arith.addf %add3A_2726, %mul3A_2922 : vector<32x512xf32>
      %get3A_2924 = arith.constant 14 : index
      %get3A_2925 = arith.constant 0 : index
      %get3A_2926 = vector.load %arg3[%get3A_2924, %get3A_2925] : memref<16x512xf32, #tpu.memory_space<vmem>>, vector<1x512xf32>
      %broadcast_in_dim3A_2927 = vector.shape_cast %get3A_2926 : vector<1x512xf32> to vector<1x512xf32>
      %broadcast_in_dim3A_2928 = vector.broadcast %broadcast_in_dim3A_2927 : vector<1x512xf32> to vector<32x512xf32>
      %get3A_2929 = arith.constant 0 : index
      %get3A_2930 = arith.index_cast %multiple_of3A : i32 to index
      %get3A_2931 = arith.constant 0 : index
      %get3A_2932 = vector.load %arg1[%get3A_2929, %get3A_2930, %get3A_2931] : memref<16x256x512xf32, #tpu.memory_space<vmem>>, vector<1x32x512xf32>
      %get3A_2933 = vector.shape_cast %get3A_2932 : vector<1x32x512xf32> to vector<32x512xf32>
      %get3A_2934 = arith.constant 14 : index
      %get3A_2935 = arith.constant 0 : index
      %get3A_2936 = vector.load %arg2[%get3A_2934, %get3A_2935] : memref<256x512xf32, #tpu.memory_space<vmem>>, vector<1x512xf32>
      %mul3A_2937 = vector.broadcast %get3A_2936 : vector<1x512xf32> to vector<32x512xf32>
      %mul3A_2938 = arith.mulf %get3A_2933, %mul3A_2937 : vector<32x512xf32>
      %add3A_2939 = arith.addf %broadcast_in_dim3A_2928, %mul3A_2938 : vector<32x512xf32>
      %get3A_2940 = arith.constant 1 : index
      %get3A_2941 = arith.index_cast %multiple_of3A : i32 to index
      %get3A_2942 = arith.constant 0 : index
      %get3A_2943 = vector.load %arg1[%get3A_2940, %get3A_2941, %get3A_2942] : memref<16x256x512xf32, #tpu.memory_space<vmem>>, vector<1x32x512xf32>
      %get3A_2944 = vector.shape_cast %get3A_2943 : vector<1x32x512xf32> to vector<32x512xf32>
      %get3A_2945 = arith.constant 30 : index
      %get3A_2946 = arith.constant 0 : index
      %get3A_2947 = vector.load %arg2[%get3A_2945, %get3A_2946] : memref<256x512xf32, #tpu.memory_space<vmem>>, vector<1x512xf32>
      %mul3A_2948 = vector.broadcast %get3A_2947 : vector<1x512xf32> to vector<32x512xf32>
      %mul3A_2949 = arith.mulf %get3A_2944, %mul3A_2948 : vector<32x512xf32>
      %add3A_2950 = arith.addf %add3A_2939, %mul3A_2949 : vector<32x512xf32>
      %get3A_2951 = arith.constant 2 : index
      %get3A_2952 = arith.index_cast %multiple_of3A : i32 to index
      %get3A_2953 = arith.constant 0 : index
      %get3A_2954 = vector.load %arg1[%get3A_2951, %get3A_2952, %get3A_2953] : memref<16x256x512xf32, #tpu.memory_space<vmem>>, vector<1x32x512xf32>
      %get3A_2955 = vector.shape_cast %get3A_2954 : vector<1x32x512xf32> to vector<32x512xf32>
      %get3A_2956 = arith.constant 46 : index
      %get3A_2957 = arith.constant 0 : index
      %get3A_2958 = vector.load %arg2[%get3A_2956, %get3A_2957] : memref<256x512xf32, #tpu.memory_space<vmem>>, vector<1x512xf32>
      %mul3A_2959 = vector.broadcast %get3A_2958 : vector<1x512xf32> to vector<32x512xf32>
      %mul3A_2960 = arith.mulf %get3A_2955, %mul3A_2959 : vector<32x512xf32>
      %add3A_2961 = arith.addf %add3A_2950, %mul3A_2960 : vector<32x512xf32>
      %get3A_2962 = arith.constant 3 : index
      %get3A_2963 = arith.index_cast %multiple_of3A : i32 to index
      %get3A_2964 = arith.constant 0 : index
      %get3A_2965 = vector.load %arg1[%get3A_2962, %get3A_2963, %get3A_2964] : memref<16x256x512xf32, #tpu.memory_space<vmem>>, vector<1x32x512xf32>
      %get3A_2966 = vector.shape_cast %get3A_2965 : vector<1x32x512xf32> to vector<32x512xf32>
      %get3A_2967 = arith.constant 62 : index
      %get3A_2968 = arith.constant 0 : index
      %get3A_2969 = vector.load %arg2[%get3A_2967, %get3A_2968] : memref<256x512xf32, #tpu.memory_space<vmem>>, vector<1x512xf32>
      %mul3A_2970 = vector.broadcast %get3A_2969 : vector<1x512xf32> to vector<32x512xf32>
      %mul3A_2971 = arith.mulf %get3A_2966, %mul3A_2970 : vector<32x512xf32>
      %add3A_2972 = arith.addf %add3A_2961, %mul3A_2971 : vector<32x512xf32>
      %get3A_2973 = arith.constant 4 : index
      %get3A_2974 = arith.index_cast %multiple_of3A : i32 to index
      %get3A_2975 = arith.constant 0 : index
      %get3A_2976 = vector.load %arg1[%get3A_2973, %get3A_2974, %get3A_2975] : memref<16x256x512xf32, #tpu.memory_space<vmem>>, vector<1x32x512xf32>
      %get3A_2977 = vector.shape_cast %get3A_2976 : vector<1x32x512xf32> to vector<32x512xf32>
      %get3A_2978 = arith.constant 78 : index
      %get3A_2979 = arith.constant 0 : index
      %get3A_2980 = vector.load %arg2[%get3A_2978, %get3A_2979] : memref<256x512xf32, #tpu.memory_space<vmem>>, vector<1x512xf32>
      %mul3A_2981 = vector.broadcast %get3A_2980 : vector<1x512xf32> to vector<32x512xf32>
      %mul3A_2982 = arith.mulf %get3A_2977, %mul3A_2981 : vector<32x512xf32>
      %add3A_2983 = arith.addf %add3A_2972, %mul3A_2982 : vector<32x512xf32>
      %get3A_2984 = arith.constant 5 : index
      %get3A_2985 = arith.index_cast %multiple_of3A : i32 to index
      %get3A_2986 = arith.constant 0 : index
      %get3A_2987 = vector.load %arg1[%get3A_2984, %get3A_2985, %get3A_2986] : memref<16x256x512xf32, #tpu.memory_space<vmem>>, vector<1x32x512xf32>
      %get3A_2988 = vector.shape_cast %get3A_2987 : vector<1x32x512xf32> to vector<32x512xf32>
      %get3A_2989 = arith.constant 94 : index
      %get3A_2990 = arith.constant 0 : index
      %get3A_2991 = vector.load %arg2[%get3A_2989, %get3A_2990] : memref<256x512xf32, #tpu.memory_space<vmem>>, vector<1x512xf32>
      %mul3A_2992 = vector.broadcast %get3A_2991 : vector<1x512xf32> to vector<32x512xf32>
      %mul3A_2993 = arith.mulf %get3A_2988, %mul3A_2992 : vector<32x512xf32>
      %add3A_2994 = arith.addf %add3A_2983, %mul3A_2993 : vector<32x512xf32>
      %get3A_2995 = arith.constant 6 : index
      %get3A_2996 = arith.index_cast %multiple_of3A : i32 to index
      %get3A_2997 = arith.constant 0 : index
      %get3A_2998 = vector.load %arg1[%get3A_2995, %get3A_2996, %get3A_2997] : memref<16x256x512xf32, #tpu.memory_space<vmem>>, vector<1x32x512xf32>
      %get3A_2999 = vector.shape_cast %get3A_2998 : vector<1x32x512xf32> to vector<32x512xf32>
      %get3A_3000 = arith.constant 110 : index
      %get3A_3001 = arith.constant 0 : index
      %get3A_3002 = vector.load %arg2[%get3A_3000, %get3A_3001] : memref<256x512xf32, #tpu.memory_space<vmem>>, vector<1x512xf32>
      %mul3A_3003 = vector.broadcast %get3A_3002 : vector<1x512xf32> to vector<32x512xf32>
      %mul3A_3004 = arith.mulf %get3A_2999, %mul3A_3003 : vector<32x512xf32>
      %add3A_3005 = arith.addf %add3A_2994, %mul3A_3004 : vector<32x512xf32>
      %get3A_3006 = arith.constant 7 : index
      %get3A_3007 = arith.index_cast %multiple_of3A : i32 to index
      %get3A_3008 = arith.constant 0 : index
      %get3A_3009 = vector.load %arg1[%get3A_3006, %get3A_3007, %get3A_3008] : memref<16x256x512xf32, #tpu.memory_space<vmem>>, vector<1x32x512xf32>
      %get3A_3010 = vector.shape_cast %get3A_3009 : vector<1x32x512xf32> to vector<32x512xf32>
      %get3A_3011 = arith.constant 126 : index
      %get3A_3012 = arith.constant 0 : index
      %get3A_3013 = vector.load %arg2[%get3A_3011, %get3A_3012] : memref<256x512xf32, #tpu.memory_space<vmem>>, vector<1x512xf32>
      %mul3A_3014 = vector.broadcast %get3A_3013 : vector<1x512xf32> to vector<32x512xf32>
      %mul3A_3015 = arith.mulf %get3A_3010, %mul3A_3014 : vector<32x512xf32>
      %add3A_3016 = arith.addf %add3A_3005, %mul3A_3015 : vector<32x512xf32>
      %get3A_3017 = arith.constant 8 : index
      %get3A_3018 = arith.index_cast %multiple_of3A : i32 to index
      %get3A_3019 = arith.constant 0 : index
      %get3A_3020 = vector.load %arg1[%get3A_3017, %get3A_3018, %get3A_3019] : memref<16x256x512xf32, #tpu.memory_space<vmem>>, vector<1x32x512xf32>
      %get3A_3021 = vector.shape_cast %get3A_3020 : vector<1x32x512xf32> to vector<32x512xf32>
      %get3A_3022 = arith.constant 142 : index
      %get3A_3023 = arith.constant 0 : index
      %get3A_3024 = vector.load %arg2[%get3A_3022, %get3A_3023] : memref<256x512xf32, #tpu.memory_space<vmem>>, vector<1x512xf32>
      %mul3A_3025 = vector.broadcast %get3A_3024 : vector<1x512xf32> to vector<32x512xf32>
      %mul3A_3026 = arith.mulf %get3A_3021, %mul3A_3025 : vector<32x512xf32>
      %add3A_3027 = arith.addf %add3A_3016, %mul3A_3026 : vector<32x512xf32>
      %get3A_3028 = arith.constant 9 : index
      %get3A_3029 = arith.index_cast %multiple_of3A : i32 to index
      %get3A_3030 = arith.constant 0 : index
      %get3A_3031 = vector.load %arg1[%get3A_3028, %get3A_3029, %get3A_3030] : memref<16x256x512xf32, #tpu.memory_space<vmem>>, vector<1x32x512xf32>
      %get3A_3032 = vector.shape_cast %get3A_3031 : vector<1x32x512xf32> to vector<32x512xf32>
      %get3A_3033 = arith.constant 158 : index
      %get3A_3034 = arith.constant 0 : index
      %get3A_3035 = vector.load %arg2[%get3A_3033, %get3A_3034] : memref<256x512xf32, #tpu.memory_space<vmem>>, vector<1x512xf32>
      %mul3A_3036 = vector.broadcast %get3A_3035 : vector<1x512xf32> to vector<32x512xf32>
      %mul3A_3037 = arith.mulf %get3A_3032, %mul3A_3036 : vector<32x512xf32>
      %add3A_3038 = arith.addf %add3A_3027, %mul3A_3037 : vector<32x512xf32>
      %get3A_3039 = arith.constant 10 : index
      %get3A_3040 = arith.index_cast %multiple_of3A : i32 to index
      %get3A_3041 = arith.constant 0 : index
      %get3A_3042 = vector.load %arg1[%get3A_3039, %get3A_3040, %get3A_3041] : memref<16x256x512xf32, #tpu.memory_space<vmem>>, vector<1x32x512xf32>
      %get3A_3043 = vector.shape_cast %get3A_3042 : vector<1x32x512xf32> to vector<32x512xf32>
      %get3A_3044 = arith.constant 174 : index
      %get3A_3045 = arith.constant 0 : index
      %get3A_3046 = vector.load %arg2[%get3A_3044, %get3A_3045] : memref<256x512xf32, #tpu.memory_space<vmem>>, vector<1x512xf32>
      %mul3A_3047 = vector.broadcast %get3A_3046 : vector<1x512xf32> to vector<32x512xf32>
      %mul3A_3048 = arith.mulf %get3A_3043, %mul3A_3047 : vector<32x512xf32>
      %add3A_3049 = arith.addf %add3A_3038, %mul3A_3048 : vector<32x512xf32>
      %get3A_3050 = arith.constant 11 : index
      %get3A_3051 = arith.index_cast %multiple_of3A : i32 to index
      %get3A_3052 = arith.constant 0 : index
      %get3A_3053 = vector.load %arg1[%get3A_3050, %get3A_3051, %get3A_3052] : memref<16x256x512xf32, #tpu.memory_space<vmem>>, vector<1x32x512xf32>
      %get3A_3054 = vector.shape_cast %get3A_3053 : vector<1x32x512xf32> to vector<32x512xf32>
      %get3A_3055 = arith.constant 190 : index
      %get3A_3056 = arith.constant 0 : index
      %get3A_3057 = vector.load %arg2[%get3A_3055, %get3A_3056] : memref<256x512xf32, #tpu.memory_space<vmem>>, vector<1x512xf32>
      %mul3A_3058 = vector.broadcast %get3A_3057 : vector<1x512xf32> to vector<32x512xf32>
      %mul3A_3059 = arith.mulf %get3A_3054, %mul3A_3058 : vector<32x512xf32>
      %add3A_3060 = arith.addf %add3A_3049, %mul3A_3059 : vector<32x512xf32>
      %get3A_3061 = arith.constant 12 : index
      %get3A_3062 = arith.index_cast %multiple_of3A : i32 to index
      %get3A_3063 = arith.constant 0 : index
      %get3A_3064 = vector.load %arg1[%get3A_3061, %get3A_3062, %get3A_3063] : memref<16x256x512xf32, #tpu.memory_space<vmem>>, vector<1x32x512xf32>
      %get3A_3065 = vector.shape_cast %get3A_3064 : vector<1x32x512xf32> to vector<32x512xf32>
      %get3A_3066 = arith.constant 206 : index
      %get3A_3067 = arith.constant 0 : index
      %get3A_3068 = vector.load %arg2[%get3A_3066, %get3A_3067] : memref<256x512xf32, #tpu.memory_space<vmem>>, vector<1x512xf32>
      %mul3A_3069 = vector.broadcast %get3A_3068 : vector<1x512xf32> to vector<32x512xf32>
      %mul3A_3070 = arith.mulf %get3A_3065, %mul3A_3069 : vector<32x512xf32>
      %add3A_3071 = arith.addf %add3A_3060, %mul3A_3070 : vector<32x512xf32>
      %get3A_3072 = arith.constant 13 : index
      %get3A_3073 = arith.index_cast %multiple_of3A : i32 to index
      %get3A_3074 = arith.constant 0 : index
      %get3A_3075 = vector.load %arg1[%get3A_3072, %get3A_3073, %get3A_3074] : memref<16x256x512xf32, #tpu.memory_space<vmem>>, vector<1x32x512xf32>
      %get3A_3076 = vector.shape_cast %get3A_3075 : vector<1x32x512xf32> to vector<32x512xf32>
      %get3A_3077 = arith.constant 222 : index
      %get3A_3078 = arith.constant 0 : index
      %get3A_3079 = vector.load %arg2[%get3A_3077, %get3A_3078] : memref<256x512xf32, #tpu.memory_space<vmem>>, vector<1x512xf32>
      %mul3A_3080 = vector.broadcast %get3A_3079 : vector<1x512xf32> to vector<32x512xf32>
      %mul3A_3081 = arith.mulf %get3A_3076, %mul3A_3080 : vector<32x512xf32>
      %add3A_3082 = arith.addf %add3A_3071, %mul3A_3081 : vector<32x512xf32>
      %get3A_3083 = arith.constant 14 : index
      %get3A_3084 = arith.index_cast %multiple_of3A : i32 to index
      %get3A_3085 = arith.constant 0 : index
      %get3A_3086 = vector.load %arg1[%get3A_3083, %get3A_3084, %get3A_3085] : memref<16x256x512xf32, #tpu.memory_space<vmem>>, vector<1x32x512xf32>
      %get3A_3087 = vector.shape_cast %get3A_3086 : vector<1x32x512xf32> to vector<32x512xf32>
      %get3A_3088 = arith.constant 238 : index
      %get3A_3089 = arith.constant 0 : index
      %get3A_3090 = vector.load %arg2[%get3A_3088, %get3A_3089] : memref<256x512xf32, #tpu.memory_space<vmem>>, vector<1x512xf32>
      %mul3A_3091 = vector.broadcast %get3A_3090 : vector<1x512xf32> to vector<32x512xf32>
      %mul3A_3092 = arith.mulf %get3A_3087, %mul3A_3091 : vector<32x512xf32>
      %add3A_3093 = arith.addf %add3A_3082, %mul3A_3092 : vector<32x512xf32>
      %get3A_3094 = arith.constant 15 : index
      %get3A_3095 = arith.index_cast %multiple_of3A : i32 to index
      %get3A_3096 = arith.constant 0 : index
      %get3A_3097 = vector.load %arg1[%get3A_3094, %get3A_3095, %get3A_3096] : memref<16x256x512xf32, #tpu.memory_space<vmem>>, vector<1x32x512xf32>
      %get3A_3098 = vector.shape_cast %get3A_3097 : vector<1x32x512xf32> to vector<32x512xf32>
      %get3A_3099 = arith.constant 254 : index
      %get3A_3100 = arith.constant 0 : index
      %get3A_3101 = vector.load %arg2[%get3A_3099, %get3A_3100] : memref<256x512xf32, #tpu.memory_space<vmem>>, vector<1x512xf32>
      %mul3A_3102 = vector.broadcast %get3A_3101 : vector<1x512xf32> to vector<32x512xf32>
      %mul3A_3103 = arith.mulf %get3A_3098, %mul3A_3102 : vector<32x512xf32>
      %add3A_3104 = arith.addf %add3A_3093, %mul3A_3103 : vector<32x512xf32>
      %mul3A_3105 = arith.constant 5.000000e-01 : f32
      %mul3A_3106 = vector.broadcast %mul3A_3105 : f32 to vector<32x512xf32>
      %mul3A_3107 = arith.mulf %mul3A_3106, %add3A_3104 : vector<32x512xf32>
      %tanh3A_3108 = math.tanh %mul3A_3107 : vector<32x512xf32>
      %mul3A_3109 = arith.constant 5.000000e-01 : f32
      %mul3A_3110 = vector.broadcast %mul3A_3109 : f32 to vector<32x512xf32>
      %mul3A_3111 = arith.mulf %mul3A_3110, %tanh3A_3108 : vector<32x512xf32>
      %add3A_3112 = arith.constant 5.000000e-01 : f32
      %add3A_3113 = vector.broadcast %add3A_3112 : f32 to vector<32x512xf32>
      %add3A_3114 = arith.addf %mul3A_3111, %add3A_3113 : vector<32x512xf32>
      %get3A_3115 = arith.constant 14 : index
      %get3A_3116 = arith.constant 0 : index
      %get3A_3117 = vector.load %arg4[%get3A_3115, %get3A_3116] : memref<16x512xf32, #tpu.memory_space<vmem>>, vector<1x512xf32>
      %mul3A_3118 = vector.broadcast %get3A_3117 : vector<1x512xf32> to vector<32x512xf32>
      %mul3A_3119 = arith.mulf %add3A_3114, %mul3A_3118 : vector<32x512xf32>
      %add3A_3120 = arith.addf %add3A_2923, %mul3A_3119 : vector<32x512xf32>
      %get3A_3121 = arith.constant 15 : index
      %get3A_3122 = arith.constant 0 : index
      %get3A_3123 = vector.load %arg3[%get3A_3121, %get3A_3122] : memref<16x512xf32, #tpu.memory_space<vmem>>, vector<1x512xf32>
      %broadcast_in_dim3A_3124 = vector.shape_cast %get3A_3123 : vector<1x512xf32> to vector<1x512xf32>
      %broadcast_in_dim3A_3125 = vector.broadcast %broadcast_in_dim3A_3124 : vector<1x512xf32> to vector<32x512xf32>
      %get3A_3126 = arith.constant 0 : index
      %get3A_3127 = arith.index_cast %multiple_of3A : i32 to index
      %get3A_3128 = arith.constant 0 : index
      %get3A_3129 = vector.load %arg1[%get3A_3126, %get3A_3127, %get3A_3128] : memref<16x256x512xf32, #tpu.memory_space<vmem>>, vector<1x32x512xf32>
      %get3A_3130 = vector.shape_cast %get3A_3129 : vector<1x32x512xf32> to vector<32x512xf32>
      %get3A_3131 = arith.constant 15 : index
      %get3A_3132 = arith.constant 0 : index
      %get3A_3133 = vector.load %arg2[%get3A_3131, %get3A_3132] : memref<256x512xf32, #tpu.memory_space<vmem>>, vector<1x512xf32>
      %mul3A_3134 = vector.broadcast %get3A_3133 : vector<1x512xf32> to vector<32x512xf32>
      %mul3A_3135 = arith.mulf %get3A_3130, %mul3A_3134 : vector<32x512xf32>
      %add3A_3136 = arith.addf %broadcast_in_dim3A_3125, %mul3A_3135 : vector<32x512xf32>
      %get3A_3137 = arith.constant 1 : index
      %get3A_3138 = arith.index_cast %multiple_of3A : i32 to index
      %get3A_3139 = arith.constant 0 : index
      %get3A_3140 = vector.load %arg1[%get3A_3137, %get3A_3138, %get3A_3139] : memref<16x256x512xf32, #tpu.memory_space<vmem>>, vector<1x32x512xf32>
      %get3A_3141 = vector.shape_cast %get3A_3140 : vector<1x32x512xf32> to vector<32x512xf32>
      %get3A_3142 = arith.constant 31 : index
      %get3A_3143 = arith.constant 0 : index
      %get3A_3144 = vector.load %arg2[%get3A_3142, %get3A_3143] : memref<256x512xf32, #tpu.memory_space<vmem>>, vector<1x512xf32>
      %mul3A_3145 = vector.broadcast %get3A_3144 : vector<1x512xf32> to vector<32x512xf32>
      %mul3A_3146 = arith.mulf %get3A_3141, %mul3A_3145 : vector<32x512xf32>
      %add3A_3147 = arith.addf %add3A_3136, %mul3A_3146 : vector<32x512xf32>
      %get3A_3148 = arith.constant 2 : index
      %get3A_3149 = arith.index_cast %multiple_of3A : i32 to index
      %get3A_3150 = arith.constant 0 : index
      %get3A_3151 = vector.load %arg1[%get3A_3148, %get3A_3149, %get3A_3150] : memref<16x256x512xf32, #tpu.memory_space<vmem>>, vector<1x32x512xf32>
      %get3A_3152 = vector.shape_cast %get3A_3151 : vector<1x32x512xf32> to vector<32x512xf32>
      %get3A_3153 = arith.constant 47 : index
      %get3A_3154 = arith.constant 0 : index
      %get3A_3155 = vector.load %arg2[%get3A_3153, %get3A_3154] : memref<256x512xf32, #tpu.memory_space<vmem>>, vector<1x512xf32>
      %mul3A_3156 = vector.broadcast %get3A_3155 : vector<1x512xf32> to vector<32x512xf32>
      %mul3A_3157 = arith.mulf %get3A_3152, %mul3A_3156 : vector<32x512xf32>
      %add3A_3158 = arith.addf %add3A_3147, %mul3A_3157 : vector<32x512xf32>
      %get3A_3159 = arith.constant 3 : index
      %get3A_3160 = arith.index_cast %multiple_of3A : i32 to index
      %get3A_3161 = arith.constant 0 : index
      %get3A_3162 = vector.load %arg1[%get3A_3159, %get3A_3160, %get3A_3161] : memref<16x256x512xf32, #tpu.memory_space<vmem>>, vector<1x32x512xf32>
      %get3A_3163 = vector.shape_cast %get3A_3162 : vector<1x32x512xf32> to vector<32x512xf32>
      %get3A_3164 = arith.constant 63 : index
      %get3A_3165 = arith.constant 0 : index
      %get3A_3166 = vector.load %arg2[%get3A_3164, %get3A_3165] : memref<256x512xf32, #tpu.memory_space<vmem>>, vector<1x512xf32>
      %mul3A_3167 = vector.broadcast %get3A_3166 : vector<1x512xf32> to vector<32x512xf32>
      %mul3A_3168 = arith.mulf %get3A_3163, %mul3A_3167 : vector<32x512xf32>
      %add3A_3169 = arith.addf %add3A_3158, %mul3A_3168 : vector<32x512xf32>
      %get3A_3170 = arith.constant 4 : index
      %get3A_3171 = arith.index_cast %multiple_of3A : i32 to index
      %get3A_3172 = arith.constant 0 : index
      %get3A_3173 = vector.load %arg1[%get3A_3170, %get3A_3171, %get3A_3172] : memref<16x256x512xf32, #tpu.memory_space<vmem>>, vector<1x32x512xf32>
      %get3A_3174 = vector.shape_cast %get3A_3173 : vector<1x32x512xf32> to vector<32x512xf32>
      %get3A_3175 = arith.constant 79 : index
      %get3A_3176 = arith.constant 0 : index
      %get3A_3177 = vector.load %arg2[%get3A_3175, %get3A_3176] : memref<256x512xf32, #tpu.memory_space<vmem>>, vector<1x512xf32>
      %mul3A_3178 = vector.broadcast %get3A_3177 : vector<1x512xf32> to vector<32x512xf32>
      %mul3A_3179 = arith.mulf %get3A_3174, %mul3A_3178 : vector<32x512xf32>
      %add3A_3180 = arith.addf %add3A_3169, %mul3A_3179 : vector<32x512xf32>
      %get3A_3181 = arith.constant 5 : index
      %get3A_3182 = arith.index_cast %multiple_of3A : i32 to index
      %get3A_3183 = arith.constant 0 : index
      %get3A_3184 = vector.load %arg1[%get3A_3181, %get3A_3182, %get3A_3183] : memref<16x256x512xf32, #tpu.memory_space<vmem>>, vector<1x32x512xf32>
      %get3A_3185 = vector.shape_cast %get3A_3184 : vector<1x32x512xf32> to vector<32x512xf32>
      %get3A_3186 = arith.constant 95 : index
      %get3A_3187 = arith.constant 0 : index
      %get3A_3188 = vector.load %arg2[%get3A_3186, %get3A_3187] : memref<256x512xf32, #tpu.memory_space<vmem>>, vector<1x512xf32>
      %mul3A_3189 = vector.broadcast %get3A_3188 : vector<1x512xf32> to vector<32x512xf32>
      %mul3A_3190 = arith.mulf %get3A_3185, %mul3A_3189 : vector<32x512xf32>
      %add3A_3191 = arith.addf %add3A_3180, %mul3A_3190 : vector<32x512xf32>
      %get3A_3192 = arith.constant 6 : index
      %get3A_3193 = arith.index_cast %multiple_of3A : i32 to index
      %get3A_3194 = arith.constant 0 : index
      %get3A_3195 = vector.load %arg1[%get3A_3192, %get3A_3193, %get3A_3194] : memref<16x256x512xf32, #tpu.memory_space<vmem>>, vector<1x32x512xf32>
      %get3A_3196 = vector.shape_cast %get3A_3195 : vector<1x32x512xf32> to vector<32x512xf32>
      %get3A_3197 = arith.constant 111 : index
      %get3A_3198 = arith.constant 0 : index
      %get3A_3199 = vector.load %arg2[%get3A_3197, %get3A_3198] : memref<256x512xf32, #tpu.memory_space<vmem>>, vector<1x512xf32>
      %mul3A_3200 = vector.broadcast %get3A_3199 : vector<1x512xf32> to vector<32x512xf32>
      %mul3A_3201 = arith.mulf %get3A_3196, %mul3A_3200 : vector<32x512xf32>
      %add3A_3202 = arith.addf %add3A_3191, %mul3A_3201 : vector<32x512xf32>
      %get3A_3203 = arith.constant 7 : index
      %get3A_3204 = arith.index_cast %multiple_of3A : i32 to index
      %get3A_3205 = arith.constant 0 : index
      %get3A_3206 = vector.load %arg1[%get3A_3203, %get3A_3204, %get3A_3205] : memref<16x256x512xf32, #tpu.memory_space<vmem>>, vector<1x32x512xf32>
      %get3A_3207 = vector.shape_cast %get3A_3206 : vector<1x32x512xf32> to vector<32x512xf32>
      %get3A_3208 = arith.constant 127 : index
      %get3A_3209 = arith.constant 0 : index
      %get3A_3210 = vector.load %arg2[%get3A_3208, %get3A_3209] : memref<256x512xf32, #tpu.memory_space<vmem>>, vector<1x512xf32>
      %mul3A_3211 = vector.broadcast %get3A_3210 : vector<1x512xf32> to vector<32x512xf32>
      %mul3A_3212 = arith.mulf %get3A_3207, %mul3A_3211 : vector<32x512xf32>
      %add3A_3213 = arith.addf %add3A_3202, %mul3A_3212 : vector<32x512xf32>
      %get3A_3214 = arith.constant 8 : index
      %get3A_3215 = arith.index_cast %multiple_of3A : i32 to index
      %get3A_3216 = arith.constant 0 : index
      %get3A_3217 = vector.load %arg1[%get3A_3214, %get3A_3215, %get3A_3216] : memref<16x256x512xf32, #tpu.memory_space<vmem>>, vector<1x32x512xf32>
      %get3A_3218 = vector.shape_cast %get3A_3217 : vector<1x32x512xf32> to vector<32x512xf32>
      %get3A_3219 = arith.constant 143 : index
      %get3A_3220 = arith.constant 0 : index
      %get3A_3221 = vector.load %arg2[%get3A_3219, %get3A_3220] : memref<256x512xf32, #tpu.memory_space<vmem>>, vector<1x512xf32>
      %mul3A_3222 = vector.broadcast %get3A_3221 : vector<1x512xf32> to vector<32x512xf32>
      %mul3A_3223 = arith.mulf %get3A_3218, %mul3A_3222 : vector<32x512xf32>
      %add3A_3224 = arith.addf %add3A_3213, %mul3A_3223 : vector<32x512xf32>
      %get3A_3225 = arith.constant 9 : index
      %get3A_3226 = arith.index_cast %multiple_of3A : i32 to index
      %get3A_3227 = arith.constant 0 : index
      %get3A_3228 = vector.load %arg1[%get3A_3225, %get3A_3226, %get3A_3227] : memref<16x256x512xf32, #tpu.memory_space<vmem>>, vector<1x32x512xf32>
      %get3A_3229 = vector.shape_cast %get3A_3228 : vector<1x32x512xf32> to vector<32x512xf32>
      %get3A_3230 = arith.constant 159 : index
      %get3A_3231 = arith.constant 0 : index
      %get3A_3232 = vector.load %arg2[%get3A_3230, %get3A_3231] : memref<256x512xf32, #tpu.memory_space<vmem>>, vector<1x512xf32>
      %mul3A_3233 = vector.broadcast %get3A_3232 : vector<1x512xf32> to vector<32x512xf32>
      %mul3A_3234 = arith.mulf %get3A_3229, %mul3A_3233 : vector<32x512xf32>
      %add3A_3235 = arith.addf %add3A_3224, %mul3A_3234 : vector<32x512xf32>
      %get3A_3236 = arith.constant 10 : index
      %get3A_3237 = arith.index_cast %multiple_of3A : i32 to index
      %get3A_3238 = arith.constant 0 : index
      %get3A_3239 = vector.load %arg1[%get3A_3236, %get3A_3237, %get3A_3238] : memref<16x256x512xf32, #tpu.memory_space<vmem>>, vector<1x32x512xf32>
      %get3A_3240 = vector.shape_cast %get3A_3239 : vector<1x32x512xf32> to vector<32x512xf32>
      %get3A_3241 = arith.constant 175 : index
      %get3A_3242 = arith.constant 0 : index
      %get3A_3243 = vector.load %arg2[%get3A_3241, %get3A_3242] : memref<256x512xf32, #tpu.memory_space<vmem>>, vector<1x512xf32>
      %mul3A_3244 = vector.broadcast %get3A_3243 : vector<1x512xf32> to vector<32x512xf32>
      %mul3A_3245 = arith.mulf %get3A_3240, %mul3A_3244 : vector<32x512xf32>
      %add3A_3246 = arith.addf %add3A_3235, %mul3A_3245 : vector<32x512xf32>
      %get3A_3247 = arith.constant 11 : index
      %get3A_3248 = arith.index_cast %multiple_of3A : i32 to index
      %get3A_3249 = arith.constant 0 : index
      %get3A_3250 = vector.load %arg1[%get3A_3247, %get3A_3248, %get3A_3249] : memref<16x256x512xf32, #tpu.memory_space<vmem>>, vector<1x32x512xf32>
      %get3A_3251 = vector.shape_cast %get3A_3250 : vector<1x32x512xf32> to vector<32x512xf32>
      %get3A_3252 = arith.constant 191 : index
      %get3A_3253 = arith.constant 0 : index
      %get3A_3254 = vector.load %arg2[%get3A_3252, %get3A_3253] : memref<256x512xf32, #tpu.memory_space<vmem>>, vector<1x512xf32>
      %mul3A_3255 = vector.broadcast %get3A_3254 : vector<1x512xf32> to vector<32x512xf32>
      %mul3A_3256 = arith.mulf %get3A_3251, %mul3A_3255 : vector<32x512xf32>
      %add3A_3257 = arith.addf %add3A_3246, %mul3A_3256 : vector<32x512xf32>
      %get3A_3258 = arith.constant 12 : index
      %get3A_3259 = arith.index_cast %multiple_of3A : i32 to index
      %get3A_3260 = arith.constant 0 : index
      %get3A_3261 = vector.load %arg1[%get3A_3258, %get3A_3259, %get3A_3260] : memref<16x256x512xf32, #tpu.memory_space<vmem>>, vector<1x32x512xf32>
      %get3A_3262 = vector.shape_cast %get3A_3261 : vector<1x32x512xf32> to vector<32x512xf32>
      %get3A_3263 = arith.constant 207 : index
      %get3A_3264 = arith.constant 0 : index
      %get3A_3265 = vector.load %arg2[%get3A_3263, %get3A_3264] : memref<256x512xf32, #tpu.memory_space<vmem>>, vector<1x512xf32>
      %mul3A_3266 = vector.broadcast %get3A_3265 : vector<1x512xf32> to vector<32x512xf32>
      %mul3A_3267 = arith.mulf %get3A_3262, %mul3A_3266 : vector<32x512xf32>
      %add3A_3268 = arith.addf %add3A_3257, %mul3A_3267 : vector<32x512xf32>
      %get3A_3269 = arith.constant 13 : index
      %get3A_3270 = arith.index_cast %multiple_of3A : i32 to index
      %get3A_3271 = arith.constant 0 : index
      %get3A_3272 = vector.load %arg1[%get3A_3269, %get3A_3270, %get3A_3271] : memref<16x256x512xf32, #tpu.memory_space<vmem>>, vector<1x32x512xf32>
      %get3A_3273 = vector.shape_cast %get3A_3272 : vector<1x32x512xf32> to vector<32x512xf32>
      %get3A_3274 = arith.constant 223 : index
      %get3A_3275 = arith.constant 0 : index
      %get3A_3276 = vector.load %arg2[%get3A_3274, %get3A_3275] : memref<256x512xf32, #tpu.memory_space<vmem>>, vector<1x512xf32>
      %mul3A_3277 = vector.broadcast %get3A_3276 : vector<1x512xf32> to vector<32x512xf32>
      %mul3A_3278 = arith.mulf %get3A_3273, %mul3A_3277 : vector<32x512xf32>
      %add3A_3279 = arith.addf %add3A_3268, %mul3A_3278 : vector<32x512xf32>
      %get3A_3280 = arith.constant 14 : index
      %get3A_3281 = arith.index_cast %multiple_of3A : i32 to index
      %get3A_3282 = arith.constant 0 : index
      %get3A_3283 = vector.load %arg1[%get3A_3280, %get3A_3281, %get3A_3282] : memref<16x256x512xf32, #tpu.memory_space<vmem>>, vector<1x32x512xf32>
      %get3A_3284 = vector.shape_cast %get3A_3283 : vector<1x32x512xf32> to vector<32x512xf32>
      %get3A_3285 = arith.constant 239 : index
      %get3A_3286 = arith.constant 0 : index
      %get3A_3287 = vector.load %arg2[%get3A_3285, %get3A_3286] : memref<256x512xf32, #tpu.memory_space<vmem>>, vector<1x512xf32>
      %mul3A_3288 = vector.broadcast %get3A_3287 : vector<1x512xf32> to vector<32x512xf32>
      %mul3A_3289 = arith.mulf %get3A_3284, %mul3A_3288 : vector<32x512xf32>
      %add3A_3290 = arith.addf %add3A_3279, %mul3A_3289 : vector<32x512xf32>
      %get3A_3291 = arith.constant 15 : index
      %get3A_3292 = arith.index_cast %multiple_of3A : i32 to index
      %get3A_3293 = arith.constant 0 : index
      %get3A_3294 = vector.load %arg1[%get3A_3291, %get3A_3292, %get3A_3293] : memref<16x256x512xf32, #tpu.memory_space<vmem>>, vector<1x32x512xf32>
      %get3A_3295 = vector.shape_cast %get3A_3294 : vector<1x32x512xf32> to vector<32x512xf32>
      %get3A_3296 = arith.constant 255 : index
      %get3A_3297 = arith.constant 0 : index
      %get3A_3298 = vector.load %arg2[%get3A_3296, %get3A_3297] : memref<256x512xf32, #tpu.memory_space<vmem>>, vector<1x512xf32>
      %mul3A_3299 = vector.broadcast %get3A_3298 : vector<1x512xf32> to vector<32x512xf32>
      %mul3A_3300 = arith.mulf %get3A_3295, %mul3A_3299 : vector<32x512xf32>
      %add3A_3301 = arith.addf %add3A_3290, %mul3A_3300 : vector<32x512xf32>
      %mul3A_3302 = arith.constant 5.000000e-01 : f32
      %mul3A_3303 = vector.broadcast %mul3A_3302 : f32 to vector<32x512xf32>
      %mul3A_3304 = arith.mulf %mul3A_3303, %add3A_3301 : vector<32x512xf32>
      %tanh3A_3305 = math.tanh %mul3A_3304 : vector<32x512xf32>
      %mul3A_3306 = arith.constant 5.000000e-01 : f32
      %mul3A_3307 = vector.broadcast %mul3A_3306 : f32 to vector<32x512xf32>
      %mul3A_3308 = arith.mulf %mul3A_3307, %tanh3A_3305 : vector<32x512xf32>
      %add3A_3309 = arith.constant 5.000000e-01 : f32
      %add3A_3310 = vector.broadcast %add3A_3309 : f32 to vector<32x512xf32>
      %add3A_3311 = arith.addf %mul3A_3308, %add3A_3310 : vector<32x512xf32>
      %get3A_3312 = arith.constant 15 : index
      %get3A_3313 = arith.constant 0 : index
      %get3A_3314 = vector.load %arg4[%get3A_3312, %get3A_3313] : memref<16x512xf32, #tpu.memory_space<vmem>>, vector<1x512xf32>
      %mul3A_3315 = vector.broadcast %get3A_3314 : vector<1x512xf32> to vector<32x512xf32>
      %mul3A_3316 = arith.mulf %add3A_3311, %mul3A_3315 : vector<32x512xf32>
      %add3A_3317 = arith.addf %add3A_3120, %mul3A_3316 : vector<32x512xf32>
      %swap3A = arith.index_cast %multiple_of3A : i32 to index
      %swap3A_3318 = arith.constant 0 : index
      %swap3A_3319 = vector.load %arg7[%swap3A, %swap3A_3318] : memref<256x512xf32, #tpu.memory_space<vmem>>, vector<32x512xf32>
      tpu.vector_store %arg7[%swap3A, %swap3A_3318], %add3A_3317 {strides = array<i32>} : memref<256x512xf32, #tpu.memory_space<vmem>>, vector<32x512xf32>,
    }
    %scan3A_162 = arith.constant 8 : i32
    return
  }
  func.func @transform_0(%arg0: i32) -> (i32, i32, i32) {
    %c0_i32 = arith.constant 0 : i32
    %c0_i32_0 = arith.constant 0 : i32
    %c0_i32_1 = arith.constant 0 : i32
    return %c0_i32, %c0_i32_0, %arg0 : i32, i32, i32
  }
  func.func @transform_1(%arg0: i32) -> (i32, i32) {
    %c0_i32 = arith.constant 0 : i32
    %c0_i32_0 = arith.constant 0 : i32
    return %c0_i32, %arg0 : i32, i32
  }
  func.func @transform_2(%arg0: i32) -> (i32, i32) {
    %c0_i32 = arith.constant 0 : i32
    %c0_i32_0 = arith.constant 0 : i32
    return %c0_i32, %arg0 : i32, i32
  }
  func.func @transform_3(%arg0: i32) -> (i32, i32) {
    %c0_i32 = arith.constant 0 : i32
    %c0_i32_0 = arith.constant 0 : i32
    return %c0_i32, %arg0 : i32, i32
  }
  func.func @transform_4(%arg0: i32) -> (i32, i32) {
    %c0_i32 = arith.constant 0 : i32
    %c0_i32_0 = arith.constant 0 : i32
    return %c0_i32, %arg0 : i32, i32
  }
  func.func @transform_5(%arg0: i32) -> (i32, i32) {
    %c0_i32 = arith.constant 0 : i32
    %c0_i32_0 = arith.constant 0 : i32
    return %c0_i32, %arg0 : i32, i32
  }
  func.func @transform_6(%arg0: i32) -> (i32, i32) {
    %c0_i32 = arith.constant 0 : i32
    %c0_i32_0 = arith.constant 0 : i32
    return %c0_i32, %arg0 : i32, i32
  }
}

</mosaic_0001>

<sc_bundles>
// kernel: kernel.4.cloned.1.call-start
scs
__scs_entry_jumppad:
0x0: {  	(pc) =	sbr.rel $0x88, $3  }
0x1: {  	(tag) =	ssettag $0x0;
	lr =	simm.s32 $0x1  }
0x2: {  	[smem:$0x3F9B] =	sst lr;
	_ =	strace $0xD0000000  }
0x3: {  	_ = 	snop  }
0x4: {  	_ = 	snop  }
0x5: {  	_ = 	snop  }
0x6: {  	_ = 	snop  }
0x7: {  	_ = 	snop  }
__scs_overlays_trampoline_lowered:
0x8: {  	[smem:$0x3FAA] =	sst s0  }
0x9: {  	[smem:$0x3FAB] =	sst s1  }
0xa: {  	[smem:$0x3FAC] =	sst s2  }
0xb: {  	[smem:$0x3FAD] =	sst s3  }
0xc: {  	[smem:$0x3FAE] =	sst s4  }
0xd: {  	[smem:$0x3FAF] =	sst s5  }
0xe: {  	[smem:$0x3FB0] =	sst s6  }
0xf: {  	[smem:$0x3FB1] =	sst s7  }
0x10: {  	[smem:$0x3FB2] =	sst s8  }
0x11: {  	[smem:$0x3FB3] =	sst s9;
	s0 =	simm.s32 @!p0 $0x0  }
0x12: {  	s1 =	sld [smem:$0x3F99];
	s0 =	simm.s32 @p0 $0x1  }
0x13: {  	[smem:$0x3FB4] =	sst s0;
	s0 =	simm.s32 @!p1 $0x0  }
0x14: {  	s2 =	sld [smem:$0x3F98];
	s0 =	simm.s32 @p1 $0x1  }
0x15: {  	[smem:$0x3FB5] =	sst s0;
	s0 =	simm.s32 @!p2 $0x0  }
0x16: {  	s3 =	sld [smem:$0x3FDB];
	s0 =	simm.s32 @p2 $0x1  }
0x17: {  	s4 =	simm.s32 $0x1BF5;
	[smem:$0x3FB7] =	sst s0  }
0x18: {  	s0 =	sld [smem:$0x3F9A];
	_ =	swait.ge [sflag:s4], $0x0  }
0x19: {  	s7 =	sld [smem:$0x3F9B]  }
0x1a: {  	s8 =	sadd.s32 $0xFFFFE003, lr  }
0x1b: {  	s9 =	sadd.s32 $0xFFFFFEF7, lr;
	s5 =	simm.s32 $0xFFFFFFFF;
	p2 =	slt.u32 s8, $0xFFFFF086  }
0x1c: {  	p1 =	slt.u32 s9, $0xF7A;
	s5 =	simm.s32 @!p2 $0x0  }
0x1d: {  	s5 =	simm.s32 @p1 $0x1;
	p0 =	seq.s32 s7, s2  }
0x1e: {  	s7 =	smul.u32 @!p0 $0xF7A, s2;
	p2 =	seq.s32 @!p0 s5, $0x0  }
0x1f: {  	s9 =	smul.u32 $0xF7A, s1;
	s8 =	simm.s32 @!p0 $0x1BF5;
	p2 =	por !p2, p0  }
0x20: {  	[sflag:s8] =	ssyncset.s32 @!p0 $0xFFFFF086;
	s6 =	sadd.s32 @!p0 s3, s7;
	s7 =	simm.s32 @!p0 $0x108  }
0x21: {  	s3 =	sadd.s32 s3, s9;
	s6 =	sadd.s32 @!p0 $0x88, s6;
	s7 =	simm.s32 @p2 $0x1082  }
0x22: {  	[simem:s7], [sflag:s8] =	dma.local @!p0 [hbm:s6], $0xF7A  }
0x23: {  	s9 =	sor.u32 $0xD0000000, s2;
	s6 =	simm.s32 $0x108;
	_ =	swait.ge @!p0 [sflag:s8], $0x0  }
0x24: {  	s3 =	sadd.s32 $0x88, s3;
	s6 =	simm.s32 @!p1 $0x1082;
	[sflag:s4] =	ssyncset.s32 $0xFFFFF086  }
0x25: {  	[simem:s6], [sflag:s4] =	dma.local [hbm:s3], $0xF7A  }
0x26: {  	[smem:$0x3F9B] =	sst s1;
	(tag) =	ssettag s2;
	_ =	strace s9  }
0x27: {  	s1 =	sld [smem:$0x3FAB]  }
0x28: {  	s2 =	sld [smem:$0x3FAC]  }
0x29: {  	s4 =	sld [smem:$0x3FAE]  }
0x2a: {  	p0 =	seq.s32 s5, $0x0;
	s5 =	sld [smem:$0x3FAF]  }
0x2b: {  	s6 =	sld [smem:$0x3FB0]  }
0x2c: {  	s7 =	sld [smem:$0x3FB1]  }
0x2d: {  	s3 =	simm.s32 $0x108;
	s8 =	sld [smem:$0x3FB2]  }
0x2e: {  	s3 =	simm.s32 @!p0 $0x1082;
	s9 =	sld [smem:$0x3FB3]  }
0x2f: {  	lr =	sadd.s32 s0, s3;
	s0 =	sld [smem:$0x3FAA]  }
0x30: {  	s3 =	sld [smem:$0x3FAD]  }
0x31: {  	[smem:$0x3FB6] =	sst s10  }
0x32: {  	s10 =	sld [smem:$0x3FB4];
	_ =	sdelay $0x3  }
0x33: {  	p0 =	seq.s32 s10, $0x1;
	s10 =	sld [smem:$0x3FB6];
	_ =	sdelay $0x3  }
0x34: {  	[smem:$0x3FB6] =	sst s10  }
0x35: {  	s10 =	sld [smem:$0x3FB5];
	_ =	sdelay $0x3  }
0x36: {  	p1 =	seq.s32 s10, $0x1;
	s10 =	sld [smem:$0x3FB6];
	_ =	sdelay $0x3  }
0x37: {  	[smem:$0x3FB6] =	sst s10  }
0x38: {  	s10 =	sld [smem:$0x3FB7]  }
0x39: {  	_ = 	snop;
	(pc) =	sbr.ind lr, $3  }
0x3a: {  	_ = 	snop  }
0x3b: {  	_ = 	snop  }
0x3c: {  	p2 =	seq.s32 s10, $0x1;
	s10 =	sld [smem:$0x3FB6]  }
0x3d: {  	_ =	shalt  }
0x3e: {  	_ =	shalt  }
0x3f: {  	_ =	shalt  }
0x40: {  	_ =	shalt  }
0x41: {  	_ =	shalt  }
0x42: {  	_ =	shalt  }
0x43: {  	_ =	shalt  }
0x44: {  	_ =	shalt  }
0x45: {  	_ =	shalt  }
0x46: {  	_ =	shalt  }
0x47: {  	_ =	shalt  }
0x48: {  	_ =	shalt  }
0x49: {  	_ =	shalt  }
0x4a: {  	_ =	shalt  }
0x4b: {  	_ =	shalt  }
0x4c: {  	_ =	shalt  }
0x4d: {  	_ =	shalt  }
0x4e: {  	_ =	shalt  }
0x4f: {  	_ =	shalt  }
0x50: {  	_ =	shalt  }
0x51: {  	_ =	shalt  }
0x52: {  	_ =	shalt  }
0x53: {  	_ =	shalt  }
0x54: {  	_ =	shalt  }
0x55: {  	_ =	shalt  }
0x56: {  	_ =	shalt  }
0x57: {  	_ =	shalt  }
0x58: {  	_ =	shalt  }
0x59: {  	_ =	shalt  }
0x5a: {  	_ =	shalt  }
0x5b: {  	_ =	shalt  }
0x5c: {  	_ =	shalt  }
0x5d: {  	_ =	shalt  }
0x5e: {  	_ =	shalt  }
0x5f: {  	_ =	shalt  }
0x60: {  	_ =	shalt  }
0x61: {  	_ =	shalt  }
0x62: {  	_ =	shalt  }
0x63: {  	_ =	shalt  }
0x64: {  	_ =	shalt  }
0x65: {  	_ =	shalt  }
0x66: {  	_ =	shalt  }
0x67: {  	_ =	shalt  }
0x68: {  	_ =	shalt  }
0x69: {  	_ =	shalt  }
0x6a: {  	_ =	shalt  }
0x6b: {  	_ =	shalt  }
0x6c: {  	_ =	shalt  }
0x6d: {  	_ =	shalt  }
0x6e: {  	_ =	shalt  }
0x6f: {  	_ =	shalt  }
0x70: {  	_ =	shalt  }
0x71: {  	_ =	shalt  }
0x72: {  	_ =	shalt  }
0x73: {  	_ =	shalt  }
0x74: {  	_ =	shalt  }
0x75: {  	_ =	shalt  }
0x76: {  	_ =	shalt  }
0x77: {  	_ =	shalt  }
0x78: {  	_ =	shalt  }
0x79: {  	_ =	shalt  }
0x7a: {  	_ =	shalt  }
0x7b: {  	_ =	shalt  }
0x7c: {  	_ =	shalt  }
0x7d: {  	_ =	shalt  }
0x7e: {  	_ =	shalt  }
0x7f: {  	_ =	shalt  }
0x80: {  	_ =	shalt  }
0x81: {  	_ =	shalt  }
0x82: {  	_ =	shalt  }
0x83: {  	_ =	shalt  }
0x84: {  	_ =	shalt  }
0x85: {  	_ =	shalt  }
0x86: {  	_ =	shalt  }
0x87: {  	_ =	shalt  }
.Lfunc_end0:
.L_simem_size_0:
called_computation.2_lowered:
.L_overlay_start_0:
0x88: {  	s2 =	sld [smem:$0x3FD9]  }
0x89: {  	s3 =	sld [smem:$0x3FFE];
	_ =	sdelay $0x1  }
0x8a: {  	s1 =	srdreg.scid  }
0x8b: {  	s0 =	sand.u32 $0x1, s1  }
0x8c: {  	s17 =	sshll.u32 s0, $0xA;
	s2 =	sadd.s32 s3, s2  }
0x8d: {  	s2 =	sadd.s32 s2, s17  }
0x8e: {  	[smem:$0x3FC2] =	sst s2  }
0x8f: {  	_ = 	snop  }
0x90: {  	s2 =	sld [smem:$0x3FC8]  }
0x91: {  	s18 =	sld [smem:$0x3FD0];
	(tm) =	ssettm $0x1  }
0x92: {  	s4 =	sld [smem:$0x3FFB];
	_ =	sdelay $0x3  }
0x93: {  	_ =	strace s4  }
0x94: {  	s4 =	sld [smem:$0x3FFC];
	_ =	sdelay $0x3  }
0x95: {  	_ =	strace s4  }
0x96: {  	s4 =	sld [smem:$0x3FFD];
	_ =	sdelay $0x3  }
0x97: {  	_ =	strace s4  }
0x98: {  	_ =	strace $0x8FFFFFFF  }
0x99: {  	s19 =	sld [smem:$0x3FDB];
	_ =	sdelay $0x1  }
0x9a: {  	s5 =	simm.s32 $_scs_section_size  }
0x9b: {  	s6 =	simm.s32 $_size__tile_overlayer_lowered;
	s7 =	simm.s32 $_tile_overlayer_lowered  }
0x9c: {  	s22 =	simm.s32 $0x1BFF;
	s21 =	sshll.u32 s7, $0x1;
	s4 =	sadd.s32 s5, s19  }
0x9d: {  	s8 =	simm.s32 $0x0;
	s20 =	sshll.u32 s6, $0x1;
	s6 =	sadd.s32 s21, s4  }
0x9e: {  	[timem:s8], [sflag:s22] =	dma.local [hbm:s6], s20  }
0x9f: {  	_ =	swait.ge [sflag:s22], s20  }
0xa0: {  	s5 =	ssub.s32 $0x0, s20;
	[sflag:s22] =	ssyncset.done $0x0  }
0xa1: {  	[sflag:s22] =	ssyncadd.s32 s5;
	_ =	sdelay $0x1  }
0xa2: {  	s23 =	simm.s32 $0x1B8B  }
0xa3: {  	_ =	swait.ge [sflag:s23], $0x1  }
0xa4: {  	[sflag:s23] =	ssyncset.done $0x0  }
0xa5: {  	s25 =	simm.s32 $0x1B8E;
	s24 =	sld [smem:$0x3FFE];
	[sflag:s23] =	ssyncadd.s32 $0xFFFFFFFF  }
0xa6: {  	s26 =	simm.s32 $execute0_lowered;
	[smem:$0x3FD2] =	sst s25  }
0xa7: {  	s6 =	sshll.u32 s26, $0x1;
	_ =	strace $0x8000004C;
	[dreg:$0x1] =	wrdreg $0xFFFFFFFF  }
0xa8: {  	s28 =	simm.s32 $_size_execute0_lowered;
	s4 =	sadd.s32 s4, s6;
	[dreg:$0x0] =	wrdreg $0x0  }
0xa9: {  	s6 =	sshll.u32 s28, $0x1;
	[dreg:$0x2] =	wrdreg s4  }
0xaa: {  	[dreg:$0x3] =	wrdreg s6  }
0xab: {  	[dreg:$0x4] =	wrdreg $0xC0  }
0xac: {  	_ =	task [dreg:s8], $0x5FFFF  }
0xad: {  	[dreg:$0x1] =	wrdreg $0xFFFFFFFF  }
0xae: {  	[dreg:$0x0] =	wrdreg $0x60  }
0xaf: {  	[dreg:$0x2] =	wrdreg s24  }
0xb0: {  	[dreg:$0x3] =	wrdreg s2  }
0xb1: {  	[dreg:$0x4] =	wrdreg s18  }
0xb2: {  	[dreg:$0x5] =	wrdreg $0x9  }
0xb3: {  	_ =	task.clear_ibuf [dreg:s8], $0x6FFFF;
	_ =	strace $0x9000004C  }
0xb4: {  	s29 =	simm.s32 $0x9;
	_ =	strace $0x8000004E  }
0xb5: {  	_ =	swait.ge [sflag:s29], $0x1  }
0xb6: {  	[sflag:s29] =	ssyncadd.s32 $0xFFFFFFFF  }
0xb7: {  	_ =	strace $0x9000004E  }
0xb8: {  	_ =	sfence  }
0xb9: {  	s30 =	sld [smem:$0x0];
	_ =	sdelay $0x2  }
0xba: {  	s31 =	sshll.u32 s1, $0xD;
	s1 =	sshrl.u32 s1, $0x2  }
0xbb: {  	s3 =	sand.u32 $0x4000, s31;
	s1 =	sadd.s32 s1, s30  }
0xbc: {  	s0 =	sor.u32 s3, s0;
	s1 =	sshll.u32 s1, $0x11  }
0xbd: {  	s0 =	sor.u32 s1, s0  }
0xbe: {  	s0 =	sadd.s32 $0x8F2B, s0  }
0xbf: {  	[sflag:s0] =	ssyncadd.remote.s32 $0x1  }
0xc0: {  	_ =	sfence.sel $0xFFFF  }
0xc1: {  	[dreg:$0x0] =	wrdreg $0xFFFFFFFF;
	(pc) =	sbr.abs _section_cstart, $3  }
0xc2: {  	[dreg:$0x1] =	wrdreg $0xFFFFFFFF  }
0xc3: {  	_ =	task.clear_ibuf [dreg:s8], $0x2FFFF;
	_ =	strace $0x9FFFFFFF  }
0xc4: {  	(tm) =	ssettm $0x7FFFFFFF  }
0xc5: {  	_ =	shalt  }
tec
execute0_lowered:
.L_overlay_start_1:
0x0: {  	(tag) =	ssettag $0x1  }
0x1: {  	s16 =	rddreg [dreg:$0x0];
	s1 =	srdreg.scid  }
0x2: {  	s3 =	rddreg [dreg:$0x1];
	s0 =	stileid.u32;
	s17 =	sand.u32 $0x1, s1  }
0x3: {  	s15 =	rddreg [dreg:$0x2];
	s4 =	sshll.u32 s0, $0x8;
	s5 =	sshll.u32 s17, $0x7  }
0x4: {  	s2 =	simm.s32 $0x0;
	s1 =	rddreg [dreg:$0x3];
	s18 =	sor.u32 s5, s4  }
0x5: {  	[smem:$0x7FF] =	sst s2;
	s4 =	sshrl.u32 s18, $0x3  }
0x6: {  	_ =	strace $0x8000004D;
	s4 =	sadd.s32 s3, s4;
	s3 =	simm.s32 $0x2  }
0x7: {  	[tilespmem:s2], [sflag:$0x2] =	stream.linear.gather [hbm4b:s4+s2], $0x80, $0x38;
	[tilespmem:$0x9900] =	vst v63  }
0x8: {  	_ =	swait.ge [sflag:s3], $0x80  }
0x9: {  	[sflag:s3] =	ssyncset.done $0x0  }
0xa: {  	[sflag:s3] =	ssyncadd.s32 $0xFFFFFF80  }
0xb: {  	v0 =	vld [tilespmem:$0x70]  }
0xc: {  	v1 =	vld [tilespmem:$0x30]  }
0xd: {  	v2 =	vld [tilespmem:$0x50]  }
0xe: {  	v3 =	vld [tilespmem:$0x60]  }
0xf: {  	v4 =	vld [tilespmem:$0x20]  }
0x10: {  	v5 =	vld [tilespmem:$0x10];
	v0 =	vshrl.u32 v0, $0x4  }
0x11: {  	v6 =	vld [tilespmem:$0x40];
	v1 =	vshrl.u32 v1, $0x4;
	[tilespmem:$0xF0] =	vst v0  }
0x12: {  	v58 =	vld [tilespmem:$0x0];
	v59 =	vshrl.u32 v2, $0x4;
	[tilespmem:$0xB0] =	vst v1  }
0x13: {  	v60 =	vshrl.u32 v3, $0x4;
	[tilespmem:$0xD0] =	vst v59  }
0x14: {  	v61 =	vshrl.u32 v4, $0x4;
	[tilespmem:$0xE0] =	vst v60  }
0x15: {  	v62 =	vshrl.u32 v5, $0x4;
	[tilespmem:$0xA0] =	vst v61  }
0x16: {  	v63 =	vshrl.u32 v6, $0x4;
	[tilespmem:$0x90] =	vst v62  }
0x17: {  	s6 =	simm.s32 $0x80;
	v0 =	vshrl.u32 v58, $0x4;
	[tilespmem:$0xC0] =	vst v63  }
0x18: {  	s7 =	simm.s32 $0x100;
	s8 =	simm.s32 $0x1;
	s5 =	sadd.s32 $0x30EE00, s16;
	[tilespmem:$0x80] =	vst v0  }
0x19: {  	[tilespmem:s7], [sflag:$0x1] =	stream.indirect.gather [hbm4b:s5+s6], $0x100, s2, s6, $0xb8;
	[tilespmem:$0x9900] =	vst v63  }
0x1a: {  	_ =	swait.ge [sflag:s8], $0x8000  }
0x1b: {  	[sflag:s8] =	ssyncset.done $0x0  }
0x1c: {  	s10 =	simm.s32 $0x8100;
	s9 =	sadd.s32 $0x7D3A00, s16;
	[sflag:s8] =	ssyncadd.s32 $0xFFFF8000  }
0x1d: {  	[tilespmem:s10], [sflag:$0x1] =	stream.indirect.gather [hbm4b:s9+s6], $0x10, s2, s6, $0xb8;
	[tilespmem:$0x9900] =	vst v63  }
0x1e: {  	_ =	swait.ge [sflag:s8], $0x800  }
0x1f: {  	[sflag:s8] =	ssyncset.done $0x0  }
0x20: {  	s11 =	simm.s32 $0x8900;
	s12 =	sadd.s32 $0x7A2C00, s16;
	[sflag:s8] =	ssyncadd.s32 $0xFFFFF800  }
0x21: {  	[tilespmem:s11], [sflag:$0x1] =	stream.indirect.gather [hbm4b:s12+s6], $0x10, s2, s6, $0xb8;
	[tilespmem:$0x9900] =	vst v63  }
0x22: {  	_ =	swait.ge [sflag:s8], $0x800  }
0x23: {  	[sflag:s8] =	ssyncset.done $0x0  }
0x24: {  	s13 =	simm.s32 $0x9100;
	s14 =	sadd.s32 $0x61C200, s16;
	[sflag:s8] =	ssyncadd.s32 $0xFFFFF800  }
0x25: {  	[tilespmem:s13], [sflag:$0x1] =	stream.indirect.gather [hbm4b:s14+s6], $0x10, s6, s6, $0xb8;
	[tilespmem:$0x9900] =	vst v63  }
0x26: {  	s17 =	ssub.s32 $0x2, s17;
	_ =	swait.ge [sflag:s8], $0x800  }
0x27: {  	s31 =	sshrl.u32 s17, $0x1;
	s19 =	sshll.u32 s18, $0x5;
	[sflag:s8] =	ssyncset.done $0x0  }
0x28: {  	s17 =	ssub.s32 s17, s31;
	s15 =	sadd.s32 s15, s19;
	[sflag:s8] =	ssyncadd.s32 $0xFFFFF800  }
0x29: {  	[hbm4b:s15+s2] =	stream.linear.scatter [tilespmem:s7], [sflag:$0x2], $0x8000, $0x38;
	[tilespmem:$0x9900] =	vst v63  }
0x2a: {  	s18 =	sshll.u32 s18, $0x1;
	s20 =	smax.u32 s17, $0x1;
	_ =	swait.ge [sflag:s3], $0x8000  }
0x2b: {  	s30 =	sadd.s32 s18, s16;
	p0 =	sne.s32 s20, $0x1;
	[sflag:s3] =	ssyncset.done $0x0  }
.Ltmp0:
0x2c: {  	s16 =	sadd.s32 $0x61F400, s30;
	[sflag:s3] =	ssyncadd.s32 $0xFFFF8000;
	(pc) =	sbr.rel @!p0 .LBB2_2-.Ltmp0, $4  }
0x2d: {  	[hbm4b:s16+s2] =	stream.linear.scatter [tilespmem:s10], [sflag:$0x2], $0x800, $0x38;
	[tilespmem:$0x9900] =	vst v63  }
0x2e: {  	_ =	swait.ge [sflag:s3], $0x800  }
0x2f: {  	s18 =	sadd.s32 $0x621400, s30;
	[sflag:s3] =	ssyncset.done $0x0  }
0x30: {  	s17 =	sadd.s32 $0x623400, s30;
	s19 =	sadd.s32 $0xFFFFFFFF, s20;
	[sflag:s3] =	ssyncadd.s32 $0xFFFFF800  }
.LBB2_1:
0x31: {  	[hbm4b:s18+s2] =	stream.linear.scatter [tilespmem:s11], [sflag:$0x2], $0x800, $0x38;
	[tilespmem:$0x9900] =	vst v63  }
0x32: {  	p0 =	sne.s32 s19, $0x1;
	s19 =	sadd.s32 $0xFFFFFFFF, s19;
	_ =	swait.ge [sflag:s3], $0x800  }
0x33: {  	[sflag:s3] =	ssyncset.done $0x0  }
0x34: {  	[sflag:s3] =	ssyncadd.s32 $0xFFFFF800  }
0x35: {  	[hbm4b:s17+s2] =	stream.linear.scatter [tilespmem:s13], [sflag:$0x2], $0x800, $0x38;
	[tilespmem:$0x9900] =	vst v63  }
0x36: {  	_ =	swait.ge [sflag:s3], $0x800  }
0x37: {  	[sflag:s3] =	ssyncset.done $0x0  }
0x38: {  	[sflag:s3] =	ssyncadd.s32 $0xFFFFF800  }
0x39: {  	[tilespmem:s2], [sflag:$0x2] =	stream.linear.gather [hbm4b:s4+s2], $0x80, $0x38;
	[tilespmem:$0x9900] =	vst v63  }
0x3a: {  	_ =	swait.ge [sflag:s3], $0x80  }
0x3b: {  	[sflag:s3] =	ssyncset.done $0x0  }
0x3c: {  	[sflag:s3] =	ssyncadd.s32 $0xFFFFFF80  }
0x3d: {  	v0 =	vld [tilespmem:$0x70]  }
0x3e: {  	v1 =	vld [tilespmem:$0x30]  }
0x3f: {  	v2 =	vld [tilespmem:$0x50]  }
0x40: {  	v3 =	vld [tilespmem:$0x60]  }
0x41: {  	v4 =	vld [tilespmem:$0x20]  }
0x42: {  	v5 =	vld [tilespmem:$0x10];
	v0 =	vshrl.u32 v0, $0x4  }
0x43: {  	v1 =	vshrl.u32 v1, $0x4;
	v6 =	vld [tilespmem:$0x40];
	[tilespmem:$0xF0] =	vst v0  }
0x44: {  	v0 =	vld [tilespmem:$0x0];
	[tilespmem:$0xB0] =	vst v1;
	v1 =	vshrl.u32 v2, $0x4  }
0x45: {  	[tilespmem:$0xD0] =	vst v1;
	v1 =	vshrl.u32 v3, $0x4  }
0x46: {  	v2 =	vshrl.u32 v4, $0x4;
	[tilespmem:$0xE0] =	vst v1  }
0x47: {  	v1 =	vshrl.u32 v5, $0x4;
	[tilespmem:$0xA0] =	vst v2  }
0x48: {  	[tilespmem:$0x90] =	vst v1;
	v1 =	vshrl.u32 v6, $0x4  }
0x49: {  	v0 =	vshrl.u32 v0, $0x4;
	[tilespmem:$0xC0] =	vst v1  }
0x4a: {  	[tilespmem:$0x80] =	vst v0  }
0x4b: {  	[tilespmem:s7], [sflag:$0x1] =	stream.indirect.gather [hbm4b:s5+s6], $0x100, s2, s6, $0xb8;
	[tilespmem:$0x9900] =	vst v63  }
0x4c: {  	_ =	swait.ge [sflag:s8], $0x8000  }
0x4d: {  	[sflag:s8] =	ssyncset.done $0x0  }
0x4e: {  	[sflag:s8] =	ssyncadd.s32 $0xFFFF8000  }
0x4f: {  	[tilespmem:s10], [sflag:$0x1] =	stream.indirect.gather [hbm4b:s9+s6], $0x10, s2, s6, $0xb8;
	[tilespmem:$0x9900] =	vst v63  }
0x50: {  	_ =	swait.ge [sflag:s8], $0x800  }
0x51: {  	[sflag:s8] =	ssyncset.done $0x0  }
0x52: {  	[sflag:s8] =	ssyncadd.s32 $0xFFFFF800  }
0x53: {  	[tilespmem:s11], [sflag:$0x1] =	stream.indirect.gather [hbm4b:s12+s6], $0x10, s2, s6, $0xb8;
	[tilespmem:$0x9900] =	vst v63  }
0x54: {  	_ =	swait.ge [sflag:s8], $0x800  }
0x55: {  	[sflag:s8] =	ssyncset.done $0x0  }
0x56: {  	[sflag:s8] =	ssyncadd.s32 $0xFFFFF800  }
0x57: {  	[tilespmem:s13], [sflag:$0x1] =	stream.indirect.gather [hbm4b:s14+s6], $0x10, s6, s6, $0xb8;
	[tilespmem:$0x9900] =	vst v63  }
0x58: {  	_ =	swait.ge [sflag:s8], $0x800  }
0x59: {  	[sflag:s8] =	ssyncset.done $0x0  }
0x5a: {  	[sflag:s8] =	ssyncadd.s32 $0xFFFFF800  }
0x5b: {  	[hbm4b:s15+s2] =	stream.linear.scatter [tilespmem:s7], [sflag:$0x2], $0x8000, $0x38;
	[tilespmem:$0x9900] =	vst v63  }
0x5c: {  	_ =	swait.ge [sflag:s3], $0x8000  }
0x5d: {  	[sflag:s3] =	ssyncset.done $0x0  }
.Ltmp1:
0x5e: {  	[sflag:s3] =	ssyncadd.s32 $0xFFFF8000;
	(pc) =	sbr.rel @p0 .LBB2_1-.Ltmp1, $4  }
0x5f: {  	[hbm4b:s16+s2] =	stream.linear.scatter [tilespmem:s10], [sflag:$0x2], $0x800, $0x38;
	[tilespmem:$0x9900] =	vst v63  }
0x60: {  	_ =	swait.ge [sflag:s3], $0x800  }
0x61: {  	[sflag:s3] =	ssyncset.done $0x0  }
0x62: {  	[sflag:s3] =	ssyncadd.s32 $0xFFFFF800  }
.LBB2_2:
0x63: {  	[hbm4b:s18+s2] =	stream.linear.scatter [tilespmem:s11], [sflag:$0x2], $0x800, $0x38;
	[tilespmem:$0x9900] =	vst v63  }
0x64: {  	_ =	swait.ge [sflag:s3], $0x800  }
0x65: {  	[sflag:s3] =	ssyncset.done $0x0  }
0x66: {  	[sflag:s3] =	ssyncadd.s32 $0xFFFFF800  }
0x67: {  	[hbm4b:s17+s2] =	stream.linear.scatter [tilespmem:s13], [sflag:$0x2], $0x800, $0x38;
	[tilespmem:$0x9900] =	vst v63  }
0x68: {  	_ =	swait.ge [sflag:s3], $0x800  }
0x69: {  	[sflag:s3] =	ssyncset.done $0x0  }
0x6a: {  	[sflag:s3] =	ssyncadd.s32 $0xFFFFF800  }
0x6b: {  	_ =	sfence.sel $0x180000  }
0x6c: {  	[bflag:$0x0] =	sbarrier.arrive $0xFFFF  }
0x6d: {  	p0 =	sne.s32 s0, $0x0;
	_ =	strace $0x9000004D  }
0x6e: {  	s0 =	sadd.s32 @!p0 $0x100000, s1;
	[bflag:$0x2] =	sbarrier.arrive $0xFFFF  }
0x6f: {  	[sflag:s0] =	ssyncadd.tile.s32 @!p0 $0x1;
	_ =	shalt  }
.Lfunc_end2:
_tile_overlayer_lowered:
.L_overlay_start_2:
0x70: {  	(tag) =	ssettag $0x2  }
0x71: {  	s0 =	rddreg [dreg:$0x0];
	s2 =	stileid.u32  }
0x72: {  	s1 =	rddreg [dreg:$0x1];
	p0 =	sne.s32 s2, $0x0  }
0x73: {  	s3 =	rddreg [dreg:$0x2];
	[bflag:$0x3] =	sbarrier.arrive $0xFFFF;
	s2 =	simm.s32 @!p0 $0x1C02  }
0x74: {  	[timem:s3], [sflag:s2] =	dma.local @!p0 [hbm:s0], s1  }
0x75: {  	s0 =	simm.s32 @!p0 $0x2  }
0x76: {  	_ =	swait.ge @!p0 [sflag:s0], s1  }
0x77: {  	s1 =	ssub.s32 @!p0 $0x0, s1;
	[sflag:s0] =	ssyncset.done @!p0 $0x0  }
0x78: {  	[sflag:s0] =	ssyncadd.s32 @!p0 s1  }
0x79: {  	[bflag:$0x3] =	sbarrier.arrive $0xFFFF  }
0x7a: {  	_ =	shalt  }

// kernel: sparse-core-data-format-call.1.cloned.1.call-start
scs
called_computation.1_lowered:
.L_overlay_start_0:
0x0: {  	s2 =	sld [smem:$0x3FD9]  }
0x1: {  	s3 =	sld [smem:$0x3FFE];
	_ =	sdelay $0x1  }
0x2: {  	s1 =	srdreg.scid  }
0x3: {  	s0 =	sand.u32 $0x1, s1  }
0x4: {  	s18 =	sshll.u32 s0, $0xA;
	s2 =	sadd.s32 s3, s2  }
0x5: {  	s2 =	sadd.s32 s2, s18  }
0x6: {  	[smem:$0x3FC2] =	sst s2  }
0x7: {  	_ = 	snop  }
0x8: {  	s2 =	sld [smem:$0x3FC7];
	(tm) =	ssettm $0x1  }
0x9: {  	s19 =	sld [smem:$0x3FFB];
	_ =	sdelay $0x3  }
0xa: {  	_ =	strace s19  }
0xb: {  	s3 =	sld [smem:$0x3FFC];
	_ =	sdelay $0x3  }
0xc: {  	_ =	strace s3  }
0xd: {  	s3 =	sld [smem:$0x3FFD];
	_ =	sdelay $0x3  }
0xe: {  	_ =	strace s3  }
0xf: {  	_ =	strace $0x8FFFFFFF  }
0x10: {  	s20 =	sld [smem:$0x3FDB];
	_ =	sdelay $0x1  }
0x11: {  	s4 =	simm.s32 $_scs_section_size  }
0x12: {  	s5 =	simm.s32 $_size__tile_overlayer_lowered;
	s6 =	simm.s32 $_tile_overlayer_lowered  }
0x13: {  	s23 =	simm.s32 $0x1BFF;
	s22 =	sshll.u32 s6, $0x1;
	s3 =	sadd.s32 s4, s20  }
0x14: {  	s7 =	simm.s32 $0x0;
	s21 =	sshll.u32 s5, $0x1;
	s5 =	sadd.s32 s22, s3  }
0x15: {  	[timem:s7], [sflag:s23] =	dma.local [hbm:s5], s21  }
0x16: {  	_ =	swait.ge [sflag:s23], s21  }
0x17: {  	s4 =	ssub.s32 $0x0, s21;
	[sflag:s23] =	ssyncset.done $0x0  }
0x18: {  	[sflag:s23] =	ssyncadd.s32 s4;
	_ =	sdelay $0x1  }
0x19: {  	s24 =	simm.s32 $0x1B8B  }
0x1a: {  	_ =	swait.ge [sflag:s24], $0x1  }
0x1b: {  	[sflag:s24] =	ssyncset.done $0x0  }
0x1c: {  	s26 =	simm.s32 $0x1B8E;
	s25 =	sld [smem:$0x3FFE];
	[sflag:s24] =	ssyncadd.s32 $0xFFFFFFFF  }
0x1d: {  	s27 =	simm.s32 $execute0_lowered;
	[smem:$0x3FD2] =	sst s26  }
0x1e: {  	s5 =	sshll.u32 s27, $0x1;
	_ =	strace $0x80000046;
	[dreg:$0x1] =	wrdreg $0xFFFFFFFF  }
0x1f: {  	s28 =	simm.s32 $_size_execute0_lowered;
	s3 =	sadd.s32 s3, s5;
	[dreg:$0x0] =	wrdreg $0x0  }
0x20: {  	s5 =	sshll.u32 s28, $0x1;
	[dreg:$0x2] =	wrdreg s3  }
0x21: {  	[dreg:$0x3] =	wrdreg s5  }
0x22: {  	[dreg:$0x4] =	wrdreg $0xC0  }
0x23: {  	_ =	task [dreg:s7], $0x5FFFF  }
0x24: {  	[dreg:$0x1] =	wrdreg $0xFFFFFFFF  }
0x25: {  	[dreg:$0x0] =	wrdreg $0x60  }
0x26: {  	[dreg:$0x2] =	wrdreg s2  }
0x27: {  	[dreg:$0x3] =	wrdreg s25  }
0x28: {  	[dreg:$0x4] =	wrdreg $0x9  }
0x29: {  	_ =	task.clear_ibuf [dreg:s7], $0x5FFFF;
	_ =	strace $0x90000046  }
0x2a: {  	s29 =	simm.s32 $0x9;
	_ =	strace $0x80000048  }
0x2b: {  	_ =	swait.ge [sflag:s29], $0x1  }
0x2c: {  	[sflag:s29] =	ssyncadd.s32 $0xFFFFFFFF  }
0x2d: {  	_ =	strace $0x90000048  }
0x2e: {  	_ =	sfence  }
0x2f: {  	s30 =	sld [smem:$0x0];
	_ =	sdelay $0x2  }
0x30: {  	s31 =	sshll.u32 s1, $0xD;
	s1 =	sshrl.u32 s1, $0x2  }
0x31: {  	s3 =	sand.u32 $0x4000, s31;
	s1 =	sadd.s32 s1, s30  }
0x32: {  	s0 =	sor.u32 s3, s0;
	s1 =	sshll.u32 s1, $0x11  }
0x33: {  	s0 =	sor.u32 s1, s0  }
0x34: {  	s0 =	sadd.s32 $0x8F2B, s0  }
0x35: {  	[sflag:s0] =	ssyncadd.remote.s32 $0x1  }
0x36: {  	_ =	sfence.sel $0xFFFF  }
0x37: {  	[dreg:$0x0] =	wrdreg $0xFFFFFFFF;
	(pc) =	sbr.abs _section_cstart, $3  }
0x38: {  	[dreg:$0x1] =	wrdreg $0xFFFFFFFF  }
0x39: {  	_ =	task.clear_ibuf [dreg:s7], $0x2FFFF;
	_ =	strace $0x9FFFFFFF  }
0x3a: {  	(tm) =	ssettm $0x7FFFFFFF  }
0x3b: {  	_ =	shalt  }
tec
execute0_lowered:
.L_overlay_start_1:
0x0: {  	(tag) =	ssettag $0x1  }
0x1: {  	s0 =	stileid.u32  }
0x2: {  	s1 =	srdreg.scid;
	s7 =	rddreg [dreg:$0x1];
	s31 =	simm.s32 $0x2  }
0x3: {  	s16 =	simm.s32 $0x0;
	p0 =	por $0x0, $0x0;
	s9 =	simm.s32 $0x800  }
0x4: {  	s15 =	simm.s32 $0x0;
	s10 =	simm.s32 $0x0;
	s11 =	simm.s32 $0x0  }
0x5: {  	s2 =	sshll.u32 s0, $0x7;
	s3 =	sshll.u32 s0, $0x6;
	s4 =	sshll.u32 s1, $0xA  }
0x6: {  	s14 =	simm.s32 $0x0;
	s1 =	sand.u32 $0x80, s2;
	s29 =	sor.u32 s3, s4  }
0x7: {  	s3 =	rddreg [dreg:$0x0];
	s4 =	sand.u32 $0x780, s29;
	s30 =	ssub.s32 $0x100, s1  }
0x8: {  	s5 =	sshrl.u32 s30, $0x7;
	s6 =	ssub.s32 $0x18680, s4;
	s8 =	sshrl.u32 s30, $0x8  }
.Ltmp0:
0x9: {  	s5 =	sand.u32 $0x1, s5;
	s6 =	sshrl.u32 s6, $0xB;
	(pc) =	sbr.rel .LBB1_1-.Ltmp0, $4  }
0xa: {  	s2 =	rddreg [dreg:$0x2];
	s8 =	sadd.s32 s8, s5;
	s6 =	sadd.s32 $0x1, s6  }
0xb: {  	_ =	strace $0x80000047;
	s5 =	simm.s32 $0x1;
	s6 =	smul.u32 s8, s6  }
0xc: {  	s7 =	sadd.s32 $0x1A00, s7;
	s13 =	smov.u32 s1;
	[sflag:s5] =	ssyncpa.u1 $0x0  }
0xd: {  	s12 =	smov.u32 s4;
	[sflag:s31] =	ssyncpa.u1 $0x0;
	s8 =	sadd.s32 $0x1, s6  }
.LBB1_4:
0xe: {  	s21 =	sshra.s32 s21, $0x2;
	s22 =	sshll.u32 s10, $0x8  }
0xf: {  	s23 =	sshll.u32 s11, $0x3;
	s24 =	sshll.u32 s10, $0x7;
	s27 =	sand.u32 $0x78, s11  }
0x10: {  	p1 =	sgt.s32 s10, $0x18620;
	s22 =	sand.u32 $0xFFFFF800, s22;
	s23 =	sand.u32 $0xFFFFFC00, s23  }
0x11: {  	s20 =	sadd.s32 s21, s20;
	s26 =	sand.u32 $0x300, s24;
	s28 =	sand.u32 $0x80, s24  }
0x12: {  	v5 =	vld [tilespmem:s18+$0xFFFFFFD0];
	[tilespmem:s19+$0x2040 ss:$0x81] =	vst.msk $0xffff, v4;
	s25 =	sadd.s32 s23, s22;
	s22 =	sor.u32 s27, s28;
	s23 =	smov.u32 s10  }
0x13: {  	v58 =	vld [tilespmem:s18+$0xFFFFFFE0];
	[tilespmem:s19+$0x2850 ss:$0x81] =	vst.msk $0xffff, v3;
	s21 =	sor.u32 s26, s25;
	s23 =	simm.s32 @!p1 $0x18620;
	s25 =	sshra.s32 s10, $0x1F  }
0x14: {  	v59 =	vld [tilespmem:s18+$0xFFFFFFF0];
	[tilespmem:s19+$0x3060 ss:$0x81] =	vst.msk $0xffff, v2;
	p1 =	sgt.s32 s11, $0x80;
	s26 =	sshra.s32 s11, $0x1F;
	s21 =	sshrl.u32 s21, $0x8  }
0x15: {  	v60 =	vld [tilespmem:s18+$0x0];
	[tilespmem:s19+$0x0 ss:$0x81] =	vst.msk $0xffff, v1;
	s30 =	sand.u32 s25, s10;
	s25 =	smov.u32 s11;
	s31 =	sand.u32 s26, s11  }
0x16: {  	v61 =	vld [tilespmem:s18+$0x10];
	[tilespmem:s20+$0x3870 ss:$0x81] =	vst.msk $0xffff, v0;
	s29 =	smulhi.u32 $0x14F8B59, s21;
	s19 =	ssub.s32 s23, s30;
	s25 =	simm.s32 @!p1 $0x80  }
0x17: {  	v62 =	vld [tilespmem:s18+$0x20];
	[tilespmem:s20+$0x810 ss:$0x81] =	vst.msk $0xffff, v5;
	s23 =	ssub.s32 s25, s31;
	s26 =	sadd.s32 $0xFFFE79E0, s19;
	s19 =	ssub.s32 $0x186A0, s19  }
0x18: {  	v63 =	vld [tilespmem:s18+$0xFFFFFFC0];
	[tilespmem:s20+$0x1020 ss:$0x81] =	vst.msk $0xffff, v58;
	s24 =	sshrl.u32 s29, $0x9;
	p1 =	sgt.s32 s26, $0x7F;
	s28 =	sadd.s32 $0xFFFFFF80, s23  }
0x19: {  	[tilespmem:s20+$0x1830 ss:$0x81] =	vst.msk $0xffff, v59;
	s23 =	ssub.s32 $0x100, s23;
	s27 =	smul.u32 $0x186A0, s24;
	p2 =	sgt.s32 s28, $0x7F  }
0x1a: {  	[tilespmem:s20+$0x2040 ss:$0x81] =	vst.msk $0xffff, v60;
	s30 =	sand.u32 $0x7, s11;
	s19 =	simm.s32 @p1 $0x0;
	s23 =	simm.s32 @p2 $0x0  }
0x1b: {  	[tilespmem:s20+$0x2850 ss:$0x81] =	vst.msk $0xffff, v61;
	s29 =	sshrl.u32 s22, $0x3;
	s18 =	ssub.s32 s21, s27;
	s19 =	smul.u32 s23, s19  }
0x1c: {  	[tilespmem:s20+$0x3060 ss:$0x81] =	vst.msk $0xffff, v62;
	s22 =	sshll.u32 s30, $0x12;
	s21 =	sadd.s32 s7, s29;
	s18 =	sshll.u32 s18, $0x5  }
0x1d: {  	[tilespmem:s20+$0x0 ss:$0x81] =	vst.msk $0xffff, v63;
	s31 =	sor.u32 $0x400, s22;
	s19 =	sand.u32 $0x3FFFFFFF, s19;
	s18 =	sadd.s32 s18, s21  }
0x1e: {  	[hbm4b:s18+s31] =	stream.strided.scatter [tilespmem:s17], [sflag:$0x2], s19, s9, s31, $0x20;
	[tilespmem:$0x10100] =	vst v63  }
.LBB1_5:
0x1f: {  	p1 =	slt.u32 s14, $0x2  }
0x20: {  	s18 =	smov.u32 s16;
	p2 =	sgt.s32 @!p1 s16, $0x18620;
	s17 =	sshra.s32 @!p1 s16, $0x1F  }
0x21: {  	p3 =	sgt.s32 @!p1 s15, $0x80;
	s19 =	sshra.s32 @!p1 s15, $0x1F;
	p2 =	por !p2, p1  }
0x22: {  	s16 =	sand.u32 @!p1 s17, s16;
	p3 =	por !p3, p1;
	s17 =	smov.u32 s15  }
0x23: {  	s15 =	sand.u32 @!p1 s19, s15;
	s18 =	simm.s32 @p2 $0x18620;
	s17 =	simm.s32 @p3 $0x80  }
0x24: {  	s16 =	ssub.s32 @!p1 s18, s16;
	s15 =	ssub.s32 @!p1 s17, s15  }
0x25: {  	s19 =	smov.u32 s13;
	s17 =	sadd.s32 @!p1 $0xFFFE79E0, s16;
	s18 =	sadd.s32 @!p1 $0xFFFFFF80, s15  }
0x26: {  	s16 =	ssub.s32 @!p1 $0x186A0, s16;
	p2 =	sgt.s32 @!p1 s17, $0x7F;
	p3 =	sgt.s32 @!p1 s18, $0x7F  }
0x27: {  	s15 =	ssub.s32 @!p1 $0x100, s15;
	p2 =	por !p2, p1;
	p3 =	por !p3, p1  }
0x28: {  	s17 =	sadd.s32 $0x800, s12;
	s16 =	simm.s32 @!p2 $0x0;
	s15 =	simm.s32 @!p3 $0x0  }
0x29: {  	p2 =	sgt.s32 s17, $0x1869F;
	s15 =	smul.u32 @!p1 s15, s16;
	s16 =	sadd.s32 $0x100, s13  }
0x2a: {  	s19 =	smov.u32 @p2 s16  }
0x2b: {  	s17 =	smov.u32 @p2 s4;
	p2 =	sgt.s32 s19, $0xFF  }
0x2c: {  	s19 =	smov.u32 @p2 s1;
	p2 =	sne.s32 s14, s8  }
.Ltmp1:
0x2d: {  	p0 =	por !p0, !p0;
	s18 =	simm.s32 @!p1 $0x2;
	(pc) =	sbr.rel @!p2 .LBB1_6-.Ltmp1, $4  }
0x2e: {  	s16 =	smov.u32 s10;
	s10 =	smov.u32 s12;
	s15 =	sand.u32 @!p1 $0x3FFFFFFF, s15  }
0x2f: {  	s12 =	smov.u32 s17;
	_ =	swait.ge @!p1 [sflag:s18], s15;
	s20 =	ssub.s32 @!p1 $0x0, s15  }
0x30: {  	s15 =	smov.u32 s11;
	s14 =	sadd.s32 $0x1, s14;
	[sflag:s18] =	ssyncset.done @!p1 $0x0  }
0x31: {  	s11 =	smov.u32 s13;
	s13 =	smov.u32 s19;
	[sflag:s18] =	ssyncadd.s32 @!p1 s20  }
.LBB1_1:
0x32: {  	p1 =	sge.u32 s14, s6  }
0x33: {  	s17 =	sshrl.u32 @!p1 s13, $0x3  }
0x34: {  	s18 =	sshll.u32 @!p1 s12, $0x3;
	s17 =	smul.u32 @!p1 $0xC3800, s17  }
0x35: {  	s19 =	sshll.u32 @!p1 s13, $0x7;
	s18 =	sand.u32 @!p1 $0xFFFFFC00, s18  }
0x36: {  	s17 =	sadd.s32 @!p1 s17, s18;
	s18 =	sand.u32 @!p1 $0x380, s19  }
0x37: {  	s19 =	sand.u32 @!p1 $0x7F, s12;
	s17 =	sor.u32 @!p1 s18, s17  }
0x38: {  	s18 =	sor.u32 @!p1 s19, s17  }
0x39: {  	s19 =	smulhi.u32 @!p1 $0xA79C7B17, s18;
	_ =	sdelay $0x1  }
0x3a: {  	s17 =	smulhi.u32 @!p1 $0xA79C7B17, s17;
	s19 =	sshrl.u32 @!p1 s19, $0x10  }
0x3b: {  	s19 =	smul.u32 @!p1 $0x18700, s19  }
0x3c: {  	s31 =	sadd.s32 $0xFFFFFFFF, s14;
	s20 =	sxor.u32 @!p1 $0xFFFFFFFF, s14;
	s17 =	sshrl.u32 @!p1 s17, $0x10  }
0x3d: {  	s20 =	sshll.u32 @!p1 s20, $0xE;
	s17 =	sand.u32 @!p1 $0xFF, s17;
	s18 =	ssub.s32 @!p1 s18, s19  }
0x3e: {  	s17 =	smul.u32 @!p1 $0x30E0, s17;
	s19 =	sshrl.u32 @!p1 s18, $0x3;
	s18 =	sand.u32 @!p1 $0x7, s18  }
0x3f: {  	s20 =	sand.u32 @!p1 $0x4000, s20;
	s19 =	sadd.s32 @!p1 s3, s19;
	s18 =	sshll.u32 @!p1 s18, $0x12  }
0x40: {  	s17 =	sadd.s32 @!p1 s17, s19;
	s18 =	sor.u32 @!p1 $0x400, s18;
	s19 =	simm.s32 @!p1 $0xC3800  }
0x41: {  	[tilespmem:s20], [sflag:$0x1] =	stream.strided.gather @!p1 [hbm4b:s17+s18], $0x4000, s19, s18, $0x38;
	[tilespmem:$0x10100] =	vst v63  }
0x42: {  	p1 =	sge.u32 s31, s6  }
.Ltmp2:
0x43: {  	_ = 	snop;
	(pc) =	sbr.rel @p1 .LBB1_5-.Ltmp2, $1  }
0x44: {  	_ =	sdelay $0x3  }
0x45: {  	s17 =	simm.s32 $0x1  }
0x46: {  	_ =	swait.ge [sflag:s5], $0x4000;
	s17 =	simm.s32 @!p0 $0x0  }
0x47: {  	[sflag:s5] =	ssyncset.done $0x0;
	s18 =	sshll.u32 s17, $0xE  }
0x48: {  	[sflag:s5] =	ssyncadd.s32 $0xFFFFC000;
	s18 =	sor.u32 $0x40, s18  }
0x49: {  	s17 =	smul.u32 $0x10200, s17;
	v0 =	vld [tilespmem:s18+$0x30]  }
0x4a: {  	v1 =	vld [tilespmem:s18+$0xFFFFFFD0]  }
0x4b: {  	s17 =	sshrl.u32 s17, $0x2;
	v5 =	vld [tilespmem:s18+$0xFFFFFFE0]  }
0x4c: {  	v6 =	vld [tilespmem:s18+$0xFFFFFFF0];
	s20 =	sor.u32 $0x8000, s17  }
0x4d: {  	s31 =	sand.u32 $0x1, s14;
	v4 =	vld [tilespmem:s18+$0x0];
	s19 =	sadd.s32 $0x0, s20  }
0x4e: {  	v3 =	vld [tilespmem:s18+$0x10];
	s17 =	smul.u32 $0x10200, s31;
	[tilespmem:s19+$0x3870 ss:$0x81] =	vst.msk $0xffff, v0  }
0x4f: {  	v2 =	vld [tilespmem:s18+$0x20];
	[tilespmem:s19+$0x810 ss:$0x81] =	vst.msk $0xffff, v1  }
0x50: {  	s17 =	sshrl.u32 s17, $0x2;
	v1 =	vld [tilespmem:s18+$0xFFFFFFC0];
	[tilespmem:s19+$0x1020 ss:$0x81] =	vst.msk $0xffff, v5;
	s18 =	sadd.s32 $0x80, s18  }
0x51: {  	s21 =	simm.s32 $0x4;
	s22 =	simm.s32 $0x8;
	s17 =	sor.u32 $0x8000, s17;
	[tilespmem:s19+$0x1830 ss:$0x81] =	vst.msk $0xffff, v6;
	v0 =	vld [tilespmem:s18+$0x30]  }
.LBB1_3:
0x52: {  	p1 =	sne.s32 s22, $0x1FC;
	v5 =	vld [tilespmem:s18+$0xFFFFFFD0];
	[tilespmem:s19+$0x2040 ss:$0x81] =	vst.msk $0xffff, v4  }
0x53: {  	v6 =	vld [tilespmem:s18+$0xFFFFFFE0];
	[tilespmem:s19+$0x2850 ss:$0x81] =	vst.msk $0xffff, v3  }
0x54: {  	s23 =	sshra.s32 s21, $0x2;
	s21 =	smov.u32 s22;
	v7 =	vld [tilespmem:s18+$0xFFFFFFF0];
	[tilespmem:s19+$0x3060 ss:$0x81] =	vst.msk $0xffff, v2  }
.Ltmp3:
0x55: {  	v4 =	vld [tilespmem:s18+$0x0];
	[tilespmem:s19+$0x0 ss:$0x81] =	vst.msk $0xffff, v1;
	s19 =	sadd.s32 s23, s20;
	(pc) =	sbr.rel @p1 .LBB1_3-.Ltmp3, $4  }
0x56: {  	v3 =	vld [tilespmem:s18+$0x10];
	[tilespmem:s19+$0x3870 ss:$0x81] =	vst.msk $0xffff, v0  }
0x57: {  	[tilespmem:s19+$0x810 ss:$0x81] =	vst.msk $0xffff, v5;
	v2 =	vld [tilespmem:s18+$0x20]  }
0x58: {  	v1 =	vld [tilespmem:s18+$0xFFFFFFC0];
	[tilespmem:s19+$0x1020 ss:$0x81] =	vst.msk $0xffff, v6;
	s18 =	sadd.s32 $0x80, s18  }
0x59: {  	s22 =	sadd.s32 $0x4, s22;
	v0 =	vld [tilespmem:s18+$0x30];
	[tilespmem:s19+$0x1830 ss:$0x81] =	vst.msk $0xffff, v7  }
.Ltmp4:
0x5a: {  	_ = 	snop;
	(pc) =	sbr.rel .LBB1_4-.Ltmp4, $1  }
0x5b: {  	_ =	sdelay $0x3  }
.LBB1_6:
0x5c: {  	_ =	sfence.sel $0x180000  }
0x5d: {  	s1 =	simm.s32 $0x1;
	[bflag:$0x0] =	sbarrier.arrive $0xFFFF  }
0x5e: {  	s31 =	simm.s32 $0x2;
	[sflag:s1] =	ssyncpa.u1 $0x1  }
0x5f: {  	[sflag:s31] =	ssyncpa.u1 $0x1  }
0x60: {  	p0 =	sne.s32 s0, $0x0;
	_ =	strace $0x90000047  }
0x61: {  	s0 =	sadd.s32 @!p0 $0x100000, s2;
	[bflag:$0x2] =	sbarrier.arrive $0xFFFF  }
0x62: {  	[sflag:s0] =	ssyncadd.tile.s32 @!p0 $0x1;
	_ =	shalt  }
.Lfunc_end1:
_tile_overlayer_lowered:
.L_overlay_start_2:
0x63: {  	(tag) =	ssettag $0x2  }
0x64: {  	s0 =	rddreg [dreg:$0x0];
	s2 =	stileid.u32  }
0x65: {  	s1 =	rddreg [dreg:$0x1];
	p0 =	sne.s32 s2, $0x0  }
0x66: {  	s3 =	rddreg [dreg:$0x2];
	[bflag:$0x3] =	sbarrier.arrive $0xFFFF;
	s2 =	simm.s32 @!p0 $0x1C01  }
0x67: {  	[timem:s3], [sflag:s2] =	dma.local @!p0 [hbm:s0], s1  }
0x68: {  	s0 =	simm.s32 @!p0 $0x1  }
0x69: {  	_ =	swait.ge @!p0 [sflag:s0], s1  }
0x6a: {  	s1 =	ssub.s32 @!p0 $0x0, s1;
	[sflag:s0] =	ssyncset.done @!p0 $0x0  }
0x6b: {  	[sflag:s0] =	ssyncadd.s32 @!p0 s1  }
0x6c: {  	[bflag:$0x3] =	sbarrier.arrive $0xFFFF  }
0x6d: {  	_ =	shalt  }

// kernel: sparse-core-data-format-call.cloned.1.call-start
scs
called_computation_lowered:
.L_overlay_start_0:
0x0: {  	s1 =	sld [smem:$0x3FD9]  }
0x1: {  	s2 =	sld [smem:$0x3FFE];
	_ =	sdelay $0x1  }
0x2: {  	s3 =	srdreg.scid  }
0x3: {  	s0 =	sand.u32 $0x1, s3  }
0x4: {  	s17 =	sshll.u32 s0, $0xA;
	s1 =	sadd.s32 s2, s1  }
0x5: {  	s1 =	sadd.s32 s1, s17  }
0x6: {  	[smem:$0x3FC2] =	sst s1  }
0x7: {  	_ = 	snop  }
0x8: {  	(tm) =	ssettm $0x1  }
0x9: {  	s18 =	sld [smem:$0x3FFB];
	_ =	sdelay $0x3  }
0xa: {  	_ =	strace s18  }
0xb: {  	s1 =	sld [smem:$0x3FFC];
	_ =	sdelay $0x3  }
0xc: {  	_ =	strace s1  }
0xd: {  	s1 =	sld [smem:$0x3FFD];
	_ =	sdelay $0x3  }
0xe: {  	_ =	strace s1  }
0xf: {  	_ =	strace $0x8FFFFFFF  }
0x10: {  	s19 =	sld [smem:$0x3FDB];
	_ =	sdelay $0x1  }
0x11: {  	s20 =	simm.s32 $_scs_section_size  }
0x12: {  	s4 =	simm.s32 $_size__tile_overlayer_lowered;
	s5 =	simm.s32 $_tile_overlayer_lowered  }
0x13: {  	s23 =	simm.s32 $0x1BFF;
	s22 =	sshll.u32 s5, $0x1;
	s1 =	sadd.s32 s20, s19  }
0x14: {  	s6 =	simm.s32 $0x0;
	s21 =	sshll.u32 s4, $0x1;
	s4 =	sadd.s32 s22, s1  }
0x15: {  	[timem:s6], [sflag:s23] =	dma.local [hbm:s4], s21  }
0x16: {  	_ =	swait.ge [sflag:s23], s21  }
0x17: {  	s2 =	ssub.s32 $0x0, s21;
	[sflag:s23] =	ssyncset.done $0x0  }
0x18: {  	[sflag:s23] =	ssyncadd.s32 s2;
	_ =	sdelay $0x1  }
0x19: {  	s24 =	simm.s32 $0x1B8B  }
0x1a: {  	_ =	swait.ge [sflag:s24], $0x1  }
0x1b: {  	[sflag:s24] =	ssyncset.done $0x0  }
0x1c: {  	s26 =	simm.s32 $0x1B8E;
	s25 =	sld [smem:$0x3FFE];
	[sflag:s24] =	ssyncadd.s32 $0xFFFFFFFF  }
0x1d: {  	s27 =	simm.s32 $execute0_lowered;
	[smem:$0x3FD2] =	sst s26  }
0x1e: {  	s4 =	sshll.u32 s27, $0x1;
	_ =	strace $0x80000049;
	[dreg:$0x1] =	wrdreg $0xFFFFFFFF  }
0x1f: {  	s28 =	simm.s32 $_size_execute0_lowered;
	s1 =	sadd.s32 s1, s4;
	[dreg:$0x0] =	wrdreg $0x0  }
0x20: {  	s4 =	sshll.u32 s28, $0x1;
	[dreg:$0x2] =	wrdreg s1  }
0x21: {  	[dreg:$0x3] =	wrdreg s4  }
0x22: {  	[dreg:$0x4] =	wrdreg $0xC0  }
0x23: {  	_ =	task [dreg:s6], $0x5FFFF  }
0x24: {  	[dreg:$0x1] =	wrdreg $0xFFFFFFFF  }
0x25: {  	[dreg:$0x0] =	wrdreg $0x60  }
0x26: {  	[dreg:$0x2] =	wrdreg s25  }
0x27: {  	[dreg:$0x3] =	wrdreg $0x9  }
0x28: {  	_ =	task.clear_ibuf [dreg:s6], $0x4FFFF;
	_ =	strace $0x90000049  }
0x29: {  	s29 =	simm.s32 $0x9;
	_ =	strace $0x8000004B  }
0x2a: {  	_ =	swait.ge [sflag:s29], $0x1  }
0x2b: {  	[sflag:s29] =	ssyncadd.s32 $0xFFFFFFFF  }
0x2c: {  	_ =	strace $0x9000004B  }
0x2d: {  	_ =	sfence  }
0x2e: {  	s30 =	sld [smem:$0x0];
	_ =	sdelay $0x2  }
0x2f: {  	s31 =	sshll.u32 s3, $0xD;
	s3 =	sshrl.u32 s3, $0x2  }
0x30: {  	s2 =	sand.u32 $0x4000, s31;
	s1 =	sadd.s32 s3, s30  }
0x31: {  	s0 =	sor.u32 s2, s0;
	s1 =	sshll.u32 s1, $0x11  }
0x32: {  	s0 =	sor.u32 s1, s0  }
0x33: {  	s0 =	sadd.s32 $0x8F2B, s0  }
0x34: {  	[sflag:s0] =	ssyncadd.remote.s32 $0x1  }
0x35: {  	_ =	sfence.sel $0xFFFF  }
0x36: {  	[dreg:$0x0] =	wrdreg $0xFFFFFFFF;
	(pc) =	sbr.abs _section_cstart, $3  }
0x37: {  	[dreg:$0x1] =	wrdreg $0xFFFFFFFF  }
0x38: {  	_ =	task.clear_ibuf [dreg:s6], $0x2FFFF;
	_ =	strace $0x9FFFFFFF  }
0x39: {  	(tm) =	ssettm $0x7FFFFFFF  }
tec
execute0_lowered:
.L_overlay_start_1:
0x0: {  	(tag) =	ssettag $0x1  }
0x1: {  	s0 =	srdreg.scid  }
0x2: {  	s5 =	rddreg [dreg:$0x0];
	s1 =	stileid.u32;
	s4 =	simm.s32 $0x1  }
0x3: {  	s6 =	simm.s32 $0x2;
	s8 =	simm.s32 $0x0;
	s2 =	sshll.u32 s0, $0x4  }
0x4: {  	s9 =	simm.s32 $0x0;
	s13 =	simm.s32 $0x0;
	s2 =	sand.u32 $0x10, s2  }
.Ltmp0:
0x5: {  	s10 =	simm.s32 $0x0;
	s3 =	sor.u32 s1, s2;
	(pc) =	sbr.rel .LBB1_1-.Ltmp0, $4  }
0x6: {  	s0 =	rddreg [dreg:$0x1];
	_ =	strace $0x8000004A;
	s3 =	sshll.u32 s3, $0x3  }
0x7: {  	s12 =	simm.s32 $0x0;
	[sflag:s4] =	ssyncpa.u1 $0x0;
	s7 =	ssub.s32 $0x30D0, s3  }
0x8: {  	s2 =	sadd.s32 $0x1A00, s5;
	[sflag:s6] =	ssyncpa.u1 $0x0;
	s6 =	sshrl.u32 s7, $0x8  }
0x9: {  	s5 =	sadd.s32 $0x30EE00, s5;
	s11 =	smov.u32 s3;
	s7 =	sadd.s32 $0x2, s6  }
.LBB1_9:
0xa: {  	s15 =	sshll.u32 s12, $0xE  }
0xb: {  	s16 =	sshll.u32 s10, $0x8;
	s15 =	sand.u32 $0x4000, s15  }
0xc: {  	s16 =	sadd.s32 s5, s16;
	s15 =	sor.u32 $0x8000, s15  }
0xd: {  	[hbm4b:s16+s8] =	stream.linear.scatter [tilespmem:s15], [sflag:$0x2], s14, $0x38;
	[tilespmem:$0x10000] =	vst v63  }
.LBB1_10:
0xe: {  	p0 =	slt.u32 s12, $0x2  }
0xf: {  	p1 =	sgt.s32 @!p0 s13, $0x30CC  }
0x10: {  	s14 =	smov.u32 s13;
	s15 =	sshra.s32 @!p0 s13, $0x1F;
	p1 =	por !p1, p0  }
0x11: {  	s13 =	sand.u32 @!p0 s15, s13;
	s14 =	simm.s32 @p1 $0x30CC  }
0x12: {  	s13 =	ssub.s32 @!p0 s14, s13  }
0x13: {  	s13 =	sadd.s32 @!p0 $0xFFFFCF34, s13  }
0x14: {  	s14 =	sshll.u32 @!p0 s13, $0xD  }
0x15: {  	p1 =	sgt.s32 @!p0 s13, $0x7;
	s13 =	ssub.s32 @!p0 $0x10000, s14  }
0x16: {  	s15 =	sadd.s32 $0x100, s11;
	p1 =	por !p1, p0;
	s13 =	sshrl.u32 @!p0 s13, $0x2  }
0x17: {  	s13 =	simm.s32 @!p1 $0x0;
	p1 =	sgt.s32 s15, $0x30D3  }
0x18: {  	s15 =	smov.u32 @p1 s3;
	p1 =	sne.s32 s12, s7  }
.Ltmp1:
0x19: {  	_ = 	snop;
	(pc) =	sbr.rel @!p1 .LBB1_11-.Ltmp1, $4  }
0x1a: {  	s14 =	simm.s32 @!p0 $0x2  }
0x1b: {  	s9 =	sadd.s32 $0x4000, s9;
	_ =	swait.ge @!p0 [sflag:s14], s13;
	s16 =	ssub.s32 @!p0 $0x0, s13  }
0x1c: {  	s13 =	smov.u32 s10;
	s12 =	sadd.s32 $0x1, s12;
	[sflag:s14] =	ssyncset.done @!p0 $0x0  }
0x1d: {  	s10 =	smov.u32 s11;
	s11 =	smov.u32 s15;
	[sflag:s14] =	ssyncadd.s32 @!p0 s16  }
.LBB1_1:
0x1e: {  	p0 =	sgt.u32 s12, s6  }
0x1f: {  	p1 =	sgt.s32 @!p0 s11, $0x30CC  }
0x20: {  	s14 =	smov.u32 s11;
	s15 =	sshra.s32 @!p0 s11, $0x1F;
	p1 =	por !p1, p0  }
0x21: {  	s15 =	sand.u32 @!p0 s15, s11;
	s14 =	simm.s32 @p1 $0x30CC  }
0x22: {  	s14 =	ssub.s32 @!p0 s14, s15  }
0x23: {  	s14 =	sadd.s32 @!p0 $0xFFFFCF34, s14  }
0x24: {  	s17 =	simm.s32 @!p0 $0x0;
	s15 =	sxor.u32 @!p0 $0xFFFFFFFF, s12;
	s16 =	sshll.u32 @!p0 s14, $0xD  }
0x25: {  	s15 =	sshll.u32 @!p0 s15, $0xE;
	p1 =	sgt.s32 @!p0 s14, $0x7;
	s14 =	ssub.s32 @!p0 $0x10000, s16  }
0x26: {  	p1 =	por !p1, p0;
	s16 =	sshll.u32 @!p0 s11, $0x8;
	s14 =	sshrl.u32 @!p0 s14, $0x2  }
0x27: {  	s15 =	sand.u32 @!p0 $0x4000, s15;
	s16 =	sadd.s32 @!p0 s2, s16;
	s14 =	simm.s32 @!p1 $0x0  }
0x28: {  	[tilespmem:s15], [sflag:$0x1] =	stream.linear.gather @!p0 [hbm4b:s16+s17], s14, $0x38;
	[tilespmem:$0x10000] =	vst v63  }
0x29: {  	p0 =	seq.s32 s12, $0x0  }
0x2a: {  	p1 =	sge.u32 @!p0 s12, s7  }
0x2b: {  	p0 =	por p0, p1  }
.Ltmp2:
0x2c: {  	_ = 	snop;
	(pc) =	sbr.rel @p0 .LBB1_10-.Ltmp2, $1  }
0x2d: {  	_ =	sdelay $0x3  }
0x2e: {  	p0 =	sgt.s32 s10, $0x30CC;
	s14 =	smov.u32 s10;
	s15 =	sshra.s32 s10, $0x1F  }
0x2f: {  	s14 =	simm.s32 @!p0 $0x30CC;
	s15 =	sand.u32 s15, s10  }
0x30: {  	s14 =	ssub.s32 s14, s15  }
0x31: {  	s16 =	sadd.s32 $0x8, s10;
	s14 =	sadd.s32 $0xFFFFCF34, s14  }
0x32: {  	p1 =	slt.s32 s16, $0x30D4;
	s30 =	sshll.u32 s14, $0xD  }
0x33: {  	s16 =	simm.s32 @!p1 $0x30D4;
	s15 =	ssub.s32 $0x10000, s30  }
0x34: {  	p0 =	sgt.s32 s14, $0x7;
	s14 =	sshrl.u32 s15, $0x2;
	s15 =	ssub.s32 s16, s10  }
0x35: {  	s14 =	simm.s32 @p0 $0x0;
	p0 =	slt.s32 s15, $0x1  }
.Ltmp3:
0x36: {  	_ = 	snop;
	(pc) =	sbr.rel @p0 .LBB1_9-.Ltmp3, $4  }
0x37: {  	_ = 	snop  }
0x38: {  	_ =	swait.ge [sflag:s4], s14  }
0x39: {  	s31 =	ssub.s32 $0x0, s14;
	[sflag:s4] =	ssyncset.done $0x0  }
0x3a: {  	[sflag:s4] =	ssyncadd.s32 s31  }
0x3b: {  	s16 =	sshll.u32 s9, $0x2  }
0x3c: {  	s16 =	sand.u32 $0x10000, s16  }
0x3d: {  	s16 =	sshrl.u32 s16, $0x2  }
0x3e: {  	s18 =	simm.s32 $0x0;
	s19 =	simm.s32 $0x0;
	s17 =	sor.u32 $0x8000, s16  }
.LBB1_4:
0x3f: {  	s20 =	sshra.s32 s18, $0x2  }
0x40: {  	v0 =	vmov s20;
	_ =	sdelay $0x3  }
0x41: {  	p1 =	por $0x1, $0x1;
	s20 =	simm.s32 $0x0  }
.LBB1_5:
0x42: {  	_ = 	snop  }
0x43: {  	s21 =	sshll.u32 s20, $0xA  }
0x44: {  	s21 =	sand.u32 $0x3FFFFC00, s21  }
0x45: {  	s21 =	sadd.s32 s21, s16  }
0x46: {  	v5 =	vld.idx.msk [tilespmem:v0+s21+$0x70 ss:$0x1], $0xffff  }
0x47: {  	v6 =	vld.idx.msk [tilespmem:v0+s21+$0x10 ss:$0x1], $0xffff  }
0x48: {  	v7 =	vld.idx.msk [tilespmem:v0+s21+$0x20 ss:$0x1], $0xffff  }
0x49: {  	s31 =	sshll.u32 s20, $0x7;
	v1 =	vld.idx.msk [tilespmem:v0+s21+$0x30 ss:$0x1], $0xffff  }
0x4a: {  	s20 =	sand.u32 $0x3FFFFF80, s31;
	v2 =	vld.idx.msk [tilespmem:v0+s21+$0x40 ss:$0x1], $0xffff  }
0x4b: {  	s20 =	sadd.s32 s20, s17;
	v3 =	vld.idx.msk [tilespmem:v0+s21+$0x50 ss:$0x1], $0xffff  }
0x4c: {  	v4 =	vld.idx.msk [tilespmem:v0+s21+$0x60 ss:$0x1], $0xffff;
	[tilespmem:v0+s20+$0x70 ss:$0x1] =	vst.idx.msk $0xffff, v5  }
0x4d: {  	v5 =	vld.idx.msk [tilespmem:v0+s21+$0x0 ss:$0x1], $0xffff;
	[tilespmem:v0+s20+$0x10 ss:$0x1] =	vst.idx.msk $0xffff, v6;
	s21 =	sadd.s32 $0x80, s21  }
0x4e: {  	p0 =	por p1, p1;
	s22 =	simm.s32 $0x6;
	[tilespmem:v0+s20+$0x20 ss:$0x1] =	vst.idx.msk $0xffff, v7;
	v6 =	vld.idx.msk [tilespmem:v0+s21+$0x70 ss:$0x1], $0xffff  }
.LBB1_6:
0x4f: {  	p1 =	sne.s32 s22, $0x1;
	v7 =	vld.idx.msk [tilespmem:v0+s21+$0x10 ss:$0x1], $0xffff;
	[tilespmem:v0+s20+$0x30 ss:$0x1] =	vst.idx.msk $0xffff, v1  }
0x50: {  	v8 =	vld.idx.msk [tilespmem:v0+s21+$0x20 ss:$0x1], $0xffff;
	[tilespmem:v0+s20+$0x40 ss:$0x1] =	vst.idx.msk $0xffff, v2  }
0x51: {  	v1 =	vld.idx.msk [tilespmem:v0+s21+$0x30 ss:$0x1], $0xffff;
	[tilespmem:v0+s20+$0x50 ss:$0x1] =	vst.idx.msk $0xffff, v3  }
.Ltmp4:
0x52: {  	v2 =	vld.idx.msk [tilespmem:v0+s21+$0x40 ss:$0x1], $0xffff;
	[tilespmem:v0+s20+$0x60 ss:$0x1] =	vst.idx.msk $0xffff, v4;
	(pc) =	sbr.rel @p1 .LBB1_6-.Ltmp4, $4  }
0x53: {  	v3 =	vld.idx.msk [tilespmem:v0+s21+$0x50 ss:$0x1], $0xffff;
	[tilespmem:v0+s20+$0x0 ss:$0x1] =	vst.idx.msk $0xffff, v5;
	s20 =	sadd.s32 $0x100, s20  }
0x54: {  	v4 =	vld.idx.msk [tilespmem:v0+s21+$0x60 ss:$0x1], $0xffff;
	[tilespmem:v0+s20+$0x70 ss:$0x1] =	vst.idx.msk $0xffff, v6  }
0x55: {  	v5 =	vld.idx.msk [tilespmem:v0+s21+$0x0 ss:$0x1], $0xffff;
	[tilespmem:v0+s20+$0x10 ss:$0x1] =	vst.idx.msk $0xffff, v7;
	s21 =	sadd.s32 $0x80, s21  }
0x56: {  	s22 =	sadd.s32 $0xFFFFFFFF, s22;
	v6 =	vld.idx.msk [tilespmem:v0+s21+$0x70 ss:$0x1], $0xffff;
	[tilespmem:v0+s20+$0x20 ss:$0x1] =	vst.idx.msk $0xffff, v8  }
0x57: {  	_ =	sdelay $0x3  }
0x58: {  	[tilespmem:v0+s20+$0x30 ss:$0x1] =	vst.idx.msk $0xffff, v1  }
0x59: {  	v1 =	vld.idx.msk [tilespmem:v0+s21+$0x10 ss:$0x1], $0xffff;
	[tilespmem:v0+s20+$0x40 ss:$0x1] =	vst.idx.msk $0xffff, v2  }
0x5a: {  	v2 =	vld.idx.msk [tilespmem:v0+s21+$0x20 ss:$0x1], $0xffff;
	[tilespmem:v0+s20+$0x50 ss:$0x1] =	vst.idx.msk $0xffff, v3  }
0x5b: {  	v61 =	vld.idx.msk [tilespmem:v0+s21+$0x40 ss:$0x1], $0xffff;
	[tilespmem:v0+s20+$0x60 ss:$0x1] =	vst.idx.msk $0xffff, v4  }
0x5c: {  	s31 =	sadd.s32 $0x100, s20;
	v62 =	vld.idx.msk [tilespmem:v0+s21+$0x50 ss:$0x1], $0xffff;
	[tilespmem:v0+s20+$0x0 ss:$0x1] =	vst.idx.msk $0xffff, v5  }
0x5d: {  	v63 =	vld.idx.msk [tilespmem:v0+s21+$0x60 ss:$0x1], $0xffff;
	[tilespmem:v0+s31+$0x70 ss:$0x1] =	vst.idx.msk $0xffff, v6  }
0x5e: {  	v3 =	vld.idx.msk [tilespmem:v0+s21+$0x30 ss:$0x1], $0xffff;
	[tilespmem:v0+s31+$0x10 ss:$0x1] =	vst.idx.msk $0xffff, v1  }
0x5f: {  	v1 =	vld.idx.msk [tilespmem:v0+s21+$0x0 ss:$0x1], $0xffff;
	[tilespmem:v0+s31+$0x20 ss:$0x1] =	vst.idx.msk $0xffff, v2  }
.Ltmp5:
0x60: {  	[tilespmem:v0+s31+$0x40 ss:$0x1] =	vst.idx.msk $0xffff, v61;
	(pc) =	sbr.rel @p0 .LBB1_5-.Ltmp5, $4  }
0x61: {  	[tilespmem:v0+s31+$0x50 ss:$0x1] =	vst.idx.msk $0xffff, v62  }
0x62: {  	[tilespmem:v0+s31+$0x60 ss:$0x1] =	vst.idx.msk $0xffff, v63  }
0x63: {  	[tilespmem:v0+s31+$0x30 ss:$0x1] =	vst.idx.msk $0xffff, v3  }
0x64: {  	p1 =	por $0x0, $0x0;
	s20 =	simm.s32 $0x1;
	[tilespmem:v0+s31+$0x0 ss:$0x1] =	vst.idx.msk $0xffff, v1  }
0x65: {  	s19 =	sadd.s32 $0x1, s19  }
0x66: {  	p0 =	sne.s32 s19, s15  }
.Ltmp6:
0x67: {  	_ = 	snop;
	(pc) =	sbr.rel @p0 .LBB1_4-.Ltmp6, $4  }
.Ltmp7:
0x68: {  	_ = 	snop;
	(pc) =	sbr.rel @!p0 .LBB1_9-.Ltmp7, $4  }
0x69: {  	_ = 	snop  }
0x6a: {  	_ = 	snop  }
0x6b: {  	s18 =	sadd.s32 $0x2000, s18  }
0x6c: {  	_ = 	snop  }
.LBB1_11:
0x6d: {  	_ =	sfence.sel $0x180000  }
0x6e: {  	s2 =	simm.s32 $0x1;
	[bflag:$0x0] =	sbarrier.arrive $0xFFFF  }
0x6f: {  	s31 =	simm.s32 $0x2;
	[sflag:s2] =	ssyncpa.u1 $0x1  }
0x70: {  	[sflag:s31] =	ssyncpa.u1 $0x1  }
0x71: {  	p0 =	sne.s32 s1, $0x0;
	_ =	strace $0x9000004A  }
0x72: {  	s0 =	sadd.s32 @!p0 $0x100000, s0;
	[bflag:$0x2] =	sbarrier.arrive $0xFFFF  }
0x73: {  	[sflag:s0] =	ssyncadd.tile.s32 @!p0 $0x1;
	_ =	shalt  }
.Lfunc_end1:
_tile_overlayer_lowered:
.L_overlay_start_2:
0x74: {  	(tag) =	ssettag $0x2  }
0x75: {  	s0 =	rddreg [dreg:$0x0];
	s2 =	stileid.u32  }
0x76: {  	s1 =	rddreg [dreg:$0x1];
	p0 =	sne.s32 s2, $0x0  }
0x77: {  	s3 =	rddreg [dreg:$0x2];
	[bflag:$0x3] =	sbarrier.arrive $0xFFFF;
	s2 =	simm.s32 @!p0 $0x1C01  }
0x78: {  	[timem:s3], [sflag:s2] =	dma.local @!p0 [hbm:s0], s1  }
0x79: {  	s0 =	simm.s32 @!p0 $0x1  }
0x7a: {  	_ =	swait.ge @!p0 [sflag:s0], s1  }
0x7b: {  	s1 =	ssub.s32 @!p0 $0x0, s1;
	[sflag:s0] =	ssyncset.done @!p0 $0x0  }
0x7c: {  	[sflag:s0] =	ssyncadd.s32 @!p0 s1  }
0x7d: {  	[bflag:$0x3] =	sbarrier.arrive $0xFFFF  }
0x7e: {  	_ =	shalt  }

</sc_bundles>
